<compile_context>
chip_gen: v7x
topology: tpu7x:2x2x1
jax: 0.10.2.dev20260603
libtpu: 0.0.44.dev20260713+nightly
codegen_flags: <defaults>
</compile_context>

<pallas_src>
import functools

import jax
import jax.numpy as jnp
from jax import lax
from jax.experimental import pallas as pl
from jax.experimental.pallas import tpu as pltpu
from jax.experimental.pallas import tpu_sc as plsc

def _dot(a, b):
    return lax.dot_general(
        a.astype(jnp.bfloat16), b.astype(jnp.bfloat16),
        (((a.ndim - 1,), (0,)), ((), ())),
        preferred_element_type=jnp.float32)

N_NODES = 10000
N_EDGES = 320000
E2 = N_EDGES // 2
LATENT = 64

NC = 2
NS = 16
NW = NC * NS
E_PER_W = N_EDGES // NW
G_CH = 200
G_NCH = E_PER_W // G_CH
S_CH = 200
S_NCH = E_PER_W // S_CH
N_ACC = 10240
N_PER_S = N_ACC // NS

EB2 = 3200
NB = 2000

_SC_PARAMS = pltpu.CompilerParams(use_tc_tiling_on_sc=False)


def _mesh():
    return plsc.VectorSubcoreMesh(core_axis_name="c", subcore_axis_name="s",
                                  num_cores=NC, num_subcores=NS)


@functools.partial(
    pl.kernel,
    out_type=jax.ShapeDtypeStruct((N_EDGES, LATENT), jnp.float32),
    mesh=_mesh(),
    scratch_types=[
        pltpu.VMEM((G_NCH, G_CH), jnp.int32),
        pltpu.VMEM((G_NCH, G_CH), jnp.int32),
        pltpu.VMEM((G_CH, LATENT), jnp.float32),
        pltpu.VMEM((G_CH, LATENT), jnp.float32),
        pltpu.VMEM((G_CH, LATENT), jnp.float32),
        pltpu.VMEM((G_CH, LATENT), jnp.float32),
        pltpu.SemaphoreType.DMA,
        pltpu.SemaphoreType.DMA,
        pltpu.SemaphoreType.DMA,
        pltpu.SemaphoreType.DMA,
        pltpu.SemaphoreType.DMA,
        pltpu.SemaphoreType.DMA,
    ],
    compiler_params=_SC_PARAMS,
)
def _sc_gather(tab, snd_h, rcv_h, osum, ia, ib, ba0, bb0, ba1, bb1,
               sa0, sb0, sa1, sb1, wa0, wa1):
    wid = lax.axis_index("s") * NC + lax.axis_index("c")
    pltpu.sync_copy(snd_h.at[wid], ia)
    pltpu.sync_copy(rcv_h.at[wid], ib)
    base = wid * E_PER_W

    def _accum(dst, src):
        def addbody(r4, carry):
            for u in range(4):
                r = r4 * 4 + u
                for k in range(LATENT // 16):
                    sl = pl.ds(k * 16, 16)
                    dst[r, sl] = dst[r, sl] + src[r, sl]
            return carry
        lax.fori_loop(0, G_CH // 4, addbody, 0)

    def body(g, carry):
        i0 = 2 * g
        i1 = i0 + 1
        off0 = base + i0 * G_CH
        off1 = base + i1 * G_CH
        ca0 = pltpu.async_copy(tab.at[ia.at[i0]], ba0, sa0)
        cb0 = pltpu.async_copy(tab.at[ib.at[i0]], bb0, sb0)
        ca1 = pltpu.async_copy(tab.at[ia.at[i1]], ba1, sa1)
        cb1 = pltpu.async_copy(tab.at[ib.at[i1]], bb1, sb1)
        ca0.wait()
        cb0.wait()
        _accum(ba0, bb0)
        va0 = pltpu.async_copy(ba0, osum.at[pl.ds(off0, G_CH)], wa0)
        ca1.wait()
        cb1.wait()
        _accum(ba1, bb1)
        va1 = pltpu.async_copy(ba1, osum.at[pl.ds(off1, G_CH)], wa1)
        va0.wait()
        va1.wait()
        return carry

    lax.fori_loop(0, G_NCH // 2, body, 0)


@functools.partial(
    pl.kernel,
    out_type=(
        jax.ShapeDtypeStruct((N_ACC, LATENT), jnp.float32),
        jax.ShapeDtypeStruct((N_ACC, LATENT), jnp.float32),
    ),
    mesh=_mesh(),
    scratch_types=[
        pltpu.VMEM((S_NCH, S_CH), jnp.int32),
        pltpu.VMEM((2, S_CH, LATENT), jnp.float32),
        pltpu.VMEM_SHARED((N_ACC, LATENT), jnp.float32),
        pltpu.SemaphoreType.DMA,
        pltpu.SemaphoreType.DMA,
        pltpu.SemaphoreType.DMA,
        pltpu.SemaphoreType.DMA,
    ],
    compiler_params=_SC_PARAMS,
)
def _sc_segsum(vals_h, rcv_h, zeros_h, o0, o1, idx, buf, acc,
               l0, l1, t0, t1):
    cid = lax.axis_index("c")
    sid = lax.axis_index("s")
    wid = sid * NC + cid
    rows = pl.ds(sid * N_PER_S, N_PER_S)
    pltpu.sync_copy(zeros_h.at[rows], acc.at[rows])
    pltpu.sync_copy(rcv_h.at[wid], idx)
    plsc.subcore_barrier()
    base = wid * E_PER_W

    def body(g, carry):
        i0 = 2 * g
        i1 = i0 + 1
        cl0 = pltpu.async_copy(vals_h.at[pl.ds(base + i0 * S_CH, S_CH)],
                               buf.at[0], l0)
        cl1 = pltpu.async_copy(vals_h.at[pl.ds(base + i1 * S_CH, S_CH)],
                               buf.at[1], l1)
        cl0.wait()
        cs0 = pltpu.async_copy(buf.at[0], acc.at[idx.at[i0]], t0, add=True)
        cl1.wait()
        cs1 = pltpu.async_copy(buf.at[1], acc.at[idx.at[i1]], t1, add=True)
        cs0.wait()
        cs1.wait()
        return carry

    lax.fori_loop(0, S_NCH // 2, body, 0)
    plsc.subcore_barrier()

    @pl.when(cid == 0)
    def _():
        pltpu.sync_copy(acc.at[rows], o0.at[rows])

    @pl.when(cid == 1)
    def _():
        pltpu.sync_copy(acc.at[rows], o1.at[rows])


def _tc_embed_node(nodes, w1, b1, w2, b2, ws, wr):
    def body(x, w1r, b1r, w2r, b2r, wsr, wrr, hn, ab):
        h = jax.nn.gelu(_dot(x[...], w1r[...]) + b1r[...])
        hv = _dot(h, w2r[...]) + b2r[...]
        hn[...] = hv
        ab[...] = jnp.concatenate(
            [_dot(hv, wsr[...]), _dot(hv, wrr[...])], axis=-1)

    c = lambda i: (0, 0)
    r = lambda i: (i, 0)
    return pl.pallas_call(
        body,
        grid=(N_NODES // NB,),
        in_specs=[
            pl.BlockSpec((NB, 128), r),
            pl.BlockSpec((128, 64), c), pl.BlockSpec((1, 64), c),
            pl.BlockSpec((64, 64), c), pl.BlockSpec((1, 64), c),
            pl.BlockSpec((64, 64), c), pl.BlockSpec((64, 64), c),
        ],
        out_specs=[pl.BlockSpec((NB, 64), r), pl.BlockSpec((NB, 128), r)],
        out_shape=[jax.ShapeDtypeStruct((N_NODES, 64), jnp.float32),
                   jax.ShapeDtypeStruct((N_NODES, 128), jnp.float32)],
    )(nodes, w1, b1, w2, b2, ws, wr)


def _tc_embed_edge(edges8t, w1p, b1p, w2p, b2p):
    def body(x, w1r, b1r, w2r, b2r, he):
        pre = lax.dot_general(
            x[...].astype(jnp.bfloat16), w1r[...].astype(jnp.bfloat16),
            (((0,), (0,)), ((), ())), preferred_element_type=jnp.float32)
        h = jax.nn.gelu(pre + b1r[...])
        he[...] = _dot(h, w2r[...]) + b2r[...]

    c = lambda i: (0, 0)
    r = lambda i: (i, 0)
    return pl.pallas_call(
        body,
        grid=(E2 // EB2,),
        in_specs=[
            pl.BlockSpec((8, EB2), lambda i: (0, i)),
            pl.BlockSpec((8, 128), c), pl.BlockSpec((1, 128), c),
            pl.BlockSpec((128, 128), c), pl.BlockSpec((1, 128), c),
        ],
        out_specs=pl.BlockSpec((EB2, 128), r),
        out_shape=jax.ShapeDtypeStruct((E2, 128), jnp.float32),
    )(edges8t, w1p, b1p, w2p, b2p)


def _tc_edge(he_p, gs_p, w1p, c0p, w2p, b2p):
    def body(he, gsr, w1r, c0r, w2r, b2r, out):
        hev = he[...]
        pre = _dot(hev, w1r[...]) + gsr[...] + c0r[...]
        t = jax.nn.gelu(pre)
        out[...] = _dot(t, w2r[...]) + b2r[...] + hev

    c = lambda i: (0, 0)
    r = lambda i: (i, 0)
    return pl.pallas_call(
        body,
        grid=(E2 // EB2,),
        in_specs=[
            pl.BlockSpec((EB2, 128), r), pl.BlockSpec((EB2, 128), r),
            pl.BlockSpec((128, 128), c), pl.BlockSpec((1, 128), c),
            pl.BlockSpec((128, 128), c), pl.BlockSpec((1, 128), c),
        ],
        out_specs=pl.BlockSpec((EB2, 128), r),
        out_shape=jax.ShapeDtypeStruct((E2, 128), jnp.float32),
    )(he_p, gs_p, w1p, c0p, w2p, b2p)


def _node_core(hnv, r0, r1, v1n, v1r, c1, v2, d2, gam, bet):
    rec = r0[...] + r1[...]
    t = jax.nn.gelu(_dot(hnv, v1n[...]) + _dot(rec, v1r[...]) + c1[...])
    y = _dot(t, v2[...]) + d2[...] + hnv
    m = jnp.mean(y, axis=-1, keepdims=True)
    v = jnp.mean((y - m) ** 2, axis=-1, keepdims=True)
    return (y - m) / jnp.sqrt(v + 1e-6) * gam[...] + bet[...]


def _tc_node(h_n, r0, r1, v1n, v1r, c1, v2, d2, gam, bet, ws, wr):
    def body(hn, r0r, r1r, v1nr, v1rr, c1r, v2r, d2r, gr, br, wsr, wrr,
             hno, ab):
        yn = _node_core(hn[...], r0r, r1r, v1nr, v1rr, c1r, v2r, d2r, gr, br)
        hno[...] = yn
        ab[...] = jnp.concatenate(
            [_dot(yn, wsr[...]), _dot(yn, wrr[...])], axis=-1)

    c = lambda i: (0, 0)
    r = lambda i: (i, 0)
    return pl.pallas_call(
        body,
        grid=(N_NODES // NB,),
        in_specs=[
            pl.BlockSpec((NB, 64), r), pl.BlockSpec((NB, 64), r),
            pl.BlockSpec((NB, 64), r),
            pl.BlockSpec((64, 64), c), pl.BlockSpec((64, 64), c),
            pl.BlockSpec((1, 64), c),
            pl.BlockSpec((64, 64), c), pl.BlockSpec((1, 64), c),
            pl.BlockSpec((1, 64), c), pl.BlockSpec((1, 64), c),
            pl.BlockSpec((64, 64), c), pl.BlockSpec((64, 64), c),
        ],
        out_specs=[pl.BlockSpec((NB, 64), r), pl.BlockSpec((NB, 128), r)],
        out_shape=[jax.ShapeDtypeStruct((N_NODES, 64), jnp.float32),
                   jax.ShapeDtypeStruct((N_NODES, 128), jnp.float32)],
    )(h_n, r0, r1, v1n, v1r, c1, v2, d2, gam, bet, ws, wr)


def _tc_node_decode(h_n, r0, r1, v1n, v1r, c1, v2, d2, gam, bet,
                    dw1, db1, dw2, db2):
    def body(hn, r0r, r1r, v1nr, v1rr, c1r, v2r, d2r, gr, br,
             dw1r, db1r, dw2r, db2r, out):
        yn = _node_core(hn[...], r0r, r1r, v1nr, v1rr, c1r, v2r, d2r, gr, br)
        t = jax.nn.gelu(_dot(yn, dw1r[...]) + db1r[...])
        out[...] = _dot(t, dw2r[...]) + db2r[...]

    c = lambda i: (0, 0)
    r = lambda i: (i, 0)
    return pl.pallas_call(
        body,
        grid=(N_NODES // NB,),
        in_specs=[
            pl.BlockSpec((NB, 64), r), pl.BlockSpec((NB, 64), r),
            pl.BlockSpec((NB, 64), r),
            pl.BlockSpec((64, 64), c), pl.BlockSpec((64, 64), c),
            pl.BlockSpec((1, 64), c),
            pl.BlockSpec((64, 64), c), pl.BlockSpec((1, 64), c),
            pl.BlockSpec((1, 64), c), pl.BlockSpec((1, 64), c),
            pl.BlockSpec((64, 64), c), pl.BlockSpec((1, 64), c),
            pl.BlockSpec((64, 3), c), pl.BlockSpec((1, 3), c),
        ],
        out_specs=pl.BlockSpec((NB, 3), r),
        out_shape=jax.ShapeDtypeStruct((N_NODES, 3), jnp.float32),
    )(h_n, r0, r1, v1n, v1r, c1, v2, d2, gam, bet, dw1, db1, dw2, db2)


def _blockdiag(w):
    z = jnp.zeros_like(w)
    return jnp.concatenate(
        [jnp.concatenate([w, z], axis=1), jnp.concatenate([z, w], axis=1)],
        axis=0)


def _pair(b):
    return jnp.concatenate([b, b], axis=-1)


def kernel(nodes, edges, senders, receivers, globals_, params):
    p = params
    g = globals_.reshape(1, -1)
    row = lambda b: b.reshape(1, -1)

    en1, en2 = p["embed_node"]
    ee1, ee2 = p["embed_edge"]
    L = LATENT

    step_w = []
    for s in range(3):
        sp = p["steps"][s]
        W1, b1 = sp["edge"][0]["W"], sp["edge"][0]["b"]
        W2, b2 = sp["edge"][1]["W"], sp["edge"][1]["b"]
        V1, d1 = sp["node"][0]["W"], sp["node"][0]["b"]
        V2, d2 = sp["node"][1]["W"], sp["node"][1]["b"]
        step_w.append(dict(
            W1e=_blockdiag(W1[:L]), W1s=W1[L:2 * L], W1r=W1[2 * L:3 * L],
            c0=_pair(_dot(g, W1[3 * L:]) + b1),
            W2=_blockdiag(W2), b2=_pair(row(b2)),
            V1n=V1[:L], V1r=V1[L:2 * L],
            c1=_dot(g, V1[2 * L:]) + d1, V2=V2, d2=row(d2),
        ))

    gam, bet = row(p["ln_gamma"]), row(p["ln_beta"])
    dw1, db1 = p["decoder"][0]["W"], row(p["decoder"][0]["b"])
    dw2, db2 = p["decoder"][1]["W"], row(p["decoder"][1]["b"])

    snd2 = (senders * 2).reshape(NW, G_NCH, G_CH)
    rcv2 = (receivers * 2 + 1).reshape(NW, G_NCH, G_CH)
    rcv_s = receivers.reshape(NW, S_NCH, S_CH)
    zeros_n = jnp.zeros((N_ACC, LATENT), jnp.float32)

    h_n, ab = _tc_embed_node(
        nodes, en1["W"], row(en1["b"]), en2["W"], row(en2["b"]),
        step_w[0]["W1s"], step_w[0]["W1r"])
    edges_t = edges.T
    edges8t = edges_t.reshape(4, E2, 2).transpose(2, 0, 1).reshape(8, E2)
    h_e = _tc_embed_edge(
        edges8t, _blockdiag(ee1["W"]), _pair(row(ee1["b"])),
        _blockdiag(ee2["W"]), _pair(row(ee2["b"])))

    out = None
    for s in range(3):
        w = step_w[s]
        gs = _sc_gather(ab.reshape(2 * N_NODES, L), snd2, rcv2)
        new_e = _tc_edge(h_e, gs.reshape(E2, 128),
                         w["W1e"], w["c0"], w["W2"], w["b2"])
        r0, r1 = _sc_segsum(new_e.reshape(N_EDGES, L), rcv_s, zeros_n)
        if s < 2:
            nw = step_w[s + 1]
            h_n, ab = _tc_node(
                h_n, r0, r1, w["V1n"], w["V1r"], w["c1"], w["V2"], w["d2"],
                gam, bet, nw["W1s"], nw["W1r"])
        else:
            out = _tc_node_decode(
                h_n, r0, r1, w["V1n"], w["V1r"], w["c1"], w["V2"], w["d2"],
                gam, bet, dw1, db1, dw2, db2)
        h_e = new_e
    return out

# --- scband reference (transcript-rebuilt; emitter-appended) ---
"""Pipeline reference for scband-graph-conv-net-69157563400849 (READ-ONLY COPY).

The authoritative reference and input builder live on the scoring server;
editing this copy changes nothing except your own understanding.
"""

import jax, jax.numpy as jnp
import numpy as np

N_NODES = 10000
N_EDGES = 320000
D_FEAT = 128
D_EDGE = 4
D_GLOBAL = 16
LATENT = 64
HIDDEN = 64
STEPS = 3
OUTPUT_DIM = 3


def _dense(key, din, dout):
    W = jax.random.normal(key, (din, dout), dtype=jnp.float32) * (1.0 / np.sqrt(din))
    b = jnp.zeros((dout,), dtype=jnp.float32)
    return {"W": W, "b": b}


def _mlp(key, dims):
    ks = jax.random.split(key, len(dims))
    return [_dense(ks[i], dims[i][0], dims[i][1]) for i in range(len(dims))]


def mlp_apply(layers, x):
    n = len(layers)
    for i, l in enumerate(layers):
        x = x @ l["W"] + l["b"]
        if i < n - 1:
            x = jax.nn.gelu(x)
    return x


def layer_norm(x, gamma, beta, eps=1e-6):
    m = jnp.mean(x, axis=-1, keepdims=True)
    v = jnp.mean((x - m) ** 2, axis=-1, keepdims=True)
    return (x - m) / jnp.sqrt(v + eps) * gamma + beta


def setup_inputs(seed: int = 0) -> dict:
    key = jax.random.key(seed)
    ks = jax.random.split(key, 10)
    nodes = jax.random.normal(ks[0], (N_NODES, D_FEAT), dtype=jnp.float32)
    edges = jax.random.normal(ks[1], (N_EDGES, D_EDGE), dtype=jnp.float32)
    senders = jax.random.randint(ks[2], (N_EDGES,), 0, N_NODES, dtype=jnp.int32)
    receivers = jax.random.randint(ks[3], (N_EDGES,), 0, N_NODES, dtype=jnp.int32)
    globals_ = jax.random.normal(ks[4], (1, D_GLOBAL), dtype=jnp.float32)
    params = {
        "embed_node": _mlp(ks[5], [(D_FEAT, HIDDEN), (HIDDEN, LATENT)]),
        "embed_edge": _mlp(ks[6], [(D_EDGE, HIDDEN), (HIDDEN, LATENT)]),
        "steps": [
            {
                "edge": _mlp(jax.random.fold_in(ks[7], s), [(3 * LATENT + D_GLOBAL, HIDDEN), (HIDDEN, LATENT)]),
                "node": _mlp(jax.random.fold_in(ks[8], s), [(2 * LATENT + D_GLOBAL, HIDDEN), (HIDDEN, LATENT)]),
            }
            for s in range(STEPS)
        ],
        "ln_gamma": jnp.ones((LATENT,), dtype=jnp.float32),
        "ln_beta": jnp.zeros((LATENT,), dtype=jnp.float32),
        "decoder": _mlp(ks[9], [(LATENT, HIDDEN), (HIDDEN, OUTPUT_DIM)]),
    }
    return {"nodes": nodes, "edges": edges, "senders": senders, "receivers": receivers, "globals_": globals_, "params": params}


def _forward(params, nodes, edges, globals_, senders, receivers):
    g = globals_.reshape(globals_.shape[0], -1)
    h_n = mlp_apply(params["embed_node"], nodes)
    h_e = mlp_apply(params["embed_edge"], edges)
    n_node = h_n.shape[0]
    n_edge = h_e.shape[0]
    g_e = jnp.broadcast_to(g, (n_edge, g.shape[-1]))
    g_n = jnp.broadcast_to(g, (n_node, g.shape[-1]))
    for s in range(STEPS):
        sp = params["steps"][s]
        sent = h_n[senders]
        recv = h_n[receivers]
        edge_in = jnp.concatenate([h_e, sent, recv, g_e], axis=1)
        new_e = mlp_apply(sp["edge"], edge_in)
        new_e = new_e + h_e  # edge skip connection
        received = jax.ops.segment_sum(new_e, receivers, num_segments=n_node)
        node_in = jnp.concatenate([h_n, received, g_n], axis=1)
        new_n = mlp_apply(sp["node"], node_in)
        new_n = new_n + h_n  # node skip connection
        new_n = layer_norm(new_n, params["ln_gamma"], params["ln_beta"])
        h_n, h_e = new_n, new_e
    return mlp_apply(params["decoder"], h_n)


def reference(nodes, edges, senders, receivers, globals_, params):
    return _forward(params, nodes, edges, globals_, senders, receivers)

if __name__ == "__main__":
    import jax
    _d = setup_inputs()
    print(jax.jit(kernel)(*tuple(_d.values())))

</pallas_src>

<mosaic_0001>
#map = affine_map<(d0, d1) -> (0, 0)>
#map1 = affine_map<(d0, d1) -> (0, 0, 0)>
module attributes {stable_mosaic.version = 14 : i64} {
  func.func @_sc_segsum(%arg0: i32, %arg1: i32, %arg2: memref<320000x64xf32, #tpu.memory_space<hbm>>, %arg3: memref<32x50x200xi32, #tpu.memory_space<hbm>>, %arg4: memref<10240x64xf32, #tpu.memory_space<hbm>>, %arg5: memref<10240x64xf32, #tpu.memory_space<hbm>>, %arg6: memref<10240x64xf32, #tpu.memory_space<hbm>>, %arg7: memref<50x200xi32, #tpu.memory_space<vmem>>, %arg8: memref<2x200x64xf32, #tpu.memory_space<vmem>>, %arg9: memref<10240x64xf32, #tpu.memory_space<vmem_shared>>, %arg10: memref<!tpu.dma_semaphore, #tpu.memory_space<semaphore_mem>>, %arg11: memref<!tpu.dma_semaphore, #tpu.memory_space<semaphore_mem>>, %arg12: memref<!tpu.dma_semaphore, #tpu.memory_space<semaphore_mem>>, %arg13: memref<!tpu.dma_semaphore, #tpu.memory_space<semaphore_mem>>) attributes {dimension_semantics = [#tpu.dimension_semantics<core_parallel>, #tpu.dimension_semantics<subcore_parallel>], iteration_bounds = array<i64: 2, 16>, scalar_prefetch = 0 : i64, scratch_operands = 7 : i64, tpu.core_type = #tpu.core_type<sc_vector_subcore>, window_params = [{transform_indices = #map}, {transform_indices = #map1}, {transform_indices = #map}, {transform_indices = #map}, {transform_indices = #map}]} {
    %mul3A = arith.constant 2 : i32
    %mul3A_0 = arith.muli %arg1, %mul3A : i32
    %add3A = arith.addi %mul3A_0, %arg0 : i32
    %mul3A_1 = arith.constant 640 : i32
    %mul3A_2 = arith.muli %arg1, %mul3A_1 : i32
    "tpu.region"() ({
      %run_scoped3A = tpu.sem_alloc : memref<!tpu.dma_semaphore, #tpu.memory_space<semaphore_mem>>
      %dma_start3A = arith.constant 0 : i32
      %dma_start3A_18 = tpu.memref_slice %arg9[%mul3A_2, %dma_start3A] : memref<10240x64xf32, #tpu.memory_space<vmem_shared>> -> memref<640x64xf32, #tpu.memory_space<vmem_shared>>
      %dma_start3A_19 = arith.constant 0 : i32
      %dma_start3A_20 = tpu.memref_slice %arg4[%mul3A_2, %dma_start3A_19] : memref<10240x64xf32, #tpu.memory_space<hbm>> -> memref<640x64xf32, #tpu.memory_space<hbm>>
      tpu.enqueue_dma source(%dma_start3A_20 : memref<640x64xf32, #tpu.memory_space<hbm>>) target(%dma_start3A_18 : memref<640x64xf32, #tpu.memory_space<vmem_shared>>) target_semaphore(%run_scoped3A : memref<!tpu.dma_semaphore, #tpu.memory_space<semaphore_mem>>)
      %dma_wait3A = arith.constant 0 : i32
      %dma_wait3A_21 = tpu.memref_slice %arg9[%mul3A_2, %dma_wait3A] : memref<10240x64xf32, #tpu.memory_space<vmem_shared>> -> memref<640x64xf32, #tpu.memory_space<vmem_shared>>
      %dma_wait3A_22 = arith.constant 0 : i32
      %dma_wait3A_23 = tpu.memref_slice %arg4[%mul3A_2, %dma_wait3A_22] : memref<10240x64xf32, #tpu.memory_space<hbm>> -> memref<640x64xf32, #tpu.memory_space<hbm>>
      tpu.wait_dma2 semaphore(%run_scoped3A : memref<!tpu.dma_semaphore, #tpu.memory_space<semaphore_mem>>) src(%dma_wait3A_23 : memref<640x64xf32, #tpu.memory_space<hbm>>) dst(%dma_wait3A_21 : memref<640x64xf32, #tpu.memory_space<vmem_shared>>)
      tpu.yield
    }) : () -> ()
    "tpu.region"() ({
      %run_scoped3A = tpu.sem_alloc : memref<!tpu.dma_semaphore, #tpu.memory_space<semaphore_mem>>
      %dma_start3A = arith.constant 0 : i32
      %dma_start3A_18 = arith.constant 0 : i32
      %dma_start3A_19 = tpu.memref_slice %arg3[%add3A, %dma_start3A, %dma_start3A_18] : memref<32x50x200xi32, #tpu.memory_space<hbm>> -> memref<1x50x200xi32, #tpu.memory_space<hbm>>
      %dma_start3A_20 = tpu.memref_squeeze %dma_start3A_19 : memref<1x50x200xi32, #tpu.memory_space<hbm>> -> memref<50x200xi32, #tpu.memory_space<hbm>>
      %dma_start3A_21 = arith.constant 0 : i32
      %dma_start3A_22 = arith.constant 0 : i32
      %dma_start3A_23 = tpu.memref_slice %arg3[%add3A, %dma_start3A_21, %dma_start3A_22] : memref<32x50x200xi32, #tpu.memory_space<hbm>> -> memref<1x50x200xi32, #tpu.memory_space<hbm>>
      %dma_start3A_24 = tpu.memref_squeeze %dma_start3A_23 : memref<1x50x200xi32, #tpu.memory_space<hbm>> -> memref<50x200xi32, #tpu.memory_space<hbm>>
      tpu.enqueue_dma source(%dma_start3A_24 : memref<50x200xi32, #tpu.memory_space<hbm>>) target(%arg7 : memref<50x200xi32, #tpu.memory_space<vmem>>) target_semaphore(%run_scoped3A : memref<!tpu.dma_semaphore, #tpu.memory_space<semaphore_mem>>)
      %dma_wait3A = arith.constant 0 : i32
      %dma_wait3A_25 = arith.constant 0 : i32
      %dma_wait3A_26 = tpu.memref_slice %arg3[%add3A, %dma_wait3A, %dma_wait3A_25] : memref<32x50x200xi32, #tpu.memory_space<hbm>> -> memref<1x50x200xi32, #tpu.memory_space<hbm>>
      %dma_wait3A_27 = tpu.memref_squeeze %dma_wait3A_26 : memref<1x50x200xi32, #tpu.memory_space<hbm>> -> memref<50x200xi32, #tpu.memory_space<hbm>>
      %dma_wait3A_28 = arith.constant 0 : i32
      %dma_wait3A_29 = arith.constant 0 : i32
      %dma_wait3A_30 = tpu.memref_slice %arg3[%add3A, %dma_wait3A_28, %dma_wait3A_29] : memref<32x50x200xi32, #tpu.memory_space<hbm>> -> memref<1x50x200xi32, #tpu.memory_space<hbm>>
      %dma_wait3A_31 = tpu.memref_squeeze %dma_wait3A_30 : memref<1x50x200xi32, #tpu.memory_space<hbm>> -> memref<50x200xi32, #tpu.memory_space<hbm>>
      tpu.wait_dma2 semaphore(%run_scoped3A : memref<!tpu.dma_semaphore, #tpu.memory_space<semaphore_mem>>) src(%dma_wait3A_31 : memref<50x200xi32, #tpu.memory_space<hbm>>) dst(%arg7 : memref<50x200xi32, #tpu.memory_space<vmem>>)
      tpu.yield
    }) : () -> ()
    %barrier3A = arith.constant 0 : index
    tpu.barrier barrier_id(%barrier3A)
    %mul3A_3 = arith.constant 10000 : i32
    %mul3A_4 = arith.muli %add3A, %mul3A_3 : i32
    %scan3A = arith.constant 0 : i32
    %scan3A_5 = arith.constant 0 : i32
    %scan3A_6 = arith.constant 25 : i32
    %scan3A_7 = arith.addi %scan3A_5, %scan3A_6 : i32
    %scan3A_8 = arith.constant 1 : i32
    scf.for %scan3A_18 = %scan3A_5 to %scan3A_7 step %scan3A_8  : i32 {
      %mul3A_19 = arith.constant 2 : i32
      %mul3A_20 = arith.muli %mul3A_19, %scan3A_18 : i32
      %add3A_21 = arith.constant 1 : i32
      %add3A_22 = arith.addi %mul3A_20, %add3A_21 : i32
      %mul3A_23 = arith.constant 200 : i32
      %mul3A_24 = arith.muli %mul3A_20, %mul3A_23 : i32
      %add3A_25 = arith.addi %mul3A_4, %mul3A_24 : i32
      %dma_start3A = arith.constant 0 : i32
      %dma_start3A_26 = arith.constant 0 : i32
      %dma_start3A_27 = arith.constant 0 : i32
      %dma_start3A_28 = tpu.memref_slice %arg8[%dma_start3A, %dma_start3A_26, %dma_start3A_27] : memref<2x200x64xf32, #tpu.memory_space<vmem>> -> memref<1x200x64xf32, #tpu.memory_space<vmem>>
      %dma_start3A_29 = tpu.memref_squeeze %dma_start3A_28 : memref<1x200x64xf32, #tpu.memory_space<vmem>> -> memref<200x64xf32, #tpu.memory_space<vmem>>
      %dma_start3A_30 = arith.constant 0 : i32
      %dma_start3A_31 = tpu.memref_slice %arg2[%add3A_25, %dma_start3A_30] : memref<320000x64xf32, #tpu.memory_space<hbm>> -> memref<200x64xf32, #tpu.memory_space<hbm>>
      %dma_start3A_32 = arith.constant 0 : i32
      %dma_start3A_33 = arith.constant 0 : i32
      %dma_start3A_34 = tpu.memref_slice %arg8[%dma_start3A, %dma_start3A_32, %dma_start3A_33] : memref<2x200x64xf32, #tpu.memory_space<vmem>> -> memref<1x200x64xf32, #tpu.memory_space<vmem>>
      %dma_start3A_35 = tpu.memref_squeeze %dma_start3A_34 : memref<1x200x64xf32, #tpu.memory_space<vmem>> -> memref<200x64xf32, #tpu.memory_space<vmem>>
      %dma_start3A_36 = arith.constant 0 : i32
      %dma_start3A_37 = tpu.memref_slice %arg2[%add3A_25, %dma_start3A_36] : memref<320000x64xf32, #tpu.memory_space<hbm>> -> memref<200x64xf32, #tpu.memory_space<hbm>>
      tpu.enqueue_dma source(%dma_start3A_37 : memref<200x64xf32, #tpu.memory_space<hbm>>) target(%dma_start3A_35 : memref<200x64xf32, #tpu.memory_space<vmem>>) target_semaphore(%arg10 : memref<!tpu.dma_semaphore, #tpu.memory_space<semaphore_mem>>)
      %mul3A_38 = arith.constant 200 : i32
      %mul3A_39 = arith.muli %add3A_22, %mul3A_38 : i32
      %add3A_40 = arith.addi %mul3A_4, %mul3A_39 : i32
      %dma_start3A_41 = arith.constant 1 : i32
      %dma_start3A_42 = arith.constant 0 : i32
      %dma_start3A_43 = arith.constant 0 : i32
      %dma_start3A_44 = tpu.memref_slice %arg8[%dma_start3A_41, %dma_start3A_42, %dma_start3A_43] : memref<2x200x64xf32, #tpu.memory_space<vmem>> -> memref<1x200x64xf32, #tpu.memory_space<vmem>>
      %dma_start3A_45 = tpu.memref_squeeze %dma_start3A_44 : memref<1x200x64xf32, #tpu.memory_space<vmem>> -> memref<200x64xf32, #tpu.memory_space<vmem>>
      %dma_start3A_46 = arith.constant 0 : i32
      %dma_start3A_47 = tpu.memref_slice %arg2[%add3A_40, %dma_start3A_46] : memref<320000x64xf32, #tpu.memory_space<hbm>> -> memref<200x64xf32, #tpu.memory_space<hbm>>
      %dma_start3A_48 = arith.constant 0 : i32
      %dma_start3A_49 = arith.constant 0 : i32
      %dma_start3A_50 = tpu.memref_slice %arg8[%dma_start3A_41, %dma_start3A_48, %dma_start3A_49] : memref<2x200x64xf32, #tpu.memory_space<vmem>> -> memref<1x200x64xf32, #tpu.memory_space<vmem>>
      %dma_start3A_51 = tpu.memref_squeeze %dma_start3A_50 : memref<1x200x64xf32, #tpu.memory_space<vmem>> -> memref<200x64xf32, #tpu.memory_space<vmem>>
      %dma_start3A_52 = arith.constant 0 : i32
      %dma_start3A_53 = tpu.memref_slice %arg2[%add3A_40, %dma_start3A_52] : memref<320000x64xf32, #tpu.memory_space<hbm>> -> memref<200x64xf32, #tpu.memory_space<hbm>>
      tpu.enqueue_dma source(%dma_start3A_53 : memref<200x64xf32, #tpu.memory_space<hbm>>) target(%dma_start3A_51 : memref<200x64xf32, #tpu.memory_space<vmem>>) target_semaphore(%arg11 : memref<!tpu.dma_semaphore, #tpu.memory_space<semaphore_mem>>)
      %dma_wait3A = arith.constant 0 : i32
      %dma_wait3A_54 = arith.constant 0 : i32
      %dma_wait3A_55 = arith.constant 0 : i32
      %dma_wait3A_56 = tpu.memref_slice %arg8[%dma_wait3A, %dma_wait3A_54, %dma_wait3A_55] : memref<2x200x64xf32, #tpu.memory_space<vmem>> -> memref<1x200x64xf32, #tpu.memory_space<vmem>>
      %dma_wait3A_57 = tpu.memref_squeeze %dma_wait3A_56 : memref<1x200x64xf32, #tpu.memory_space<vmem>> -> memref<200x64xf32, #tpu.memory_space<vmem>>
      %dma_wait3A_58 = arith.constant 0 : i32
      %dma_wait3A_59 = tpu.memref_slice %arg2[%add3A_25, %dma_wait3A_58] : memref<320000x64xf32, #tpu.memory_space<hbm>> -> memref<200x64xf32, #tpu.memory_space<hbm>>
      %dma_wait3A_60 = arith.constant 0 : i32
      %dma_wait3A_61 = arith.constant 0 : i32
      %dma_wait3A_62 = tpu.memref_slice %arg8[%dma_wait3A, %dma_wait3A_60, %dma_wait3A_61] : memref<2x200x64xf32, #tpu.memory_space<vmem>> -> memref<1x200x64xf32, #tpu.memory_space<vmem>>
      %dma_wait3A_63 = tpu.memref_squeeze %dma_wait3A_62 : memref<1x200x64xf32, #tpu.memory_space<vmem>> -> memref<200x64xf32, #tpu.memory_space<vmem>>
      %dma_wait3A_64 = arith.constant 0 : i32
      %dma_wait3A_65 = tpu.memref_slice %arg2[%add3A_25, %dma_wait3A_64] : memref<320000x64xf32, #tpu.memory_space<hbm>> -> memref<200x64xf32, #tpu.memory_space<hbm>>
      tpu.wait_dma2 semaphore(%arg10 : memref<!tpu.dma_semaphore, #tpu.memory_space<semaphore_mem>>) src(%dma_wait3A_65 : memref<200x64xf32, #tpu.memory_space<hbm>>) dst(%dma_wait3A_63 : memref<200x64xf32, #tpu.memory_space<vmem>>)
      %dma_start3A_66 = arith.constant 0 : i32
      %dma_start3A_67 = arith.constant 0 : i32
      %dma_start3A_68 = arith.constant 0 : i32
      %dma_start3A_69 = tpu.memref_slice %arg8[%dma_start3A_66, %dma_start3A_67, %dma_start3A_68] : memref<2x200x64xf32, #tpu.memory_space<vmem>> -> memref<1x200x64xf32, #tpu.memory_space<vmem>>
      %dma_start3A_70 = tpu.memref_squeeze %dma_start3A_69 : memref<1x200x64xf32, #tpu.memory_space<vmem>> -> memref<200x64xf32, #tpu.memory_space<vmem>>
      %dma_start3A_71 = arith.constant 0 : i32
      %dma_start3A_72 = tpu.memref_slice %arg7[%mul3A_20, %dma_start3A_71] : memref<50x200xi32, #tpu.memory_space<vmem>> -> memref<1x200xi32, #tpu.memory_space<vmem>>
      %dma_start3A_73 = tpu.memref_squeeze %dma_start3A_72 : memref<1x200xi32, #tpu.memory_space<vmem>> -> memref<200xi32, #tpu.memory_space<vmem>>
      %dma_start3A_74 = arith.constant 0 : i32
      %dma_start3A_75 = arith.constant 0 : i32
      %dma_start3A_76 = tpu.memref_slice %arg9[%dma_start3A_74, %dma_start3A_75] : memref<10240x64xf32, #tpu.memory_space<vmem_shared>> -> memref<10240x64xf32, #tpu.memory_space<vmem_shared>>
      tpu.enqueue_indirect_dma source(%dma_start3A_70 : memref<200x64xf32, #tpu.memory_space<vmem>>) target(%dma_start3A_76 : memref<10240x64xf32, #tpu.memory_space<vmem_shared>>) offsets(%dma_start3A_73 : memref<200xi32, #tpu.memory_space<vmem>>) semaphore(%arg12 : memref<!tpu.dma_semaphore, #tpu.memory_space<semaphore_mem>>) {add = true}
      %dma_wait3A_77 = arith.constant 1 : i32
      %dma_wait3A_78 = arith.constant 0 : i32
      %dma_wait3A_79 = arith.constant 0 : i32
      %dma_wait3A_80 = tpu.memref_slice %arg8[%dma_wait3A_77, %dma_wait3A_78, %dma_wait3A_79] : memref<2x200x64xf32, #tpu.memory_space<vmem>> -> memref<1x200x64xf32, #tpu.memory_space<vmem>>
      %dma_wait3A_81 = tpu.memref_squeeze %dma_wait3A_80 : memref<1x200x64xf32, #tpu.memory_space<vmem>> -> memref<200x64xf32, #tpu.memory_space<vmem>>
      %dma_wait3A_82 = arith.constant 0 : i32
      %dma_wait3A_83 = tpu.memref_slice %arg2[%add3A_40, %dma_wait3A_82] : memref<320000x64xf32, #tpu.memory_space<hbm>> -> memref<200x64xf32, #tpu.memory_space<hbm>>
      %dma_wait3A_84 = arith.constant 0 : i32
      %dma_wait3A_85 = arith.constant 0 : i32
      %dma_wait3A_86 = tpu.memref_slice %arg8[%dma_wait3A_77, %dma_wait3A_84, %dma_wait3A_85] : memref<2x200x64xf32, #tpu.memory_space<vmem>> -> memref<1x200x64xf32, #tpu.memory_space<vmem>>
      %dma_wait3A_87 = tpu.memref_squeeze %dma_wait3A_86 : memref<1x200x64xf32, #tpu.memory_space<vmem>> -> memref<200x64xf32, #tpu.memory_space<vmem>>
      %dma_wait3A_88 = arith.constant 0 : i32
      %dma_wait3A_89 = tpu.memref_slice %arg2[%add3A_40, %dma_wait3A_88] : memref<320000x64xf32, #tpu.memory_space<hbm>> -> memref<200x64xf32, #tpu.memory_space<hbm>>
      tpu.wait_dma2 semaphore(%arg11 : memref<!tpu.dma_semaphore, #tpu.memory_space<semaphore_mem>>) src(%dma_wait3A_89 : memref<200x64xf32, #tpu.memory_space<hbm>>) dst(%dma_wait3A_87 : memref<200x64xf32, #tpu.memory_space<vmem>>)
      %dma_start3A_90 = arith.constant 1 : i32
      %dma_start3A_91 = arith.constant 0 : i32
      %dma_start3A_92 = arith.constant 0 : i32
      %dma_start3A_93 = tpu.memref_slice %arg8[%dma_start3A_90, %dma_start3A_91, %dma_start3A_92] : memref<2x200x64xf32, #tpu.memory_space<vmem>> -> memref<1x200x64xf32, #tpu.memory_space<vmem>>
      %dma_start3A_94 = tpu.memref_squeeze %dma_start3A_93 : memref<1x200x64xf32, #tpu.memory_space<vmem>> -> memref<200x64xf32, #tpu.memory_space<vmem>>
      %dma_start3A_95 = arith.constant 0 : i32
      %dma_start3A_96 = tpu.memref_slice %arg7[%add3A_22, %dma_start3A_95] : memref<50x200xi32, #tpu.memory_space<vmem>> -> memref<1x200xi32, #tpu.memory_space<vmem>>
      %dma_start3A_97 = tpu.memref_squeeze %dma_start3A_96 : memref<1x200xi32, #tpu.memory_space<vmem>> -> memref<200xi32, #tpu.memory_space<vmem>>
      %dma_start3A_98 = arith.constant 0 : i32
      %dma_start3A_99 = arith.constant 0 : i32
      %dma_start3A_100 = tpu.memref_slice %arg9[%dma_start3A_98, %dma_start3A_99] : memref<10240x64xf32, #tpu.memory_space<vmem_shared>> -> memref<10240x64xf32, #tpu.memory_space<vmem_shared>>
      tpu.enqueue_indirect_dma source(%dma_start3A_94 : memref<200x64xf32, #tpu.memory_space<vmem>>) target(%dma_start3A_100 : memref<10240x64xf32, #tpu.memory_space<vmem_shared>>) offsets(%dma_start3A_97 : memref<200xi32, #tpu.memory_space<vmem>>) semaphore(%arg13 : memref<!tpu.dma_semaphore, #tpu.memory_space<semaphore_mem>>) {add = true}
      %dma_wait3A_101 = arith.constant 0 : i32
      %dma_wait3A_102 = arith.constant 0 : i32
      %dma_wait3A_103 = arith.constant 0 : i32
      %dma_wait3A_104 = tpu.memref_slice %arg8[%dma_wait3A_101, %dma_wait3A_102, %dma_wait3A_103] : memref<2x200x64xf32, #tpu.memory_space<vmem>> -> memref<1x200x64xf32, #tpu.memory_space<vmem>>
      %dma_wait3A_105 = tpu.memref_squeeze %dma_wait3A_104 : memref<1x200x64xf32, #tpu.memory_space<vmem>> -> memref<200x64xf32, #tpu.memory_space<vmem>>
      %dma_wait3A_106 = arith.constant 0 : i32
      %dma_wait3A_107 = tpu.memref_slice %arg7[%mul3A_20, %dma_wait3A_106] : memref<50x200xi32, #tpu.memory_space<vmem>> -> memref<1x200xi32, #tpu.memory_space<vmem>>
      %dma_wait3A_108 = tpu.memref_squeeze %dma_wait3A_107 : memref<1x200xi32, #tpu.memory_space<vmem>> -> memref<200xi32, #tpu.memory_space<vmem>>
      %dma_wait3A_109 = arith.constant 0 : i32
      %dma_wait3A_110 = arith.constant 0 : i32
      %dma_wait3A_111 = tpu.memref_slice %arg9[%dma_wait3A_109, %dma_wait3A_110] : memref<10240x64xf32, #tpu.memory_space<vmem_shared>> -> memref<10240x64xf32, #tpu.memory_space<vmem_shared>>
      tpu.wait_indirect_dma semaphore(%arg12 : memref<!tpu.dma_semaphore, #tpu.memory_space<semaphore_mem>>) src(%dma_wait3A_105 : memref<200x64xf32, #tpu.memory_space<vmem>>) dst(%dma_wait3A_111 : memref<10240x64xf32, #tpu.memory_space<vmem_shared>>)
      %dma_wait3A_112 = arith.constant 1 : i32
      %dma_wait3A_113 = arith.constant 0 : i32
      %dma_wait3A_114 = arith.constant 0 : i32
      %dma_wait3A_115 = tpu.memref_slice %arg8[%dma_wait3A_112, %dma_wait3A_113, %dma_wait3A_114] : memref<2x200x64xf32, #tpu.memory_space<vmem>> -> memref<1x200x64xf32, #tpu.memory_space<vmem>>
      %dma_wait3A_116 = tpu.memref_squeeze %dma_wait3A_115 : memref<1x200x64xf32, #tpu.memory_space<vmem>> -> memref<200x64xf32, #tpu.memory_space<vmem>>
      %dma_wait3A_117 = arith.constant 0 : i32
      %dma_wait3A_118 = tpu.memref_slice %arg7[%add3A_22, %dma_wait3A_117] : memref<50x200xi32, #tpu.memory_space<vmem>> -> memref<1x200xi32, #tpu.memory_space<vmem>>
      %dma_wait3A_119 = tpu.memref_squeeze %dma_wait3A_118 : memref<1x200xi32, #tpu.memory_space<vmem>> -> memref<200xi32, #tpu.memory_space<vmem>>
      %dma_wait3A_120 = arith.constant 0 : i32
      %dma_wait3A_121 = arith.constant 0 : i32
      %dma_wait3A_122 = tpu.memref_slice %arg9[%dma_wait3A_120, %dma_wait3A_121] : memref<10240x64xf32, #tpu.memory_space<vmem_shared>> -> memref<10240x64xf32, #tpu.memory_space<vmem_shared>>
      tpu.wait_indirect_dma semaphore(%arg13 : memref<!tpu.dma_semaphore, #tpu.memory_space<semaphore_mem>>) src(%dma_wait3A_116 : memref<200x64xf32, #tpu.memory_space<vmem>>) dst(%dma_wait3A_122 : memref<10240x64xf32, #tpu.memory_space<vmem_shared>>)
    }
    %scan3A_9 = arith.constant 25 : i32
    %barrier3A_10 = arith.constant 0 : index
    tpu.barrier barrier_id(%barrier3A_10)
    %eq3A = arith.constant 0 : i32
    %eq3A_11 = arith.cmpi eq, %arg0, %eq3A : i32
    %convert_element_type3A = arith.extui %eq3A_11 : i1 to i32
    %cond3A = arith.constant 0 : i32
    %cond3A_12 = arith.cmpi ne, %convert_element_type3A, %cond3A : i32
    scf.if %cond3A_12 {
      "tpu.region"() ({
        %run_scoped3A = tpu.sem_alloc : memref<!tpu.dma_semaphore, #tpu.memory_space<semaphore_mem>>
        %dma_start3A = arith.constant 0 : i32
        %dma_start3A_18 = tpu.memref_slice %arg5[%mul3A_2, %dma_start3A] : memref<10240x64xf32, #tpu.memory_space<hbm>> -> memref<640x64xf32, #tpu.memory_space<hbm>>
        %dma_start3A_19 = arith.constant 0 : i32
        %dma_start3A_20 = tpu.memref_slice %arg9[%mul3A_2, %dma_start3A_19] : memref<10240x64xf32, #tpu.memory_space<vmem_shared>> -> memref<640x64xf32, #tpu.memory_space<vmem_shared>>
        tpu.enqueue_dma source(%dma_start3A_20 : memref<640x64xf32, #tpu.memory_space<vmem_shared>>) target(%dma_start3A_18 : memref<640x64xf32, #tpu.memory_space<hbm>>) target_semaphore(%run_scoped3A : memref<!tpu.dma_semaphore, #tpu.memory_space<semaphore_mem>>)
        %dma_wait3A = arith.constant 0 : i32
        %dma_wait3A_21 = tpu.memref_slice %arg5[%mul3A_2, %dma_wait3A] : memref<10240x64xf32, #tpu.memory_space<hbm>> -> memref<640x64xf32, #tpu.memory_space<hbm>>
        %dma_wait3A_22 = arith.constant 0 : i32
        %dma_wait3A_23 = tpu.memref_slice %arg9[%mul3A_2, %dma_wait3A_22] : memref<10240x64xf32, #tpu.memory_space<vmem_shared>> -> memref<640x64xf32, #tpu.memory_space<vmem_shared>>
        tpu.wait_dma2 semaphore(%run_scoped3A : memref<!tpu.dma_semaphore, #tpu.memory_space<semaphore_mem>>) src(%dma_wait3A_23 : memref<640x64xf32, #tpu.memory_space<vmem_shared>>) dst(%dma_wait3A_21 : memref<640x64xf32, #tpu.memory_space<hbm>>)
        tpu.yield
      }) : () -> ()
    } else {
    }
    %eq3A_13 = arith.constant 1 : i32
    %eq3A_14 = arith.cmpi eq, %arg0, %eq3A_13 : i32
    %convert_element_type3A_15 = arith.extui %eq3A_14 : i1 to i32
    %cond3A_16 = arith.constant 0 : i32
    %cond3A_17 = arith.cmpi ne, %convert_element_type3A_15, %cond3A_16 : i32
    scf.if %cond3A_17 {
      "tpu.region"() ({
        %run_scoped3A = tpu.sem_alloc : memref<!tpu.dma_semaphore, #tpu.memory_space<semaphore_mem>>
        %dma_start3A = arith.constant 0 : i32
        %dma_start3A_18 = tpu.memref_slice %arg6[%mul3A_2, %dma_start3A] : memref<10240x64xf32, #tpu.memory_space<hbm>> -> memref<640x64xf32, #tpu.memory_space<hbm>>
        %dma_start3A_19 = arith.constant 0 : i32
        %dma_start3A_20 = tpu.memref_slice %arg9[%mul3A_2, %dma_start3A_19] : memref<10240x64xf32, #tpu.memory_space<vmem_shared>> -> memref<640x64xf32, #tpu.memory_space<vmem_shared>>
        tpu.enqueue_dma source(%dma_start3A_20 : memref<640x64xf32, #tpu.memory_space<vmem_shared>>) target(%dma_start3A_18 : memref<640x64xf32, #tpu.memory_space<hbm>>) target_semaphore(%run_scoped3A : memref<!tpu.dma_semaphore, #tpu.memory_space<semaphore_mem>>)
        %dma_wait3A = arith.constant 0 : i32
        %dma_wait3A_21 = tpu.memref_slice %arg6[%mul3A_2, %dma_wait3A] : memref<10240x64xf32, #tpu.memory_space<hbm>> -> memref<640x64xf32, #tpu.memory_space<hbm>>
        %dma_wait3A_22 = arith.constant 0 : i32
        %dma_wait3A_23 = tpu.memref_slice %arg9[%mul3A_2, %dma_wait3A_22] : memref<10240x64xf32, #tpu.memory_space<vmem_shared>> -> memref<640x64xf32, #tpu.memory_space<vmem_shared>>
        tpu.wait_dma2 semaphore(%run_scoped3A : memref<!tpu.dma_semaphore, #tpu.memory_space<semaphore_mem>>) src(%dma_wait3A_23 : memref<640x64xf32, #tpu.memory_space<vmem_shared>>) dst(%dma_wait3A_21 : memref<640x64xf32, #tpu.memory_space<hbm>>)
        tpu.yield
      }) : () -> ()
    } else {
    }
    return
  }
}

#map = affine_map<(d0, d1) -> (0, 0)>
#map1 = affine_map<(d0, d1) -> (0, 0, 0)>
module attributes {stable_mosaic.version = 14 : i64} {
  func.func @_sc_gather(%arg0: i32, %arg1: i32, %arg2: memref<20000x64xf32, #tpu.memory_space<hbm>>, %arg3: memref<32x50x200xi32, #tpu.memory_space<hbm>>, %arg4: memref<32x50x200xi32, #tpu.memory_space<hbm>>, %arg5: memref<320000x64xf32, #tpu.memory_space<hbm>>, %arg6: memref<50x200xi32, #tpu.memory_space<vmem>>, %arg7: memref<50x200xi32, #tpu.memory_space<vmem>>, %arg8: memref<200x64xf32, #tpu.memory_space<vmem>>, %arg9: memref<200x64xf32, #tpu.memory_space<vmem>>, %arg10: memref<200x64xf32, #tpu.memory_space<vmem>>, %arg11: memref<200x64xf32, #tpu.memory_space<vmem>>, %arg12: memref<!tpu.dma_semaphore, #tpu.memory_space<semaphore_mem>>, %arg13: memref<!tpu.dma_semaphore, #tpu.memory_space<semaphore_mem>>, %arg14: memref<!tpu.dma_semaphore, #tpu.memory_space<semaphore_mem>>, %arg15: memref<!tpu.dma_semaphore, #tpu.memory_space<semaphore_mem>>, %arg16: memref<!tpu.dma_semaphore, #tpu.memory_space<semaphore_mem>>, %arg17: memref<!tpu.dma_semaphore, #tpu.memory_space<semaphore_mem>>) attributes {dimension_semantics = [#tpu.dimension_semantics<core_parallel>, #tpu.dimension_semantics<subcore_parallel>], iteration_bounds = array<i64: 2, 16>, scalar_prefetch = 0 : i64, scratch_operands = 12 : i64, tpu.core_type = #tpu.core_type<sc_vector_subcore>, window_params = [{transform_indices = #map}, {transform_indices = #map1}, {transform_indices = #map1}, {transform_indices = #map}]} {
    %mul3A = arith.constant 2 : i32
    %mul3A_0 = arith.muli %arg1, %mul3A : i32
    %add3A = arith.addi %mul3A_0, %arg0 : i32
    "tpu.region"() ({
      %run_scoped3A = tpu.sem_alloc : memref<!tpu.dma_semaphore, #tpu.memory_space<semaphore_mem>>
      %dma_start3A = arith.constant 0 : i32
      %dma_start3A_8 = arith.constant 0 : i32
      %dma_start3A_9 = tpu.memref_slice %arg3[%add3A, %dma_start3A, %dma_start3A_8] : memref<32x50x200xi32, #tpu.memory_space<hbm>> -> memref<1x50x200xi32, #tpu.memory_space<hbm>>
      %dma_start3A_10 = tpu.memref_squeeze %dma_start3A_9 : memref<1x50x200xi32, #tpu.memory_space<hbm>> -> memref<50x200xi32, #tpu.memory_space<hbm>>
      %dma_start3A_11 = arith.constant 0 : i32
      %dma_start3A_12 = arith.constant 0 : i32
      %dma_start3A_13 = tpu.memref_slice %arg3[%add3A, %dma_start3A_11, %dma_start3A_12] : memref<32x50x200xi32, #tpu.memory_space<hbm>> -> memref<1x50x200xi32, #tpu.memory_space<hbm>>
      %dma_start3A_14 = tpu.memref_squeeze %dma_start3A_13 : memref<1x50x200xi32, #tpu.memory_space<hbm>> -> memref<50x200xi32, #tpu.memory_space<hbm>>
      tpu.enqueue_dma source(%dma_start3A_14 : memref<50x200xi32, #tpu.memory_space<hbm>>) target(%arg6 : memref<50x200xi32, #tpu.memory_space<vmem>>) target_semaphore(%run_scoped3A : memref<!tpu.dma_semaphore, #tpu.memory_space<semaphore_mem>>)
      %dma_wait3A = arith.constant 0 : i32
      %dma_wait3A_15 = arith.constant 0 : i32
      %dma_wait3A_16 = tpu.memref_slice %arg3[%add3A, %dma_wait3A, %dma_wait3A_15] : memref<32x50x200xi32, #tpu.memory_space<hbm>> -> memref<1x50x200xi32, #tpu.memory_space<hbm>>
      %dma_wait3A_17 = tpu.memref_squeeze %dma_wait3A_16 : memref<1x50x200xi32, #tpu.memory_space<hbm>> -> memref<50x200xi32, #tpu.memory_space<hbm>>
      %dma_wait3A_18 = arith.constant 0 : i32
      %dma_wait3A_19 = arith.constant 0 : i32
      %dma_wait3A_20 = tpu.memref_slice %arg3[%add3A, %dma_wait3A_18, %dma_wait3A_19] : memref<32x50x200xi32, #tpu.memory_space<hbm>> -> memref<1x50x200xi32, #tpu.memory_space<hbm>>
      %dma_wait3A_21 = tpu.memref_squeeze %dma_wait3A_20 : memref<1x50x200xi32, #tpu.memory_space<hbm>> -> memref<50x200xi32, #tpu.memory_space<hbm>>
      tpu.wait_dma2 semaphore(%run_scoped3A : memref<!tpu.dma_semaphore, #tpu.memory_space<semaphore_mem>>) src(%dma_wait3A_21 : memref<50x200xi32, #tpu.memory_space<hbm>>) dst(%arg6 : memref<50x200xi32, #tpu.memory_space<vmem>>)
      tpu.yield
    }) : () -> ()
    "tpu.region"() ({
      %run_scoped3A = tpu.sem_alloc : memref<!tpu.dma_semaphore, #tpu.memory_space<semaphore_mem>>
      %dma_start3A = arith.constant 0 : i32
      %dma_start3A_8 = arith.constant 0 : i32
      %dma_start3A_9 = tpu.memref_slice %arg4[%add3A, %dma_start3A, %dma_start3A_8] : memref<32x50x200xi32, #tpu.memory_space<hbm>> -> memref<1x50x200xi32, #tpu.memory_space<hbm>>
      %dma_start3A_10 = tpu.memref_squeeze %dma_start3A_9 : memref<1x50x200xi32, #tpu.memory_space<hbm>> -> memref<50x200xi32, #tpu.memory_space<hbm>>
      %dma_start3A_11 = arith.constant 0 : i32
      %dma_start3A_12 = arith.constant 0 : i32
      %dma_start3A_13 = tpu.memref_slice %arg4[%add3A, %dma_start3A_11, %dma_start3A_12] : memref<32x50x200xi32, #tpu.memory_space<hbm>> -> memref<1x50x200xi32, #tpu.memory_space<hbm>>
      %dma_start3A_14 = tpu.memref_squeeze %dma_start3A_13 : memref<1x50x200xi32, #tpu.memory_space<hbm>> -> memref<50x200xi32, #tpu.memory_space<hbm>>
      tpu.enqueue_dma source(%dma_start3A_14 : memref<50x200xi32, #tpu.memory_space<hbm>>) target(%arg7 : memref<50x200xi32, #tpu.memory_space<vmem>>) target_semaphore(%run_scoped3A : memref<!tpu.dma_semaphore, #tpu.memory_space<semaphore_mem>>)
      %dma_wait3A = arith.constant 0 : i32
      %dma_wait3A_15 = arith.constant 0 : i32
      %dma_wait3A_16 = tpu.memref_slice %arg4[%add3A, %dma_wait3A, %dma_wait3A_15] : memref<32x50x200xi32, #tpu.memory_space<hbm>> -> memref<1x50x200xi32, #tpu.memory_space<hbm>>
      %dma_wait3A_17 = tpu.memref_squeeze %dma_wait3A_16 : memref<1x50x200xi32, #tpu.memory_space<hbm>> -> memref<50x200xi32, #tpu.memory_space<hbm>>
      %dma_wait3A_18 = arith.constant 0 : i32
      %dma_wait3A_19 = arith.constant 0 : i32
      %dma_wait3A_20 = tpu.memref_slice %arg4[%add3A, %dma_wait3A_18, %dma_wait3A_19] : memref<32x50x200xi32, #tpu.memory_space<hbm>> -> memref<1x50x200xi32, #tpu.memory_space<hbm>>
      %dma_wait3A_21 = tpu.memref_squeeze %dma_wait3A_20 : memref<1x50x200xi32, #tpu.memory_space<hbm>> -> memref<50x200xi32, #tpu.memory_space<hbm>>
      tpu.wait_dma2 semaphore(%run_scoped3A : memref<!tpu.dma_semaphore, #tpu.memory_space<semaphore_mem>>) src(%dma_wait3A_21 : memref<50x200xi32, #tpu.memory_space<hbm>>) dst(%arg7 : memref<50x200xi32, #tpu.memory_space<vmem>>)
      tpu.yield
    }) : () -> ()
    %mul3A_1 = arith.constant 10000 : i32
    %mul3A_2 = arith.muli %add3A, %mul3A_1 : i32
    %scan3A = arith.constant 0 : i32
    %scan3A_3 = arith.constant 0 : i32
    %scan3A_4 = arith.constant 25 : i32
    %scan3A_5 = arith.addi %scan3A_3, %scan3A_4 : i32
    %scan3A_6 = arith.constant 1 : i32
    scf.for %scan3A_8 = %scan3A_3 to %scan3A_5 step %scan3A_6  : i32 {
      %mul3A_9 = arith.constant 2 : i32
      %mul3A_10 = arith.muli %mul3A_9, %scan3A_8 : i32
      %add3A_11 = arith.constant 1 : i32
      %add3A_12 = arith.addi %mul3A_10, %add3A_11 : i32
      %mul3A_13 = arith.constant 200 : i32
      %mul3A_14 = arith.muli %mul3A_10, %mul3A_13 : i32
      %add3A_15 = arith.addi %mul3A_2, %mul3A_14 : i32
      %mul3A_16 = arith.constant 200 : i32
      %mul3A_17 = arith.muli %add3A_12, %mul3A_16 : i32
      %add3A_18 = arith.addi %mul3A_2, %mul3A_17 : i32
      %dma_start3A = arith.constant 0 : i32
      %dma_start3A_19 = tpu.memref_slice %arg6[%mul3A_10, %dma_start3A] : memref<50x200xi32, #tpu.memory_space<vmem>> -> memref<1x200xi32, #tpu.memory_space<vmem>>
      %dma_start3A_20 = tpu.memref_squeeze %dma_start3A_19 : memref<1x200xi32, #tpu.memory_space<vmem>> -> memref<200xi32, #tpu.memory_space<vmem>>
      %dma_start3A_21 = arith.constant 0 : i32
      %dma_start3A_22 = arith.constant 0 : i32
      %dma_start3A_23 = tpu.memref_slice %arg2[%dma_start3A_21, %dma_start3A_22] : memref<20000x64xf32, #tpu.memory_space<hbm>> -> memref<20000x64xf32, #tpu.memory_space<hbm>>
      tpu.enqueue_indirect_dma source(%dma_start3A_23 : memref<20000x64xf32, #tpu.memory_space<hbm>>) target(%arg8 : memref<200x64xf32, #tpu.memory_space<vmem>>) offsets(%dma_start3A_20 : memref<200xi32, #tpu.memory_space<vmem>>) semaphore(%arg12 : memref<!tpu.dma_semaphore, #tpu.memory_space<semaphore_mem>>)
      %dma_start3A_24 = arith.constant 0 : i32
      %dma_start3A_25 = tpu.memref_slice %arg7[%mul3A_10, %dma_start3A_24] : memref<50x200xi32, #tpu.memory_space<vmem>> -> memref<1x200xi32, #tpu.memory_space<vmem>>
      %dma_start3A_26 = tpu.memref_squeeze %dma_start3A_25 : memref<1x200xi32, #tpu.memory_space<vmem>> -> memref<200xi32, #tpu.memory_space<vmem>>
      %dma_start3A_27 = arith.constant 0 : i32
      %dma_start3A_28 = arith.constant 0 : i32
      %dma_start3A_29 = tpu.memref_slice %arg2[%dma_start3A_27, %dma_start3A_28] : memref<20000x64xf32, #tpu.memory_space<hbm>> -> memref<20000x64xf32, #tpu.memory_space<hbm>>
      tpu.enqueue_indirect_dma source(%dma_start3A_29 : memref<20000x64xf32, #tpu.memory_space<hbm>>) target(%arg9 : memref<200x64xf32, #tpu.memory_space<vmem>>) offsets(%dma_start3A_26 : memref<200xi32, #tpu.memory_space<vmem>>) semaphore(%arg13 : memref<!tpu.dma_semaphore, #tpu.memory_space<semaphore_mem>>)
      %dma_start3A_30 = arith.constant 0 : i32
      %dma_start3A_31 = tpu.memref_slice %arg6[%add3A_12, %dma_start3A_30] : memref<50x200xi32, #tpu.memory_space<vmem>> -> memref<1x200xi32, #tpu.memory_space<vmem>>
      %dma_start3A_32 = tpu.memref_squeeze %dma_start3A_31 : memref<1x200xi32, #tpu.memory_space<vmem>> -> memref<200xi32, #tpu.memory_space<vmem>>
      %dma_start3A_33 = arith.constant 0 : i32
      %dma_start3A_34 = arith.constant 0 : i32
      %dma_start3A_35 = tpu.memref_slice %arg2[%dma_start3A_33, %dma_start3A_34] : memref<20000x64xf32, #tpu.memory_space<hbm>> -> memref<20000x64xf32, #tpu.memory_space<hbm>>
      tpu.enqueue_indirect_dma source(%dma_start3A_35 : memref<20000x64xf32, #tpu.memory_space<hbm>>) target(%arg10 : memref<200x64xf32, #tpu.memory_space<vmem>>) offsets(%dma_start3A_32 : memref<200xi32, #tpu.memory_space<vmem>>) semaphore(%arg14 : memref<!tpu.dma_semaphore, #tpu.memory_space<semaphore_mem>>)
      %dma_start3A_36 = arith.constant 0 : i32
      %dma_start3A_37 = tpu.memref_slice %arg7[%add3A_12, %dma_start3A_36] : memref<50x200xi32, #tpu.memory_space<vmem>> -> memref<1x200xi32, #tpu.memory_space<vmem>>
      %dma_start3A_38 = tpu.memref_squeeze %dma_start3A_37 : memref<1x200xi32, #tpu.memory_space<vmem>> -> memref<200xi32, #tpu.memory_space<vmem>>
      %dma_start3A_39 = arith.constant 0 : i32
      %dma_start3A_40 = arith.constant 0 : i32
      %dma_start3A_41 = tpu.memref_slice %arg2[%dma_start3A_39, %dma_start3A_40] : memref<20000x64xf32, #tpu.memory_space<hbm>> -> memref<20000x64xf32, #tpu.memory_space<hbm>>
      tpu.enqueue_indirect_dma source(%dma_start3A_41 : memref<20000x64xf32, #tpu.memory_space<hbm>>) target(%arg11 : memref<200x64xf32, #tpu.memory_space<vmem>>) offsets(%dma_start3A_38 : memref<200xi32, #tpu.memory_space<vmem>>) semaphore(%arg15 : memref<!tpu.dma_semaphore, #tpu.memory_space<semaphore_mem>>)
      %dma_wait3A = arith.constant 0 : i32
      %dma_wait3A_42 = tpu.memref_slice %arg6[%mul3A_10, %dma_wait3A] : memref<50x200xi32, #tpu.memory_space<vmem>> -> memref<1x200xi32, #tpu.memory_space<vmem>>
      %dma_wait3A_43 = tpu.memref_squeeze %dma_wait3A_42 : memref<1x200xi32, #tpu.memory_space<vmem>> -> memref<200xi32, #tpu.memory_space<vmem>>
      %dma_wait3A_44 = arith.constant 0 : i32
      %dma_wait3A_45 = arith.constant 0 : i32
      %dma_wait3A_46 = tpu.memref_slice %arg2[%dma_wait3A_44, %dma_wait3A_45] : memref<20000x64xf32, #tpu.memory_space<hbm>> -> memref<20000x64xf32, #tpu.memory_space<hbm>>
      tpu.wait_indirect_dma semaphore(%arg12 : memref<!tpu.dma_semaphore, #tpu.memory_space<semaphore_mem>>) src(%dma_wait3A_46 : memref<20000x64xf32, #tpu.memory_space<hbm>>) dst(%arg8 : memref<200x64xf32, #tpu.memory_space<vmem>>)
      %dma_wait3A_47 = arith.constant 0 : i32
      %dma_wait3A_48 = tpu.memref_slice %arg7[%mul3A_10, %dma_wait3A_47] : memref<50x200xi32, #tpu.memory_space<vmem>> -> memref<1x200xi32, #tpu.memory_space<vmem>>
      %dma_wait3A_49 = tpu.memref_squeeze %dma_wait3A_48 : memref<1x200xi32, #tpu.memory_space<vmem>> -> memref<200xi32, #tpu.memory_space<vmem>>
      %dma_wait3A_50 = arith.constant 0 : i32
      %dma_wait3A_51 = arith.constant 0 : i32
      %dma_wait3A_52 = tpu.memref_slice %arg2[%dma_wait3A_50, %dma_wait3A_51] : memref<20000x64xf32, #tpu.memory_space<hbm>> -> memref<20000x64xf32, #tpu.memory_space<hbm>>
      tpu.wait_indirect_dma semaphore(%arg13 : memref<!tpu.dma_semaphore, #tpu.memory_space<semaphore_mem>>) src(%dma_wait3A_52 : memref<20000x64xf32, #tpu.memory_space<hbm>>) dst(%arg9 : memref<200x64xf32, #tpu.memory_space<vmem>>)
      %scan3A_53 = arith.constant 0 : i32
      %scan3A_54 = arith.constant 0 : i32
      %scan3A_55 = arith.constant 50 : i32
      %scan3A_56 = arith.addi %scan3A_54, %scan3A_55 : i32
      %scan3A_57 = arith.constant 1 : i32
      scf.for %scan3A_93 = %scan3A_54 to %scan3A_56 step %scan3A_57  : i32 {
        %mul3A_94 = arith.constant 4 : i32
        %mul3A_95 = arith.muli %scan3A_93, %mul3A_94 : i32
        %add3A_96 = arith.constant 0 : i32
        %add3A_97 = arith.addi %mul3A_95, %add3A_96 : i32
        %get3A = arith.index_cast %add3A_97 : i32 to index
        %get3A_98 = arith.constant 0 : index
        %get3A_99 = tpu.vector_load %arg8[%get3A, %get3A_98] {strides = array<i32>} : memref<200x64xf32, #tpu.memory_space<vmem>>, vector<1x16xf32>,
        %get3A_100 = vector.shape_cast %get3A_99 : vector<1x16xf32> to vector<16xf32>
        %get3A_101 = arith.index_cast %add3A_97 : i32 to index
        %get3A_102 = arith.constant 0 : index
        %get3A_103 = tpu.vector_load %arg9[%get3A_101, %get3A_102] {strides = array<i32>} : memref<200x64xf32, #tpu.memory_space<vmem>>, vector<1x16xf32>,
        %get3A_104 = vector.shape_cast %get3A_103 : vector<1x16xf32> to vector<16xf32>
        %add3A_105 = arith.addf %get3A_100, %get3A_104 : vector<16xf32>
        %swap3A = arith.index_cast %add3A_97 : i32 to index
        %swap3A_106 = arith.constant 0 : index
        %swap3A_107 = tpu.vector_load %arg8[%swap3A, %swap3A_106] {strides = array<i32>} : memref<200x64xf32, #tpu.memory_space<vmem>>, vector<1x16xf32>,
        %swap3A_108 = vector.shape_cast %swap3A_107 : vector<1x16xf32> to vector<16xf32>
        %swap3A_109 = vector.shape_cast %add3A_105 : vector<16xf32> to vector<1x16xf32>
        tpu.vector_store %arg8[%swap3A, %swap3A_106], %swap3A_109 {strides = array<i32>} : memref<200x64xf32, #tpu.memory_space<vmem>>, vector<1x16xf32>,
        %get3A_110 = arith.index_cast %add3A_97 : i32 to index
        %get3A_111 = arith.constant 16 : index
        %get3A_112 = tpu.vector_load %arg8[%get3A_110, %get3A_111] {strides = array<i32>} : memref<200x64xf32, #tpu.memory_space<vmem>>, vector<1x16xf32>,
        %get3A_113 = vector.shape_cast %get3A_112 : vector<1x16xf32> to vector<16xf32>
        %get3A_114 = arith.index_cast %add3A_97 : i32 to index
        %get3A_115 = arith.constant 16 : index
        %get3A_116 = tpu.vector_load %arg9[%get3A_114, %get3A_115] {strides = array<i32>} : memref<200x64xf32, #tpu.memory_space<vmem>>, vector<1x16xf32>,
        %get3A_117 = vector.shape_cast %get3A_116 : vector<1x16xf32> to vector<16xf32>
        %add3A_118 = arith.addf %get3A_113, %get3A_117 : vector<16xf32>
        %swap3A_119 = arith.index_cast %add3A_97 : i32 to index
        %swap3A_120 = arith.constant 16 : index
        %swap3A_121 = tpu.vector_load %arg8[%swap3A_119, %swap3A_120] {strides = array<i32>} : memref<200x64xf32, #tpu.memory_space<vmem>>, vector<1x16xf32>,
        %swap3A_122 = vector.shape_cast %swap3A_121 : vector<1x16xf32> to vector<16xf32>
        %swap3A_123 = vector.shape_cast %add3A_118 : vector<16xf32> to vector<1x16xf32>
        tpu.vector_store %arg8[%swap3A_119, %swap3A_120], %swap3A_123 {strides = array<i32>} : memref<200x64xf32, #tpu.memory_space<vmem>>, vector<1x16xf32>,
        %get3A_124 = arith.index_cast %add3A_97 : i32 to index
        %get3A_125 = arith.constant 32 : index
        %get3A_126 = tpu.vector_load %arg8[%get3A_124, %get3A_125] {strides = array<i32>} : memref<200x64xf32, #tpu.memory_space<vmem>>, vector<1x16xf32>,
        %get3A_127 = vector.shape_cast %get3A_126 : vector<1x16xf32> to vector<16xf32>
        %get3A_128 = arith.index_cast %add3A_97 : i32 to index
        %get3A_129 = arith.constant 32 : index
        %get3A_130 = tpu.vector_load %arg9[%get3A_128, %get3A_129] {strides = array<i32>} : memref<200x64xf32, #tpu.memory_space<vmem>>, vector<1x16xf32>,
        %get3A_131 = vector.shape_cast %get3A_130 : vector<1x16xf32> to vector<16xf32>
        %add3A_132 = arith.addf %get3A_127, %get3A_131 : vector<16xf32>
        %swap3A_133 = arith.index_cast %add3A_97 : i32 to index
        %swap3A_134 = arith.constant 32 : index
        %swap3A_135 = tpu.vector_load %arg8[%swap3A_133, %swap3A_134] {strides = array<i32>} : memref<200x64xf32, #tpu.memory_space<vmem>>, vector<1x16xf32>,
        %swap3A_136 = vector.shape_cast %swap3A_135 : vector<1x16xf32> to vector<16xf32>
        %swap3A_137 = vector.shape_cast %add3A_132 : vector<16xf32> to vector<1x16xf32>
        tpu.vector_store %arg8[%swap3A_133, %swap3A_134], %swap3A_137 {strides = array<i32>} : memref<200x64xf32, #tpu.memory_space<vmem>>, vector<1x16xf32>,
        %get3A_138 = arith.index_cast %add3A_97 : i32 to index
        %get3A_139 = arith.constant 48 : index
        %get3A_140 = tpu.vector_load %arg8[%get3A_138, %get3A_139] {strides = array<i32>} : memref<200x64xf32, #tpu.memory_space<vmem>>, vector<1x16xf32>,
        %get3A_141 = vector.shape_cast %get3A_140 : vector<1x16xf32> to vector<16xf32>
        %get3A_142 = arith.index_cast %add3A_97 : i32 to index
        %get3A_143 = arith.constant 48 : index
        %get3A_144 = tpu.vector_load %arg9[%get3A_142, %get3A_143] {strides = array<i32>} : memref<200x64xf32, #tpu.memory_space<vmem>>, vector<1x16xf32>,
        %get3A_145 = vector.shape_cast %get3A_144 : vector<1x16xf32> to vector<16xf32>
        %add3A_146 = arith.addf %get3A_141, %get3A_145 : vector<16xf32>
        %swap3A_147 = arith.index_cast %add3A_97 : i32 to index
        %swap3A_148 = arith.constant 48 : index
        %swap3A_149 = tpu.vector_load %arg8[%swap3A_147, %swap3A_148] {strides = array<i32>} : memref<200x64xf32, #tpu.memory_space<vmem>>, vector<1x16xf32>,
        %swap3A_150 = vector.shape_cast %swap3A_149 : vector<1x16xf32> to vector<16xf32>
        %swap3A_151 = vector.shape_cast %add3A_146 : vector<16xf32> to vector<1x16xf32>
        tpu.vector_store %arg8[%swap3A_147, %swap3A_148], %swap3A_151 {strides = array<i32>} : memref<200x64xf32, #tpu.memory_space<vmem>>, vector<1x16xf32>,
        %mul3A_152 = arith.constant 4 : i32
        %mul3A_153 = arith.muli %scan3A_93, %mul3A_152 : i32
        %add3A_154 = arith.constant 1 : i32
        %add3A_155 = arith.addi %mul3A_153, %add3A_154 : i32
        %get3A_156 = arith.index_cast %add3A_155 : i32 to index
        %get3A_157 = arith.constant 0 : index
        %get3A_158 = tpu.vector_load %arg8[%get3A_156, %get3A_157] {strides = array<i32>} : memref<200x64xf32, #tpu.memory_space<vmem>>, vector<1x16xf32>,
        %get3A_159 = vector.shape_cast %get3A_158 : vector<1x16xf32> to vector<16xf32>
        %get3A_160 = arith.index_cast %add3A_155 : i32 to index
        %get3A_161 = arith.constant 0 : index
        %get3A_162 = tpu.vector_load %arg9[%get3A_160, %get3A_161] {strides = array<i32>} : memref<200x64xf32, #tpu.memory_space<vmem>>, vector<1x16xf32>,
        %get3A_163 = vector.shape_cast %get3A_162 : vector<1x16xf32> to vector<16xf32>
        %add3A_164 = arith.addf %get3A_159, %get3A_163 : vector<16xf32>
        %swap3A_165 = arith.index_cast %add3A_155 : i32 to index
        %swap3A_166 = arith.constant 0 : index
        %swap3A_167 = tpu.vector_load %arg8[%swap3A_165, %swap3A_166] {strides = array<i32>} : memref<200x64xf32, #tpu.memory_space<vmem>>, vector<1x16xf32>,
        %swap3A_168 = vector.shape_cast %swap3A_167 : vector<1x16xf32> to vector<16xf32>
        %swap3A_169 = vector.shape_cast %add3A_164 : vector<16xf32> to vector<1x16xf32>
        tpu.vector_store %arg8[%swap3A_165, %swap3A_166], %swap3A_169 {strides = array<i32>} : memref<200x64xf32, #tpu.memory_space<vmem>>, vector<1x16xf32>,
        %get3A_170 = arith.index_cast %add3A_155 : i32 to index
        %get3A_171 = arith.constant 16 : index
        %get3A_172 = tpu.vector_load %arg8[%get3A_170, %get3A_171] {strides = array<i32>} : memref<200x64xf32, #tpu.memory_space<vmem>>, vector<1x16xf32>,
        %get3A_173 = vector.shape_cast %get3A_172 : vector<1x16xf32> to vector<16xf32>
        %get3A_174 = arith.index_cast %add3A_155 : i32 to index
        %get3A_175 = arith.constant 16 : index
        %get3A_176 = tpu.vector_load %arg9[%get3A_174, %get3A_175] {strides = array<i32>} : memref<200x64xf32, #tpu.memory_space<vmem>>, vector<1x16xf32>,
        %get3A_177 = vector.shape_cast %get3A_176 : vector<1x16xf32> to vector<16xf32>
        %add3A_178 = arith.addf %get3A_173, %get3A_177 : vector<16xf32>
        %swap3A_179 = arith.index_cast %add3A_155 : i32 to index
        %swap3A_180 = arith.constant 16 : index
        %swap3A_181 = tpu.vector_load %arg8[%swap3A_179, %swap3A_180] {strides = array<i32>} : memref<200x64xf32, #tpu.memory_space<vmem>>, vector<1x16xf32>,
        %swap3A_182 = vector.shape_cast %swap3A_181 : vector<1x16xf32> to vector<16xf32>
        %swap3A_183 = vector.shape_cast %add3A_178 : vector<16xf32> to vector<1x16xf32>
        tpu.vector_store %arg8[%swap3A_179, %swap3A_180], %swap3A_183 {strides = array<i32>} : memref<200x64xf32, #tpu.memory_space<vmem>>, vector<1x16xf32>,
        %get3A_184 = arith.index_cast %add3A_155 : i32 to index
        %get3A_185 = arith.constant 32 : index
        %get3A_186 = tpu.vector_load %arg8[%get3A_184, %get3A_185] {strides = array<i32>} : memref<200x64xf32, #tpu.memory_space<vmem>>, vector<1x16xf32>,
        %get3A_187 = vector.shape_cast %get3A_186 : vector<1x16xf32> to vector<16xf32>
        %get3A_188 = arith.index_cast %add3A_155 : i32 to index
        %get3A_189 = arith.constant 32 : index
        %get3A_190 = tpu.vector_load %arg9[%get3A_188, %get3A_189] {strides = array<i32>} : memref<200x64xf32, #tpu.memory_space<vmem>>, vector<1x16xf32>,
        %get3A_191 = vector.shape_cast %get3A_190 : vector<1x16xf32> to vector<16xf32>
        %add3A_192 = arith.addf %get3A_187, %get3A_191 : vector<16xf32>
        %swap3A_193 = arith.index_cast %add3A_155 : i32 to index
        %swap3A_194 = arith.constant 32 : index
        %swap3A_195 = tpu.vector_load %arg8[%swap3A_193, %swap3A_194] {strides = array<i32>} : memref<200x64xf32, #tpu.memory_space<vmem>>, vector<1x16xf32>,
        %swap3A_196 = vector.shape_cast %swap3A_195 : vector<1x16xf32> to vector<16xf32>
        %swap3A_197 = vector.shape_cast %add3A_192 : vector<16xf32> to vector<1x16xf32>
        tpu.vector_store %arg8[%swap3A_193, %swap3A_194], %swap3A_197 {strides = array<i32>} : memref<200x64xf32, #tpu.memory_space<vmem>>, vector<1x16xf32>,
        %get3A_198 = arith.index_cast %add3A_155 : i32 to index
        %get3A_199 = arith.constant 48 : index
        %get3A_200 = tpu.vector_load %arg8[%get3A_198, %get3A_199] {strides = array<i32>} : memref<200x64xf32, #tpu.memory_space<vmem>>, vector<1x16xf32>,
        %get3A_201 = vector.shape_cast %get3A_200 : vector<1x16xf32> to vector<16xf32>
        %get3A_202 = arith.index_cast %add3A_155 : i32 to index
        %get3A_203 = arith.constant 48 : index
        %get3A_204 = tpu.vector_load %arg9[%get3A_202, %get3A_203] {strides = array<i32>} : memref<200x64xf32, #tpu.memory_space<vmem>>, vector<1x16xf32>,
        %get3A_205 = vector.shape_cast %get3A_204 : vector<1x16xf32> to vector<16xf32>
        %add3A_206 = arith.addf %get3A_201, %get3A_205 : vector<16xf32>
        %swap3A_207 = arith.index_cast %add3A_155 : i32 to index
        %swap3A_208 = arith.constant 48 : index
        %swap3A_209 = tpu.vector_load %arg8[%swap3A_207, %swap3A_208] {strides = array<i32>} : memref<200x64xf32, #tpu.memory_space<vmem>>, vector<1x16xf32>,
        %swap3A_210 = vector.shape_cast %swap3A_209 : vector<1x16xf32> to vector<16xf32>
        %swap3A_211 = vector.shape_cast %add3A_206 : vector<16xf32> to vector<1x16xf32>
        tpu.vector_store %arg8[%swap3A_207, %swap3A_208], %swap3A_211 {strides = array<i32>} : memref<200x64xf32, #tpu.memory_space<vmem>>, vector<1x16xf32>,
        %mul3A_212 = arith.constant 4 : i32
        %mul3A_213 = arith.muli %scan3A_93, %mul3A_212 : i32
        %add3A_214 = arith.constant 2 : i32
        %add3A_215 = arith.addi %mul3A_213, %add3A_214 : i32
        %get3A_216 = arith.index_cast %add3A_215 : i32 to index
        %get3A_217 = arith.constant 0 : index
        %get3A_218 = tpu.vector_load %arg8[%get3A_216, %get3A_217] {strides = array<i32>} : memref<200x64xf32, #tpu.memory_space<vmem>>, vector<1x16xf32>,
        %get3A_219 = vector.shape_cast %get3A_218 : vector<1x16xf32> to vector<16xf32>
        %get3A_220 = arith.index_cast %add3A_215 : i32 to index
        %get3A_221 = arith.constant 0 : index
        %get3A_222 = tpu.vector_load %arg9[%get3A_220, %get3A_221] {strides = array<i32>} : memref<200x64xf32, #tpu.memory_space<vmem>>, vector<1x16xf32>,
        %get3A_223 = vector.shape_cast %get3A_222 : vector<1x16xf32> to vector<16xf32>
        %add3A_224 = arith.addf %get3A_219, %get3A_223 : vector<16xf32>
        %swap3A_225 = arith.index_cast %add3A_215 : i32 to index
        %swap3A_226 = arith.constant 0 : index
        %swap3A_227 = tpu.vector_load %arg8[%swap3A_225, %swap3A_226] {strides = array<i32>} : memref<200x64xf32, #tpu.memory_space<vmem>>, vector<1x16xf32>,
        %swap3A_228 = vector.shape_cast %swap3A_227 : vector<1x16xf32> to vector<16xf32>
        %swap3A_229 = vector.shape_cast %add3A_224 : vector<16xf32> to vector<1x16xf32>
        tpu.vector_store %arg8[%swap3A_225, %swap3A_226], %swap3A_229 {strides = array<i32>} : memref<200x64xf32, #tpu.memory_space<vmem>>, vector<1x16xf32>,
        %get3A_230 = arith.index_cast %add3A_215 : i32 to index
        %get3A_231 = arith.constant 16 : index
        %get3A_232 = tpu.vector_load %arg8[%get3A_230, %get3A_231] {strides = array<i32>} : memref<200x64xf32, #tpu.memory_space<vmem>>, vector<1x16xf32>,
        %get3A_233 = vector.shape_cast %get3A_232 : vector<1x16xf32> to vector<16xf32>
        %get3A_234 = arith.index_cast %add3A_215 : i32 to index
        %get3A_235 = arith.constant 16 : index
        %get3A_236 = tpu.vector_load %arg9[%get3A_234, %get3A_235] {strides = array<i32>} : memref<200x64xf32, #tpu.memory_space<vmem>>, vector<1x16xf32>,
        %get3A_237 = vector.shape_cast %get3A_236 : vector<1x16xf32> to vector<16xf32>
        %add3A_238 = arith.addf %get3A_233, %get3A_237 : vector<16xf32>
        %swap3A_239 = arith.index_cast %add3A_215 : i32 to index
        %swap3A_240 = arith.constant 16 : index
        %swap3A_241 = tpu.vector_load %arg8[%swap3A_239, %swap3A_240] {strides = array<i32>} : memref<200x64xf32, #tpu.memory_space<vmem>>, vector<1x16xf32>,
        %swap3A_242 = vector.shape_cast %swap3A_241 : vector<1x16xf32> to vector<16xf32>
        %swap3A_243 = vector.shape_cast %add3A_238 : vector<16xf32> to vector<1x16xf32>
        tpu.vector_store %arg8[%swap3A_239, %swap3A_240], %swap3A_243 {strides = array<i32>} : memref<200x64xf32, #tpu.memory_space<vmem>>, vector<1x16xf32>,
        %get3A_244 = arith.index_cast %add3A_215 : i32 to index
        %get3A_245 = arith.constant 32 : index
        %get3A_246 = tpu.vector_load %arg8[%get3A_244, %get3A_245] {strides = array<i32>} : memref<200x64xf32, #tpu.memory_space<vmem>>, vector<1x16xf32>,
        %get3A_247 = vector.shape_cast %get3A_246 : vector<1x16xf32> to vector<16xf32>
        %get3A_248 = arith.index_cast %add3A_215 : i32 to index
        %get3A_249 = arith.constant 32 : index
        %get3A_250 = tpu.vector_load %arg9[%get3A_248, %get3A_249] {strides = array<i32>} : memref<200x64xf32, #tpu.memory_space<vmem>>, vector<1x16xf32>,
        %get3A_251 = vector.shape_cast %get3A_250 : vector<1x16xf32> to vector<16xf32>
        %add3A_252 = arith.addf %get3A_247, %get3A_251 : vector<16xf32>
        %swap3A_253 = arith.index_cast %add3A_215 : i32 to index
        %swap3A_254 = arith.constant 32 : index
        %swap3A_255 = tpu.vector_load %arg8[%swap3A_253, %swap3A_254] {strides = array<i32>} : memref<200x64xf32, #tpu.memory_space<vmem>>, vector<1x16xf32>,
        %swap3A_256 = vector.shape_cast %swap3A_255 : vector<1x16xf32> to vector<16xf32>
        %swap3A_257 = vector.shape_cast %add3A_252 : vector<16xf32> to vector<1x16xf32>
        tpu.vector_store %arg8[%swap3A_253, %swap3A_254], %swap3A_257 {strides = array<i32>} : memref<200x64xf32, #tpu.memory_space<vmem>>, vector<1x16xf32>,
        %get3A_258 = arith.index_cast %add3A_215 : i32 to index
        %get3A_259 = arith.constant 48 : index
        %get3A_260 = tpu.vector_load %arg8[%get3A_258, %get3A_259] {strides = array<i32>} : memref<200x64xf32, #tpu.memory_space<vmem>>, vector<1x16xf32>,
        %get3A_261 = vector.shape_cast %get3A_260 : vector<1x16xf32> to vector<16xf32>
        %get3A_262 = arith.index_cast %add3A_215 : i32 to index
        %get3A_263 = arith.constant 48 : index
        %get3A_264 = tpu.vector_load %arg9[%get3A_262, %get3A_263] {strides = array<i32>} : memref<200x64xf32, #tpu.memory_space<vmem>>, vector<1x16xf32>,
        %get3A_265 = vector.shape_cast %get3A_264 : vector<1x16xf32> to vector<16xf32>
        %add3A_266 = arith.addf %get3A_261, %get3A_265 : vector<16xf32>
        %swap3A_267 = arith.index_cast %add3A_215 : i32 to index
        %swap3A_268 = arith.constant 48 : index
        %swap3A_269 = tpu.vector_load %arg8[%swap3A_267, %swap3A_268] {strides = array<i32>} : memref<200x64xf32, #tpu.memory_space<vmem>>, vector<1x16xf32>,
        %swap3A_270 = vector.shape_cast %swap3A_269 : vector<1x16xf32> to vector<16xf32>
        %swap3A_271 = vector.shape_cast %add3A_266 : vector<16xf32> to vector<1x16xf32>
        tpu.vector_store %arg8[%swap3A_267, %swap3A_268], %swap3A_271 {strides = array<i32>} : memref<200x64xf32, #tpu.memory_space<vmem>>, vector<1x16xf32>,
        %mul3A_272 = arith.constant 4 : i32
        %mul3A_273 = arith.muli %scan3A_93, %mul3A_272 : i32
        %add3A_274 = arith.constant 3 : i32
        %add3A_275 = arith.addi %mul3A_273, %add3A_274 : i32
        %get3A_276 = arith.index_cast %add3A_275 : i32 to index
        %get3A_277 = arith.constant 0 : index
        %get3A_278 = tpu.vector_load %arg8[%get3A_276, %get3A_277] {strides = array<i32>} : memref<200x64xf32, #tpu.memory_space<vmem>>, vector<1x16xf32>,
        %get3A_279 = vector.shape_cast %get3A_278 : vector<1x16xf32> to vector<16xf32>
        %get3A_280 = arith.index_cast %add3A_275 : i32 to index
        %get3A_281 = arith.constant 0 : index
        %get3A_282 = tpu.vector_load %arg9[%get3A_280, %get3A_281] {strides = array<i32>} : memref<200x64xf32, #tpu.memory_space<vmem>>, vector<1x16xf32>,
        %get3A_283 = vector.shape_cast %get3A_282 : vector<1x16xf32> to vector<16xf32>
        %add3A_284 = arith.addf %get3A_279, %get3A_283 : vector<16xf32>
        %swap3A_285 = arith.index_cast %add3A_275 : i32 to index
        %swap3A_286 = arith.constant 0 : index
        %swap3A_287 = tpu.vector_load %arg8[%swap3A_285, %swap3A_286] {strides = array<i32>} : memref<200x64xf32, #tpu.memory_space<vmem>>, vector<1x16xf32>,
        %swap3A_288 = vector.shape_cast %swap3A_287 : vector<1x16xf32> to vector<16xf32>
        %swap3A_289 = vector.shape_cast %add3A_284 : vector<16xf32> to vector<1x16xf32>
        tpu.vector_store %arg8[%swap3A_285, %swap3A_286], %swap3A_289 {strides = array<i32>} : memref<200x64xf32, #tpu.memory_space<vmem>>, vector<1x16xf32>,
        %get3A_290 = arith.index_cast %add3A_275 : i32 to index
        %get3A_291 = arith.constant 16 : index
        %get3A_292 = tpu.vector_load %arg8[%get3A_290, %get3A_291] {strides = array<i32>} : memref<200x64xf32, #tpu.memory_space<vmem>>, vector<1x16xf32>,
        %get3A_293 = vector.shape_cast %get3A_292 : vector<1x16xf32> to vector<16xf32>
        %get3A_294 = arith.index_cast %add3A_275 : i32 to index
        %get3A_295 = arith.constant 16 : index
        %get3A_296 = tpu.vector_load %arg9[%get3A_294, %get3A_295] {strides = array<i32>} : memref<200x64xf32, #tpu.memory_space<vmem>>, vector<1x16xf32>,
        %get3A_297 = vector.shape_cast %get3A_296 : vector<1x16xf32> to vector<16xf32>
        %add3A_298 = arith.addf %get3A_293, %get3A_297 : vector<16xf32>
        %swap3A_299 = arith.index_cast %add3A_275 : i32 to index
        %swap3A_300 = arith.constant 16 : index
        %swap3A_301 = tpu.vector_load %arg8[%swap3A_299, %swap3A_300] {strides = array<i32>} : memref<200x64xf32, #tpu.memory_space<vmem>>, vector<1x16xf32>,
        %swap3A_302 = vector.shape_cast %swap3A_301 : vector<1x16xf32> to vector<16xf32>
        %swap3A_303 = vector.shape_cast %add3A_298 : vector<16xf32> to vector<1x16xf32>
        tpu.vector_store %arg8[%swap3A_299, %swap3A_300], %swap3A_303 {strides = array<i32>} : memref<200x64xf32, #tpu.memory_space<vmem>>, vector<1x16xf32>,
        %get3A_304 = arith.index_cast %add3A_275 : i32 to index
        %get3A_305 = arith.constant 32 : index
        %get3A_306 = tpu.vector_load %arg8[%get3A_304, %get3A_305] {strides = array<i32>} : memref<200x64xf32, #tpu.memory_space<vmem>>, vector<1x16xf32>,
        %get3A_307 = vector.shape_cast %get3A_306 : vector<1x16xf32> to vector<16xf32>
        %get3A_308 = arith.index_cast %add3A_275 : i32 to index
        %get3A_309 = arith.constant 32 : index
        %get3A_310 = tpu.vector_load %arg9[%get3A_308, %get3A_309] {strides = array<i32>} : memref<200x64xf32, #tpu.memory_space<vmem>>, vector<1x16xf32>,
        %get3A_311 = vector.shape_cast %get3A_310 : vector<1x16xf32> to vector<16xf32>
        %add3A_312 = arith.addf %get3A_307, %get3A_311 : vector<16xf32>
        %swap3A_313 = arith.index_cast %add3A_275 : i32 to index
        %swap3A_314 = arith.constant 32 : index
        %swap3A_315 = tpu.vector_load %arg8[%swap3A_313, %swap3A_314] {strides = array<i32>} : memref<200x64xf32, #tpu.memory_space<vmem>>, vector<1x16xf32>,
        %swap3A_316 = vector.shape_cast %swap3A_315 : vector<1x16xf32> to vector<16xf32>
        %swap3A_317 = vector.shape_cast %add3A_312 : vector<16xf32> to vector<1x16xf32>
        tpu.vector_store %arg8[%swap3A_313, %swap3A_314], %swap3A_317 {strides = array<i32>} : memref<200x64xf32, #tpu.memory_space<vmem>>, vector<1x16xf32>,
        %get3A_318 = arith.index_cast %add3A_275 : i32 to index
        %get3A_319 = arith.constant 48 : index
        %get3A_320 = tpu.vector_load %arg8[%get3A_318, %get3A_319] {strides = array<i32>} : memref<200x64xf32, #tpu.memory_space<vmem>>, vector<1x16xf32>,
        %get3A_321 = vector.shape_cast %get3A_320 : vector<1x16xf32> to vector<16xf32>
        %get3A_322 = arith.index_cast %add3A_275 : i32 to index
        %get3A_323 = arith.constant 48 : index
        %get3A_324 = tpu.vector_load %arg9[%get3A_322, %get3A_323] {strides = array<i32>} : memref<200x64xf32, #tpu.memory_space<vmem>>, vector<1x16xf32>,
        %get3A_325 = vector.shape_cast %get3A_324 : vector<1x16xf32> to vector<16xf32>
        %add3A_326 = arith.addf %get3A_321, %get3A_325 : vector<16xf32>
        %swap3A_327 = arith.index_cast %add3A_275 : i32 to index
        %swap3A_328 = arith.constant 48 : index
        %swap3A_329 = tpu.vector_load %arg8[%swap3A_327, %swap3A_328] {strides = array<i32>} : memref<200x64xf32, #tpu.memory_space<vmem>>, vector<1x16xf32>,
        %swap3A_330 = vector.shape_cast %swap3A_329 : vector<1x16xf32> to vector<16xf32>
        %swap3A_331 = vector.shape_cast %add3A_326 : vector<16xf32> to vector<1x16xf32>
        tpu.vector_store %arg8[%swap3A_327, %swap3A_328], %swap3A_331 {strides = array<i32>} : memref<200x64xf32, #tpu.memory_space<vmem>>, vector<1x16xf32>,
      }
      %scan3A_58 = arith.constant 50 : i32
      %dma_start3A_59 = arith.constant 0 : i32
      %dma_start3A_60 = tpu.memref_slice %arg5[%add3A_15, %dma_start3A_59] : memref<320000x64xf32, #tpu.memory_space<hbm>> -> memref<200x64xf32, #tpu.memory_space<hbm>>
      %dma_start3A_61 = arith.constant 0 : i32
      %dma_start3A_62 = tpu.memref_slice %arg5[%add3A_15, %dma_start3A_61] : memref<320000x64xf32, #tpu.memory_space<hbm>> -> memref<200x64xf32, #tpu.memory_space<hbm>>
      tpu.enqueue_dma source(%arg8 : memref<200x64xf32, #tpu.memory_space<vmem>>) target(%dma_start3A_62 : memref<200x64xf32, #tpu.memory_space<hbm>>) target_semaphore(%arg16 : memref<!tpu.dma_semaphore, #tpu.memory_space<semaphore_mem>>)
      %dma_wait3A_63 = arith.constant 0 : i32
      %dma_wait3A_64 = tpu.memref_slice %arg6[%add3A_12, %dma_wait3A_63] : memref<50x200xi32, #tpu.memory_space<vmem>> -> memref<1x200xi32, #tpu.memory_space<vmem>>
      %dma_wait3A_65 = tpu.memref_squeeze %dma_wait3A_64 : memref<1x200xi32, #tpu.memory_space<vmem>> -> memref<200xi32, #tpu.memory_space<vmem>>
      %dma_wait3A_66 = arith.constant 0 : i32
      %dma_wait3A_67 = arith.constant 0 : i32
      %dma_wait3A_68 = tpu.memref_slice %arg2[%dma_wait3A_66, %dma_wait3A_67] : memref<20000x64xf32, #tpu.memory_space<hbm>> -> memref<20000x64xf32, #tpu.memory_space<hbm>>
      tpu.wait_indirect_dma semaphore(%arg14 : memref<!tpu.dma_semaphore, #tpu.memory_space<semaphore_mem>>) src(%dma_wait3A_68 : memref<20000x64xf32, #tpu.memory_space<hbm>>) dst(%arg10 : memref<200x64xf32, #tpu.memory_space<vmem>>)
      %dma_wait3A_69 = arith.constant 0 : i32
      %dma_wait3A_70 = tpu.memref_slice %arg7[%add3A_12, %dma_wait3A_69] : memref<50x200xi32, #tpu.memory_space<vmem>> -> memref<1x200xi32, #tpu.memory_space<vmem>>
      %dma_wait3A_71 = tpu.memref_squeeze %dma_wait3A_70 : memref<1x200xi32, #tpu.memory_space<vmem>> -> memref<200xi32, #tpu.memory_space<vmem>>
      %dma_wait3A_72 = arith.constant 0 : i32
      %dma_wait3A_73 = arith.constant 0 : i32
      %dma_wait3A_74 = tpu.memref_slice %arg2[%dma_wait3A_72, %dma_wait3A_73] : memref<20000x64xf32, #tpu.memory_space<hbm>> -> memref<20000x64xf32, #tpu.memory_space<hbm>>
      tpu.wait_indirect_dma semaphore(%arg15 : memref<!tpu.dma_semaphore, #tpu.memory_space<semaphore_mem>>) src(%dma_wait3A_74 : memref<20000x64xf32, #tpu.memory_space<hbm>>) dst(%arg11 : memref<200x64xf32, #tpu.memory_space<vmem>>)
      %scan3A_75 = arith.constant 0 : i32
      %scan3A_76 = arith.constant 0 : i32
      %scan3A_77 = arith.constant 50 : i32
      %scan3A_78 = arith.addi %scan3A_76, %scan3A_77 : i32
      %scan3A_79 = arith.constant 1 : i32
      scf.for %scan3A_93 = %scan3A_76 to %scan3A_78 step %scan3A_79  : i32 {
        %mul3A_94 = arith.constant 4 : i32
        %mul3A_95 = arith.muli %scan3A_93, %mul3A_94 : i32
        %add3A_96 = arith.constant 0 : i32
        %add3A_97 = arith.addi %mul3A_95, %add3A_96 : i32
        %get3A = arith.index_cast %add3A_97 : i32 to index
        %get3A_98 = arith.constant 0 : index
        %get3A_99 = tpu.vector_load %arg10[%get3A, %get3A_98] {strides = array<i32>} : memref<200x64xf32, #tpu.memory_space<vmem>>, vector<1x16xf32>,
        %get3A_100 = vector.shape_cast %get3A_99 : vector<1x16xf32> to vector<16xf32>
        %get3A_101 = arith.index_cast %add3A_97 : i32 to index
        %get3A_102 = arith.constant 0 : index
        %get3A_103 = tpu.vector_load %arg11[%get3A_101, %get3A_102] {strides = array<i32>} : memref<200x64xf32, #tpu.memory_space<vmem>>, vector<1x16xf32>,
        %get3A_104 = vector.shape_cast %get3A_103 : vector<1x16xf32> to vector<16xf32>
        %add3A_105 = arith.addf %get3A_100, %get3A_104 : vector<16xf32>
        %swap3A = arith.index_cast %add3A_97 : i32 to index
        %swap3A_106 = arith.constant 0 : index
        %swap3A_107 = tpu.vector_load %arg10[%swap3A, %swap3A_106] {strides = array<i32>} : memref<200x64xf32, #tpu.memory_space<vmem>>, vector<1x16xf32>,
        %swap3A_108 = vector.shape_cast %swap3A_107 : vector<1x16xf32> to vector<16xf32>
        %swap3A_109 = vector.shape_cast %add3A_105 : vector<16xf32> to vector<1x16xf32>
        tpu.vector_store %arg10[%swap3A, %swap3A_106], %swap3A_109 {strides = array<i32>} : memref<200x64xf32, #tpu.memory_space<vmem>>, vector<1x16xf32>,
        %get3A_110 = arith.index_cast %add3A_97 : i32 to index
        %get3A_111 = arith.constant 16 : index
        %get3A_112 = tpu.vector_load %arg10[%get3A_110, %get3A_111] {strides = array<i32>} : memref<200x64xf32, #tpu.memory_space<vmem>>, vector<1x16xf32>,
        %get3A_113 = vector.shape_cast %get3A_112 : vector<1x16xf32> to vector<16xf32>
        %get3A_114 = arith.index_cast %add3A_97 : i32 to index
        %get3A_115 = arith.constant 16 : index
        %get3A_116 = tpu.vector_load %arg11[%get3A_114, %get3A_115] {strides = array<i32>} : memref<200x64xf32, #tpu.memory_space<vmem>>, vector<1x16xf32>,
        %get3A_117 = vector.shape_cast %get3A_116 : vector<1x16xf32> to vector<16xf32>
        %add3A_118 = arith.addf %get3A_113, %get3A_117 : vector<16xf32>
        %swap3A_119 = arith.index_cast %add3A_97 : i32 to index
        %swap3A_120 = arith.constant 16 : index
        %swap3A_121 = tpu.vector_load %arg10[%swap3A_119, %swap3A_120] {strides = array<i32>} : memref<200x64xf32, #tpu.memory_space<vmem>>, vector<1x16xf32>,
        %swap3A_122 = vector.shape_cast %swap3A_121 : vector<1x16xf32> to vector<16xf32>
        %swap3A_123 = vector.shape_cast %add3A_118 : vector<16xf32> to vector<1x16xf32>
        tpu.vector_store %arg10[%swap3A_119, %swap3A_120], %swap3A_123 {strides = array<i32>} : memref<200x64xf32, #tpu.memory_space<vmem>>, vector<1x16xf32>,
        %get3A_124 = arith.index_cast %add3A_97 : i32 to index
        %get3A_125 = arith.constant 32 : index
        %get3A_126 = tpu.vector_load %arg10[%get3A_124, %get3A_125] {strides = array<i32>} : memref<200x64xf32, #tpu.memory_space<vmem>>, vector<1x16xf32>,
        %get3A_127 = vector.shape_cast %get3A_126 : vector<1x16xf32> to vector<16xf32>
        %get3A_128 = arith.index_cast %add3A_97 : i32 to index
        %get3A_129 = arith.constant 32 : index
        %get3A_130 = tpu.vector_load %arg11[%get3A_128, %get3A_129] {strides = array<i32>} : memref<200x64xf32, #tpu.memory_space<vmem>>, vector<1x16xf32>,
        %get3A_131 = vector.shape_cast %get3A_130 : vector<1x16xf32> to vector<16xf32>
        %add3A_132 = arith.addf %get3A_127, %get3A_131 : vector<16xf32>
        %swap3A_133 = arith.index_cast %add3A_97 : i32 to index
        %swap3A_134 = arith.constant 32 : index
        %swap3A_135 = tpu.vector_load %arg10[%swap3A_133, %swap3A_134] {strides = array<i32>} : memref<200x64xf32, #tpu.memory_space<vmem>>, vector<1x16xf32>,
        %swap3A_136 = vector.shape_cast %swap3A_135 : vector<1x16xf32> to vector<16xf32>
        %swap3A_137 = vector.shape_cast %add3A_132 : vector<16xf32> to vector<1x16xf32>
        tpu.vector_store %arg10[%swap3A_133, %swap3A_134], %swap3A_137 {strides = array<i32>} : memref<200x64xf32, #tpu.memory_space<vmem>>, vector<1x16xf32>,
        %get3A_138 = arith.index_cast %add3A_97 : i32 to index
        %get3A_139 = arith.constant 48 : index
        %get3A_140 = tpu.vector_load %arg10[%get3A_138, %get3A_139] {strides = array<i32>} : memref<200x64xf32, #tpu.memory_space<vmem>>, vector<1x16xf32>,
        %get3A_141 = vector.shape_cast %get3A_140 : vector<1x16xf32> to vector<16xf32>
        %get3A_142 = arith.index_cast %add3A_97 : i32 to index
        %get3A_143 = arith.constant 48 : index
        %get3A_144 = tpu.vector_load %arg11[%get3A_142, %get3A_143] {strides = array<i32>} : memref<200x64xf32, #tpu.memory_space<vmem>>, vector<1x16xf32>,
        %get3A_145 = vector.shape_cast %get3A_144 : vector<1x16xf32> to vector<16xf32>
        %add3A_146 = arith.addf %get3A_141, %get3A_145 : vector<16xf32>
        %swap3A_147 = arith.index_cast %add3A_97 : i32 to index
        %swap3A_148 = arith.constant 48 : index
        %swap3A_149 = tpu.vector_load %arg10[%swap3A_147, %swap3A_148] {strides = array<i32>} : memref<200x64xf32, #tpu.memory_space<vmem>>, vector<1x16xf32>,
        %swap3A_150 = vector.shape_cast %swap3A_149 : vector<1x16xf32> to vector<16xf32>
        %swap3A_151 = vector.shape_cast %add3A_146 : vector<16xf32> to vector<1x16xf32>
        tpu.vector_store %arg10[%swap3A_147, %swap3A_148], %swap3A_151 {strides = array<i32>} : memref<200x64xf32, #tpu.memory_space<vmem>>, vector<1x16xf32>,
        %mul3A_152 = arith.constant 4 : i32
        %mul3A_153 = arith.muli %scan3A_93, %mul3A_152 : i32
        %add3A_154 = arith.constant 1 : i32
        %add3A_155 = arith.addi %mul3A_153, %add3A_154 : i32
        %get3A_156 = arith.index_cast %add3A_155 : i32 to index
        %get3A_157 = arith.constant 0 : index
        %get3A_158 = tpu.vector_load %arg10[%get3A_156, %get3A_157] {strides = array<i32>} : memref<200x64xf32, #tpu.memory_space<vmem>>, vector<1x16xf32>,
        %get3A_159 = vector.shape_cast %get3A_158 : vector<1x16xf32> to vector<16xf32>
        %get3A_160 = arith.index_cast %add3A_155 : i32 to index
        %get3A_161 = arith.constant 0 : index
        %get3A_162 = tpu.vector_load %arg11[%get3A_160, %get3A_161] {strides = array<i32>} : memref<200x64xf32, #tpu.memory_space<vmem>>, vector<1x16xf32>,
        %get3A_163 = vector.shape_cast %get3A_162 : vector<1x16xf32> to vector<16xf32>
        %add3A_164 = arith.addf %get3A_159, %get3A_163 : vector<16xf32>
        %swap3A_165 = arith.index_cast %add3A_155 : i32 to index
        %swap3A_166 = arith.constant 0 : index
        %swap3A_167 = tpu.vector_load %arg10[%swap3A_165, %swap3A_166] {strides = array<i32>} : memref<200x64xf32, #tpu.memory_space<vmem>>, vector<1x16xf32>,
        %swap3A_168 = vector.shape_cast %swap3A_167 : vector<1x16xf32> to vector<16xf32>
        %swap3A_169 = vector.shape_cast %add3A_164 : vector<16xf32> to vector<1x16xf32>
        tpu.vector_store %arg10[%swap3A_165, %swap3A_166], %swap3A_169 {strides = array<i32>} : memref<200x64xf32, #tpu.memory_space<vmem>>, vector<1x16xf32>,
        %get3A_170 = arith.index_cast %add3A_155 : i32 to index
        %get3A_171 = arith.constant 16 : index
        %get3A_172 = tpu.vector_load %arg10[%get3A_170, %get3A_171] {strides = array<i32>} : memref<200x64xf32, #tpu.memory_space<vmem>>, vector<1x16xf32>,
        %get3A_173 = vector.shape_cast %get3A_172 : vector<1x16xf32> to vector<16xf32>
        %get3A_174 = arith.index_cast %add3A_155 : i32 to index
        %get3A_175 = arith.constant 16 : index
        %get3A_176 = tpu.vector_load %arg11[%get3A_174, %get3A_175] {strides = array<i32>} : memref<200x64xf32, #tpu.memory_space<vmem>>, vector<1x16xf32>,
        %get3A_177 = vector.shape_cast %get3A_176 : vector<1x16xf32> to vector<16xf32>
        %add3A_178 = arith.addf %get3A_173, %get3A_177 : vector<16xf32>
        %swap3A_179 = arith.index_cast %add3A_155 : i32 to index
        %swap3A_180 = arith.constant 16 : index
        %swap3A_181 = tpu.vector_load %arg10[%swap3A_179, %swap3A_180] {strides = array<i32>} : memref<200x64xf32, #tpu.memory_space<vmem>>, vector<1x16xf32>,
        %swap3A_182 = vector.shape_cast %swap3A_181 : vector<1x16xf32> to vector<16xf32>
        %swap3A_183 = vector.shape_cast %add3A_178 : vector<16xf32> to vector<1x16xf32>
        tpu.vector_store %arg10[%swap3A_179, %swap3A_180], %swap3A_183 {strides = array<i32>} : memref<200x64xf32, #tpu.memory_space<vmem>>, vector<1x16xf32>,
        %get3A_184 = arith.index_cast %add3A_155 : i32 to index
        %get3A_185 = arith.constant 32 : index
        %get3A_186 = tpu.vector_load %arg10[%get3A_184, %get3A_185] {strides = array<i32>} : memref<200x64xf32, #tpu.memory_space<vmem>>, vector<1x16xf32>,
        %get3A_187 = vector.shape_cast %get3A_186 : vector<1x16xf32> to vector<16xf32>
        %get3A_188 = arith.index_cast %add3A_155 : i32 to index
        %get3A_189 = arith.constant 32 : index
        %get3A_190 = tpu.vector_load %arg11[%get3A_188, %get3A_189] {strides = array<i32>} : memref<200x64xf32, #tpu.memory_space<vmem>>, vector<1x16xf32>,
        %get3A_191 = vector.shape_cast %get3A_190 : vector<1x16xf32> to vector<16xf32>
        %add3A_192 = arith.addf %get3A_187, %get3A_191 : vector<16xf32>
        %swap3A_193 = arith.index_cast %add3A_155 : i32 to index
        %swap3A_194 = arith.constant 32 : index
        %swap3A_195 = tpu.vector_load %arg10[%swap3A_193, %swap3A_194] {strides = array<i32>} : memref<200x64xf32, #tpu.memory_space<vmem>>, vector<1x16xf32>,
        %swap3A_196 = vector.shape_cast %swap3A_195 : vector<1x16xf32> to vector<16xf32>
        %swap3A_197 = vector.shape_cast %add3A_192 : vector<16xf32> to vector<1x16xf32>
        tpu.vector_store %arg10[%swap3A_193, %swap3A_194], %swap3A_197 {strides = array<i32>} : memref<200x64xf32, #tpu.memory_space<vmem>>, vector<1x16xf32>,
        %get3A_198 = arith.index_cast %add3A_155 : i32 to index
        %get3A_199 = arith.constant 48 : index
        %get3A_200 = tpu.vector_load %arg10[%get3A_198, %get3A_199] {strides = array<i32>} : memref<200x64xf32, #tpu.memory_space<vmem>>, vector<1x16xf32>,
        %get3A_201 = vector.shape_cast %get3A_200 : vector<1x16xf32> to vector<16xf32>
        %get3A_202 = arith.index_cast %add3A_155 : i32 to index
        %get3A_203 = arith.constant 48 : index
        %get3A_204 = tpu.vector_load %arg11[%get3A_202, %get3A_203] {strides = array<i32>} : memref<200x64xf32, #tpu.memory_space<vmem>>, vector<1x16xf32>,
        %get3A_205 = vector.shape_cast %get3A_204 : vector<1x16xf32> to vector<16xf32>
        %add3A_206 = arith.addf %get3A_201, %get3A_205 : vector<16xf32>
        %swap3A_207 = arith.index_cast %add3A_155 : i32 to index
        %swap3A_208 = arith.constant 48 : index
        %swap3A_209 = tpu.vector_load %arg10[%swap3A_207, %swap3A_208] {strides = array<i32>} : memref<200x64xf32, #tpu.memory_space<vmem>>, vector<1x16xf32>,
        %swap3A_210 = vector.shape_cast %swap3A_209 : vector<1x16xf32> to vector<16xf32>
        %swap3A_211 = vector.shape_cast %add3A_206 : vector<16xf32> to vector<1x16xf32>
        tpu.vector_store %arg10[%swap3A_207, %swap3A_208], %swap3A_211 {strides = array<i32>} : memref<200x64xf32, #tpu.memory_space<vmem>>, vector<1x16xf32>,
        %mul3A_212 = arith.constant 4 : i32
        %mul3A_213 = arith.muli %scan3A_93, %mul3A_212 : i32
        %add3A_214 = arith.constant 2 : i32
        %add3A_215 = arith.addi %mul3A_213, %add3A_214 : i32
        %get3A_216 = arith.index_cast %add3A_215 : i32 to index
        %get3A_217 = arith.constant 0 : index
        %get3A_218 = tpu.vector_load %arg10[%get3A_216, %get3A_217] {strides = array<i32>} : memref<200x64xf32, #tpu.memory_space<vmem>>, vector<1x16xf32>,
        %get3A_219 = vector.shape_cast %get3A_218 : vector<1x16xf32> to vector<16xf32>
        %get3A_220 = arith.index_cast %add3A_215 : i32 to index
        %get3A_221 = arith.constant 0 : index
        %get3A_222 = tpu.vector_load %arg11[%get3A_220, %get3A_221] {strides = array<i32>} : memref<200x64xf32, #tpu.memory_space<vmem>>, vector<1x16xf32>,
        %get3A_223 = vector.shape_cast %get3A_222 : vector<1x16xf32> to vector<16xf32>
        %add3A_224 = arith.addf %get3A_219, %get3A_223 : vector<16xf32>
        %swap3A_225 = arith.index_cast %add3A_215 : i32 to index
        %swap3A_226 = arith.constant 0 : index
        %swap3A_227 = tpu.vector_load %arg10[%swap3A_225, %swap3A_226] {strides = array<i32>} : memref<200x64xf32, #tpu.memory_space<vmem>>, vector<1x16xf32>,
        %swap3A_228 = vector.shape_cast %swap3A_227 : vector<1x16xf32> to vector<16xf32>
        %swap3A_229 = vector.shape_cast %add3A_224 : vector<16xf32> to vector<1x16xf32>
        tpu.vector_store %arg10[%swap3A_225, %swap3A_226], %swap3A_229 {strides = array<i32>} : memref<200x64xf32, #tpu.memory_space<vmem>>, vector<1x16xf32>,
        %get3A_230 = arith.index_cast %add3A_215 : i32 to index
        %get3A_231 = arith.constant 16 : index
        %get3A_232 = tpu.vector_load %arg10[%get3A_230, %get3A_231] {strides = array<i32>} : memref<200x64xf32, #tpu.memory_space<vmem>>, vector<1x16xf32>,
        %get3A_233 = vector.shape_cast %get3A_232 : vector<1x16xf32> to vector<16xf32>
        %get3A_234 = arith.index_cast %add3A_215 : i32 to index
        %get3A_235 = arith.constant 16 : index
        %get3A_236 = tpu.vector_load %arg11[%get3A_234, %get3A_235] {strides = array<i32>} : memref<200x64xf32, #tpu.memory_space<vmem>>, vector<1x16xf32>,
        %get3A_237 = vector.shape_cast %get3A_236 : vector<1x16xf32> to vector<16xf32>
        %add3A_238 = arith.addf %get3A_233, %get3A_237 : vector<16xf32>
        %swap3A_239 = arith.index_cast %add3A_215 : i32 to index
        %swap3A_240 = arith.constant 16 : index
        %swap3A_241 = tpu.vector_load %arg10[%swap3A_239, %swap3A_240] {strides = array<i32>} : memref<200x64xf32, #tpu.memory_space<vmem>>, vector<1x16xf32>,
        %swap3A_242 = vector.shape_cast %swap3A_241 : vector<1x16xf32> to vector<16xf32>
        %swap3A_243 = vector.shape_cast %add3A_238 : vector<16xf32> to vector<1x16xf32>
        tpu.vector_store %arg10[%swap3A_239, %swap3A_240], %swap3A_243 {strides = array<i32>} : memref<200x64xf32, #tpu.memory_space<vmem>>, vector<1x16xf32>,
        %get3A_244 = arith.index_cast %add3A_215 : i32 to index
        %get3A_245 = arith.constant 32 : index
        %get3A_246 = tpu.vector_load %arg10[%get3A_244, %get3A_245] {strides = array<i32>} : memref<200x64xf32, #tpu.memory_space<vmem>>, vector<1x16xf32>,
        %get3A_247 = vector.shape_cast %get3A_246 : vector<1x16xf32> to vector<16xf32>
        %get3A_248 = arith.index_cast %add3A_215 : i32 to index
        %get3A_249 = arith.constant 32 : index
        %get3A_250 = tpu.vector_load %arg11[%get3A_248, %get3A_249] {strides = array<i32>} : memref<200x64xf32, #tpu.memory_space<vmem>>, vector<1x16xf32>,
        %get3A_251 = vector.shape_cast %get3A_250 : vector<1x16xf32> to vector<16xf32>
        %add3A_252 = arith.addf %get3A_247, %get3A_251 : vector<16xf32>
        %swap3A_253 = arith.index_cast %add3A_215 : i32 to index
        %swap3A_254 = arith.constant 32 : index
        %swap3A_255 = tpu.vector_load %arg10[%swap3A_253, %swap3A_254] {strides = array<i32>} : memref<200x64xf32, #tpu.memory_space<vmem>>, vector<1x16xf32>,
        %swap3A_256 = vector.shape_cast %swap3A_255 : vector<1x16xf32> to vector<16xf32>
        %swap3A_257 = vector.shape_cast %add3A_252 : vector<16xf32> to vector<1x16xf32>
        tpu.vector_store %arg10[%swap3A_253, %swap3A_254], %swap3A_257 {strides = array<i32>} : memref<200x64xf32, #tpu.memory_space<vmem>>, vector<1x16xf32>,
        %get3A_258 = arith.index_cast %add3A_215 : i32 to index
        %get3A_259 = arith.constant 48 : index
        %get3A_260 = tpu.vector_load %arg10[%get3A_258, %get3A_259] {strides = array<i32>} : memref<200x64xf32, #tpu.memory_space<vmem>>, vector<1x16xf32>,
        %get3A_261 = vector.shape_cast %get3A_260 : vector<1x16xf32> to vector<16xf32>
        %get3A_262 = arith.index_cast %add3A_215 : i32 to index
        %get3A_263 = arith.constant 48 : index
        %get3A_264 = tpu.vector_load %arg11[%get3A_262, %get3A_263] {strides = array<i32>} : memref<200x64xf32, #tpu.memory_space<vmem>>, vector<1x16xf32>,
        %get3A_265 = vector.shape_cast %get3A_264 : vector<1x16xf32> to vector<16xf32>
        %add3A_266 = arith.addf %get3A_261, %get3A_265 : vector<16xf32>
        %swap3A_267 = arith.index_cast %add3A_215 : i32 to index
        %swap3A_268 = arith.constant 48 : index
        %swap3A_269 = tpu.vector_load %arg10[%swap3A_267, %swap3A_268] {strides = array<i32>} : memref<200x64xf32, #tpu.memory_space<vmem>>, vector<1x16xf32>,
        %swap3A_270 = vector.shape_cast %swap3A_269 : vector<1x16xf32> to vector<16xf32>
        %swap3A_271 = vector.shape_cast %add3A_266 : vector<16xf32> to vector<1x16xf32>
        tpu.vector_store %arg10[%swap3A_267, %swap3A_268], %swap3A_271 {strides = array<i32>} : memref<200x64xf32, #tpu.memory_space<vmem>>, vector<1x16xf32>,
        %mul3A_272 = arith.constant 4 : i32
        %mul3A_273 = arith.muli %scan3A_93, %mul3A_272 : i32
        %add3A_274 = arith.constant 3 : i32
        %add3A_275 = arith.addi %mul3A_273, %add3A_274 : i32
        %get3A_276 = arith.index_cast %add3A_275 : i32 to index
        %get3A_277 = arith.constant 0 : index
        %get3A_278 = tpu.vector_load %arg10[%get3A_276, %get3A_277] {strides = array<i32>} : memref<200x64xf32, #tpu.memory_space<vmem>>, vector<1x16xf32>,
        %get3A_279 = vector.shape_cast %get3A_278 : vector<1x16xf32> to vector<16xf32>
        %get3A_280 = arith.index_cast %add3A_275 : i32 to index
        %get3A_281 = arith.constant 0 : index
        %get3A_282 = tpu.vector_load %arg11[%get3A_280, %get3A_281] {strides = array<i32>} : memref<200x64xf32, #tpu.memory_space<vmem>>, vector<1x16xf32>,
        %get3A_283 = vector.shape_cast %get3A_282 : vector<1x16xf32> to vector<16xf32>
        %add3A_284 = arith.addf %get3A_279, %get3A_283 : vector<16xf32>
        %swap3A_285 = arith.index_cast %add3A_275 : i32 to index
        %swap3A_286 = arith.constant 0 : index
        %swap3A_287 = tpu.vector_load %arg10[%swap3A_285, %swap3A_286] {strides = array<i32>} : memref<200x64xf32, #tpu.memory_space<vmem>>, vector<1x16xf32>,
        %swap3A_288 = vector.shape_cast %swap3A_287 : vector<1x16xf32> to vector<16xf32>
        %swap3A_289 = vector.shape_cast %add3A_284 : vector<16xf32> to vector<1x16xf32>
        tpu.vector_store %arg10[%swap3A_285, %swap3A_286], %swap3A_289 {strides = array<i32>} : memref<200x64xf32, #tpu.memory_space<vmem>>, vector<1x16xf32>,
        %get3A_290 = arith.index_cast %add3A_275 : i32 to index
        %get3A_291 = arith.constant 16 : index
        %get3A_292 = tpu.vector_load %arg10[%get3A_290, %get3A_291] {strides = array<i32>} : memref<200x64xf32, #tpu.memory_space<vmem>>, vector<1x16xf32>,
        %get3A_293 = vector.shape_cast %get3A_292 : vector<1x16xf32> to vector<16xf32>
        %get3A_294 = arith.index_cast %add3A_275 : i32 to index
        %get3A_295 = arith.constant 16 : index
        %get3A_296 = tpu.vector_load %arg11[%get3A_294, %get3A_295] {strides = array<i32>} : memref<200x64xf32, #tpu.memory_space<vmem>>, vector<1x16xf32>,
        %get3A_297 = vector.shape_cast %get3A_296 : vector<1x16xf32> to vector<16xf32>
        %add3A_298 = arith.addf %get3A_293, %get3A_297 : vector<16xf32>
        %swap3A_299 = arith.index_cast %add3A_275 : i32 to index
        %swap3A_300 = arith.constant 16 : index
        %swap3A_301 = tpu.vector_load %arg10[%swap3A_299, %swap3A_300] {strides = array<i32>} : memref<200x64xf32, #tpu.memory_space<vmem>>, vector<1x16xf32>,
        %swap3A_302 = vector.shape_cast %swap3A_301 : vector<1x16xf32> to vector<16xf32>
        %swap3A_303 = vector.shape_cast %add3A_298 : vector<16xf32> to vector<1x16xf32>
        tpu.vector_store %arg10[%swap3A_299, %swap3A_300], %swap3A_303 {strides = array<i32>} : memref<200x64xf32, #tpu.memory_space<vmem>>, vector<1x16xf32>,
        %get3A_304 = arith.index_cast %add3A_275 : i32 to index
        %get3A_305 = arith.constant 32 : index
        %get3A_306 = tpu.vector_load %arg10[%get3A_304, %get3A_305] {strides = array<i32>} : memref<200x64xf32, #tpu.memory_space<vmem>>, vector<1x16xf32>,
        %get3A_307 = vector.shape_cast %get3A_306 : vector<1x16xf32> to vector<16xf32>
        %get3A_308 = arith.index_cast %add3A_275 : i32 to index
        %get3A_309 = arith.constant 32 : index
        %get3A_310 = tpu.vector_load %arg11[%get3A_308, %get3A_309] {strides = array<i32>} : memref<200x64xf32, #tpu.memory_space<vmem>>, vector<1x16xf32>,
        %get3A_311 = vector.shape_cast %get3A_310 : vector<1x16xf32> to vector<16xf32>
        %add3A_312 = arith.addf %get3A_307, %get3A_311 : vector<16xf32>
        %swap3A_313 = arith.index_cast %add3A_275 : i32 to index
        %swap3A_314 = arith.constant 32 : index
        %swap3A_315 = tpu.vector_load %arg10[%swap3A_313, %swap3A_314] {strides = array<i32>} : memref<200x64xf32, #tpu.memory_space<vmem>>, vector<1x16xf32>,
        %swap3A_316 = vector.shape_cast %swap3A_315 : vector<1x16xf32> to vector<16xf32>
        %swap3A_317 = vector.shape_cast %add3A_312 : vector<16xf32> to vector<1x16xf32>
        tpu.vector_store %arg10[%swap3A_313, %swap3A_314], %swap3A_317 {strides = array<i32>} : memref<200x64xf32, #tpu.memory_space<vmem>>, vector<1x16xf32>,
        %get3A_318 = arith.index_cast %add3A_275 : i32 to index
        %get3A_319 = arith.constant 48 : index
        %get3A_320 = tpu.vector_load %arg10[%get3A_318, %get3A_319] {strides = array<i32>} : memref<200x64xf32, #tpu.memory_space<vmem>>, vector<1x16xf32>,
        %get3A_321 = vector.shape_cast %get3A_320 : vector<1x16xf32> to vector<16xf32>
        %get3A_322 = arith.index_cast %add3A_275 : i32 to index
        %get3A_323 = arith.constant 48 : index
        %get3A_324 = tpu.vector_load %arg11[%get3A_322, %get3A_323] {strides = array<i32>} : memref<200x64xf32, #tpu.memory_space<vmem>>, vector<1x16xf32>,
        %get3A_325 = vector.shape_cast %get3A_324 : vector<1x16xf32> to vector<16xf32>
        %add3A_326 = arith.addf %get3A_321, %get3A_325 : vector<16xf32>
        %swap3A_327 = arith.index_cast %add3A_275 : i32 to index
        %swap3A_328 = arith.constant 48 : index
        %swap3A_329 = tpu.vector_load %arg10[%swap3A_327, %swap3A_328] {strides = array<i32>} : memref<200x64xf32, #tpu.memory_space<vmem>>, vector<1x16xf32>,
        %swap3A_330 = vector.shape_cast %swap3A_329 : vector<1x16xf32> to vector<16xf32>
        %swap3A_331 = vector.shape_cast %add3A_326 : vector<16xf32> to vector<1x16xf32>
        tpu.vector_store %arg10[%swap3A_327, %swap3A_328], %swap3A_331 {strides = array<i32>} : memref<200x64xf32, #tpu.memory_space<vmem>>, vector<1x16xf32>,
      }
      %scan3A_80 = arith.constant 50 : i32
      %dma_start3A_81 = arith.constant 0 : i32
      %dma_start3A_82 = tpu.memref_slice %arg5[%add3A_18, %dma_start3A_81] : memref<320000x64xf32, #tpu.memory_space<hbm>> -> memref<200x64xf32, #tpu.memory_space<hbm>>
      %dma_start3A_83 = arith.constant 0 : i32
      %dma_start3A_84 = tpu.memref_slice %arg5[%add3A_18, %dma_start3A_83] : memref<320000x64xf32, #tpu.memory_space<hbm>> -> memref<200x64xf32, #tpu.memory_space<hbm>>
      tpu.enqueue_dma source(%arg10 : memref<200x64xf32, #tpu.memory_space<vmem>>) target(%dma_start3A_84 : memref<200x64xf32, #tpu.memory_space<hbm>>) target_semaphore(%arg17 : memref<!tpu.dma_semaphore, #tpu.memory_space<semaphore_mem>>)
      %dma_wait3A_85 = arith.constant 0 : i32
      %dma_wait3A_86 = tpu.memref_slice %arg5[%add3A_15, %dma_wait3A_85] : memref<320000x64xf32, #tpu.memory_space<hbm>> -> memref<200x64xf32, #tpu.memory_space<hbm>>
      %dma_wait3A_87 = arith.constant 0 : i32
      %dma_wait3A_88 = tpu.memref_slice %arg5[%add3A_15, %dma_wait3A_87] : memref<320000x64xf32, #tpu.memory_space<hbm>> -> memref<200x64xf32, #tpu.memory_space<hbm>>
      tpu.wait_dma2 semaphore(%arg16 : memref<!tpu.dma_semaphore, #tpu.memory_space<semaphore_mem>>) src(%arg8 : memref<200x64xf32, #tpu.memory_space<vmem>>) dst(%dma_wait3A_88 : memref<200x64xf32, #tpu.memory_space<hbm>>)
      %dma_wait3A_89 = arith.constant 0 : i32
      %dma_wait3A_90 = tpu.memref_slice %arg5[%add3A_18, %dma_wait3A_89] : memref<320000x64xf32, #tpu.memory_space<hbm>> -> memref<200x64xf32, #tpu.memory_space<hbm>>
      %dma_wait3A_91 = arith.constant 0 : i32
      %dma_wait3A_92 = tpu.memref_slice %arg5[%add3A_18, %dma_wait3A_91] : memref<320000x64xf32, #tpu.memory_space<hbm>> -> memref<200x64xf32, #tpu.memory_space<hbm>>
      tpu.wait_dma2 semaphore(%arg17 : memref<!tpu.dma_semaphore, #tpu.memory_space<semaphore_mem>>) src(%arg10 : memref<200x64xf32, #tpu.memory_space<vmem>>) dst(%dma_wait3A_92 : memref<200x64xf32, #tpu.memory_space<hbm>>)
    }
    %scan3A_7 = arith.constant 25 : i32
    return
  }
}

#map = affine_map<(d0, d1) -> (0, 0)>
#map1 = affine_map<(d0, d1) -> (0, 0, 0)>
module attributes {stable_mosaic.version = 14 : i64} {
  func.func @_sc_segsum(%arg0: i32, %arg1: i32, %arg2: memref<320000x64xf32, #tpu.memory_space<hbm>>, %arg3: memref<32x50x200xi32, #tpu.memory_space<hbm>>, %arg4: memref<10240x64xf32, #tpu.memory_space<hbm>>, %arg5: memref<10240x64xf32, #tpu.memory_space<hbm>>, %arg6: memref<10240x64xf32, #tpu.memory_space<hbm>>, %arg7: memref<50x200xi32, #tpu.memory_space<vmem>>, %arg8: memref<2x200x64xf32, #tpu.memory_space<vmem>>, %arg9: memref<10240x64xf32, #tpu.memory_space<vmem_shared>>, %arg10: memref<!tpu.dma_semaphore, #tpu.memory_space<semaphore_mem>>, %arg11: memref<!tpu.dma_semaphore, #tpu.memory_space<semaphore_mem>>, %arg12: memref<!tpu.dma_semaphore, #tpu.memory_space<semaphore_mem>>, %arg13: memref<!tpu.dma_semaphore, #tpu.memory_space<semaphore_mem>>) attributes {dimension_semantics = [#tpu.dimension_semantics<core_parallel>, #tpu.dimension_semantics<subcore_parallel>], iteration_bounds = array<i64: 2, 16>, scalar_prefetch = 0 : i64, scratch_operands = 7 : i64, tpu.core_type = #tpu.core_type<sc_vector_subcore>, window_params = [{transform_indices = #map}, {transform_indices = #map1}, {transform_indices = #map}, {transform_indices = #map}, {transform_indices = #map}]} {
    %mul3A = arith.constant 2 : i32
    %mul3A_0 = arith.muli %arg1, %mul3A : i32
    %add3A = arith.addi %mul3A_0, %arg0 : i32
    %mul3A_1 = arith.constant 640 : i32
    %mul3A_2 = arith.muli %arg1, %mul3A_1 : i32
    "tpu.region"() ({
      %run_scoped3A = tpu.sem_alloc : memref<!tpu.dma_semaphore, #tpu.memory_space<semaphore_mem>>
      %dma_start3A = arith.constant 0 : i32
      %dma_start3A_18 = tpu.memref_slice %arg9[%mul3A_2, %dma_start3A] : memref<10240x64xf32, #tpu.memory_space<vmem_shared>> -> memref<640x64xf32, #tpu.memory_space<vmem_shared>>
      %dma_start3A_19 = arith.constant 0 : i32
      %dma_start3A_20 = tpu.memref_slice %arg4[%mul3A_2, %dma_start3A_19] : memref<10240x64xf32, #tpu.memory_space<hbm>> -> memref<640x64xf32, #tpu.memory_space<hbm>>
      tpu.enqueue_dma source(%dma_start3A_20 : memref<640x64xf32, #tpu.memory_space<hbm>>) target(%dma_start3A_18 : memref<640x64xf32, #tpu.memory_space<vmem_shared>>) target_semaphore(%run_scoped3A : memref<!tpu.dma_semaphore, #tpu.memory_space<semaphore_mem>>)
      %dma_wait3A = arith.constant 0 : i32
      %dma_wait3A_21 = tpu.memref_slice %arg9[%mul3A_2, %dma_wait3A] : memref<10240x64xf32, #tpu.memory_space<vmem_shared>> -> memref<640x64xf32, #tpu.memory_space<vmem_shared>>
      %dma_wait3A_22 = arith.constant 0 : i32
      %dma_wait3A_23 = tpu.memref_slice %arg4[%mul3A_2, %dma_wait3A_22] : memref<10240x64xf32, #tpu.memory_space<hbm>> -> memref<640x64xf32, #tpu.memory_space<hbm>>
      tpu.wait_dma2 semaphore(%run_scoped3A : memref<!tpu.dma_semaphore, #tpu.memory_space<semaphore_mem>>) src(%dma_wait3A_23 : memref<640x64xf32, #tpu.memory_space<hbm>>) dst(%dma_wait3A_21 : memref<640x64xf32, #tpu.memory_space<vmem_shared>>)
      tpu.yield
    }) : () -> ()
    "tpu.region"() ({
      %run_scoped3A = tpu.sem_alloc : memref<!tpu.dma_semaphore, #tpu.memory_space<semaphore_mem>>
      %dma_start3A = arith.constant 0 : i32
      %dma_start3A_18 = arith.constant 0 : i32
      %dma_start3A_19 = tpu.memref_slice %arg3[%add3A, %dma_start3A, %dma_start3A_18] : memref<32x50x200xi32, #tpu.memory_space<hbm>> -> memref<1x50x200xi32, #tpu.memory_space<hbm>>
      %dma_start3A_20 = tpu.memref_squeeze %dma_start3A_19 : memref<1x50x200xi32, #tpu.memory_space<hbm>> -> memref<50x200xi32, #tpu.memory_space<hbm>>
      %dma_start3A_21 = arith.constant 0 : i32
      %dma_start3A_22 = arith.constant 0 : i32
      %dma_start3A_23 = tpu.memref_slice %arg3[%add3A, %dma_start3A_21, %dma_start3A_22] : memref<32x50x200xi32, #tpu.memory_space<hbm>> -> memref<1x50x200xi32, #tpu.memory_space<hbm>>
      %dma_start3A_24 = tpu.memref_squeeze %dma_start3A_23 : memref<1x50x200xi32, #tpu.memory_space<hbm>> -> memref<50x200xi32, #tpu.memory_space<hbm>>
      tpu.enqueue_dma source(%dma_start3A_24 : memref<50x200xi32, #tpu.memory_space<hbm>>) target(%arg7 : memref<50x200xi32, #tpu.memory_space<vmem>>) target_semaphore(%run_scoped3A : memref<!tpu.dma_semaphore, #tpu.memory_space<semaphore_mem>>)
      %dma_wait3A = arith.constant 0 : i32
      %dma_wait3A_25 = arith.constant 0 : i32
      %dma_wait3A_26 = tpu.memref_slice %arg3[%add3A, %dma_wait3A, %dma_wait3A_25] : memref<32x50x200xi32, #tpu.memory_space<hbm>> -> memref<1x50x200xi32, #tpu.memory_space<hbm>>
      %dma_wait3A_27 = tpu.memref_squeeze %dma_wait3A_26 : memref<1x50x200xi32, #tpu.memory_space<hbm>> -> memref<50x200xi32, #tpu.memory_space<hbm>>
      %dma_wait3A_28 = arith.constant 0 : i32
      %dma_wait3A_29 = arith.constant 0 : i32
      %dma_wait3A_30 = tpu.memref_slice %arg3[%add3A, %dma_wait3A_28, %dma_wait3A_29] : memref<32x50x200xi32, #tpu.memory_space<hbm>> -> memref<1x50x200xi32, #tpu.memory_space<hbm>>
      %dma_wait3A_31 = tpu.memref_squeeze %dma_wait3A_30 : memref<1x50x200xi32, #tpu.memory_space<hbm>> -> memref<50x200xi32, #tpu.memory_space<hbm>>
      tpu.wait_dma2 semaphore(%run_scoped3A : memref<!tpu.dma_semaphore, #tpu.memory_space<semaphore_mem>>) src(%dma_wait3A_31 : memref<50x200xi32, #tpu.memory_space<hbm>>) dst(%arg7 : memref<50x200xi32, #tpu.memory_space<vmem>>)
      tpu.yield
    }) : () -> ()
    %barrier3A = arith.constant 0 : index
    tpu.barrier barrier_id(%barrier3A)
    %mul3A_3 = arith.constant 10000 : i32
    %mul3A_4 = arith.muli %add3A, %mul3A_3 : i32
    %scan3A = arith.constant 0 : i32
    %scan3A_5 = arith.constant 0 : i32
    %scan3A_6 = arith.constant 25 : i32
    %scan3A_7 = arith.addi %scan3A_5, %scan3A_6 : i32
    %scan3A_8 = arith.constant 1 : i32
    scf.for %scan3A_18 = %scan3A_5 to %scan3A_7 step %scan3A_8  : i32 {
      %mul3A_19 = arith.constant 2 : i32
      %mul3A_20 = arith.muli %mul3A_19, %scan3A_18 : i32
      %add3A_21 = arith.constant 1 : i32
      %add3A_22 = arith.addi %mul3A_20, %add3A_21 : i32
      %mul3A_23 = arith.constant 200 : i32
      %mul3A_24 = arith.muli %mul3A_20, %mul3A_23 : i32
      %add3A_25 = arith.addi %mul3A_4, %mul3A_24 : i32
      %dma_start3A = arith.constant 0 : i32
      %dma_start3A_26 = arith.constant 0 : i32
      %dma_start3A_27 = arith.constant 0 : i32
      %dma_start3A_28 = tpu.memref_slice %arg8[%dma_start3A, %dma_start3A_26, %dma_start3A_27] : memref<2x200x64xf32, #tpu.memory_space<vmem>> -> memref<1x200x64xf32, #tpu.memory_space<vmem>>
      %dma_start3A_29 = tpu.memref_squeeze %dma_start3A_28 : memref<1x200x64xf32, #tpu.memory_space<vmem>> -> memref<200x64xf32, #tpu.memory_space<vmem>>
      %dma_start3A_30 = arith.constant 0 : i32
      %dma_start3A_31 = tpu.memref_slice %arg2[%add3A_25, %dma_start3A_30] : memref<320000x64xf32, #tpu.memory_space<hbm>> -> memref<200x64xf32, #tpu.memory_space<hbm>>
      %dma_start3A_32 = arith.constant 0 : i32
      %dma_start3A_33 = arith.constant 0 : i32
      %dma_start3A_34 = tpu.memref_slice %arg8[%dma_start3A, %dma_start3A_32, %dma_start3A_33] : memref<2x200x64xf32, #tpu.memory_space<vmem>> -> memref<1x200x64xf32, #tpu.memory_space<vmem>>
      %dma_start3A_35 = tpu.memref_squeeze %dma_start3A_34 : memref<1x200x64xf32, #tpu.memory_space<vmem>> -> memref<200x64xf32, #tpu.memory_space<vmem>>
      %dma_start3A_36 = arith.constant 0 : i32
      %dma_start3A_37 = tpu.memref_slice %arg2[%add3A_25, %dma_start3A_36] : memref<320000x64xf32, #tpu.memory_space<hbm>> -> memref<200x64xf32, #tpu.memory_space<hbm>>
      tpu.enqueue_dma source(%dma_start3A_37 : memref<200x64xf32, #tpu.memory_space<hbm>>) target(%dma_start3A_35 : memref<200x64xf32, #tpu.memory_space<vmem>>) target_semaphore(%arg10 : memref<!tpu.dma_semaphore, #tpu.memory_space<semaphore_mem>>)
      %mul3A_38 = arith.constant 200 : i32
      %mul3A_39 = arith.muli %add3A_22, %mul3A_38 : i32
      %add3A_40 = arith.addi %mul3A_4, %mul3A_39 : i32
      %dma_start3A_41 = arith.constant 1 : i32
      %dma_start3A_42 = arith.constant 0 : i32
      %dma_start3A_43 = arith.constant 0 : i32
      %dma_start3A_44 = tpu.memref_slice %arg8[%dma_start3A_41, %dma_start3A_42, %dma_start3A_43] : memref<2x200x64xf32, #tpu.memory_space<vmem>> -> memref<1x200x64xf32, #tpu.memory_space<vmem>>
      %dma_start3A_45 = tpu.memref_squeeze %dma_start3A_44 : memref<1x200x64xf32, #tpu.memory_space<vmem>> -> memref<200x64xf32, #tpu.memory_space<vmem>>
      %dma_start3A_46 = arith.constant 0 : i32
      %dma_start3A_47 = tpu.memref_slice %arg2[%add3A_40, %dma_start3A_46] : memref<320000x64xf32, #tpu.memory_space<hbm>> -> memref<200x64xf32, #tpu.memory_space<hbm>>
      %dma_start3A_48 = arith.constant 0 : i32
      %dma_start3A_49 = arith.constant 0 : i32
      %dma_start3A_50 = tpu.memref_slice %arg8[%dma_start3A_41, %dma_start3A_48, %dma_start3A_49] : memref<2x200x64xf32, #tpu.memory_space<vmem>> -> memref<1x200x64xf32, #tpu.memory_space<vmem>>
      %dma_start3A_51 = tpu.memref_squeeze %dma_start3A_50 : memref<1x200x64xf32, #tpu.memory_space<vmem>> -> memref<200x64xf32, #tpu.memory_space<vmem>>
      %dma_start3A_52 = arith.constant 0 : i32
      %dma_start3A_53 = tpu.memref_slice %arg2[%add3A_40, %dma_start3A_52] : memref<320000x64xf32, #tpu.memory_space<hbm>> -> memref<200x64xf32, #tpu.memory_space<hbm>>
      tpu.enqueue_dma source(%dma_start3A_53 : memref<200x64xf32, #tpu.memory_space<hbm>>) target(%dma_start3A_51 : memref<200x64xf32, #tpu.memory_space<vmem>>) target_semaphore(%arg11 : memref<!tpu.dma_semaphore, #tpu.memory_space<semaphore_mem>>)
      %dma_wait3A = arith.constant 0 : i32
      %dma_wait3A_54 = arith.constant 0 : i32
      %dma_wait3A_55 = arith.constant 0 : i32
      %dma_wait3A_56 = tpu.memref_slice %arg8[%dma_wait3A, %dma_wait3A_54, %dma_wait3A_55] : memref<2x200x64xf32, #tpu.memory_space<vmem>> -> memref<1x200x64xf32, #tpu.memory_space<vmem>>
      %dma_wait3A_57 = tpu.memref_squeeze %dma_wait3A_56 : memref<1x200x64xf32, #tpu.memory_space<vmem>> -> memref<200x64xf32, #tpu.memory_space<vmem>>
      %dma_wait3A_58 = arith.constant 0 : i32
      %dma_wait3A_59 = tpu.memref_slice %arg2[%add3A_25, %dma_wait3A_58] : memref<320000x64xf32, #tpu.memory_space<hbm>> -> memref<200x64xf32, #tpu.memory_space<hbm>>
      %dma_wait3A_60 = arith.constant 0 : i32
      %dma_wait3A_61 = arith.constant 0 : i32
      %dma_wait3A_62 = tpu.memref_slice %arg8[%dma_wait3A, %dma_wait3A_60, %dma_wait3A_61] : memref<2x200x64xf32, #tpu.memory_space<vmem>> -> memref<1x200x64xf32, #tpu.memory_space<vmem>>
      %dma_wait3A_63 = tpu.memref_squeeze %dma_wait3A_62 : memref<1x200x64xf32, #tpu.memory_space<vmem>> -> memref<200x64xf32, #tpu.memory_space<vmem>>
      %dma_wait3A_64 = arith.constant 0 : i32
      %dma_wait3A_65 = tpu.memref_slice %arg2[%add3A_25, %dma_wait3A_64] : memref<320000x64xf32, #tpu.memory_space<hbm>> -> memref<200x64xf32, #tpu.memory_space<hbm>>
      tpu.wait_dma2 semaphore(%arg10 : memref<!tpu.dma_semaphore, #tpu.memory_space<semaphore_mem>>) src(%dma_wait3A_65 : memref<200x64xf32, #tpu.memory_space<hbm>>) dst(%dma_wait3A_63 : memref<200x64xf32, #tpu.memory_space<vmem>>)
      %dma_start3A_66 = arith.constant 0 : i32
      %dma_start3A_67 = arith.constant 0 : i32
      %dma_start3A_68 = arith.constant 0 : i32
      %dma_start3A_69 = tpu.memref_slice %arg8[%dma_start3A_66, %dma_start3A_67, %dma_start3A_68] : memref<2x200x64xf32, #tpu.memory_space<vmem>> -> memref<1x200x64xf32, #tpu.memory_space<vmem>>
      %dma_start3A_70 = tpu.memref_squeeze %dma_start3A_69 : memref<1x200x64xf32, #tpu.memory_space<vmem>> -> memref<200x64xf32, #tpu.memory_space<vmem>>
      %dma_start3A_71 = arith.constant 0 : i32
      %dma_start3A_72 = tpu.memref_slice %arg7[%mul3A_20, %dma_start3A_71] : memref<50x200xi32, #tpu.memory_space<vmem>> -> memref<1x200xi32, #tpu.memory_space<vmem>>
      %dma_start3A_73 = tpu.memref_squeeze %dma_start3A_72 : memref<1x200xi32, #tpu.memory_space<vmem>> -> memref<200xi32, #tpu.memory_space<vmem>>
      %dma_start3A_74 = arith.constant 0 : i32
      %dma_start3A_75 = arith.constant 0 : i32
      %dma_start3A_76 = tpu.memref_slice %arg9[%dma_start3A_74, %dma_start3A_75] : memref<10240x64xf32, #tpu.memory_space<vmem_shared>> -> memref<10240x64xf32, #tpu.memory_space<vmem_shared>>
      tpu.enqueue_indirect_dma source(%dma_start3A_70 : memref<200x64xf32, #tpu.memory_space<vmem>>) target(%dma_start3A_76 : memref<10240x64xf32, #tpu.memory_space<vmem_shared>>) offsets(%dma_start3A_73 : memref<200xi32, #tpu.memory_space<vmem>>) semaphore(%arg12 : memref<!tpu.dma_semaphore, #tpu.memory_space<semaphore_mem>>) {add = true}
      %dma_wait3A_77 = arith.constant 1 : i32
      %dma_wait3A_78 = arith.constant 0 : i32
      %dma_wait3A_79 = arith.constant 0 : i32
      %dma_wait3A_80 = tpu.memref_slice %arg8[%dma_wait3A_77, %dma_wait3A_78, %dma_wait3A_79] : memref<2x200x64xf32, #tpu.memory_space<vmem>> -> memref<1x200x64xf32, #tpu.memory_space<vmem>>
      %dma_wait3A_81 = tpu.memref_squeeze %dma_wait3A_80 : memref<1x200x64xf32, #tpu.memory_space<vmem>> -> memref<200x64xf32, #tpu.memory_space<vmem>>
      %dma_wait3A_82 = arith.constant 0 : i32
      %dma_wait3A_83 = tpu.memref_slice %arg2[%add3A_40, %dma_wait3A_82] : memref<320000x64xf32, #tpu.memory_space<hbm>> -> memref<200x64xf32, #tpu.memory_space<hbm>>
      %dma_wait3A_84 = arith.constant 0 : i32
      %dma_wait3A_85 = arith.constant 0 : i32
      %dma_wait3A_86 = tpu.memref_slice %arg8[%dma_wait3A_77, %dma_wait3A_84, %dma_wait3A_85] : memref<2x200x64xf32, #tpu.memory_space<vmem>> -> memref<1x200x64xf32, #tpu.memory_space<vmem>>
      %dma_wait3A_87 = tpu.memref_squeeze %dma_wait3A_86 : memref<1x200x64xf32, #tpu.memory_space<vmem>> -> memref<200x64xf32, #tpu.memory_space<vmem>>
      %dma_wait3A_88 = arith.constant 0 : i32
      %dma_wait3A_89 = tpu.memref_slice %arg2[%add3A_40, %dma_wait3A_88] : memref<320000x64xf32, #tpu.memory_space<hbm>> -> memref<200x64xf32, #tpu.memory_space<hbm>>
      tpu.wait_dma2 semaphore(%arg11 : memref<!tpu.dma_semaphore, #tpu.memory_space<semaphore_mem>>) src(%dma_wait3A_89 : memref<200x64xf32, #tpu.memory_space<hbm>>) dst(%dma_wait3A_87 : memref<200x64xf32, #tpu.memory_space<vmem>>)
      %dma_start3A_90 = arith.constant 1 : i32
      %dma_start3A_91 = arith.constant 0 : i32
      %dma_start3A_92 = arith.constant 0 : i32
      %dma_start3A_93 = tpu.memref_slice %arg8[%dma_start3A_90, %dma_start3A_91, %dma_start3A_92] : memref<2x200x64xf32, #tpu.memory_space<vmem>> -> memref<1x200x64xf32, #tpu.memory_space<vmem>>
      %dma_start3A_94 = tpu.memref_squeeze %dma_start3A_93 : memref<1x200x64xf32, #tpu.memory_space<vmem>> -> memref<200x64xf32, #tpu.memory_space<vmem>>
      %dma_start3A_95 = arith.constant 0 : i32
      %dma_start3A_96 = tpu.memref_slice %arg7[%add3A_22, %dma_start3A_95] : memref<50x200xi32, #tpu.memory_space<vmem>> -> memref<1x200xi32, #tpu.memory_space<vmem>>
      %dma_start3A_97 = tpu.memref_squeeze %dma_start3A_96 : memref<1x200xi32, #tpu.memory_space<vmem>> -> memref<200xi32, #tpu.memory_space<vmem>>
      %dma_start3A_98 = arith.constant 0 : i32
      %dma_start3A_99 = arith.constant 0 : i32
      %dma_start3A_100 = tpu.memref_slice %arg9[%dma_start3A_98, %dma_start3A_99] : memref<10240x64xf32, #tpu.memory_space<vmem_shared>> -> memref<10240x64xf32, #tpu.memory_space<vmem_shared>>
      tpu.enqueue_indirect_dma source(%dma_start3A_94 : memref<200x64xf32, #tpu.memory_space<vmem>>) target(%dma_start3A_100 : memref<10240x64xf32, #tpu.memory_space<vmem_shared>>) offsets(%dma_start3A_97 : memref<200xi32, #tpu.memory_space<vmem>>) semaphore(%arg13 : memref<!tpu.dma_semaphore, #tpu.memory_space<semaphore_mem>>) {add = true}
      %dma_wait3A_101 = arith.constant 0 : i32
      %dma_wait3A_102 = arith.constant 0 : i32
      %dma_wait3A_103 = arith.constant 0 : i32
      %dma_wait3A_104 = tpu.memref_slice %arg8[%dma_wait3A_101, %dma_wait3A_102, %dma_wait3A_103] : memref<2x200x64xf32, #tpu.memory_space<vmem>> -> memref<1x200x64xf32, #tpu.memory_space<vmem>>
      %dma_wait3A_105 = tpu.memref_squeeze %dma_wait3A_104 : memref<1x200x64xf32, #tpu.memory_space<vmem>> -> memref<200x64xf32, #tpu.memory_space<vmem>>
      %dma_wait3A_106 = arith.constant 0 : i32
      %dma_wait3A_107 = tpu.memref_slice %arg7[%mul3A_20, %dma_wait3A_106] : memref<50x200xi32, #tpu.memory_space<vmem>> -> memref<1x200xi32, #tpu.memory_space<vmem>>
      %dma_wait3A_108 = tpu.memref_squeeze %dma_wait3A_107 : memref<1x200xi32, #tpu.memory_space<vmem>> -> memref<200xi32, #tpu.memory_space<vmem>>
      %dma_wait3A_109 = arith.constant 0 : i32
      %dma_wait3A_110 = arith.constant 0 : i32
      %dma_wait3A_111 = tpu.memref_slice %arg9[%dma_wait3A_109, %dma_wait3A_110] : memref<10240x64xf32, #tpu.memory_space<vmem_shared>> -> memref<10240x64xf32, #tpu.memory_space<vmem_shared>>
      tpu.wait_indirect_dma semaphore(%arg12 : memref<!tpu.dma_semaphore, #tpu.memory_space<semaphore_mem>>) src(%dma_wait3A_105 : memref<200x64xf32, #tpu.memory_space<vmem>>) dst(%dma_wait3A_111 : memref<10240x64xf32, #tpu.memory_space<vmem_shared>>)
      %dma_wait3A_112 = arith.constant 1 : i32
      %dma_wait3A_113 = arith.constant 0 : i32
      %dma_wait3A_114 = arith.constant 0 : i32
      %dma_wait3A_115 = tpu.memref_slice %arg8[%dma_wait3A_112, %dma_wait3A_113, %dma_wait3A_114] : memref<2x200x64xf32, #tpu.memory_space<vmem>> -> memref<1x200x64xf32, #tpu.memory_space<vmem>>
      %dma_wait3A_116 = tpu.memref_squeeze %dma_wait3A_115 : memref<1x200x64xf32, #tpu.memory_space<vmem>> -> memref<200x64xf32, #tpu.memory_space<vmem>>
      %dma_wait3A_117 = arith.constant 0 : i32
      %dma_wait3A_118 = tpu.memref_slice %arg7[%add3A_22, %dma_wait3A_117] : memref<50x200xi32, #tpu.memory_space<vmem>> -> memref<1x200xi32, #tpu.memory_space<vmem>>
      %dma_wait3A_119 = tpu.memref_squeeze %dma_wait3A_118 : memref<1x200xi32, #tpu.memory_space<vmem>> -> memref<200xi32, #tpu.memory_space<vmem>>
      %dma_wait3A_120 = arith.constant 0 : i32
      %dma_wait3A_121 = arith.constant 0 : i32
      %dma_wait3A_122 = tpu.memref_slice %arg9[%dma_wait3A_120, %dma_wait3A_121] : memref<10240x64xf32, #tpu.memory_space<vmem_shared>> -> memref<10240x64xf32, #tpu.memory_space<vmem_shared>>
      tpu.wait_indirect_dma semaphore(%arg13 : memref<!tpu.dma_semaphore, #tpu.memory_space<semaphore_mem>>) src(%dma_wait3A_116 : memref<200x64xf32, #tpu.memory_space<vmem>>) dst(%dma_wait3A_122 : memref<10240x64xf32, #tpu.memory_space<vmem_shared>>)
    }
    %scan3A_9 = arith.constant 25 : i32
    %barrier3A_10 = arith.constant 0 : index
    tpu.barrier barrier_id(%barrier3A_10)
    %eq3A = arith.constant 0 : i32
    %eq3A_11 = arith.cmpi eq, %arg0, %eq3A : i32
    %convert_element_type3A = arith.extui %eq3A_11 : i1 to i32
    %cond3A = arith.constant 0 : i32
    %cond3A_12 = arith.cmpi ne, %convert_element_type3A, %cond3A : i32
    scf.if %cond3A_12 {
      "tpu.region"() ({
        %run_scoped3A = tpu.sem_alloc : memref<!tpu.dma_semaphore, #tpu.memory_space<semaphore_mem>>
        %dma_start3A = arith.constant 0 : i32
        %dma_start3A_18 = tpu.memref_slice %arg5[%mul3A_2, %dma_start3A] : memref<10240x64xf32, #tpu.memory_space<hbm>> -> memref<640x64xf32, #tpu.memory_space<hbm>>
        %dma_start3A_19 = arith.constant 0 : i32
        %dma_start3A_20 = tpu.memref_slice %arg9[%mul3A_2, %dma_start3A_19] : memref<10240x64xf32, #tpu.memory_space<vmem_shared>> -> memref<640x64xf32, #tpu.memory_space<vmem_shared>>
        tpu.enqueue_dma source(%dma_start3A_20 : memref<640x64xf32, #tpu.memory_space<vmem_shared>>) target(%dma_start3A_18 : memref<640x64xf32, #tpu.memory_space<hbm>>) target_semaphore(%run_scoped3A : memref<!tpu.dma_semaphore, #tpu.memory_space<semaphore_mem>>)
        %dma_wait3A = arith.constant 0 : i32
        %dma_wait3A_21 = tpu.memref_slice %arg5[%mul3A_2, %dma_wait3A] : memref<10240x64xf32, #tpu.memory_space<hbm>> -> memref<640x64xf32, #tpu.memory_space<hbm>>
        %dma_wait3A_22 = arith.constant 0 : i32
        %dma_wait3A_23 = tpu.memref_slice %arg9[%mul3A_2, %dma_wait3A_22] : memref<10240x64xf32, #tpu.memory_space<vmem_shared>> -> memref<640x64xf32, #tpu.memory_space<vmem_shared>>
        tpu.wait_dma2 semaphore(%run_scoped3A : memref<!tpu.dma_semaphore, #tpu.memory_space<semaphore_mem>>) src(%dma_wait3A_23 : memref<640x64xf32, #tpu.memory_space<vmem_shared>>) dst(%dma_wait3A_21 : memref<640x64xf32, #tpu.memory_space<hbm>>)
        tpu.yield
      }) : () -> ()
    } else {
    }
    %eq3A_13 = arith.constant 1 : i32
    %eq3A_14 = arith.cmpi eq, %arg0, %eq3A_13 : i32
    %convert_element_type3A_15 = arith.extui %eq3A_14 : i1 to i32
    %cond3A_16 = arith.constant 0 : i32
    %cond3A_17 = arith.cmpi ne, %convert_element_type3A_15, %cond3A_16 : i32
    scf.if %cond3A_17 {
      "tpu.region"() ({
        %run_scoped3A = tpu.sem_alloc : memref<!tpu.dma_semaphore, #tpu.memory_space<semaphore_mem>>
        %dma_start3A = arith.constant 0 : i32
        %dma_start3A_18 = tpu.memref_slice %arg6[%mul3A_2, %dma_start3A] : memref<10240x64xf32, #tpu.memory_space<hbm>> -> memref<640x64xf32, #tpu.memory_space<hbm>>
        %dma_start3A_19 = arith.constant 0 : i32
        %dma_start3A_20 = tpu.memref_slice %arg9[%mul3A_2, %dma_start3A_19] : memref<10240x64xf32, #tpu.memory_space<vmem_shared>> -> memref<640x64xf32, #tpu.memory_space<vmem_shared>>
        tpu.enqueue_dma source(%dma_start3A_20 : memref<640x64xf32, #tpu.memory_space<vmem_shared>>) target(%dma_start3A_18 : memref<640x64xf32, #tpu.memory_space<hbm>>) target_semaphore(%run_scoped3A : memref<!tpu.dma_semaphore, #tpu.memory_space<semaphore_mem>>)
        %dma_wait3A = arith.constant 0 : i32
        %dma_wait3A_21 = tpu.memref_slice %arg6[%mul3A_2, %dma_wait3A] : memref<10240x64xf32, #tpu.memory_space<hbm>> -> memref<640x64xf32, #tpu.memory_space<hbm>>
        %dma_wait3A_22 = arith.constant 0 : i32
        %dma_wait3A_23 = tpu.memref_slice %arg9[%mul3A_2, %dma_wait3A_22] : memref<10240x64xf32, #tpu.memory_space<vmem_shared>> -> memref<640x64xf32, #tpu.memory_space<vmem_shared>>
        tpu.wait_dma2 semaphore(%run_scoped3A : memref<!tpu.dma_semaphore, #tpu.memory_space<semaphore_mem>>) src(%dma_wait3A_23 : memref<640x64xf32, #tpu.memory_space<vmem_shared>>) dst(%dma_wait3A_21 : memref<640x64xf32, #tpu.memory_space<hbm>>)
        tpu.yield
      }) : () -> ()
    } else {
    }
    return
  }
}

#map = affine_map<(d0, d1) -> (0, 0)>
#map1 = affine_map<(d0, d1) -> (0, 0, 0)>
module attributes {stable_mosaic.version = 14 : i64} {
  func.func @_sc_gather(%arg0: i32, %arg1: i32, %arg2: memref<20000x64xf32, #tpu.memory_space<hbm>>, %arg3: memref<32x50x200xi32, #tpu.memory_space<hbm>>, %arg4: memref<32x50x200xi32, #tpu.memory_space<hbm>>, %arg5: memref<320000x64xf32, #tpu.memory_space<hbm>>, %arg6: memref<50x200xi32, #tpu.memory_space<vmem>>, %arg7: memref<50x200xi32, #tpu.memory_space<vmem>>, %arg8: memref<200x64xf32, #tpu.memory_space<vmem>>, %arg9: memref<200x64xf32, #tpu.memory_space<vmem>>, %arg10: memref<200x64xf32, #tpu.memory_space<vmem>>, %arg11: memref<200x64xf32, #tpu.memory_space<vmem>>, %arg12: memref<!tpu.dma_semaphore, #tpu.memory_space<semaphore_mem>>, %arg13: memref<!tpu.dma_semaphore, #tpu.memory_space<semaphore_mem>>, %arg14: memref<!tpu.dma_semaphore, #tpu.memory_space<semaphore_mem>>, %arg15: memref<!tpu.dma_semaphore, #tpu.memory_space<semaphore_mem>>, %arg16: memref<!tpu.dma_semaphore, #tpu.memory_space<semaphore_mem>>, %arg17: memref<!tpu.dma_semaphore, #tpu.memory_space<semaphore_mem>>) attributes {dimension_semantics = [#tpu.dimension_semantics<core_parallel>, #tpu.dimension_semantics<subcore_parallel>], iteration_bounds = array<i64: 2, 16>, scalar_prefetch = 0 : i64, scratch_operands = 12 : i64, tpu.core_type = #tpu.core_type<sc_vector_subcore>, window_params = [{transform_indices = #map}, {transform_indices = #map1}, {transform_indices = #map1}, {transform_indices = #map}]} {
    %mul3A = arith.constant 2 : i32
    %mul3A_0 = arith.muli %arg1, %mul3A : i32
    %add3A = arith.addi %mul3A_0, %arg0 : i32
    "tpu.region"() ({
      %run_scoped3A = tpu.sem_alloc : memref<!tpu.dma_semaphore, #tpu.memory_space<semaphore_mem>>
      %dma_start3A = arith.constant 0 : i32
      %dma_start3A_8 = arith.constant 0 : i32
      %dma_start3A_9 = tpu.memref_slice %arg3[%add3A, %dma_start3A, %dma_start3A_8] : memref<32x50x200xi32, #tpu.memory_space<hbm>> -> memref<1x50x200xi32, #tpu.memory_space<hbm>>
      %dma_start3A_10 = tpu.memref_squeeze %dma_start3A_9 : memref<1x50x200xi32, #tpu.memory_space<hbm>> -> memref<50x200xi32, #tpu.memory_space<hbm>>
      %dma_start3A_11 = arith.constant 0 : i32
      %dma_start3A_12 = arith.constant 0 : i32
      %dma_start3A_13 = tpu.memref_slice %arg3[%add3A, %dma_start3A_11, %dma_start3A_12] : memref<32x50x200xi32, #tpu.memory_space<hbm>> -> memref<1x50x200xi32, #tpu.memory_space<hbm>>
      %dma_start3A_14 = tpu.memref_squeeze %dma_start3A_13 : memref<1x50x200xi32, #tpu.memory_space<hbm>> -> memref<50x200xi32, #tpu.memory_space<hbm>>
      tpu.enqueue_dma source(%dma_start3A_14 : memref<50x200xi32, #tpu.memory_space<hbm>>) target(%arg6 : memref<50x200xi32, #tpu.memory_space<vmem>>) target_semaphore(%run_scoped3A : memref<!tpu.dma_semaphore, #tpu.memory_space<semaphore_mem>>)
      %dma_wait3A = arith.constant 0 : i32
      %dma_wait3A_15 = arith.constant 0 : i32
      %dma_wait3A_16 = tpu.memref_slice %arg3[%add3A, %dma_wait3A, %dma_wait3A_15] : memref<32x50x200xi32, #tpu.memory_space<hbm>> -> memref<1x50x200xi32, #tpu.memory_space<hbm>>
      %dma_wait3A_17 = tpu.memref_squeeze %dma_wait3A_16 : memref<1x50x200xi32, #tpu.memory_space<hbm>> -> memref<50x200xi32, #tpu.memory_space<hbm>>
      %dma_wait3A_18 = arith.constant 0 : i32
      %dma_wait3A_19 = arith.constant 0 : i32
      %dma_wait3A_20 = tpu.memref_slice %arg3[%add3A, %dma_wait3A_18, %dma_wait3A_19] : memref<32x50x200xi32, #tpu.memory_space<hbm>> -> memref<1x50x200xi32, #tpu.memory_space<hbm>>
      %dma_wait3A_21 = tpu.memref_squeeze %dma_wait3A_20 : memref<1x50x200xi32, #tpu.memory_space<hbm>> -> memref<50x200xi32, #tpu.memory_space<hbm>>
      tpu.wait_dma2 semaphore(%run_scoped3A : memref<!tpu.dma_semaphore, #tpu.memory_space<semaphore_mem>>) src(%dma_wait3A_21 : memref<50x200xi32, #tpu.memory_space<hbm>>) dst(%arg6 : memref<50x200xi32, #tpu.memory_space<vmem>>)
      tpu.yield
    }) : () -> ()
    "tpu.region"() ({
      %run_scoped3A = tpu.sem_alloc : memref<!tpu.dma_semaphore, #tpu.memory_space<semaphore_mem>>
      %dma_start3A = arith.constant 0 : i32
      %dma_start3A_8 = arith.constant 0 : i32
      %dma_start3A_9 = tpu.memref_slice %arg4[%add3A, %dma_start3A, %dma_start3A_8] : memref<32x50x200xi32, #tpu.memory_space<hbm>> -> memref<1x50x200xi32, #tpu.memory_space<hbm>>
      %dma_start3A_10 = tpu.memref_squeeze %dma_start3A_9 : memref<1x50x200xi32, #tpu.memory_space<hbm>> -> memref<50x200xi32, #tpu.memory_space<hbm>>
      %dma_start3A_11 = arith.constant 0 : i32
      %dma_start3A_12 = arith.constant 0 : i32
      %dma_start3A_13 = tpu.memref_slice %arg4[%add3A, %dma_start3A_11, %dma_start3A_12] : memref<32x50x200xi32, #tpu.memory_space<hbm>> -> memref<1x50x200xi32, #tpu.memory_space<hbm>>
      %dma_start3A_14 = tpu.memref_squeeze %dma_start3A_13 : memref<1x50x200xi32, #tpu.memory_space<hbm>> -> memref<50x200xi32, #tpu.memory_space<hbm>>
      tpu.enqueue_dma source(%dma_start3A_14 : memref<50x200xi32, #tpu.memory_space<hbm>>) target(%arg7 : memref<50x200xi32, #tpu.memory_space<vmem>>) target_semaphore(%run_scoped3A : memref<!tpu.dma_semaphore, #tpu.memory_space<semaphore_mem>>)
      %dma_wait3A = arith.constant 0 : i32
      %dma_wait3A_15 = arith.constant 0 : i32
      %dma_wait3A_16 = tpu.memref_slice %arg4[%add3A, %dma_wait3A, %dma_wait3A_15] : memref<32x50x200xi32, #tpu.memory_space<hbm>> -> memref<1x50x200xi32, #tpu.memory_space<hbm>>
      %dma_wait3A_17 = tpu.memref_squeeze %dma_wait3A_16 : memref<1x50x200xi32, #tpu.memory_space<hbm>> -> memref<50x200xi32, #tpu.memory_space<hbm>>
      %dma_wait3A_18 = arith.constant 0 : i32
      %dma_wait3A_19 = arith.constant 0 : i32
      %dma_wait3A_20 = tpu.memref_slice %arg4[%add3A, %dma_wait3A_18, %dma_wait3A_19] : memref<32x50x200xi32, #tpu.memory_space<hbm>> -> memref<1x50x200xi32, #tpu.memory_space<hbm>>
      %dma_wait3A_21 = tpu.memref_squeeze %dma_wait3A_20 : memref<1x50x200xi32, #tpu.memory_space<hbm>> -> memref<50x200xi32, #tpu.memory_space<hbm>>
      tpu.wait_dma2 semaphore(%run_scoped3A : memref<!tpu.dma_semaphore, #tpu.memory_space<semaphore_mem>>) src(%dma_wait3A_21 : memref<50x200xi32, #tpu.memory_space<hbm>>) dst(%arg7 : memref<50x200xi32, #tpu.memory_space<vmem>>)
      tpu.yield
    }) : () -> ()
    %mul3A_1 = arith.constant 10000 : i32
    %mul3A_2 = arith.muli %add3A, %mul3A_1 : i32
    %scan3A = arith.constant 0 : i32
    %scan3A_3 = arith.constant 0 : i32
    %scan3A_4 = arith.constant 25 : i32
    %scan3A_5 = arith.addi %scan3A_3, %scan3A_4 : i32
    %scan3A_6 = arith.constant 1 : i32
    scf.for %scan3A_8 = %scan3A_3 to %scan3A_5 step %scan3A_6  : i32 {
      %mul3A_9 = arith.constant 2 : i32
      %mul3A_10 = arith.muli %mul3A_9, %scan3A_8 : i32
      %add3A_11 = arith.constant 1 : i32
      %add3A_12 = arith.addi %mul3A_10, %add3A_11 : i32
      %mul3A_13 = arith.constant 200 : i32
      %mul3A_14 = arith.muli %mul3A_10, %mul3A_13 : i32
      %add3A_15 = arith.addi %mul3A_2, %mul3A_14 : i32
      %mul3A_16 = arith.constant 200 : i32
      %mul3A_17 = arith.muli %add3A_12, %mul3A_16 : i32
      %add3A_18 = arith.addi %mul3A_2, %mul3A_17 : i32
      %dma_start3A = arith.constant 0 : i32
      %dma_start3A_19 = tpu.memref_slice %arg6[%mul3A_10, %dma_start3A] : memref<50x200xi32, #tpu.memory_space<vmem>> -> memref<1x200xi32, #tpu.memory_space<vmem>>
      %dma_start3A_20 = tpu.memref_squeeze %dma_start3A_19 : memref<1x200xi32, #tpu.memory_space<vmem>> -> memref<200xi32, #tpu.memory_space<vmem>>
      %dma_start3A_21 = arith.constant 0 : i32
      %dma_start3A_22 = arith.constant 0 : i32
      %dma_start3A_23 = tpu.memref_slice %arg2[%dma_start3A_21, %dma_start3A_22] : memref<20000x64xf32, #tpu.memory_space<hbm>> -> memref<20000x64xf32, #tpu.memory_space<hbm>>
      tpu.enqueue_indirect_dma source(%dma_start3A_23 : memref<20000x64xf32, #tpu.memory_space<hbm>>) target(%arg8 : memref<200x64xf32, #tpu.memory_space<vmem>>) offsets(%dma_start3A_20 : memref<200xi32, #tpu.memory_space<vmem>>) semaphore(%arg12 : memref<!tpu.dma_semaphore, #tpu.memory_space<semaphore_mem>>)
      %dma_start3A_24 = arith.constant 0 : i32
      %dma_start3A_25 = tpu.memref_slice %arg7[%mul3A_10, %dma_start3A_24] : memref<50x200xi32, #tpu.memory_space<vmem>> -> memref<1x200xi32, #tpu.memory_space<vmem>>
      %dma_start3A_26 = tpu.memref_squeeze %dma_start3A_25 : memref<1x200xi32, #tpu.memory_space<vmem>> -> memref<200xi32, #tpu.memory_space<vmem>>
      %dma_start3A_27 = arith.constant 0 : i32
      %dma_start3A_28 = arith.constant 0 : i32
      %dma_start3A_29 = tpu.memref_slice %arg2[%dma_start3A_27, %dma_start3A_28] : memref<20000x64xf32, #tpu.memory_space<hbm>> -> memref<20000x64xf32, #tpu.memory_space<hbm>>
      tpu.enqueue_indirect_dma source(%dma_start3A_29 : memref<20000x64xf32, #tpu.memory_space<hbm>>) target(%arg9 : memref<200x64xf32, #tpu.memory_space<vmem>>) offsets(%dma_start3A_26 : memref<200xi32, #tpu.memory_space<vmem>>) semaphore(%arg13 : memref<!tpu.dma_semaphore, #tpu.memory_space<semaphore_mem>>)
      %dma_start3A_30 = arith.constant 0 : i32
      %dma_start3A_31 = tpu.memref_slice %arg6[%add3A_12, %dma_start3A_30] : memref<50x200xi32, #tpu.memory_space<vmem>> -> memref<1x200xi32, #tpu.memory_space<vmem>>
      %dma_start3A_32 = tpu.memref_squeeze %dma_start3A_31 : memref<1x200xi32, #tpu.memory_space<vmem>> -> memref<200xi32, #tpu.memory_space<vmem>>
      %dma_start3A_33 = arith.constant 0 : i32
      %dma_start3A_34 = arith.constant 0 : i32
      %dma_start3A_35 = tpu.memref_slice %arg2[%dma_start3A_33, %dma_start3A_34] : memref<20000x64xf32, #tpu.memory_space<hbm>> -> memref<20000x64xf32, #tpu.memory_space<hbm>>
      tpu.enqueue_indirect_dma source(%dma_start3A_35 : memref<20000x64xf32, #tpu.memory_space<hbm>>) target(%arg10 : memref<200x64xf32, #tpu.memory_space<vmem>>) offsets(%dma_start3A_32 : memref<200xi32, #tpu.memory_space<vmem>>) semaphore(%arg14 : memref<!tpu.dma_semaphore, #tpu.memory_space<semaphore_mem>>)
      %dma_start3A_36 = arith.constant 0 : i32
      %dma_start3A_37 = tpu.memref_slice %arg7[%add3A_12, %dma_start3A_36] : memref<50x200xi32, #tpu.memory_space<vmem>> -> memref<1x200xi32, #tpu.memory_space<vmem>>
      %dma_start3A_38 = tpu.memref_squeeze %dma_start3A_37 : memref<1x200xi32, #tpu.memory_space<vmem>> -> memref<200xi32, #tpu.memory_space<vmem>>
      %dma_start3A_39 = arith.constant 0 : i32
      %dma_start3A_40 = arith.constant 0 : i32
      %dma_start3A_41 = tpu.memref_slice %arg2[%dma_start3A_39, %dma_start3A_40] : memref<20000x64xf32, #tpu.memory_space<hbm>> -> memref<20000x64xf32, #tpu.memory_space<hbm>>
      tpu.enqueue_indirect_dma source(%dma_start3A_41 : memref<20000x64xf32, #tpu.memory_space<hbm>>) target(%arg11 : memref<200x64xf32, #tpu.memory_space<vmem>>) offsets(%dma_start3A_38 : memref<200xi32, #tpu.memory_space<vmem>>) semaphore(%arg15 : memref<!tpu.dma_semaphore, #tpu.memory_space<semaphore_mem>>)
      %dma_wait3A = arith.constant 0 : i32
      %dma_wait3A_42 = tpu.memref_slice %arg6[%mul3A_10, %dma_wait3A] : memref<50x200xi32, #tpu.memory_space<vmem>> -> memref<1x200xi32, #tpu.memory_space<vmem>>
      %dma_wait3A_43 = tpu.memref_squeeze %dma_wait3A_42 : memref<1x200xi32, #tpu.memory_space<vmem>> -> memref<200xi32, #tpu.memory_space<vmem>>
      %dma_wait3A_44 = arith.constant 0 : i32
      %dma_wait3A_45 = arith.constant 0 : i32
      %dma_wait3A_46 = tpu.memref_slice %arg2[%dma_wait3A_44, %dma_wait3A_45] : memref<20000x64xf32, #tpu.memory_space<hbm>> -> memref<20000x64xf32, #tpu.memory_space<hbm>>
      tpu.wait_indirect_dma semaphore(%arg12 : memref<!tpu.dma_semaphore, #tpu.memory_space<semaphore_mem>>) src(%dma_wait3A_46 : memref<20000x64xf32, #tpu.memory_space<hbm>>) dst(%arg8 : memref<200x64xf32, #tpu.memory_space<vmem>>)
      %dma_wait3A_47 = arith.constant 0 : i32
      %dma_wait3A_48 = tpu.memref_slice %arg7[%mul3A_10, %dma_wait3A_47] : memref<50x200xi32, #tpu.memory_space<vmem>> -> memref<1x200xi32, #tpu.memory_space<vmem>>
      %dma_wait3A_49 = tpu.memref_squeeze %dma_wait3A_48 : memref<1x200xi32, #tpu.memory_space<vmem>> -> memref<200xi32, #tpu.memory_space<vmem>>
      %dma_wait3A_50 = arith.constant 0 : i32
      %dma_wait3A_51 = arith.constant 0 : i32
      %dma_wait3A_52 = tpu.memref_slice %arg2[%dma_wait3A_50, %dma_wait3A_51] : memref<20000x64xf32, #tpu.memory_space<hbm>> -> memref<20000x64xf32, #tpu.memory_space<hbm>>
      tpu.wait_indirect_dma semaphore(%arg13 : memref<!tpu.dma_semaphore, #tpu.memory_space<semaphore_mem>>) src(%dma_wait3A_52 : memref<20000x64xf32, #tpu.memory_space<hbm>>) dst(%arg9 : memref<200x64xf32, #tpu.memory_space<vmem>>)
      %scan3A_53 = arith.constant 0 : i32
      %scan3A_54 = arith.constant 0 : i32
      %scan3A_55 = arith.constant 50 : i32
      %scan3A_56 = arith.addi %scan3A_54, %scan3A_55 : i32
      %scan3A_57 = arith.constant 1 : i32
      scf.for %scan3A_93 = %scan3A_54 to %scan3A_56 step %scan3A_57  : i32 {
        %mul3A_94 = arith.constant 4 : i32
        %mul3A_95 = arith.muli %scan3A_93, %mul3A_94 : i32
        %add3A_96 = arith.constant 0 : i32
        %add3A_97 = arith.addi %mul3A_95, %add3A_96 : i32
        %get3A = arith.index_cast %add3A_97 : i32 to index
        %get3A_98 = arith.constant 0 : index
        %get3A_99 = tpu.vector_load %arg8[%get3A, %get3A_98] {strides = array<i32>} : memref<200x64xf32, #tpu.memory_space<vmem>>, vector<1x16xf32>,
        %get3A_100 = vector.shape_cast %get3A_99 : vector<1x16xf32> to vector<16xf32>
        %get3A_101 = arith.index_cast %add3A_97 : i32 to index
        %get3A_102 = arith.constant 0 : index
        %get3A_103 = tpu.vector_load %arg9[%get3A_101, %get3A_102] {strides = array<i32>} : memref<200x64xf32, #tpu.memory_space<vmem>>, vector<1x16xf32>,
        %get3A_104 = vector.shape_cast %get3A_103 : vector<1x16xf32> to vector<16xf32>
        %add3A_105 = arith.addf %get3A_100, %get3A_104 : vector<16xf32>
        %swap3A = arith.index_cast %add3A_97 : i32 to index
        %swap3A_106 = arith.constant 0 : index
        %swap3A_107 = tpu.vector_load %arg8[%swap3A, %swap3A_106] {strides = array<i32>} : memref<200x64xf32, #tpu.memory_space<vmem>>, vector<1x16xf32>,
        %swap3A_108 = vector.shape_cast %swap3A_107 : vector<1x16xf32> to vector<16xf32>
        %swap3A_109 = vector.shape_cast %add3A_105 : vector<16xf32> to vector<1x16xf32>
        tpu.vector_store %arg8[%swap3A, %swap3A_106], %swap3A_109 {strides = array<i32>} : memref<200x64xf32, #tpu.memory_space<vmem>>, vector<1x16xf32>,
        %get3A_110 = arith.index_cast %add3A_97 : i32 to index
        %get3A_111 = arith.constant 16 : index
        %get3A_112 = tpu.vector_load %arg8[%get3A_110, %get3A_111] {strides = array<i32>} : memref<200x64xf32, #tpu.memory_space<vmem>>, vector<1x16xf32>,
        %get3A_113 = vector.shape_cast %get3A_112 : vector<1x16xf32> to vector<16xf32>
        %get3A_114 = arith.index_cast %add3A_97 : i32 to index
        %get3A_115 = arith.constant 16 : index
        %get3A_116 = tpu.vector_load %arg9[%get3A_114, %get3A_115] {strides = array<i32>} : memref<200x64xf32, #tpu.memory_space<vmem>>, vector<1x16xf32>,
        %get3A_117 = vector.shape_cast %get3A_116 : vector<1x16xf32> to vector<16xf32>
        %add3A_118 = arith.addf %get3A_113, %get3A_117 : vector<16xf32>
        %swap3A_119 = arith.index_cast %add3A_97 : i32 to index
        %swap3A_120 = arith.constant 16 : index
        %swap3A_121 = tpu.vector_load %arg8[%swap3A_119, %swap3A_120] {strides = array<i32>} : memref<200x64xf32, #tpu.memory_space<vmem>>, vector<1x16xf32>,
        %swap3A_122 = vector.shape_cast %swap3A_121 : vector<1x16xf32> to vector<16xf32>
        %swap3A_123 = vector.shape_cast %add3A_118 : vector<16xf32> to vector<1x16xf32>
        tpu.vector_store %arg8[%swap3A_119, %swap3A_120], %swap3A_123 {strides = array<i32>} : memref<200x64xf32, #tpu.memory_space<vmem>>, vector<1x16xf32>,
        %get3A_124 = arith.index_cast %add3A_97 : i32 to index
        %get3A_125 = arith.constant 32 : index
        %get3A_126 = tpu.vector_load %arg8[%get3A_124, %get3A_125] {strides = array<i32>} : memref<200x64xf32, #tpu.memory_space<vmem>>, vector<1x16xf32>,
        %get3A_127 = vector.shape_cast %get3A_126 : vector<1x16xf32> to vector<16xf32>
        %get3A_128 = arith.index_cast %add3A_97 : i32 to index
        %get3A_129 = arith.constant 32 : index
        %get3A_130 = tpu.vector_load %arg9[%get3A_128, %get3A_129] {strides = array<i32>} : memref<200x64xf32, #tpu.memory_space<vmem>>, vector<1x16xf32>,
        %get3A_131 = vector.shape_cast %get3A_130 : vector<1x16xf32> to vector<16xf32>
        %add3A_132 = arith.addf %get3A_127, %get3A_131 : vector<16xf32>
        %swap3A_133 = arith.index_cast %add3A_97 : i32 to index
        %swap3A_134 = arith.constant 32 : index
        %swap3A_135 = tpu.vector_load %arg8[%swap3A_133, %swap3A_134] {strides = array<i32>} : memref<200x64xf32, #tpu.memory_space<vmem>>, vector<1x16xf32>,
        %swap3A_136 = vector.shape_cast %swap3A_135 : vector<1x16xf32> to vector<16xf32>
        %swap3A_137 = vector.shape_cast %add3A_132 : vector<16xf32> to vector<1x16xf32>
        tpu.vector_store %arg8[%swap3A_133, %swap3A_134], %swap3A_137 {strides = array<i32>} : memref<200x64xf32, #tpu.memory_space<vmem>>, vector<1x16xf32>,
        %get3A_138 = arith.index_cast %add3A_97 : i32 to index
        %get3A_139 = arith.constant 48 : index
        %get3A_140 = tpu.vector_load %arg8[%get3A_138, %get3A_139] {strides = array<i32>} : memref<200x64xf32, #tpu.memory_space<vmem>>, vector<1x16xf32>,
        %get3A_141 = vector.shape_cast %get3A_140 : vector<1x16xf32> to vector<16xf32>
        %get3A_142 = arith.index_cast %add3A_97 : i32 to index
        %get3A_143 = arith.constant 48 : index
        %get3A_144 = tpu.vector_load %arg9[%get3A_142, %get3A_143] {strides = array<i32>} : memref<200x64xf32, #tpu.memory_space<vmem>>, vector<1x16xf32>,
        %get3A_145 = vector.shape_cast %get3A_144 : vector<1x16xf32> to vector<16xf32>
        %add3A_146 = arith.addf %get3A_141, %get3A_145 : vector<16xf32>
        %swap3A_147 = arith.index_cast %add3A_97 : i32 to index
        %swap3A_148 = arith.constant 48 : index
        %swap3A_149 = tpu.vector_load %arg8[%swap3A_147, %swap3A_148] {strides = array<i32>} : memref<200x64xf32, #tpu.memory_space<vmem>>, vector<1x16xf32>,
        %swap3A_150 = vector.shape_cast %swap3A_149 : vector<1x16xf32> to vector<16xf32>
        %swap3A_151 = vector.shape_cast %add3A_146 : vector<16xf32> to vector<1x16xf32>
        tpu.vector_store %arg8[%swap3A_147, %swap3A_148], %swap3A_151 {strides = array<i32>} : memref<200x64xf32, #tpu.memory_space<vmem>>, vector<1x16xf32>,
        %mul3A_152 = arith.constant 4 : i32
        %mul3A_153 = arith.muli %scan3A_93, %mul3A_152 : i32
        %add3A_154 = arith.constant 1 : i32
        %add3A_155 = arith.addi %mul3A_153, %add3A_154 : i32
        %get3A_156 = arith.index_cast %add3A_155 : i32 to index
        %get3A_157 = arith.constant 0 : index
        %get3A_158 = tpu.vector_load %arg8[%get3A_156, %get3A_157] {strides = array<i32>} : memref<200x64xf32, #tpu.memory_space<vmem>>, vector<1x16xf32>,
        %get3A_159 = vector.shape_cast %get3A_158 : vector<1x16xf32> to vector<16xf32>
        %get3A_160 = arith.index_cast %add3A_155 : i32 to index
        %get3A_161 = arith.constant 0 : index
        %get3A_162 = tpu.vector_load %arg9[%get3A_160, %get3A_161] {strides = array<i32>} : memref<200x64xf32, #tpu.memory_space<vmem>>, vector<1x16xf32>,
        %get3A_163 = vector.shape_cast %get3A_162 : vector<1x16xf32> to vector<16xf32>
        %add3A_164 = arith.addf %get3A_159, %get3A_163 : vector<16xf32>
        %swap3A_165 = arith.index_cast %add3A_155 : i32 to index
        %swap3A_166 = arith.constant 0 : index
        %swap3A_167 = tpu.vector_load %arg8[%swap3A_165, %swap3A_166] {strides = array<i32>} : memref<200x64xf32, #tpu.memory_space<vmem>>, vector<1x16xf32>,
        %swap3A_168 = vector.shape_cast %swap3A_167 : vector<1x16xf32> to vector<16xf32>
        %swap3A_169 = vector.shape_cast %add3A_164 : vector<16xf32> to vector<1x16xf32>
        tpu.vector_store %arg8[%swap3A_165, %swap3A_166], %swap3A_169 {strides = array<i32>} : memref<200x64xf32, #tpu.memory_space<vmem>>, vector<1x16xf32>,
        %get3A_170 = arith.index_cast %add3A_155 : i32 to index
        %get3A_171 = arith.constant 16 : index
        %get3A_172 = tpu.vector_load %arg8[%get3A_170, %get3A_171] {strides = array<i32>} : memref<200x64xf32, #tpu.memory_space<vmem>>, vector<1x16xf32>,
        %get3A_173 = vector.shape_cast %get3A_172 : vector<1x16xf32> to vector<16xf32>
        %get3A_174 = arith.index_cast %add3A_155 : i32 to index
        %get3A_175 = arith.constant 16 : index
        %get3A_176 = tpu.vector_load %arg9[%get3A_174, %get3A_175] {strides = array<i32>} : memref<200x64xf32, #tpu.memory_space<vmem>>, vector<1x16xf32>,
        %get3A_177 = vector.shape_cast %get3A_176 : vector<1x16xf32> to vector<16xf32>
        %add3A_178 = arith.addf %get3A_173, %get3A_177 : vector<16xf32>
        %swap3A_179 = arith.index_cast %add3A_155 : i32 to index
        %swap3A_180 = arith.constant 16 : index
        %swap3A_181 = tpu.vector_load %arg8[%swap3A_179, %swap3A_180] {strides = array<i32>} : memref<200x64xf32, #tpu.memory_space<vmem>>, vector<1x16xf32>,
        %swap3A_182 = vector.shape_cast %swap3A_181 : vector<1x16xf32> to vector<16xf32>
        %swap3A_183 = vector.shape_cast %add3A_178 : vector<16xf32> to vector<1x16xf32>
        tpu.vector_store %arg8[%swap3A_179, %swap3A_180], %swap3A_183 {strides = array<i32>} : memref<200x64xf32, #tpu.memory_space<vmem>>, vector<1x16xf32>,
        %get3A_184 = arith.index_cast %add3A_155 : i32 to index
        %get3A_185 = arith.constant 32 : index
        %get3A_186 = tpu.vector_load %arg8[%get3A_184, %get3A_185] {strides = array<i32>} : memref<200x64xf32, #tpu.memory_space<vmem>>, vector<1x16xf32>,
        %get3A_187 = vector.shape_cast %get3A_186 : vector<1x16xf32> to vector<16xf32>
        %get3A_188 = arith.index_cast %add3A_155 : i32 to index
        %get3A_189 = arith.constant 32 : index
        %get3A_190 = tpu.vector_load %arg9[%get3A_188, %get3A_189] {strides = array<i32>} : memref<200x64xf32, #tpu.memory_space<vmem>>, vector<1x16xf32>,
        %get3A_191 = vector.shape_cast %get3A_190 : vector<1x16xf32> to vector<16xf32>
        %add3A_192 = arith.addf %get3A_187, %get3A_191 : vector<16xf32>
        %swap3A_193 = arith.index_cast %add3A_155 : i32 to index
        %swap3A_194 = arith.constant 32 : index
        %swap3A_195 = tpu.vector_load %arg8[%swap3A_193, %swap3A_194] {strides = array<i32>} : memref<200x64xf32, #tpu.memory_space<vmem>>, vector<1x16xf32>,
        %swap3A_196 = vector.shape_cast %swap3A_195 : vector<1x16xf32> to vector<16xf32>
        %swap3A_197 = vector.shape_cast %add3A_192 : vector<16xf32> to vector<1x16xf32>
        tpu.vector_store %arg8[%swap3A_193, %swap3A_194], %swap3A_197 {strides = array<i32>} : memref<200x64xf32, #tpu.memory_space<vmem>>, vector<1x16xf32>,
        %get3A_198 = arith.index_cast %add3A_155 : i32 to index
        %get3A_199 = arith.constant 48 : index
        %get3A_200 = tpu.vector_load %arg8[%get3A_198, %get3A_199] {strides = array<i32>} : memref<200x64xf32, #tpu.memory_space<vmem>>, vector<1x16xf32>,
        %get3A_201 = vector.shape_cast %get3A_200 : vector<1x16xf32> to vector<16xf32>
        %get3A_202 = arith.index_cast %add3A_155 : i32 to index
        %get3A_203 = arith.constant 48 : index
        %get3A_204 = tpu.vector_load %arg9[%get3A_202, %get3A_203] {strides = array<i32>} : memref<200x64xf32, #tpu.memory_space<vmem>>, vector<1x16xf32>,
        %get3A_205 = vector.shape_cast %get3A_204 : vector<1x16xf32> to vector<16xf32>
        %add3A_206 = arith.addf %get3A_201, %get3A_205 : vector<16xf32>
        %swap3A_207 = arith.index_cast %add3A_155 : i32 to index
        %swap3A_208 = arith.constant 48 : index
        %swap3A_209 = tpu.vector_load %arg8[%swap3A_207, %swap3A_208] {strides = array<i32>} : memref<200x64xf32, #tpu.memory_space<vmem>>, vector<1x16xf32>,
        %swap3A_210 = vector.shape_cast %swap3A_209 : vector<1x16xf32> to vector<16xf32>
        %swap3A_211 = vector.shape_cast %add3A_206 : vector<16xf32> to vector<1x16xf32>
        tpu.vector_store %arg8[%swap3A_207, %swap3A_208], %swap3A_211 {strides = array<i32>} : memref<200x64xf32, #tpu.memory_space<vmem>>, vector<1x16xf32>,
        %mul3A_212 = arith.constant 4 : i32
        %mul3A_213 = arith.muli %scan3A_93, %mul3A_212 : i32
        %add3A_214 = arith.constant 2 : i32
        %add3A_215 = arith.addi %mul3A_213, %add3A_214 : i32
        %get3A_216 = arith.index_cast %add3A_215 : i32 to index
        %get3A_217 = arith.constant 0 : index
        %get3A_218 = tpu.vector_load %arg8[%get3A_216, %get3A_217] {strides = array<i32>} : memref<200x64xf32, #tpu.memory_space<vmem>>, vector<1x16xf32>,
        %get3A_219 = vector.shape_cast %get3A_218 : vector<1x16xf32> to vector<16xf32>
        %get3A_220 = arith.index_cast %add3A_215 : i32 to index
        %get3A_221 = arith.constant 0 : index
        %get3A_222 = tpu.vector_load %arg9[%get3A_220, %get3A_221] {strides = array<i32>} : memref<200x64xf32, #tpu.memory_space<vmem>>, vector<1x16xf32>,
        %get3A_223 = vector.shape_cast %get3A_222 : vector<1x16xf32> to vector<16xf32>
        %add3A_224 = arith.addf %get3A_219, %get3A_223 : vector<16xf32>
        %swap3A_225 = arith.index_cast %add3A_215 : i32 to index
        %swap3A_226 = arith.constant 0 : index
        %swap3A_227 = tpu.vector_load %arg8[%swap3A_225, %swap3A_226] {strides = array<i32>} : memref<200x64xf32, #tpu.memory_space<vmem>>, vector<1x16xf32>,
        %swap3A_228 = vector.shape_cast %swap3A_227 : vector<1x16xf32> to vector<16xf32>
        %swap3A_229 = vector.shape_cast %add3A_224 : vector<16xf32> to vector<1x16xf32>
        tpu.vector_store %arg8[%swap3A_225, %swap3A_226], %swap3A_229 {strides = array<i32>} : memref<200x64xf32, #tpu.memory_space<vmem>>, vector<1x16xf32>,
        %get3A_230 = arith.index_cast %add3A_215 : i32 to index
        %get3A_231 = arith.constant 16 : index
        %get3A_232 = tpu.vector_load %arg8[%get3A_230, %get3A_231] {strides = array<i32>} : memref<200x64xf32, #tpu.memory_space<vmem>>, vector<1x16xf32>,
        %get3A_233 = vector.shape_cast %get3A_232 : vector<1x16xf32> to vector<16xf32>
        %get3A_234 = arith.index_cast %add3A_215 : i32 to index
        %get3A_235 = arith.constant 16 : index
        %get3A_236 = tpu.vector_load %arg9[%get3A_234, %get3A_235] {strides = array<i32>} : memref<200x64xf32, #tpu.memory_space<vmem>>, vector<1x16xf32>,
        %get3A_237 = vector.shape_cast %get3A_236 : vector<1x16xf32> to vector<16xf32>
        %add3A_238 = arith.addf %get3A_233, %get3A_237 : vector<16xf32>
        %swap3A_239 = arith.index_cast %add3A_215 : i32 to index
        %swap3A_240 = arith.constant 16 : index
        %swap3A_241 = tpu.vector_load %arg8[%swap3A_239, %swap3A_240] {strides = array<i32>} : memref<200x64xf32, #tpu.memory_space<vmem>>, vector<1x16xf32>,
        %swap3A_242 = vector.shape_cast %swap3A_241 : vector<1x16xf32> to vector<16xf32>
        %swap3A_243 = vector.shape_cast %add3A_238 : vector<16xf32> to vector<1x16xf32>
        tpu.vector_store %arg8[%swap3A_239, %swap3A_240], %swap3A_243 {strides = array<i32>} : memref<200x64xf32, #tpu.memory_space<vmem>>, vector<1x16xf32>,
        %get3A_244 = arith.index_cast %add3A_215 : i32 to index
        %get3A_245 = arith.constant 32 : index
        %get3A_246 = tpu.vector_load %arg8[%get3A_244, %get3A_245] {strides = array<i32>} : memref<200x64xf32, #tpu.memory_space<vmem>>, vector<1x16xf32>,
        %get3A_247 = vector.shape_cast %get3A_246 : vector<1x16xf32> to vector<16xf32>
        %get3A_248 = arith.index_cast %add3A_215 : i32 to index
        %get3A_249 = arith.constant 32 : index
        %get3A_250 = tpu.vector_load %arg9[%get3A_248, %get3A_249] {strides = array<i32>} : memref<200x64xf32, #tpu.memory_space<vmem>>, vector<1x16xf32>,
        %get3A_251 = vector.shape_cast %get3A_250 : vector<1x16xf32> to vector<16xf32>
        %add3A_252 = arith.addf %get3A_247, %get3A_251 : vector<16xf32>
        %swap3A_253 = arith.index_cast %add3A_215 : i32 to index
        %swap3A_254 = arith.constant 32 : index
        %swap3A_255 = tpu.vector_load %arg8[%swap3A_253, %swap3A_254] {strides = array<i32>} : memref<200x64xf32, #tpu.memory_space<vmem>>, vector<1x16xf32>,
        %swap3A_256 = vector.shape_cast %swap3A_255 : vector<1x16xf32> to vector<16xf32>
        %swap3A_257 = vector.shape_cast %add3A_252 : vector<16xf32> to vector<1x16xf32>
        tpu.vector_store %arg8[%swap3A_253, %swap3A_254], %swap3A_257 {strides = array<i32>} : memref<200x64xf32, #tpu.memory_space<vmem>>, vector<1x16xf32>,
        %get3A_258 = arith.index_cast %add3A_215 : i32 to index
        %get3A_259 = arith.constant 48 : index
        %get3A_260 = tpu.vector_load %arg8[%get3A_258, %get3A_259] {strides = array<i32>} : memref<200x64xf32, #tpu.memory_space<vmem>>, vector<1x16xf32>,
        %get3A_261 = vector.shape_cast %get3A_260 : vector<1x16xf32> to vector<16xf32>
        %get3A_262 = arith.index_cast %add3A_215 : i32 to index
        %get3A_263 = arith.constant 48 : index
        %get3A_264 = tpu.vector_load %arg9[%get3A_262, %get3A_263] {strides = array<i32>} : memref<200x64xf32, #tpu.memory_space<vmem>>, vector<1x16xf32>,
        %get3A_265 = vector.shape_cast %get3A_264 : vector<1x16xf32> to vector<16xf32>
        %add3A_266 = arith.addf %get3A_261, %get3A_265 : vector<16xf32>
        %swap3A_267 = arith.index_cast %add3A_215 : i32 to index
        %swap3A_268 = arith.constant 48 : index
        %swap3A_269 = tpu.vector_load %arg8[%swap3A_267, %swap3A_268] {strides = array<i32>} : memref<200x64xf32, #tpu.memory_space<vmem>>, vector<1x16xf32>,
        %swap3A_270 = vector.shape_cast %swap3A_269 : vector<1x16xf32> to vector<16xf32>
        %swap3A_271 = vector.shape_cast %add3A_266 : vector<16xf32> to vector<1x16xf32>
        tpu.vector_store %arg8[%swap3A_267, %swap3A_268], %swap3A_271 {strides = array<i32>} : memref<200x64xf32, #tpu.memory_space<vmem>>, vector<1x16xf32>,
        %mul3A_272 = arith.constant 4 : i32
        %mul3A_273 = arith.muli %scan3A_93, %mul3A_272 : i32
        %add3A_274 = arith.constant 3 : i32
        %add3A_275 = arith.addi %mul3A_273, %add3A_274 : i32
        %get3A_276 = arith.index_cast %add3A_275 : i32 to index
        %get3A_277 = arith.constant 0 : index
        %get3A_278 = tpu.vector_load %arg8[%get3A_276, %get3A_277] {strides = array<i32>} : memref<200x64xf32, #tpu.memory_space<vmem>>, vector<1x16xf32>,
        %get3A_279 = vector.shape_cast %get3A_278 : vector<1x16xf32> to vector<16xf32>
        %get3A_280 = arith.index_cast %add3A_275 : i32 to index
        %get3A_281 = arith.constant 0 : index
        %get3A_282 = tpu.vector_load %arg9[%get3A_280, %get3A_281] {strides = array<i32>} : memref<200x64xf32, #tpu.memory_space<vmem>>, vector<1x16xf32>,
        %get3A_283 = vector.shape_cast %get3A_282 : vector<1x16xf32> to vector<16xf32>
        %add3A_284 = arith.addf %get3A_279, %get3A_283 : vector<16xf32>
        %swap3A_285 = arith.index_cast %add3A_275 : i32 to index
        %swap3A_286 = arith.constant 0 : index
        %swap3A_287 = tpu.vector_load %arg8[%swap3A_285, %swap3A_286] {strides = array<i32>} : memref<200x64xf32, #tpu.memory_space<vmem>>, vector<1x16xf32>,
        %swap3A_288 = vector.shape_cast %swap3A_287 : vector<1x16xf32> to vector<16xf32>
        %swap3A_289 = vector.shape_cast %add3A_284 : vector<16xf32> to vector<1x16xf32>
        tpu.vector_store %arg8[%swap3A_285, %swap3A_286], %swap3A_289 {strides = array<i32>} : memref<200x64xf32, #tpu.memory_space<vmem>>, vector<1x16xf32>,
        %get3A_290 = arith.index_cast %add3A_275 : i32 to index
        %get3A_291 = arith.constant 16 : index
        %get3A_292 = tpu.vector_load %arg8[%get3A_290, %get3A_291] {strides = array<i32>} : memref<200x64xf32, #tpu.memory_space<vmem>>, vector<1x16xf32>,
        %get3A_293 = vector.shape_cast %get3A_292 : vector<1x16xf32> to vector<16xf32>
        %get3A_294 = arith.index_cast %add3A_275 : i32 to index
        %get3A_295 = arith.constant 16 : index
        %get3A_296 = tpu.vector_load %arg9[%get3A_294, %get3A_295] {strides = array<i32>} : memref<200x64xf32, #tpu.memory_space<vmem>>, vector<1x16xf32>,
        %get3A_297 = vector.shape_cast %get3A_296 : vector<1x16xf32> to vector<16xf32>
        %add3A_298 = arith.addf %get3A_293, %get3A_297 : vector<16xf32>
        %swap3A_299 = arith.index_cast %add3A_275 : i32 to index
        %swap3A_300 = arith.constant 16 : index
        %swap3A_301 = tpu.vector_load %arg8[%swap3A_299, %swap3A_300] {strides = array<i32>} : memref<200x64xf32, #tpu.memory_space<vmem>>, vector<1x16xf32>,
        %swap3A_302 = vector.shape_cast %swap3A_301 : vector<1x16xf32> to vector<16xf32>
        %swap3A_303 = vector.shape_cast %add3A_298 : vector<16xf32> to vector<1x16xf32>
        tpu.vector_store %arg8[%swap3A_299, %swap3A_300], %swap3A_303 {strides = array<i32>} : memref<200x64xf32, #tpu.memory_space<vmem>>, vector<1x16xf32>,
        %get3A_304 = arith.index_cast %add3A_275 : i32 to index
        %get3A_305 = arith.constant 32 : index
        %get3A_306 = tpu.vector_load %arg8[%get3A_304, %get3A_305] {strides = array<i32>} : memref<200x64xf32, #tpu.memory_space<vmem>>, vector<1x16xf32>,
        %get3A_307 = vector.shape_cast %get3A_306 : vector<1x16xf32> to vector<16xf32>
        %get3A_308 = arith.index_cast %add3A_275 : i32 to index
        %get3A_309 = arith.constant 32 : index
        %get3A_310 = tpu.vector_load %arg9[%get3A_308, %get3A_309] {strides = array<i32>} : memref<200x64xf32, #tpu.memory_space<vmem>>, vector<1x16xf32>,
        %get3A_311 = vector.shape_cast %get3A_310 : vector<1x16xf32> to vector<16xf32>
        %add3A_312 = arith.addf %get3A_307, %get3A_311 : vector<16xf32>
        %swap3A_313 = arith.index_cast %add3A_275 : i32 to index
        %swap3A_314 = arith.constant 32 : index
        %swap3A_315 = tpu.vector_load %arg8[%swap3A_313, %swap3A_314] {strides = array<i32>} : memref<200x64xf32, #tpu.memory_space<vmem>>, vector<1x16xf32>,
        %swap3A_316 = vector.shape_cast %swap3A_315 : vector<1x16xf32> to vector<16xf32>
        %swap3A_317 = vector.shape_cast %add3A_312 : vector<16xf32> to vector<1x16xf32>
        tpu.vector_store %arg8[%swap3A_313, %swap3A_314], %swap3A_317 {strides = array<i32>} : memref<200x64xf32, #tpu.memory_space<vmem>>, vector<1x16xf32>,
        %get3A_318 = arith.index_cast %add3A_275 : i32 to index
        %get3A_319 = arith.constant 48 : index
        %get3A_320 = tpu.vector_load %arg8[%get3A_318, %get3A_319] {strides = array<i32>} : memref<200x64xf32, #tpu.memory_space<vmem>>, vector<1x16xf32>,
        %get3A_321 = vector.shape_cast %get3A_320 : vector<1x16xf32> to vector<16xf32>
        %get3A_322 = arith.index_cast %add3A_275 : i32 to index
        %get3A_323 = arith.constant 48 : index
        %get3A_324 = tpu.vector_load %arg9[%get3A_322, %get3A_323] {strides = array<i32>} : memref<200x64xf32, #tpu.memory_space<vmem>>, vector<1x16xf32>,
        %get3A_325 = vector.shape_cast %get3A_324 : vector<1x16xf32> to vector<16xf32>
        %add3A_326 = arith.addf %get3A_321, %get3A_325 : vector<16xf32>
        %swap3A_327 = arith.index_cast %add3A_275 : i32 to index
        %swap3A_328 = arith.constant 48 : index
        %swap3A_329 = tpu.vector_load %arg8[%swap3A_327, %swap3A_328] {strides = array<i32>} : memref<200x64xf32, #tpu.memory_space<vmem>>, vector<1x16xf32>,
        %swap3A_330 = vector.shape_cast %swap3A_329 : vector<1x16xf32> to vector<16xf32>
        %swap3A_331 = vector.shape_cast %add3A_326 : vector<16xf32> to vector<1x16xf32>
        tpu.vector_store %arg8[%swap3A_327, %swap3A_328], %swap3A_331 {strides = array<i32>} : memref<200x64xf32, #tpu.memory_space<vmem>>, vector<1x16xf32>,
      }
      %scan3A_58 = arith.constant 50 : i32
      %dma_start3A_59 = arith.constant 0 : i32
      %dma_start3A_60 = tpu.memref_slice %arg5[%add3A_15, %dma_start3A_59] : memref<320000x64xf32, #tpu.memory_space<hbm>> -> memref<200x64xf32, #tpu.memory_space<hbm>>
      %dma_start3A_61 = arith.constant 0 : i32
      %dma_start3A_62 = tpu.memref_slice %arg5[%add3A_15, %dma_start3A_61] : memref<320000x64xf32, #tpu.memory_space<hbm>> -> memref<200x64xf32, #tpu.memory_space<hbm>>
      tpu.enqueue_dma source(%arg8 : memref<200x64xf32, #tpu.memory_space<vmem>>) target(%dma_start3A_62 : memref<200x64xf32, #tpu.memory_space<hbm>>) target_semaphore(%arg16 : memref<!tpu.dma_semaphore, #tpu.memory_space<semaphore_mem>>)
      %dma_wait3A_63 = arith.constant 0 : i32
      %dma_wait3A_64 = tpu.memref_slice %arg6[%add3A_12, %dma_wait3A_63] : memref<50x200xi32, #tpu.memory_space<vmem>> -> memref<1x200xi32, #tpu.memory_space<vmem>>
      %dma_wait3A_65 = tpu.memref_squeeze %dma_wait3A_64 : memref<1x200xi32, #tpu.memory_space<vmem>> -> memref<200xi32, #tpu.memory_space<vmem>>
      %dma_wait3A_66 = arith.constant 0 : i32
      %dma_wait3A_67 = arith.constant 0 : i32
      %dma_wait3A_68 = tpu.memref_slice %arg2[%dma_wait3A_66, %dma_wait3A_67] : memref<20000x64xf32, #tpu.memory_space<hbm>> -> memref<20000x64xf32, #tpu.memory_space<hbm>>
      tpu.wait_indirect_dma semaphore(%arg14 : memref<!tpu.dma_semaphore, #tpu.memory_space<semaphore_mem>>) src(%dma_wait3A_68 : memref<20000x64xf32, #tpu.memory_space<hbm>>) dst(%arg10 : memref<200x64xf32, #tpu.memory_space<vmem>>)
      %dma_wait3A_69 = arith.constant 0 : i32
      %dma_wait3A_70 = tpu.memref_slice %arg7[%add3A_12, %dma_wait3A_69] : memref<50x200xi32, #tpu.memory_space<vmem>> -> memref<1x200xi32, #tpu.memory_space<vmem>>
      %dma_wait3A_71 = tpu.memref_squeeze %dma_wait3A_70 : memref<1x200xi32, #tpu.memory_space<vmem>> -> memref<200xi32, #tpu.memory_space<vmem>>
      %dma_wait3A_72 = arith.constant 0 : i32
      %dma_wait3A_73 = arith.constant 0 : i32
      %dma_wait3A_74 = tpu.memref_slice %arg2[%dma_wait3A_72, %dma_wait3A_73] : memref<20000x64xf32, #tpu.memory_space<hbm>> -> memref<20000x64xf32, #tpu.memory_space<hbm>>
      tpu.wait_indirect_dma semaphore(%arg15 : memref<!tpu.dma_semaphore, #tpu.memory_space<semaphore_mem>>) src(%dma_wait3A_74 : memref<20000x64xf32, #tpu.memory_space<hbm>>) dst(%arg11 : memref<200x64xf32, #tpu.memory_space<vmem>>)
      %scan3A_75 = arith.constant 0 : i32
      %scan3A_76 = arith.constant 0 : i32
      %scan3A_77 = arith.constant 50 : i32
      %scan3A_78 = arith.addi %scan3A_76, %scan3A_77 : i32
      %scan3A_79 = arith.constant 1 : i32
      scf.for %scan3A_93 = %scan3A_76 to %scan3A_78 step %scan3A_79  : i32 {
        %mul3A_94 = arith.constant 4 : i32
        %mul3A_95 = arith.muli %scan3A_93, %mul3A_94 : i32
        %add3A_96 = arith.constant 0 : i32
        %add3A_97 = arith.addi %mul3A_95, %add3A_96 : i32
        %get3A = arith.index_cast %add3A_97 : i32 to index
        %get3A_98 = arith.constant 0 : index
        %get3A_99 = tpu.vector_load %arg10[%get3A, %get3A_98] {strides = array<i32>} : memref<200x64xf32, #tpu.memory_space<vmem>>, vector<1x16xf32>,
        %get3A_100 = vector.shape_cast %get3A_99 : vector<1x16xf32> to vector<16xf32>
        %get3A_101 = arith.index_cast %add3A_97 : i32 to index
        %get3A_102 = arith.constant 0 : index
        %get3A_103 = tpu.vector_load %arg11[%get3A_101, %get3A_102] {strides = array<i32>} : memref<200x64xf32, #tpu.memory_space<vmem>>, vector<1x16xf32>,
        %get3A_104 = vector.shape_cast %get3A_103 : vector<1x16xf32> to vector<16xf32>
        %add3A_105 = arith.addf %get3A_100, %get3A_104 : vector<16xf32>
        %swap3A = arith.index_cast %add3A_97 : i32 to index
        %swap3A_106 = arith.constant 0 : index
        %swap3A_107 = tpu.vector_load %arg10[%swap3A, %swap3A_106] {strides = array<i32>} : memref<200x64xf32, #tpu.memory_space<vmem>>, vector<1x16xf32>,
        %swap3A_108 = vector.shape_cast %swap3A_107 : vector<1x16xf32> to vector<16xf32>
        %swap3A_109 = vector.shape_cast %add3A_105 : vector<16xf32> to vector<1x16xf32>
        tpu.vector_store %arg10[%swap3A, %swap3A_106], %swap3A_109 {strides = array<i32>} : memref<200x64xf32, #tpu.memory_space<vmem>>, vector<1x16xf32>,
        %get3A_110 = arith.index_cast %add3A_97 : i32 to index
        %get3A_111 = arith.constant 16 : index
        %get3A_112 = tpu.vector_load %arg10[%get3A_110, %get3A_111] {strides = array<i32>} : memref<200x64xf32, #tpu.memory_space<vmem>>, vector<1x16xf32>,
        %get3A_113 = vector.shape_cast %get3A_112 : vector<1x16xf32> to vector<16xf32>
        %get3A_114 = arith.index_cast %add3A_97 : i32 to index
        %get3A_115 = arith.constant 16 : index
        %get3A_116 = tpu.vector_load %arg11[%get3A_114, %get3A_115] {strides = array<i32>} : memref<200x64xf32, #tpu.memory_space<vmem>>, vector<1x16xf32>,
        %get3A_117 = vector.shape_cast %get3A_116 : vector<1x16xf32> to vector<16xf32>
        %add3A_118 = arith.addf %get3A_113, %get3A_117 : vector<16xf32>
        %swap3A_119 = arith.index_cast %add3A_97 : i32 to index
        %swap3A_120 = arith.constant 16 : index
        %swap3A_121 = tpu.vector_load %arg10[%swap3A_119, %swap3A_120] {strides = array<i32>} : memref<200x64xf32, #tpu.memory_space<vmem>>, vector<1x16xf32>,
        %swap3A_122 = vector.shape_cast %swap3A_121 : vector<1x16xf32> to vector<16xf32>
        %swap3A_123 = vector.shape_cast %add3A_118 : vector<16xf32> to vector<1x16xf32>
        tpu.vector_store %arg10[%swap3A_119, %swap3A_120], %swap3A_123 {strides = array<i32>} : memref<200x64xf32, #tpu.memory_space<vmem>>, vector<1x16xf32>,
        %get3A_124 = arith.index_cast %add3A_97 : i32 to index
        %get3A_125 = arith.constant 32 : index
        %get3A_126 = tpu.vector_load %arg10[%get3A_124, %get3A_125] {strides = array<i32>} : memref<200x64xf32, #tpu.memory_space<vmem>>, vector<1x16xf32>,
        %get3A_127 = vector.shape_cast %get3A_126 : vector<1x16xf32> to vector<16xf32>
        %get3A_128 = arith.index_cast %add3A_97 : i32 to index
        %get3A_129 = arith.constant 32 : index
        %get3A_130 = tpu.vector_load %arg11[%get3A_128, %get3A_129] {strides = array<i32>} : memref<200x64xf32, #tpu.memory_space<vmem>>, vector<1x16xf32>,
        %get3A_131 = vector.shape_cast %get3A_130 : vector<1x16xf32> to vector<16xf32>
        %add3A_132 = arith.addf %get3A_127, %get3A_131 : vector<16xf32>
        %swap3A_133 = arith.index_cast %add3A_97 : i32 to index
        %swap3A_134 = arith.constant 32 : index
        %swap3A_135 = tpu.vector_load %arg10[%swap3A_133, %swap3A_134] {strides = array<i32>} : memref<200x64xf32, #tpu.memory_space<vmem>>, vector<1x16xf32>,
        %swap3A_136 = vector.shape_cast %swap3A_135 : vector<1x16xf32> to vector<16xf32>
        %swap3A_137 = vector.shape_cast %add3A_132 : vector<16xf32> to vector<1x16xf32>
        tpu.vector_store %arg10[%swap3A_133, %swap3A_134], %swap3A_137 {strides = array<i32>} : memref<200x64xf32, #tpu.memory_space<vmem>>, vector<1x16xf32>,
        %get3A_138 = arith.index_cast %add3A_97 : i32 to index
        %get3A_139 = arith.constant 48 : index
        %get3A_140 = tpu.vector_load %arg10[%get3A_138, %get3A_139] {strides = array<i32>} : memref<200x64xf32, #tpu.memory_space<vmem>>, vector<1x16xf32>,
        %get3A_141 = vector.shape_cast %get3A_140 : vector<1x16xf32> to vector<16xf32>
        %get3A_142 = arith.index_cast %add3A_97 : i32 to index
        %get3A_143 = arith.constant 48 : index
        %get3A_144 = tpu.vector_load %arg11[%get3A_142, %get3A_143] {strides = array<i32>} : memref<200x64xf32, #tpu.memory_space<vmem>>, vector<1x16xf32>,
        %get3A_145 = vector.shape_cast %get3A_144 : vector<1x16xf32> to vector<16xf32>
        %add3A_146 = arith.addf %get3A_141, %get3A_145 : vector<16xf32>
        %swap3A_147 = arith.index_cast %add3A_97 : i32 to index
        %swap3A_148 = arith.constant 48 : index
        %swap3A_149 = tpu.vector_load %arg10[%swap3A_147, %swap3A_148] {strides = array<i32>} : memref<200x64xf32, #tpu.memory_space<vmem>>, vector<1x16xf32>,
        %swap3A_150 = vector.shape_cast %swap3A_149 : vector<1x16xf32> to vector<16xf32>
        %swap3A_151 = vector.shape_cast %add3A_146 : vector<16xf32> to vector<1x16xf32>
        tpu.vector_store %arg10[%swap3A_147, %swap3A_148], %swap3A_151 {strides = array<i32>} : memref<200x64xf32, #tpu.memory_space<vmem>>, vector<1x16xf32>,
        %mul3A_152 = arith.constant 4 : i32
        %mul3A_153 = arith.muli %scan3A_93, %mul3A_152 : i32
        %add3A_154 = arith.constant 1 : i32
        %add3A_155 = arith.addi %mul3A_153, %add3A_154 : i32
        %get3A_156 = arith.index_cast %add3A_155 : i32 to index
        %get3A_157 = arith.constant 0 : index
        %get3A_158 = tpu.vector_load %arg10[%get3A_156, %get3A_157] {strides = array<i32>} : memref<200x64xf32, #tpu.memory_space<vmem>>, vector<1x16xf32>,
        %get3A_159 = vector.shape_cast %get3A_158 : vector<1x16xf32> to vector<16xf32>
        %get3A_160 = arith.index_cast %add3A_155 : i32 to index
        %get3A_161 = arith.constant 0 : index
        %get3A_162 = tpu.vector_load %arg11[%get3A_160, %get3A_161] {strides = array<i32>} : memref<200x64xf32, #tpu.memory_space<vmem>>, vector<1x16xf32>,
        %get3A_163 = vector.shape_cast %get3A_162 : vector<1x16xf32> to vector<16xf32>
        %add3A_164 = arith.addf %get3A_159, %get3A_163 : vector<16xf32>
        %swap3A_165 = arith.index_cast %add3A_155 : i32 to index
        %swap3A_166 = arith.constant 0 : index
        %swap3A_167 = tpu.vector_load %arg10[%swap3A_165, %swap3A_166] {strides = array<i32>} : memref<200x64xf32, #tpu.memory_space<vmem>>, vector<1x16xf32>,
        %swap3A_168 = vector.shape_cast %swap3A_167 : vector<1x16xf32> to vector<16xf32>
        %swap3A_169 = vector.shape_cast %add3A_164 : vector<16xf32> to vector<1x16xf32>
        tpu.vector_store %arg10[%swap3A_165, %swap3A_166], %swap3A_169 {strides = array<i32>} : memref<200x64xf32, #tpu.memory_space<vmem>>, vector<1x16xf32>,
        %get3A_170 = arith.index_cast %add3A_155 : i32 to index
        %get3A_171 = arith.constant 16 : index
        %get3A_172 = tpu.vector_load %arg10[%get3A_170, %get3A_171] {strides = array<i32>} : memref<200x64xf32, #tpu.memory_space<vmem>>, vector<1x16xf32>,
        %get3A_173 = vector.shape_cast %get3A_172 : vector<1x16xf32> to vector<16xf32>
        %get3A_174 = arith.index_cast %add3A_155 : i32 to index
        %get3A_175 = arith.constant 16 : index
        %get3A_176 = tpu.vector_load %arg11[%get3A_174, %get3A_175] {strides = array<i32>} : memref<200x64xf32, #tpu.memory_space<vmem>>, vector<1x16xf32>,
        %get3A_177 = vector.shape_cast %get3A_176 : vector<1x16xf32> to vector<16xf32>
        %add3A_178 = arith.addf %get3A_173, %get3A_177 : vector<16xf32>
        %swap3A_179 = arith.index_cast %add3A_155 : i32 to index
        %swap3A_180 = arith.constant 16 : index
        %swap3A_181 = tpu.vector_load %arg10[%swap3A_179, %swap3A_180] {strides = array<i32>} : memref<200x64xf32, #tpu.memory_space<vmem>>, vector<1x16xf32>,
        %swap3A_182 = vector.shape_cast %swap3A_181 : vector<1x16xf32> to vector<16xf32>
        %swap3A_183 = vector.shape_cast %add3A_178 : vector<16xf32> to vector<1x16xf32>
        tpu.vector_store %arg10[%swap3A_179, %swap3A_180], %swap3A_183 {strides = array<i32>} : memref<200x64xf32, #tpu.memory_space<vmem>>, vector<1x16xf32>,
        %get3A_184 = arith.index_cast %add3A_155 : i32 to index
        %get3A_185 = arith.constant 32 : index
        %get3A_186 = tpu.vector_load %arg10[%get3A_184, %get3A_185] {strides = array<i32>} : memref<200x64xf32, #tpu.memory_space<vmem>>, vector<1x16xf32>,
        %get3A_187 = vector.shape_cast %get3A_186 : vector<1x16xf32> to vector<16xf32>
        %get3A_188 = arith.index_cast %add3A_155 : i32 to index
        %get3A_189 = arith.constant 32 : index
        %get3A_190 = tpu.vector_load %arg11[%get3A_188, %get3A_189] {strides = array<i32>} : memref<200x64xf32, #tpu.memory_space<vmem>>, vector<1x16xf32>,
        %get3A_191 = vector.shape_cast %get3A_190 : vector<1x16xf32> to vector<16xf32>
        %add3A_192 = arith.addf %get3A_187, %get3A_191 : vector<16xf32>
        %swap3A_193 = arith.index_cast %add3A_155 : i32 to index
        %swap3A_194 = arith.constant 32 : index
        %swap3A_195 = tpu.vector_load %arg10[%swap3A_193, %swap3A_194] {strides = array<i32>} : memref<200x64xf32, #tpu.memory_space<vmem>>, vector<1x16xf32>,
        %swap3A_196 = vector.shape_cast %swap3A_195 : vector<1x16xf32> to vector<16xf32>
        %swap3A_197 = vector.shape_cast %add3A_192 : vector<16xf32> to vector<1x16xf32>
        tpu.vector_store %arg10[%swap3A_193, %swap3A_194], %swap3A_197 {strides = array<i32>} : memref<200x64xf32, #tpu.memory_space<vmem>>, vector<1x16xf32>,
        %get3A_198 = arith.index_cast %add3A_155 : i32 to index
        %get3A_199 = arith.constant 48 : index
        %get3A_200 = tpu.vector_load %arg10[%get3A_198, %get3A_199] {strides = array<i32>} : memref<200x64xf32, #tpu.memory_space<vmem>>, vector<1x16xf32>,
        %get3A_201 = vector.shape_cast %get3A_200 : vector<1x16xf32> to vector<16xf32>
        %get3A_202 = arith.index_cast %add3A_155 : i32 to index
        %get3A_203 = arith.constant 48 : index
        %get3A_204 = tpu.vector_load %arg11[%get3A_202, %get3A_203] {strides = array<i32>} : memref<200x64xf32, #tpu.memory_space<vmem>>, vector<1x16xf32>,
        %get3A_205 = vector.shape_cast %get3A_204 : vector<1x16xf32> to vector<16xf32>
        %add3A_206 = arith.addf %get3A_201, %get3A_205 : vector<16xf32>
        %swap3A_207 = arith.index_cast %add3A_155 : i32 to index
        %swap3A_208 = arith.constant 48 : index
        %swap3A_209 = tpu.vector_load %arg10[%swap3A_207, %swap3A_208] {strides = array<i32>} : memref<200x64xf32, #tpu.memory_space<vmem>>, vector<1x16xf32>,
        %swap3A_210 = vector.shape_cast %swap3A_209 : vector<1x16xf32> to vector<16xf32>
        %swap3A_211 = vector.shape_cast %add3A_206 : vector<16xf32> to vector<1x16xf32>
        tpu.vector_store %arg10[%swap3A_207, %swap3A_208], %swap3A_211 {strides = array<i32>} : memref<200x64xf32, #tpu.memory_space<vmem>>, vector<1x16xf32>,
        %mul3A_212 = arith.constant 4 : i32
        %mul3A_213 = arith.muli %scan3A_93, %mul3A_212 : i32
        %add3A_214 = arith.constant 2 : i32
        %add3A_215 = arith.addi %mul3A_213, %add3A_214 : i32
        %get3A_216 = arith.index_cast %add3A_215 : i32 to index
        %get3A_217 = arith.constant 0 : index
        %get3A_218 = tpu.vector_load %arg10[%get3A_216, %get3A_217] {strides = array<i32>} : memref<200x64xf32, #tpu.memory_space<vmem>>, vector<1x16xf32>,
        %get3A_219 = vector.shape_cast %get3A_218 : vector<1x16xf32> to vector<16xf32>
        %get3A_220 = arith.index_cast %add3A_215 : i32 to index
        %get3A_221 = arith.constant 0 : index
        %get3A_222 = tpu.vector_load %arg11[%get3A_220, %get3A_221] {strides = array<i32>} : memref<200x64xf32, #tpu.memory_space<vmem>>, vector<1x16xf32>,
        %get3A_223 = vector.shape_cast %get3A_222 : vector<1x16xf32> to vector<16xf32>
        %add3A_224 = arith.addf %get3A_219, %get3A_223 : vector<16xf32>
        %swap3A_225 = arith.index_cast %add3A_215 : i32 to index
        %swap3A_226 = arith.constant 0 : index
        %swap3A_227 = tpu.vector_load %arg10[%swap3A_225, %swap3A_226] {strides = array<i32>} : memref<200x64xf32, #tpu.memory_space<vmem>>, vector<1x16xf32>,
        %swap3A_228 = vector.shape_cast %swap3A_227 : vector<1x16xf32> to vector<16xf32>
        %swap3A_229 = vector.shape_cast %add3A_224 : vector<16xf32> to vector<1x16xf32>
        tpu.vector_store %arg10[%swap3A_225, %swap3A_226], %swap3A_229 {strides = array<i32>} : memref<200x64xf32, #tpu.memory_space<vmem>>, vector<1x16xf32>,
        %get3A_230 = arith.index_cast %add3A_215 : i32 to index
        %get3A_231 = arith.constant 16 : index
        %get3A_232 = tpu.vector_load %arg10[%get3A_230, %get3A_231] {strides = array<i32>} : memref<200x64xf32, #tpu.memory_space<vmem>>, vector<1x16xf32>,
        %get3A_233 = vector.shape_cast %get3A_232 : vector<1x16xf32> to vector<16xf32>
        %get3A_234 = arith.index_cast %add3A_215 : i32 to index
        %get3A_235 = arith.constant 16 : index
        %get3A_236 = tpu.vector_load %arg11[%get3A_234, %get3A_235] {strides = array<i32>} : memref<200x64xf32, #tpu.memory_space<vmem>>, vector<1x16xf32>,
        %get3A_237 = vector.shape_cast %get3A_236 : vector<1x16xf32> to vector<16xf32>
        %add3A_238 = arith.addf %get3A_233, %get3A_237 : vector<16xf32>
        %swap3A_239 = arith.index_cast %add3A_215 : i32 to index
        %swap3A_240 = arith.constant 16 : index
        %swap3A_241 = tpu.vector_load %arg10[%swap3A_239, %swap3A_240] {strides = array<i32>} : memref<200x64xf32, #tpu.memory_space<vmem>>, vector<1x16xf32>,
        %swap3A_242 = vector.shape_cast %swap3A_241 : vector<1x16xf32> to vector<16xf32>
        %swap3A_243 = vector.shape_cast %add3A_238 : vector<16xf32> to vector<1x16xf32>
        tpu.vector_store %arg10[%swap3A_239, %swap3A_240], %swap3A_243 {strides = array<i32>} : memref<200x64xf32, #tpu.memory_space<vmem>>, vector<1x16xf32>,
        %get3A_244 = arith.index_cast %add3A_215 : i32 to index
        %get3A_245 = arith.constant 32 : index
        %get3A_246 = tpu.vector_load %arg10[%get3A_244, %get3A_245] {strides = array<i32>} : memref<200x64xf32, #tpu.memory_space<vmem>>, vector<1x16xf32>,
        %get3A_247 = vector.shape_cast %get3A_246 : vector<1x16xf32> to vector<16xf32>
        %get3A_248 = arith.index_cast %add3A_215 : i32 to index
        %get3A_249 = arith.constant 32 : index
        %get3A_250 = tpu.vector_load %arg11[%get3A_248, %get3A_249] {strides = array<i32>} : memref<200x64xf32, #tpu.memory_space<vmem>>, vector<1x16xf32>,
        %get3A_251 = vector.shape_cast %get3A_250 : vector<1x16xf32> to vector<16xf32>
        %add3A_252 = arith.addf %get3A_247, %get3A_251 : vector<16xf32>
        %swap3A_253 = arith.index_cast %add3A_215 : i32 to index
        %swap3A_254 = arith.constant 32 : index
        %swap3A_255 = tpu.vector_load %arg10[%swap3A_253, %swap3A_254] {strides = array<i32>} : memref<200x64xf32, #tpu.memory_space<vmem>>, vector<1x16xf32>,
        %swap3A_256 = vector.shape_cast %swap3A_255 : vector<1x16xf32> to vector<16xf32>
        %swap3A_257 = vector.shape_cast %add3A_252 : vector<16xf32> to vector<1x16xf32>
        tpu.vector_store %arg10[%swap3A_253, %swap3A_254], %swap3A_257 {strides = array<i32>} : memref<200x64xf32, #tpu.memory_space<vmem>>, vector<1x16xf32>,
        %get3A_258 = arith.index_cast %add3A_215 : i32 to index
        %get3A_259 = arith.constant 48 : index
        %get3A_260 = tpu.vector_load %arg10[%get3A_258, %get3A_259] {strides = array<i32>} : memref<200x64xf32, #tpu.memory_space<vmem>>, vector<1x16xf32>,
        %get3A_261 = vector.shape_cast %get3A_260 : vector<1x16xf32> to vector<16xf32>
        %get3A_262 = arith.index_cast %add3A_215 : i32 to index
        %get3A_263 = arith.constant 48 : index
        %get3A_264 = tpu.vector_load %arg11[%get3A_262, %get3A_263] {strides = array<i32>} : memref<200x64xf32, #tpu.memory_space<vmem>>, vector<1x16xf32>,
        %get3A_265 = vector.shape_cast %get3A_264 : vector<1x16xf32> to vector<16xf32>
        %add3A_266 = arith.addf %get3A_261, %get3A_265 : vector<16xf32>
        %swap3A_267 = arith.index_cast %add3A_215 : i32 to index
        %swap3A_268 = arith.constant 48 : index
        %swap3A_269 = tpu.vector_load %arg10[%swap3A_267, %swap3A_268] {strides = array<i32>} : memref<200x64xf32, #tpu.memory_space<vmem>>, vector<1x16xf32>,
        %swap3A_270 = vector.shape_cast %swap3A_269 : vector<1x16xf32> to vector<16xf32>
        %swap3A_271 = vector.shape_cast %add3A_266 : vector<16xf32> to vector<1x16xf32>
        tpu.vector_store %arg10[%swap3A_267, %swap3A_268], %swap3A_271 {strides = array<i32>} : memref<200x64xf32, #tpu.memory_space<vmem>>, vector<1x16xf32>,
        %mul3A_272 = arith.constant 4 : i32
        %mul3A_273 = arith.muli %scan3A_93, %mul3A_272 : i32
        %add3A_274 = arith.constant 3 : i32
        %add3A_275 = arith.addi %mul3A_273, %add3A_274 : i32
        %get3A_276 = arith.index_cast %add3A_275 : i32 to index
        %get3A_277 = arith.constant 0 : index
        %get3A_278 = tpu.vector_load %arg10[%get3A_276, %get3A_277] {strides = array<i32>} : memref<200x64xf32, #tpu.memory_space<vmem>>, vector<1x16xf32>,
        %get3A_279 = vector.shape_cast %get3A_278 : vector<1x16xf32> to vector<16xf32>
        %get3A_280 = arith.index_cast %add3A_275 : i32 to index
        %get3A_281 = arith.constant 0 : index
        %get3A_282 = tpu.vector_load %arg11[%get3A_280, %get3A_281] {strides = array<i32>} : memref<200x64xf32, #tpu.memory_space<vmem>>, vector<1x16xf32>,
        %get3A_283 = vector.shape_cast %get3A_282 : vector<1x16xf32> to vector<16xf32>
        %add3A_284 = arith.addf %get3A_279, %get3A_283 : vector<16xf32>
        %swap3A_285 = arith.index_cast %add3A_275 : i32 to index
        %swap3A_286 = arith.constant 0 : index
        %swap3A_287 = tpu.vector_load %arg10[%swap3A_285, %swap3A_286] {strides = array<i32>} : memref<200x64xf32, #tpu.memory_space<vmem>>, vector<1x16xf32>,
        %swap3A_288 = vector.shape_cast %swap3A_287 : vector<1x16xf32> to vector<16xf32>
        %swap3A_289 = vector.shape_cast %add3A_284 : vector<16xf32> to vector<1x16xf32>
        tpu.vector_store %arg10[%swap3A_285, %swap3A_286], %swap3A_289 {strides = array<i32>} : memref<200x64xf32, #tpu.memory_space<vmem>>, vector<1x16xf32>,
        %get3A_290 = arith.index_cast %add3A_275 : i32 to index
        %get3A_291 = arith.constant 16 : index
        %get3A_292 = tpu.vector_load %arg10[%get3A_290, %get3A_291] {strides = array<i32>} : memref<200x64xf32, #tpu.memory_space<vmem>>, vector<1x16xf32>,
        %get3A_293 = vector.shape_cast %get3A_292 : vector<1x16xf32> to vector<16xf32>
        %get3A_294 = arith.index_cast %add3A_275 : i32 to index
        %get3A_295 = arith.constant 16 : index
        %get3A_296 = tpu.vector_load %arg11[%get3A_294, %get3A_295] {strides = array<i32>} : memref<200x64xf32, #tpu.memory_space<vmem>>, vector<1x16xf32>,
        %get3A_297 = vector.shape_cast %get3A_296 : vector<1x16xf32> to vector<16xf32>
        %add3A_298 = arith.addf %get3A_293, %get3A_297 : vector<16xf32>
        %swap3A_299 = arith.index_cast %add3A_275 : i32 to index
        %swap3A_300 = arith.constant 16 : index
        %swap3A_301 = tpu.vector_load %arg10[%swap3A_299, %swap3A_300] {strides = array<i32>} : memref<200x64xf32, #tpu.memory_space<vmem>>, vector<1x16xf32>,
        %swap3A_302 = vector.shape_cast %swap3A_301 : vector<1x16xf32> to vector<16xf32>
        %swap3A_303 = vector.shape_cast %add3A_298 : vector<16xf32> to vector<1x16xf32>
        tpu.vector_store %arg10[%swap3A_299, %swap3A_300], %swap3A_303 {strides = array<i32>} : memref<200x64xf32, #tpu.memory_space<vmem>>, vector<1x16xf32>,
        %get3A_304 = arith.index_cast %add3A_275 : i32 to index
        %get3A_305 = arith.constant 32 : index
        %get3A_306 = tpu.vector_load %arg10[%get3A_304, %get3A_305] {strides = array<i32>} : memref<200x64xf32, #tpu.memory_space<vmem>>, vector<1x16xf32>,
        %get3A_307 = vector.shape_cast %get3A_306 : vector<1x16xf32> to vector<16xf32>
        %get3A_308 = arith.index_cast %add3A_275 : i32 to index
        %get3A_309 = arith.constant 32 : index
        %get3A_310 = tpu.vector_load %arg11[%get3A_308, %get3A_309] {strides = array<i32>} : memref<200x64xf32, #tpu.memory_space<vmem>>, vector<1x16xf32>,
        %get3A_311 = vector.shape_cast %get3A_310 : vector<1x16xf32> to vector<16xf32>
        %add3A_312 = arith.addf %get3A_307, %get3A_311 : vector<16xf32>
        %swap3A_313 = arith.index_cast %add3A_275 : i32 to index
        %swap3A_314 = arith.constant 32 : index
        %swap3A_315 = tpu.vector_load %arg10[%swap3A_313, %swap3A_314] {strides = array<i32>} : memref<200x64xf32, #tpu.memory_space<vmem>>, vector<1x16xf32>,
        %swap3A_316 = vector.shape_cast %swap3A_315 : vector<1x16xf32> to vector<16xf32>
        %swap3A_317 = vector.shape_cast %add3A_312 : vector<16xf32> to vector<1x16xf32>
        tpu.vector_store %arg10[%swap3A_313, %swap3A_314], %swap3A_317 {strides = array<i32>} : memref<200x64xf32, #tpu.memory_space<vmem>>, vector<1x16xf32>,
        %get3A_318 = arith.index_cast %add3A_275 : i32 to index
        %get3A_319 = arith.constant 48 : index
        %get3A_320 = tpu.vector_load %arg10[%get3A_318, %get3A_319] {strides = array<i32>} : memref<200x64xf32, #tpu.memory_space<vmem>>, vector<1x16xf32>,
        %get3A_321 = vector.shape_cast %get3A_320 : vector<1x16xf32> to vector<16xf32>
        %get3A_322 = arith.index_cast %add3A_275 : i32 to index
        %get3A_323 = arith.constant 48 : index
        %get3A_324 = tpu.vector_load %arg11[%get3A_322, %get3A_323] {strides = array<i32>} : memref<200x64xf32, #tpu.memory_space<vmem>>, vector<1x16xf32>,
        %get3A_325 = vector.shape_cast %get3A_324 : vector<1x16xf32> to vector<16xf32>
        %add3A_326 = arith.addf %get3A_321, %get3A_325 : vector<16xf32>
        %swap3A_327 = arith.index_cast %add3A_275 : i32 to index
        %swap3A_328 = arith.constant 48 : index
        %swap3A_329 = tpu.vector_load %arg10[%swap3A_327, %swap3A_328] {strides = array<i32>} : memref<200x64xf32, #tpu.memory_space<vmem>>, vector<1x16xf32>,
        %swap3A_330 = vector.shape_cast %swap3A_329 : vector<1x16xf32> to vector<16xf32>
        %swap3A_331 = vector.shape_cast %add3A_326 : vector<16xf32> to vector<1x16xf32>
        tpu.vector_store %arg10[%swap3A_327, %swap3A_328], %swap3A_331 {strides = array<i32>} : memref<200x64xf32, #tpu.memory_space<vmem>>, vector<1x16xf32>,
      }
      %scan3A_80 = arith.constant 50 : i32
      %dma_start3A_81 = arith.constant 0 : i32
      %dma_start3A_82 = tpu.memref_slice %arg5[%add3A_18, %dma_start3A_81] : memref<320000x64xf32, #tpu.memory_space<hbm>> -> memref<200x64xf32, #tpu.memory_space<hbm>>
      %dma_start3A_83 = arith.constant 0 : i32
      %dma_start3A_84 = tpu.memref_slice %arg5[%add3A_18, %dma_start3A_83] : memref<320000x64xf32, #tpu.memory_space<hbm>> -> memref<200x64xf32, #tpu.memory_space<hbm>>
      tpu.enqueue_dma source(%arg10 : memref<200x64xf32, #tpu.memory_space<vmem>>) target(%dma_start3A_84 : memref<200x64xf32, #tpu.memory_space<hbm>>) target_semaphore(%arg17 : memref<!tpu.dma_semaphore, #tpu.memory_space<semaphore_mem>>)
      %dma_wait3A_85 = arith.constant 0 : i32
      %dma_wait3A_86 = tpu.memref_slice %arg5[%add3A_15, %dma_wait3A_85] : memref<320000x64xf32, #tpu.memory_space<hbm>> -> memref<200x64xf32, #tpu.memory_space<hbm>>
      %dma_wait3A_87 = arith.constant 0 : i32
      %dma_wait3A_88 = tpu.memref_slice %arg5[%add3A_15, %dma_wait3A_87] : memref<320000x64xf32, #tpu.memory_space<hbm>> -> memref<200x64xf32, #tpu.memory_space<hbm>>
      tpu.wait_dma2 semaphore(%arg16 : memref<!tpu.dma_semaphore, #tpu.memory_space<semaphore_mem>>) src(%arg8 : memref<200x64xf32, #tpu.memory_space<vmem>>) dst(%dma_wait3A_88 : memref<200x64xf32, #tpu.memory_space<hbm>>)
      %dma_wait3A_89 = arith.constant 0 : i32
      %dma_wait3A_90 = tpu.memref_slice %arg5[%add3A_18, %dma_wait3A_89] : memref<320000x64xf32, #tpu.memory_space<hbm>> -> memref<200x64xf32, #tpu.memory_space<hbm>>
      %dma_wait3A_91 = arith.constant 0 : i32
      %dma_wait3A_92 = tpu.memref_slice %arg5[%add3A_18, %dma_wait3A_91] : memref<320000x64xf32, #tpu.memory_space<hbm>> -> memref<200x64xf32, #tpu.memory_space<hbm>>
      tpu.wait_dma2 semaphore(%arg17 : memref<!tpu.dma_semaphore, #tpu.memory_space<semaphore_mem>>) src(%arg10 : memref<200x64xf32, #tpu.memory_space<vmem>>) dst(%dma_wait3A_92 : memref<200x64xf32, #tpu.memory_space<hbm>>)
    }
    %scan3A_7 = arith.constant 25 : i32
    return
  }
}

#map = affine_map<(d0, d1) -> (0, 0)>
#map1 = affine_map<(d0, d1) -> (0, 0, 0)>
module attributes {stable_mosaic.version = 14 : i64} {
  func.func @_sc_gather(%arg0: i32, %arg1: i32, %arg2: memref<20000x64xf32, #tpu.memory_space<hbm>>, %arg3: memref<32x50x200xi32, #tpu.memory_space<hbm>>, %arg4: memref<32x50x200xi32, #tpu.memory_space<hbm>>, %arg5: memref<320000x64xf32, #tpu.memory_space<hbm>>, %arg6: memref<50x200xi32, #tpu.memory_space<vmem>>, %arg7: memref<50x200xi32, #tpu.memory_space<vmem>>, %arg8: memref<200x64xf32, #tpu.memory_space<vmem>>, %arg9: memref<200x64xf32, #tpu.memory_space<vmem>>, %arg10: memref<200x64xf32, #tpu.memory_space<vmem>>, %arg11: memref<200x64xf32, #tpu.memory_space<vmem>>, %arg12: memref<!tpu.dma_semaphore, #tpu.memory_space<semaphore_mem>>, %arg13: memref<!tpu.dma_semaphore, #tpu.memory_space<semaphore_mem>>, %arg14: memref<!tpu.dma_semaphore, #tpu.memory_space<semaphore_mem>>, %arg15: memref<!tpu.dma_semaphore, #tpu.memory_space<semaphore_mem>>, %arg16: memref<!tpu.dma_semaphore, #tpu.memory_space<semaphore_mem>>, %arg17: memref<!tpu.dma_semaphore, #tpu.memory_space<semaphore_mem>>) attributes {dimension_semantics = [#tpu.dimension_semantics<core_parallel>, #tpu.dimension_semantics<subcore_parallel>], iteration_bounds = array<i64: 2, 16>, scalar_prefetch = 0 : i64, scratch_operands = 12 : i64, tpu.core_type = #tpu.core_type<sc_vector_subcore>, window_params = [{transform_indices = #map}, {transform_indices = #map1}, {transform_indices = #map1}, {transform_indices = #map}]} {
    %mul3A = arith.constant 2 : i32
    %mul3A_0 = arith.muli %arg1, %mul3A : i32
    %add3A = arith.addi %mul3A_0, %arg0 : i32
    "tpu.region"() ({
      %run_scoped3A = tpu.sem_alloc : memref<!tpu.dma_semaphore, #tpu.memory_space<semaphore_mem>>
      %dma_start3A = arith.constant 0 : i32
      %dma_start3A_8 = arith.constant 0 : i32
      %dma_start3A_9 = tpu.memref_slice %arg3[%add3A, %dma_start3A, %dma_start3A_8] : memref<32x50x200xi32, #tpu.memory_space<hbm>> -> memref<1x50x200xi32, #tpu.memory_space<hbm>>
      %dma_start3A_10 = tpu.memref_squeeze %dma_start3A_9 : memref<1x50x200xi32, #tpu.memory_space<hbm>> -> memref<50x200xi32, #tpu.memory_space<hbm>>
      %dma_start3A_11 = arith.constant 0 : i32
      %dma_start3A_12 = arith.constant 0 : i32
      %dma_start3A_13 = tpu.memref_slice %arg3[%add3A, %dma_start3A_11, %dma_start3A_12] : memref<32x50x200xi32, #tpu.memory_space<hbm>> -> memref<1x50x200xi32, #tpu.memory_space<hbm>>
      %dma_start3A_14 = tpu.memref_squeeze %dma_start3A_13 : memref<1x50x200xi32, #tpu.memory_space<hbm>> -> memref<50x200xi32, #tpu.memory_space<hbm>>
      tpu.enqueue_dma source(%dma_start3A_14 : memref<50x200xi32, #tpu.memory_space<hbm>>) target(%arg6 : memref<50x200xi32, #tpu.memory_space<vmem>>) target_semaphore(%run_scoped3A : memref<!tpu.dma_semaphore, #tpu.memory_space<semaphore_mem>>)
      %dma_wait3A = arith.constant 0 : i32
      %dma_wait3A_15 = arith.constant 0 : i32
      %dma_wait3A_16 = tpu.memref_slice %arg3[%add3A, %dma_wait3A, %dma_wait3A_15] : memref<32x50x200xi32, #tpu.memory_space<hbm>> -> memref<1x50x200xi32, #tpu.memory_space<hbm>>
      %dma_wait3A_17 = tpu.memref_squeeze %dma_wait3A_16 : memref<1x50x200xi32, #tpu.memory_space<hbm>> -> memref<50x200xi32, #tpu.memory_space<hbm>>
      %dma_wait3A_18 = arith.constant 0 : i32
      %dma_wait3A_19 = arith.constant 0 : i32
      %dma_wait3A_20 = tpu.memref_slice %arg3[%add3A, %dma_wait3A_18, %dma_wait3A_19] : memref<32x50x200xi32, #tpu.memory_space<hbm>> -> memref<1x50x200xi32, #tpu.memory_space<hbm>>
      %dma_wait3A_21 = tpu.memref_squeeze %dma_wait3A_20 : memref<1x50x200xi32, #tpu.memory_space<hbm>> -> memref<50x200xi32, #tpu.memory_space<hbm>>
      tpu.wait_dma2 semaphore(%run_scoped3A : memref<!tpu.dma_semaphore, #tpu.memory_space<semaphore_mem>>) src(%dma_wait3A_21 : memref<50x200xi32, #tpu.memory_space<hbm>>) dst(%arg6 : memref<50x200xi32, #tpu.memory_space<vmem>>)
      tpu.yield
    }) : () -> ()
    "tpu.region"() ({
      %run_scoped3A = tpu.sem_alloc : memref<!tpu.dma_semaphore, #tpu.memory_space<semaphore_mem>>
      %dma_start3A = arith.constant 0 : i32
      %dma_start3A_8 = arith.constant 0 : i32
      %dma_start3A_9 = tpu.memref_slice %arg4[%add3A, %dma_start3A, %dma_start3A_8] : memref<32x50x200xi32, #tpu.memory_space<hbm>> -> memref<1x50x200xi32, #tpu.memory_space<hbm>>
      %dma_start3A_10 = tpu.memref_squeeze %dma_start3A_9 : memref<1x50x200xi32, #tpu.memory_space<hbm>> -> memref<50x200xi32, #tpu.memory_space<hbm>>
      %dma_start3A_11 = arith.constant 0 : i32
      %dma_start3A_12 = arith.constant 0 : i32
      %dma_start3A_13 = tpu.memref_slice %arg4[%add3A, %dma_start3A_11, %dma_start3A_12] : memref<32x50x200xi32, #tpu.memory_space<hbm>> -> memref<1x50x200xi32, #tpu.memory_space<hbm>>
      %dma_start3A_14 = tpu.memref_squeeze %dma_start3A_13 : memref<1x50x200xi32, #tpu.memory_space<hbm>> -> memref<50x200xi32, #tpu.memory_space<hbm>>
      tpu.enqueue_dma source(%dma_start3A_14 : memref<50x200xi32, #tpu.memory_space<hbm>>) target(%arg7 : memref<50x200xi32, #tpu.memory_space<vmem>>) target_semaphore(%run_scoped3A : memref<!tpu.dma_semaphore, #tpu.memory_space<semaphore_mem>>)
      %dma_wait3A = arith.constant 0 : i32
      %dma_wait3A_15 = arith.constant 0 : i32
      %dma_wait3A_16 = tpu.memref_slice %arg4[%add3A, %dma_wait3A, %dma_wait3A_15] : memref<32x50x200xi32, #tpu.memory_space<hbm>> -> memref<1x50x200xi32, #tpu.memory_space<hbm>>
      %dma_wait3A_17 = tpu.memref_squeeze %dma_wait3A_16 : memref<1x50x200xi32, #tpu.memory_space<hbm>> -> memref<50x200xi32, #tpu.memory_space<hbm>>
      %dma_wait3A_18 = arith.constant 0 : i32
      %dma_wait3A_19 = arith.constant 0 : i32
      %dma_wait3A_20 = tpu.memref_slice %arg4[%add3A, %dma_wait3A_18, %dma_wait3A_19] : memref<32x50x200xi32, #tpu.memory_space<hbm>> -> memref<1x50x200xi32, #tpu.memory_space<hbm>>
      %dma_wait3A_21 = tpu.memref_squeeze %dma_wait3A_20 : memref<1x50x200xi32, #tpu.memory_space<hbm>> -> memref<50x200xi32, #tpu.memory_space<hbm>>
      tpu.wait_dma2 semaphore(%run_scoped3A : memref<!tpu.dma_semaphore, #tpu.memory_space<semaphore_mem>>) src(%dma_wait3A_21 : memref<50x200xi32, #tpu.memory_space<hbm>>) dst(%arg7 : memref<50x200xi32, #tpu.memory_space<vmem>>)
      tpu.yield
    }) : () -> ()
    %mul3A_1 = arith.constant 10000 : i32
    %mul3A_2 = arith.muli %add3A, %mul3A_1 : i32
    %scan3A = arith.constant 0 : i32
    %scan3A_3 = arith.constant 0 : i32
    %scan3A_4 = arith.constant 25 : i32
    %scan3A_5 = arith.addi %scan3A_3, %scan3A_4 : i32
    %scan3A_6 = arith.constant 1 : i32
    scf.for %scan3A_8 = %scan3A_3 to %scan3A_5 step %scan3A_6  : i32 {
      %mul3A_9 = arith.constant 2 : i32
      %mul3A_10 = arith.muli %mul3A_9, %scan3A_8 : i32
      %add3A_11 = arith.constant 1 : i32
      %add3A_12 = arith.addi %mul3A_10, %add3A_11 : i32
      %mul3A_13 = arith.constant 200 : i32
      %mul3A_14 = arith.muli %mul3A_10, %mul3A_13 : i32
      %add3A_15 = arith.addi %mul3A_2, %mul3A_14 : i32
      %mul3A_16 = arith.constant 200 : i32
      %mul3A_17 = arith.muli %add3A_12, %mul3A_16 : i32
      %add3A_18 = arith.addi %mul3A_2, %mul3A_17 : i32
      %dma_start3A = arith.constant 0 : i32
      %dma_start3A_19 = tpu.memref_slice %arg6[%mul3A_10, %dma_start3A] : memref<50x200xi32, #tpu.memory_space<vmem>> -> memref<1x200xi32, #tpu.memory_space<vmem>>
      %dma_start3A_20 = tpu.memref_squeeze %dma_start3A_19 : memref<1x200xi32, #tpu.memory_space<vmem>> -> memref<200xi32, #tpu.memory_space<vmem>>
      %dma_start3A_21 = arith.constant 0 : i32
      %dma_start3A_22 = arith.constant 0 : i32
      %dma_start3A_23 = tpu.memref_slice %arg2[%dma_start3A_21, %dma_start3A_22] : memref<20000x64xf32, #tpu.memory_space<hbm>> -> memref<20000x64xf32, #tpu.memory_space<hbm>>
      tpu.enqueue_indirect_dma source(%dma_start3A_23 : memref<20000x64xf32, #tpu.memory_space<hbm>>) target(%arg8 : memref<200x64xf32, #tpu.memory_space<vmem>>) offsets(%dma_start3A_20 : memref<200xi32, #tpu.memory_space<vmem>>) semaphore(%arg12 : memref<!tpu.dma_semaphore, #tpu.memory_space<semaphore_mem>>)
      %dma_start3A_24 = arith.constant 0 : i32
      %dma_start3A_25 = tpu.memref_slice %arg7[%mul3A_10, %dma_start3A_24] : memref<50x200xi32, #tpu.memory_space<vmem>> -> memref<1x200xi32, #tpu.memory_space<vmem>>
      %dma_start3A_26 = tpu.memref_squeeze %dma_start3A_25 : memref<1x200xi32, #tpu.memory_space<vmem>> -> memref<200xi32, #tpu.memory_space<vmem>>
      %dma_start3A_27 = arith.constant 0 : i32
      %dma_start3A_28 = arith.constant 0 : i32
      %dma_start3A_29 = tpu.memref_slice %arg2[%dma_start3A_27, %dma_start3A_28] : memref<20000x64xf32, #tpu.memory_space<hbm>> -> memref<20000x64xf32, #tpu.memory_space<hbm>>
      tpu.enqueue_indirect_dma source(%dma_start3A_29 : memref<20000x64xf32, #tpu.memory_space<hbm>>) target(%arg9 : memref<200x64xf32, #tpu.memory_space<vmem>>) offsets(%dma_start3A_26 : memref<200xi32, #tpu.memory_space<vmem>>) semaphore(%arg13 : memref<!tpu.dma_semaphore, #tpu.memory_space<semaphore_mem>>)
      %dma_start3A_30 = arith.constant 0 : i32
      %dma_start3A_31 = tpu.memref_slice %arg6[%add3A_12, %dma_start3A_30] : memref<50x200xi32, #tpu.memory_space<vmem>> -> memref<1x200xi32, #tpu.memory_space<vmem>>
      %dma_start3A_32 = tpu.memref_squeeze %dma_start3A_31 : memref<1x200xi32, #tpu.memory_space<vmem>> -> memref<200xi32, #tpu.memory_space<vmem>>
      %dma_start3A_33 = arith.constant 0 : i32
      %dma_start3A_34 = arith.constant 0 : i32
      %dma_start3A_35 = tpu.memref_slice %arg2[%dma_start3A_33, %dma_start3A_34] : memref<20000x64xf32, #tpu.memory_space<hbm>> -> memref<20000x64xf32, #tpu.memory_space<hbm>>
      tpu.enqueue_indirect_dma source(%dma_start3A_35 : memref<20000x64xf32, #tpu.memory_space<hbm>>) target(%arg10 : memref<200x64xf32, #tpu.memory_space<vmem>>) offsets(%dma_start3A_32 : memref<200xi32, #tpu.memory_space<vmem>>) semaphore(%arg14 : memref<!tpu.dma_semaphore, #tpu.memory_space<semaphore_mem>>)
      %dma_start3A_36 = arith.constant 0 : i32
      %dma_start3A_37 = tpu.memref_slice %arg7[%add3A_12, %dma_start3A_36] : memref<50x200xi32, #tpu.memory_space<vmem>> -> memref<1x200xi32, #tpu.memory_space<vmem>>
      %dma_start3A_38 = tpu.memref_squeeze %dma_start3A_37 : memref<1x200xi32, #tpu.memory_space<vmem>> -> memref<200xi32, #tpu.memory_space<vmem>>
      %dma_start3A_39 = arith.constant 0 : i32
      %dma_start3A_40 = arith.constant 0 : i32
      %dma_start3A_41 = tpu.memref_slice %arg2[%dma_start3A_39, %dma_start3A_40] : memref<20000x64xf32, #tpu.memory_space<hbm>> -> memref<20000x64xf32, #tpu.memory_space<hbm>>
      tpu.enqueue_indirect_dma source(%dma_start3A_41 : memref<20000x64xf32, #tpu.memory_space<hbm>>) target(%arg11 : memref<200x64xf32, #tpu.memory_space<vmem>>) offsets(%dma_start3A_38 : memref<200xi32, #tpu.memory_space<vmem>>) semaphore(%arg15 : memref<!tpu.dma_semaphore, #tpu.memory_space<semaphore_mem>>)
      %dma_wait3A = arith.constant 0 : i32
      %dma_wait3A_42 = tpu.memref_slice %arg6[%mul3A_10, %dma_wait3A] : memref<50x200xi32, #tpu.memory_space<vmem>> -> memref<1x200xi32, #tpu.memory_space<vmem>>
      %dma_wait3A_43 = tpu.memref_squeeze %dma_wait3A_42 : memref<1x200xi32, #tpu.memory_space<vmem>> -> memref<200xi32, #tpu.memory_space<vmem>>
      %dma_wait3A_44 = arith.constant 0 : i32
      %dma_wait3A_45 = arith.constant 0 : i32
      %dma_wait3A_46 = tpu.memref_slice %arg2[%dma_wait3A_44, %dma_wait3A_45] : memref<20000x64xf32, #tpu.memory_space<hbm>> -> memref<20000x64xf32, #tpu.memory_space<hbm>>
      tpu.wait_indirect_dma semaphore(%arg12 : memref<!tpu.dma_semaphore, #tpu.memory_space<semaphore_mem>>) src(%dma_wait3A_46 : memref<20000x64xf32, #tpu.memory_space<hbm>>) dst(%arg8 : memref<200x64xf32, #tpu.memory_space<vmem>>)
      %dma_wait3A_47 = arith.constant 0 : i32
      %dma_wait3A_48 = tpu.memref_slice %arg7[%mul3A_10, %dma_wait3A_47] : memref<50x200xi32, #tpu.memory_space<vmem>> -> memref<1x200xi32, #tpu.memory_space<vmem>>
      %dma_wait3A_49 = tpu.memref_squeeze %dma_wait3A_48 : memref<1x200xi32, #tpu.memory_space<vmem>> -> memref<200xi32, #tpu.memory_space<vmem>>
      %dma_wait3A_50 = arith.constant 0 : i32
      %dma_wait3A_51 = arith.constant 0 : i32
      %dma_wait3A_52 = tpu.memref_slice %arg2[%dma_wait3A_50, %dma_wait3A_51] : memref<20000x64xf32, #tpu.memory_space<hbm>> -> memref<20000x64xf32, #tpu.memory_space<hbm>>
      tpu.wait_indirect_dma semaphore(%arg13 : memref<!tpu.dma_semaphore, #tpu.memory_space<semaphore_mem>>) src(%dma_wait3A_52 : memref<20000x64xf32, #tpu.memory_space<hbm>>) dst(%arg9 : memref<200x64xf32, #tpu.memory_space<vmem>>)
      %scan3A_53 = arith.constant 0 : i32
      %scan3A_54 = arith.constant 0 : i32
      %scan3A_55 = arith.constant 50 : i32
      %scan3A_56 = arith.addi %scan3A_54, %scan3A_55 : i32
      %scan3A_57 = arith.constant 1 : i32
      scf.for %scan3A_93 = %scan3A_54 to %scan3A_56 step %scan3A_57  : i32 {
        %mul3A_94 = arith.constant 4 : i32
        %mul3A_95 = arith.muli %scan3A_93, %mul3A_94 : i32
        %add3A_96 = arith.constant 0 : i32
        %add3A_97 = arith.addi %mul3A_95, %add3A_96 : i32
        %get3A = arith.index_cast %add3A_97 : i32 to index
        %get3A_98 = arith.constant 0 : index
        %get3A_99 = tpu.vector_load %arg8[%get3A, %get3A_98] {strides = array<i32>} : memref<200x64xf32, #tpu.memory_space<vmem>>, vector<1x16xf32>,
        %get3A_100 = vector.shape_cast %get3A_99 : vector<1x16xf32> to vector<16xf32>
        %get3A_101 = arith.index_cast %add3A_97 : i32 to index
        %get3A_102 = arith.constant 0 : index
        %get3A_103 = tpu.vector_load %arg9[%get3A_101, %get3A_102] {strides = array<i32>} : memref<200x64xf32, #tpu.memory_space<vmem>>, vector<1x16xf32>,
        %get3A_104 = vector.shape_cast %get3A_103 : vector<1x16xf32> to vector<16xf32>
        %add3A_105 = arith.addf %get3A_100, %get3A_104 : vector<16xf32>
        %swap3A = arith.index_cast %add3A_97 : i32 to index
        %swap3A_106 = arith.constant 0 : index
        %swap3A_107 = tpu.vector_load %arg8[%swap3A, %swap3A_106] {strides = array<i32>} : memref<200x64xf32, #tpu.memory_space<vmem>>, vector<1x16xf32>,
        %swap3A_108 = vector.shape_cast %swap3A_107 : vector<1x16xf32> to vector<16xf32>
        %swap3A_109 = vector.shape_cast %add3A_105 : vector<16xf32> to vector<1x16xf32>
        tpu.vector_store %arg8[%swap3A, %swap3A_106], %swap3A_109 {strides = array<i32>} : memref<200x64xf32, #tpu.memory_space<vmem>>, vector<1x16xf32>,
        %get3A_110 = arith.index_cast %add3A_97 : i32 to index
        %get3A_111 = arith.constant 16 : index
        %get3A_112 = tpu.vector_load %arg8[%get3A_110, %get3A_111] {strides = array<i32>} : memref<200x64xf32, #tpu.memory_space<vmem>>, vector<1x16xf32>,
        %get3A_113 = vector.shape_cast %get3A_112 : vector<1x16xf32> to vector<16xf32>
        %get3A_114 = arith.index_cast %add3A_97 : i32 to index
        %get3A_115 = arith.constant 16 : index
        %get3A_116 = tpu.vector_load %arg9[%get3A_114, %get3A_115] {strides = array<i32>} : memref<200x64xf32, #tpu.memory_space<vmem>>, vector<1x16xf32>,
        %get3A_117 = vector.shape_cast %get3A_116 : vector<1x16xf32> to vector<16xf32>
        %add3A_118 = arith.addf %get3A_113, %get3A_117 : vector<16xf32>
        %swap3A_119 = arith.index_cast %add3A_97 : i32 to index
        %swap3A_120 = arith.constant 16 : index
        %swap3A_121 = tpu.vector_load %arg8[%swap3A_119, %swap3A_120] {strides = array<i32>} : memref<200x64xf32, #tpu.memory_space<vmem>>, vector<1x16xf32>,
        %swap3A_122 = vector.shape_cast %swap3A_121 : vector<1x16xf32> to vector<16xf32>
        %swap3A_123 = vector.shape_cast %add3A_118 : vector<16xf32> to vector<1x16xf32>
        tpu.vector_store %arg8[%swap3A_119, %swap3A_120], %swap3A_123 {strides = array<i32>} : memref<200x64xf32, #tpu.memory_space<vmem>>, vector<1x16xf32>,
        %get3A_124 = arith.index_cast %add3A_97 : i32 to index
        %get3A_125 = arith.constant 32 : index
        %get3A_126 = tpu.vector_load %arg8[%get3A_124, %get3A_125] {strides = array<i32>} : memref<200x64xf32, #tpu.memory_space<vmem>>, vector<1x16xf32>,
        %get3A_127 = vector.shape_cast %get3A_126 : vector<1x16xf32> to vector<16xf32>
        %get3A_128 = arith.index_cast %add3A_97 : i32 to index
        %get3A_129 = arith.constant 32 : index
        %get3A_130 = tpu.vector_load %arg9[%get3A_128, %get3A_129] {strides = array<i32>} : memref<200x64xf32, #tpu.memory_space<vmem>>, vector<1x16xf32>,
        %get3A_131 = vector.shape_cast %get3A_130 : vector<1x16xf32> to vector<16xf32>
        %add3A_132 = arith.addf %get3A_127, %get3A_131 : vector<16xf32>
        %swap3A_133 = arith.index_cast %add3A_97 : i32 to index
        %swap3A_134 = arith.constant 32 : index
        %swap3A_135 = tpu.vector_load %arg8[%swap3A_133, %swap3A_134] {strides = array<i32>} : memref<200x64xf32, #tpu.memory_space<vmem>>, vector<1x16xf32>,
        %swap3A_136 = vector.shape_cast %swap3A_135 : vector<1x16xf32> to vector<16xf32>
        %swap3A_137 = vector.shape_cast %add3A_132 : vector<16xf32> to vector<1x16xf32>
        tpu.vector_store %arg8[%swap3A_133, %swap3A_134], %swap3A_137 {strides = array<i32>} : memref<200x64xf32, #tpu.memory_space<vmem>>, vector<1x16xf32>,
        %get3A_138 = arith.index_cast %add3A_97 : i32 to index
        %get3A_139 = arith.constant 48 : index
        %get3A_140 = tpu.vector_load %arg8[%get3A_138, %get3A_139] {strides = array<i32>} : memref<200x64xf32, #tpu.memory_space<vmem>>, vector<1x16xf32>,
        %get3A_141 = vector.shape_cast %get3A_140 : vector<1x16xf32> to vector<16xf32>
        %get3A_142 = arith.index_cast %add3A_97 : i32 to index
        %get3A_143 = arith.constant 48 : index
        %get3A_144 = tpu.vector_load %arg9[%get3A_142, %get3A_143] {strides = array<i32>} : memref<200x64xf32, #tpu.memory_space<vmem>>, vector<1x16xf32>,
        %get3A_145 = vector.shape_cast %get3A_144 : vector<1x16xf32> to vector<16xf32>
        %add3A_146 = arith.addf %get3A_141, %get3A_145 : vector<16xf32>
        %swap3A_147 = arith.index_cast %add3A_97 : i32 to index
        %swap3A_148 = arith.constant 48 : index
        %swap3A_149 = tpu.vector_load %arg8[%swap3A_147, %swap3A_148] {strides = array<i32>} : memref<200x64xf32, #tpu.memory_space<vmem>>, vector<1x16xf32>,
        %swap3A_150 = vector.shape_cast %swap3A_149 : vector<1x16xf32> to vector<16xf32>
        %swap3A_151 = vector.shape_cast %add3A_146 : vector<16xf32> to vector<1x16xf32>
        tpu.vector_store %arg8[%swap3A_147, %swap3A_148], %swap3A_151 {strides = array<i32>} : memref<200x64xf32, #tpu.memory_space<vmem>>, vector<1x16xf32>,
        %mul3A_152 = arith.constant 4 : i32
        %mul3A_153 = arith.muli %scan3A_93, %mul3A_152 : i32
        %add3A_154 = arith.constant 1 : i32
        %add3A_155 = arith.addi %mul3A_153, %add3A_154 : i32
        %get3A_156 = arith.index_cast %add3A_155 : i32 to index
        %get3A_157 = arith.constant 0 : index
        %get3A_158 = tpu.vector_load %arg8[%get3A_156, %get3A_157] {strides = array<i32>} : memref<200x64xf32, #tpu.memory_space<vmem>>, vector<1x16xf32>,
        %get3A_159 = vector.shape_cast %get3A_158 : vector<1x16xf32> to vector<16xf32>
        %get3A_160 = arith.index_cast %add3A_155 : i32 to index
        %get3A_161 = arith.constant 0 : index
        %get3A_162 = tpu.vector_load %arg9[%get3A_160, %get3A_161] {strides = array<i32>} : memref<200x64xf32, #tpu.memory_space<vmem>>, vector<1x16xf32>,
        %get3A_163 = vector.shape_cast %get3A_162 : vector<1x16xf32> to vector<16xf32>
        %add3A_164 = arith.addf %get3A_159, %get3A_163 : vector<16xf32>
        %swap3A_165 = arith.index_cast %add3A_155 : i32 to index
        %swap3A_166 = arith.constant 0 : index
        %swap3A_167 = tpu.vector_load %arg8[%swap3A_165, %swap3A_166] {strides = array<i32>} : memref<200x64xf32, #tpu.memory_space<vmem>>, vector<1x16xf32>,
        %swap3A_168 = vector.shape_cast %swap3A_167 : vector<1x16xf32> to vector<16xf32>
        %swap3A_169 = vector.shape_cast %add3A_164 : vector<16xf32> to vector<1x16xf32>
        tpu.vector_store %arg8[%swap3A_165, %swap3A_166], %swap3A_169 {strides = array<i32>} : memref<200x64xf32, #tpu.memory_space<vmem>>, vector<1x16xf32>,
        %get3A_170 = arith.index_cast %add3A_155 : i32 to index
        %get3A_171 = arith.constant 16 : index
        %get3A_172 = tpu.vector_load %arg8[%get3A_170, %get3A_171] {strides = array<i32>} : memref<200x64xf32, #tpu.memory_space<vmem>>, vector<1x16xf32>,
        %get3A_173 = vector.shape_cast %get3A_172 : vector<1x16xf32> to vector<16xf32>
        %get3A_174 = arith.index_cast %add3A_155 : i32 to index
        %get3A_175 = arith.constant 16 : index
        %get3A_176 = tpu.vector_load %arg9[%get3A_174, %get3A_175] {strides = array<i32>} : memref<200x64xf32, #tpu.memory_space<vmem>>, vector<1x16xf32>,
        %get3A_177 = vector.shape_cast %get3A_176 : vector<1x16xf32> to vector<16xf32>
        %add3A_178 = arith.addf %get3A_173, %get3A_177 : vector<16xf32>
        %swap3A_179 = arith.index_cast %add3A_155 : i32 to index
        %swap3A_180 = arith.constant 16 : index
        %swap3A_181 = tpu.vector_load %arg8[%swap3A_179, %swap3A_180] {strides = array<i32>} : memref<200x64xf32, #tpu.memory_space<vmem>>, vector<1x16xf32>,
        %swap3A_182 = vector.shape_cast %swap3A_181 : vector<1x16xf32> to vector<16xf32>
        %swap3A_183 = vector.shape_cast %add3A_178 : vector<16xf32> to vector<1x16xf32>
        tpu.vector_store %arg8[%swap3A_179, %swap3A_180], %swap3A_183 {strides = array<i32>} : memref<200x64xf32, #tpu.memory_space<vmem>>, vector<1x16xf32>,
        %get3A_184 = arith.index_cast %add3A_155 : i32 to index
        %get3A_185 = arith.constant 32 : index
        %get3A_186 = tpu.vector_load %arg8[%get3A_184, %get3A_185] {strides = array<i32>} : memref<200x64xf32, #tpu.memory_space<vmem>>, vector<1x16xf32>,
        %get3A_187 = vector.shape_cast %get3A_186 : vector<1x16xf32> to vector<16xf32>
        %get3A_188 = arith.index_cast %add3A_155 : i32 to index
        %get3A_189 = arith.constant 32 : index
        %get3A_190 = tpu.vector_load %arg9[%get3A_188, %get3A_189] {strides = array<i32>} : memref<200x64xf32, #tpu.memory_space<vmem>>, vector<1x16xf32>,
        %get3A_191 = vector.shape_cast %get3A_190 : vector<1x16xf32> to vector<16xf32>
        %add3A_192 = arith.addf %get3A_187, %get3A_191 : vector<16xf32>
        %swap3A_193 = arith.index_cast %add3A_155 : i32 to index
        %swap3A_194 = arith.constant 32 : index
        %swap3A_195 = tpu.vector_load %arg8[%swap3A_193, %swap3A_194] {strides = array<i32>} : memref<200x64xf32, #tpu.memory_space<vmem>>, vector<1x16xf32>,
        %swap3A_196 = vector.shape_cast %swap3A_195 : vector<1x16xf32> to vector<16xf32>
        %swap3A_197 = vector.shape_cast %add3A_192 : vector<16xf32> to vector<1x16xf32>
        tpu.vector_store %arg8[%swap3A_193, %swap3A_194], %swap3A_197 {strides = array<i32>} : memref<200x64xf32, #tpu.memory_space<vmem>>, vector<1x16xf32>,
        %get3A_198 = arith.index_cast %add3A_155 : i32 to index
        %get3A_199 = arith.constant 48 : index
        %get3A_200 = tpu.vector_load %arg8[%get3A_198, %get3A_199] {strides = array<i32>} : memref<200x64xf32, #tpu.memory_space<vmem>>, vector<1x16xf32>,
        %get3A_201 = vector.shape_cast %get3A_200 : vector<1x16xf32> to vector<16xf32>
        %get3A_202 = arith.index_cast %add3A_155 : i32 to index
        %get3A_203 = arith.constant 48 : index
        %get3A_204 = tpu.vector_load %arg9[%get3A_202, %get3A_203] {strides = array<i32>} : memref<200x64xf32, #tpu.memory_space<vmem>>, vector<1x16xf32>,
        %get3A_205 = vector.shape_cast %get3A_204 : vector<1x16xf32> to vector<16xf32>
        %add3A_206 = arith.addf %get3A_201, %get3A_205 : vector<16xf32>
        %swap3A_207 = arith.index_cast %add3A_155 : i32 to index
        %swap3A_208 = arith.constant 48 : index
        %swap3A_209 = tpu.vector_load %arg8[%swap3A_207, %swap3A_208] {strides = array<i32>} : memref<200x64xf32, #tpu.memory_space<vmem>>, vector<1x16xf32>,
        %swap3A_210 = vector.shape_cast %swap3A_209 : vector<1x16xf32> to vector<16xf32>
        %swap3A_211 = vector.shape_cast %add3A_206 : vector<16xf32> to vector<1x16xf32>
        tpu.vector_store %arg8[%swap3A_207, %swap3A_208], %swap3A_211 {strides = array<i32>} : memref<200x64xf32, #tpu.memory_space<vmem>>, vector<1x16xf32>,
        %mul3A_212 = arith.constant 4 : i32
        %mul3A_213 = arith.muli %scan3A_93, %mul3A_212 : i32
        %add3A_214 = arith.constant 2 : i32
        %add3A_215 = arith.addi %mul3A_213, %add3A_214 : i32
        %get3A_216 = arith.index_cast %add3A_215 : i32 to index
        %get3A_217 = arith.constant 0 : index
        %get3A_218 = tpu.vector_load %arg8[%get3A_216, %get3A_217] {strides = array<i32>} : memref<200x64xf32, #tpu.memory_space<vmem>>, vector<1x16xf32>,
        %get3A_219 = vector.shape_cast %get3A_218 : vector<1x16xf32> to vector<16xf32>
        %get3A_220 = arith.index_cast %add3A_215 : i32 to index
        %get3A_221 = arith.constant 0 : index
        %get3A_222 = tpu.vector_load %arg9[%get3A_220, %get3A_221] {strides = array<i32>} : memref<200x64xf32, #tpu.memory_space<vmem>>, vector<1x16xf32>,
        %get3A_223 = vector.shape_cast %get3A_222 : vector<1x16xf32> to vector<16xf32>
        %add3A_224 = arith.addf %get3A_219, %get3A_223 : vector<16xf32>
        %swap3A_225 = arith.index_cast %add3A_215 : i32 to index
        %swap3A_226 = arith.constant 0 : index
        %swap3A_227 = tpu.vector_load %arg8[%swap3A_225, %swap3A_226] {strides = array<i32>} : memref<200x64xf32, #tpu.memory_space<vmem>>, vector<1x16xf32>,
        %swap3A_228 = vector.shape_cast %swap3A_227 : vector<1x16xf32> to vector<16xf32>
        %swap3A_229 = vector.shape_cast %add3A_224 : vector<16xf32> to vector<1x16xf32>
        tpu.vector_store %arg8[%swap3A_225, %swap3A_226], %swap3A_229 {strides = array<i32>} : memref<200x64xf32, #tpu.memory_space<vmem>>, vector<1x16xf32>,
        %get3A_230 = arith.index_cast %add3A_215 : i32 to index
        %get3A_231 = arith.constant 16 : index
        %get3A_232 = tpu.vector_load %arg8[%get3A_230, %get3A_231] {strides = array<i32>} : memref<200x64xf32, #tpu.memory_space<vmem>>, vector<1x16xf32>,
        %get3A_233 = vector.shape_cast %get3A_232 : vector<1x16xf32> to vector<16xf32>
        %get3A_234 = arith.index_cast %add3A_215 : i32 to index
        %get3A_235 = arith.constant 16 : index
        %get3A_236 = tpu.vector_load %arg9[%get3A_234, %get3A_235] {strides = array<i32>} : memref<200x64xf32, #tpu.memory_space<vmem>>, vector<1x16xf32>,
        %get3A_237 = vector.shape_cast %get3A_236 : vector<1x16xf32> to vector<16xf32>
        %add3A_238 = arith.addf %get3A_233, %get3A_237 : vector<16xf32>
        %swap3A_239 = arith.index_cast %add3A_215 : i32 to index
        %swap3A_240 = arith.constant 16 : index
        %swap3A_241 = tpu.vector_load %arg8[%swap3A_239, %swap3A_240] {strides = array<i32>} : memref<200x64xf32, #tpu.memory_space<vmem>>, vector<1x16xf32>,
        %swap3A_242 = vector.shape_cast %swap3A_241 : vector<1x16xf32> to vector<16xf32>
        %swap3A_243 = vector.shape_cast %add3A_238 : vector<16xf32> to vector<1x16xf32>
        tpu.vector_store %arg8[%swap3A_239, %swap3A_240], %swap3A_243 {strides = array<i32>} : memref<200x64xf32, #tpu.memory_space<vmem>>, vector<1x16xf32>,
        %get3A_244 = arith.index_cast %add3A_215 : i32 to index
        %get3A_245 = arith.constant 32 : index
        %get3A_246 = tpu.vector_load %arg8[%get3A_244, %get3A_245] {strides = array<i32>} : memref<200x64xf32, #tpu.memory_space<vmem>>, vector<1x16xf32>,
        %get3A_247 = vector.shape_cast %get3A_246 : vector<1x16xf32> to vector<16xf32>
        %get3A_248 = arith.index_cast %add3A_215 : i32 to index
        %get3A_249 = arith.constant 32 : index
        %get3A_250 = tpu.vector_load %arg9[%get3A_248, %get3A_249] {strides = array<i32>} : memref<200x64xf32, #tpu.memory_space<vmem>>, vector<1x16xf32>,
        %get3A_251 = vector.shape_cast %get3A_250 : vector<1x16xf32> to vector<16xf32>
        %add3A_252 = arith.addf %get3A_247, %get3A_251 : vector<16xf32>
        %swap3A_253 = arith.index_cast %add3A_215 : i32 to index
        %swap3A_254 = arith.constant 32 : index
        %swap3A_255 = tpu.vector_load %arg8[%swap3A_253, %swap3A_254] {strides = array<i32>} : memref<200x64xf32, #tpu.memory_space<vmem>>, vector<1x16xf32>,
        %swap3A_256 = vector.shape_cast %swap3A_255 : vector<1x16xf32> to vector<16xf32>
        %swap3A_257 = vector.shape_cast %add3A_252 : vector<16xf32> to vector<1x16xf32>
        tpu.vector_store %arg8[%swap3A_253, %swap3A_254], %swap3A_257 {strides = array<i32>} : memref<200x64xf32, #tpu.memory_space<vmem>>, vector<1x16xf32>,
        %get3A_258 = arith.index_cast %add3A_215 : i32 to index
        %get3A_259 = arith.constant 48 : index
        %get3A_260 = tpu.vector_load %arg8[%get3A_258, %get3A_259] {strides = array<i32>} : memref<200x64xf32, #tpu.memory_space<vmem>>, vector<1x16xf32>,
        %get3A_261 = vector.shape_cast %get3A_260 : vector<1x16xf32> to vector<16xf32>
        %get3A_262 = arith.index_cast %add3A_215 : i32 to index
        %get3A_263 = arith.constant 48 : index
        %get3A_264 = tpu.vector_load %arg9[%get3A_262, %get3A_263] {strides = array<i32>} : memref<200x64xf32, #tpu.memory_space<vmem>>, vector<1x16xf32>,
        %get3A_265 = vector.shape_cast %get3A_264 : vector<1x16xf32> to vector<16xf32>
        %add3A_266 = arith.addf %get3A_261, %get3A_265 : vector<16xf32>
        %swap3A_267 = arith.index_cast %add3A_215 : i32 to index
        %swap3A_268 = arith.constant 48 : index
        %swap3A_269 = tpu.vector_load %arg8[%swap3A_267, %swap3A_268] {strides = array<i32>} : memref<200x64xf32, #tpu.memory_space<vmem>>, vector<1x16xf32>,
        %swap3A_270 = vector.shape_cast %swap3A_269 : vector<1x16xf32> to vector<16xf32>
        %swap3A_271 = vector.shape_cast %add3A_266 : vector<16xf32> to vector<1x16xf32>
        tpu.vector_store %arg8[%swap3A_267, %swap3A_268], %swap3A_271 {strides = array<i32>} : memref<200x64xf32, #tpu.memory_space<vmem>>, vector<1x16xf32>,
        %mul3A_272 = arith.constant 4 : i32
        %mul3A_273 = arith.muli %scan3A_93, %mul3A_272 : i32
        %add3A_274 = arith.constant 3 : i32
        %add3A_275 = arith.addi %mul3A_273, %add3A_274 : i32
        %get3A_276 = arith.index_cast %add3A_275 : i32 to index
        %get3A_277 = arith.constant 0 : index
        %get3A_278 = tpu.vector_load %arg8[%get3A_276, %get3A_277] {strides = array<i32>} : memref<200x64xf32, #tpu.memory_space<vmem>>, vector<1x16xf32>,
        %get3A_279 = vector.shape_cast %get3A_278 : vector<1x16xf32> to vector<16xf32>
        %get3A_280 = arith.index_cast %add3A_275 : i32 to index
        %get3A_281 = arith.constant 0 : index
        %get3A_282 = tpu.vector_load %arg9[%get3A_280, %get3A_281] {strides = array<i32>} : memref<200x64xf32, #tpu.memory_space<vmem>>, vector<1x16xf32>,
        %get3A_283 = vector.shape_cast %get3A_282 : vector<1x16xf32> to vector<16xf32>
        %add3A_284 = arith.addf %get3A_279, %get3A_283 : vector<16xf32>
        %swap3A_285 = arith.index_cast %add3A_275 : i32 to index
        %swap3A_286 = arith.constant 0 : index
        %swap3A_287 = tpu.vector_load %arg8[%swap3A_285, %swap3A_286] {strides = array<i32>} : memref<200x64xf32, #tpu.memory_space<vmem>>, vector<1x16xf32>,
        %swap3A_288 = vector.shape_cast %swap3A_287 : vector<1x16xf32> to vector<16xf32>
        %swap3A_289 = vector.shape_cast %add3A_284 : vector<16xf32> to vector<1x16xf32>
        tpu.vector_store %arg8[%swap3A_285, %swap3A_286], %swap3A_289 {strides = array<i32>} : memref<200x64xf32, #tpu.memory_space<vmem>>, vector<1x16xf32>,
        %get3A_290 = arith.index_cast %add3A_275 : i32 to index
        %get3A_291 = arith.constant 16 : index
        %get3A_292 = tpu.vector_load %arg8[%get3A_290, %get3A_291] {strides = array<i32>} : memref<200x64xf32, #tpu.memory_space<vmem>>, vector<1x16xf32>,
        %get3A_293 = vector.shape_cast %get3A_292 : vector<1x16xf32> to vector<16xf32>
        %get3A_294 = arith.index_cast %add3A_275 : i32 to index
        %get3A_295 = arith.constant 16 : index
        %get3A_296 = tpu.vector_load %arg9[%get3A_294, %get3A_295] {strides = array<i32>} : memref<200x64xf32, #tpu.memory_space<vmem>>, vector<1x16xf32>,
        %get3A_297 = vector.shape_cast %get3A_296 : vector<1x16xf32> to vector<16xf32>
        %add3A_298 = arith.addf %get3A_293, %get3A_297 : vector<16xf32>
        %swap3A_299 = arith.index_cast %add3A_275 : i32 to index
        %swap3A_300 = arith.constant 16 : index
        %swap3A_301 = tpu.vector_load %arg8[%swap3A_299, %swap3A_300] {strides = array<i32>} : memref<200x64xf32, #tpu.memory_space<vmem>>, vector<1x16xf32>,
        %swap3A_302 = vector.shape_cast %swap3A_301 : vector<1x16xf32> to vector<16xf32>
        %swap3A_303 = vector.shape_cast %add3A_298 : vector<16xf32> to vector<1x16xf32>
        tpu.vector_store %arg8[%swap3A_299, %swap3A_300], %swap3A_303 {strides = array<i32>} : memref<200x64xf32, #tpu.memory_space<vmem>>, vector<1x16xf32>,
        %get3A_304 = arith.index_cast %add3A_275 : i32 to index
        %get3A_305 = arith.constant 32 : index
        %get3A_306 = tpu.vector_load %arg8[%get3A_304, %get3A_305] {strides = array<i32>} : memref<200x64xf32, #tpu.memory_space<vmem>>, vector<1x16xf32>,
        %get3A_307 = vector.shape_cast %get3A_306 : vector<1x16xf32> to vector<16xf32>
        %get3A_308 = arith.index_cast %add3A_275 : i32 to index
        %get3A_309 = arith.constant 32 : index
        %get3A_310 = tpu.vector_load %arg9[%get3A_308, %get3A_309] {strides = array<i32>} : memref<200x64xf32, #tpu.memory_space<vmem>>, vector<1x16xf32>,
        %get3A_311 = vector.shape_cast %get3A_310 : vector<1x16xf32> to vector<16xf32>
        %add3A_312 = arith.addf %get3A_307, %get3A_311 : vector<16xf32>
        %swap3A_313 = arith.index_cast %add3A_275 : i32 to index
        %swap3A_314 = arith.constant 32 : index
        %swap3A_315 = tpu.vector_load %arg8[%swap3A_313, %swap3A_314] {strides = array<i32>} : memref<200x64xf32, #tpu.memory_space<vmem>>, vector<1x16xf32>,
        %swap3A_316 = vector.shape_cast %swap3A_315 : vector<1x16xf32> to vector<16xf32>
        %swap3A_317 = vector.shape_cast %add3A_312 : vector<16xf32> to vector<1x16xf32>
        tpu.vector_store %arg8[%swap3A_313, %swap3A_314], %swap3A_317 {strides = array<i32>} : memref<200x64xf32, #tpu.memory_space<vmem>>, vector<1x16xf32>,
        %get3A_318 = arith.index_cast %add3A_275 : i32 to index
        %get3A_319 = arith.constant 48 : index
        %get3A_320 = tpu.vector_load %arg8[%get3A_318, %get3A_319] {strides = array<i32>} : memref<200x64xf32, #tpu.memory_space<vmem>>, vector<1x16xf32>,
        %get3A_321 = vector.shape_cast %get3A_320 : vector<1x16xf32> to vector<16xf32>
        %get3A_322 = arith.index_cast %add3A_275 : i32 to index
        %get3A_323 = arith.constant 48 : index
        %get3A_324 = tpu.vector_load %arg9[%get3A_322, %get3A_323] {strides = array<i32>} : memref<200x64xf32, #tpu.memory_space<vmem>>, vector<1x16xf32>,
        %get3A_325 = vector.shape_cast %get3A_324 : vector<1x16xf32> to vector<16xf32>
        %add3A_326 = arith.addf %get3A_321, %get3A_325 : vector<16xf32>
        %swap3A_327 = arith.index_cast %add3A_275 : i32 to index
        %swap3A_328 = arith.constant 48 : index
        %swap3A_329 = tpu.vector_load %arg8[%swap3A_327, %swap3A_328] {strides = array<i32>} : memref<200x64xf32, #tpu.memory_space<vmem>>, vector<1x16xf32>,
        %swap3A_330 = vector.shape_cast %swap3A_329 : vector<1x16xf32> to vector<16xf32>
        %swap3A_331 = vector.shape_cast %add3A_326 : vector<16xf32> to vector<1x16xf32>
        tpu.vector_store %arg8[%swap3A_327, %swap3A_328], %swap3A_331 {strides = array<i32>} : memref<200x64xf32, #tpu.memory_space<vmem>>, vector<1x16xf32>,
      }
      %scan3A_58 = arith.constant 50 : i32
      %dma_start3A_59 = arith.constant 0 : i32
      %dma_start3A_60 = tpu.memref_slice %arg5[%add3A_15, %dma_start3A_59] : memref<320000x64xf32, #tpu.memory_space<hbm>> -> memref<200x64xf32, #tpu.memory_space<hbm>>
      %dma_start3A_61 = arith.constant 0 : i32
      %dma_start3A_62 = tpu.memref_slice %arg5[%add3A_15, %dma_start3A_61] : memref<320000x64xf32, #tpu.memory_space<hbm>> -> memref<200x64xf32, #tpu.memory_space<hbm>>
      tpu.enqueue_dma source(%arg8 : memref<200x64xf32, #tpu.memory_space<vmem>>) target(%dma_start3A_62 : memref<200x64xf32, #tpu.memory_space<hbm>>) target_semaphore(%arg16 : memref<!tpu.dma_semaphore, #tpu.memory_space<semaphore_mem>>)
      %dma_wait3A_63 = arith.constant 0 : i32
      %dma_wait3A_64 = tpu.memref_slice %arg6[%add3A_12, %dma_wait3A_63] : memref<50x200xi32, #tpu.memory_space<vmem>> -> memref<1x200xi32, #tpu.memory_space<vmem>>
      %dma_wait3A_65 = tpu.memref_squeeze %dma_wait3A_64 : memref<1x200xi32, #tpu.memory_space<vmem>> -> memref<200xi32, #tpu.memory_space<vmem>>
      %dma_wait3A_66 = arith.constant 0 : i32
      %dma_wait3A_67 = arith.constant 0 : i32
      %dma_wait3A_68 = tpu.memref_slice %arg2[%dma_wait3A_66, %dma_wait3A_67] : memref<20000x64xf32, #tpu.memory_space<hbm>> -> memref<20000x64xf32, #tpu.memory_space<hbm>>
      tpu.wait_indirect_dma semaphore(%arg14 : memref<!tpu.dma_semaphore, #tpu.memory_space<semaphore_mem>>) src(%dma_wait3A_68 : memref<20000x64xf32, #tpu.memory_space<hbm>>) dst(%arg10 : memref<200x64xf32, #tpu.memory_space<vmem>>)
      %dma_wait3A_69 = arith.constant 0 : i32
      %dma_wait3A_70 = tpu.memref_slice %arg7[%add3A_12, %dma_wait3A_69] : memref<50x200xi32, #tpu.memory_space<vmem>> -> memref<1x200xi32, #tpu.memory_space<vmem>>
      %dma_wait3A_71 = tpu.memref_squeeze %dma_wait3A_70 : memref<1x200xi32, #tpu.memory_space<vmem>> -> memref<200xi32, #tpu.memory_space<vmem>>
      %dma_wait3A_72 = arith.constant 0 : i32
      %dma_wait3A_73 = arith.constant 0 : i32
      %dma_wait3A_74 = tpu.memref_slice %arg2[%dma_wait3A_72, %dma_wait3A_73] : memref<20000x64xf32, #tpu.memory_space<hbm>> -> memref<20000x64xf32, #tpu.memory_space<hbm>>
      tpu.wait_indirect_dma semaphore(%arg15 : memref<!tpu.dma_semaphore, #tpu.memory_space<semaphore_mem>>) src(%dma_wait3A_74 : memref<20000x64xf32, #tpu.memory_space<hbm>>) dst(%arg11 : memref<200x64xf32, #tpu.memory_space<vmem>>)
      %scan3A_75 = arith.constant 0 : i32
      %scan3A_76 = arith.constant 0 : i32
      %scan3A_77 = arith.constant 50 : i32
      %scan3A_78 = arith.addi %scan3A_76, %scan3A_77 : i32
      %scan3A_79 = arith.constant 1 : i32
      scf.for %scan3A_93 = %scan3A_76 to %scan3A_78 step %scan3A_79  : i32 {
        %mul3A_94 = arith.constant 4 : i32
        %mul3A_95 = arith.muli %scan3A_93, %mul3A_94 : i32
        %add3A_96 = arith.constant 0 : i32
        %add3A_97 = arith.addi %mul3A_95, %add3A_96 : i32
        %get3A = arith.index_cast %add3A_97 : i32 to index
        %get3A_98 = arith.constant 0 : index
        %get3A_99 = tpu.vector_load %arg10[%get3A, %get3A_98] {strides = array<i32>} : memref<200x64xf32, #tpu.memory_space<vmem>>, vector<1x16xf32>,
        %get3A_100 = vector.shape_cast %get3A_99 : vector<1x16xf32> to vector<16xf32>
        %get3A_101 = arith.index_cast %add3A_97 : i32 to index
        %get3A_102 = arith.constant 0 : index
        %get3A_103 = tpu.vector_load %arg11[%get3A_101, %get3A_102] {strides = array<i32>} : memref<200x64xf32, #tpu.memory_space<vmem>>, vector<1x16xf32>,
        %get3A_104 = vector.shape_cast %get3A_103 : vector<1x16xf32> to vector<16xf32>
        %add3A_105 = arith.addf %get3A_100, %get3A_104 : vector<16xf32>
        %swap3A = arith.index_cast %add3A_97 : i32 to index
        %swap3A_106 = arith.constant 0 : index
        %swap3A_107 = tpu.vector_load %arg10[%swap3A, %swap3A_106] {strides = array<i32>} : memref<200x64xf32, #tpu.memory_space<vmem>>, vector<1x16xf32>,
        %swap3A_108 = vector.shape_cast %swap3A_107 : vector<1x16xf32> to vector<16xf32>
        %swap3A_109 = vector.shape_cast %add3A_105 : vector<16xf32> to vector<1x16xf32>
        tpu.vector_store %arg10[%swap3A, %swap3A_106], %swap3A_109 {strides = array<i32>} : memref<200x64xf32, #tpu.memory_space<vmem>>, vector<1x16xf32>,
        %get3A_110 = arith.index_cast %add3A_97 : i32 to index
        %get3A_111 = arith.constant 16 : index
        %get3A_112 = tpu.vector_load %arg10[%get3A_110, %get3A_111] {strides = array<i32>} : memref<200x64xf32, #tpu.memory_space<vmem>>, vector<1x16xf32>,
        %get3A_113 = vector.shape_cast %get3A_112 : vector<1x16xf32> to vector<16xf32>
        %get3A_114 = arith.index_cast %add3A_97 : i32 to index
        %get3A_115 = arith.constant 16 : index
        %get3A_116 = tpu.vector_load %arg11[%get3A_114, %get3A_115] {strides = array<i32>} : memref<200x64xf32, #tpu.memory_space<vmem>>, vector<1x16xf32>,
        %get3A_117 = vector.shape_cast %get3A_116 : vector<1x16xf32> to vector<16xf32>
        %add3A_118 = arith.addf %get3A_113, %get3A_117 : vector<16xf32>
        %swap3A_119 = arith.index_cast %add3A_97 : i32 to index
        %swap3A_120 = arith.constant 16 : index
        %swap3A_121 = tpu.vector_load %arg10[%swap3A_119, %swap3A_120] {strides = array<i32>} : memref<200x64xf32, #tpu.memory_space<vmem>>, vector<1x16xf32>,
        %swap3A_122 = vector.shape_cast %swap3A_121 : vector<1x16xf32> to vector<16xf32>
        %swap3A_123 = vector.shape_cast %add3A_118 : vector<16xf32> to vector<1x16xf32>
        tpu.vector_store %arg10[%swap3A_119, %swap3A_120], %swap3A_123 {strides = array<i32>} : memref<200x64xf32, #tpu.memory_space<vmem>>, vector<1x16xf32>,
        %get3A_124 = arith.index_cast %add3A_97 : i32 to index
        %get3A_125 = arith.constant 32 : index
        %get3A_126 = tpu.vector_load %arg10[%get3A_124, %get3A_125] {strides = array<i32>} : memref<200x64xf32, #tpu.memory_space<vmem>>, vector<1x16xf32>,
        %get3A_127 = vector.shape_cast %get3A_126 : vector<1x16xf32> to vector<16xf32>
        %get3A_128 = arith.index_cast %add3A_97 : i32 to index
        %get3A_129 = arith.constant 32 : index
        %get3A_130 = tpu.vector_load %arg11[%get3A_128, %get3A_129] {strides = array<i32>} : memref<200x64xf32, #tpu.memory_space<vmem>>, vector<1x16xf32>,
        %get3A_131 = vector.shape_cast %get3A_130 : vector<1x16xf32> to vector<16xf32>
        %add3A_132 = arith.addf %get3A_127, %get3A_131 : vector<16xf32>
        %swap3A_133 = arith.index_cast %add3A_97 : i32 to index
        %swap3A_134 = arith.constant 32 : index
        %swap3A_135 = tpu.vector_load %arg10[%swap3A_133, %swap3A_134] {strides = array<i32>} : memref<200x64xf32, #tpu.memory_space<vmem>>, vector<1x16xf32>,
        %swap3A_136 = vector.shape_cast %swap3A_135 : vector<1x16xf32> to vector<16xf32>
        %swap3A_137 = vector.shape_cast %add3A_132 : vector<16xf32> to vector<1x16xf32>
        tpu.vector_store %arg10[%swap3A_133, %swap3A_134], %swap3A_137 {strides = array<i32>} : memref<200x64xf32, #tpu.memory_space<vmem>>, vector<1x16xf32>,
        %get3A_138 = arith.index_cast %add3A_97 : i32 to index
        %get3A_139 = arith.constant 48 : index
        %get3A_140 = tpu.vector_load %arg10[%get3A_138, %get3A_139] {strides = array<i32>} : memref<200x64xf32, #tpu.memory_space<vmem>>, vector<1x16xf32>,
        %get3A_141 = vector.shape_cast %get3A_140 : vector<1x16xf32> to vector<16xf32>
        %get3A_142 = arith.index_cast %add3A_97 : i32 to index
        %get3A_143 = arith.constant 48 : index
        %get3A_144 = tpu.vector_load %arg11[%get3A_142, %get3A_143] {strides = array<i32>} : memref<200x64xf32, #tpu.memory_space<vmem>>, vector<1x16xf32>,
        %get3A_145 = vector.shape_cast %get3A_144 : vector<1x16xf32> to vector<16xf32>
        %add3A_146 = arith.addf %get3A_141, %get3A_145 : vector<16xf32>
        %swap3A_147 = arith.index_cast %add3A_97 : i32 to index
        %swap3A_148 = arith.constant 48 : index
        %swap3A_149 = tpu.vector_load %arg10[%swap3A_147, %swap3A_148] {strides = array<i32>} : memref<200x64xf32, #tpu.memory_space<vmem>>, vector<1x16xf32>,
        %swap3A_150 = vector.shape_cast %swap3A_149 : vector<1x16xf32> to vector<16xf32>
        %swap3A_151 = vector.shape_cast %add3A_146 : vector<16xf32> to vector<1x16xf32>
        tpu.vector_store %arg10[%swap3A_147, %swap3A_148], %swap3A_151 {strides = array<i32>} : memref<200x64xf32, #tpu.memory_space<vmem>>, vector<1x16xf32>,
        %mul3A_152 = arith.constant 4 : i32
        %mul3A_153 = arith.muli %scan3A_93, %mul3A_152 : i32
        %add3A_154 = arith.constant 1 : i32
        %add3A_155 = arith.addi %mul3A_153, %add3A_154 : i32
        %get3A_156 = arith.index_cast %add3A_155 : i32 to index
        %get3A_157 = arith.constant 0 : index
        %get3A_158 = tpu.vector_load %arg10[%get3A_156, %get3A_157] {strides = array<i32>} : memref<200x64xf32, #tpu.memory_space<vmem>>, vector<1x16xf32>,
        %get3A_159 = vector.shape_cast %get3A_158 : vector<1x16xf32> to vector<16xf32>
        %get3A_160 = arith.index_cast %add3A_155 : i32 to index
        %get3A_161 = arith.constant 0 : index
        %get3A_162 = tpu.vector_load %arg11[%get3A_160, %get3A_161] {strides = array<i32>} : memref<200x64xf32, #tpu.memory_space<vmem>>, vector<1x16xf32>,
        %get3A_163 = vector.shape_cast %get3A_162 : vector<1x16xf32> to vector<16xf32>
        %add3A_164 = arith.addf %get3A_159, %get3A_163 : vector<16xf32>
        %swap3A_165 = arith.index_cast %add3A_155 : i32 to index
        %swap3A_166 = arith.constant 0 : index
        %swap3A_167 = tpu.vector_load %arg10[%swap3A_165, %swap3A_166] {strides = array<i32>} : memref<200x64xf32, #tpu.memory_space<vmem>>, vector<1x16xf32>,
        %swap3A_168 = vector.shape_cast %swap3A_167 : vector<1x16xf32> to vector<16xf32>
        %swap3A_169 = vector.shape_cast %add3A_164 : vector<16xf32> to vector<1x16xf32>
        tpu.vector_store %arg10[%swap3A_165, %swap3A_166], %swap3A_169 {strides = array<i32>} : memref<200x64xf32, #tpu.memory_space<vmem>>, vector<1x16xf32>,
        %get3A_170 = arith.index_cast %add3A_155 : i32 to index
        %get3A_171 = arith.constant 16 : index
        %get3A_172 = tpu.vector_load %arg10[%get3A_170, %get3A_171] {strides = array<i32>} : memref<200x64xf32, #tpu.memory_space<vmem>>, vector<1x16xf32>,
        %get3A_173 = vector.shape_cast %get3A_172 : vector<1x16xf32> to vector<16xf32>
        %get3A_174 = arith.index_cast %add3A_155 : i32 to index
        %get3A_175 = arith.constant 16 : index
        %get3A_176 = tpu.vector_load %arg11[%get3A_174, %get3A_175] {strides = array<i32>} : memref<200x64xf32, #tpu.memory_space<vmem>>, vector<1x16xf32>,
        %get3A_177 = vector.shape_cast %get3A_176 : vector<1x16xf32> to vector<16xf32>
        %add3A_178 = arith.addf %get3A_173, %get3A_177 : vector<16xf32>
        %swap3A_179 = arith.index_cast %add3A_155 : i32 to index
        %swap3A_180 = arith.constant 16 : index
        %swap3A_181 = tpu.vector_load %arg10[%swap3A_179, %swap3A_180] {strides = array<i32>} : memref<200x64xf32, #tpu.memory_space<vmem>>, vector<1x16xf32>,
        %swap3A_182 = vector.shape_cast %swap3A_181 : vector<1x16xf32> to vector<16xf32>
        %swap3A_183 = vector.shape_cast %add3A_178 : vector<16xf32> to vector<1x16xf32>
        tpu.vector_store %arg10[%swap3A_179, %swap3A_180], %swap3A_183 {strides = array<i32>} : memref<200x64xf32, #tpu.memory_space<vmem>>, vector<1x16xf32>,
        %get3A_184 = arith.index_cast %add3A_155 : i32 to index
        %get3A_185 = arith.constant 32 : index
        %get3A_186 = tpu.vector_load %arg10[%get3A_184, %get3A_185] {strides = array<i32>} : memref<200x64xf32, #tpu.memory_space<vmem>>, vector<1x16xf32>,
        %get3A_187 = vector.shape_cast %get3A_186 : vector<1x16xf32> to vector<16xf32>
        %get3A_188 = arith.index_cast %add3A_155 : i32 to index
        %get3A_189 = arith.constant 32 : index
        %get3A_190 = tpu.vector_load %arg11[%get3A_188, %get3A_189] {strides = array<i32>} : memref<200x64xf32, #tpu.memory_space<vmem>>, vector<1x16xf32>,
        %get3A_191 = vector.shape_cast %get3A_190 : vector<1x16xf32> to vector<16xf32>
        %add3A_192 = arith.addf %get3A_187, %get3A_191 : vector<16xf32>
        %swap3A_193 = arith.index_cast %add3A_155 : i32 to index
        %swap3A_194 = arith.constant 32 : index
        %swap3A_195 = tpu.vector_load %arg10[%swap3A_193, %swap3A_194] {strides = array<i32>} : memref<200x64xf32, #tpu.memory_space<vmem>>, vector<1x16xf32>,
        %swap3A_196 = vector.shape_cast %swap3A_195 : vector<1x16xf32> to vector<16xf32>
        %swap3A_197 = vector.shape_cast %add3A_192 : vector<16xf32> to vector<1x16xf32>
        tpu.vector_store %arg10[%swap3A_193, %swap3A_194], %swap3A_197 {strides = array<i32>} : memref<200x64xf32, #tpu.memory_space<vmem>>, vector<1x16xf32>,
        %get3A_198 = arith.index_cast %add3A_155 : i32 to index
        %get3A_199 = arith.constant 48 : index
        %get3A_200 = tpu.vector_load %arg10[%get3A_198, %get3A_199] {strides = array<i32>} : memref<200x64xf32, #tpu.memory_space<vmem>>, vector<1x16xf32>,
        %get3A_201 = vector.shape_cast %get3A_200 : vector<1x16xf32> to vector<16xf32>
        %get3A_202 = arith.index_cast %add3A_155 : i32 to index
        %get3A_203 = arith.constant 48 : index
        %get3A_204 = tpu.vector_load %arg11[%get3A_202, %get3A_203] {strides = array<i32>} : memref<200x64xf32, #tpu.memory_space<vmem>>, vector<1x16xf32>,
        %get3A_205 = vector.shape_cast %get3A_204 : vector<1x16xf32> to vector<16xf32>
        %add3A_206 = arith.addf %get3A_201, %get3A_205 : vector<16xf32>
        %swap3A_207 = arith.index_cast %add3A_155 : i32 to index
        %swap3A_208 = arith.constant 48 : index
        %swap3A_209 = tpu.vector_load %arg10[%swap3A_207, %swap3A_208] {strides = array<i32>} : memref<200x64xf32, #tpu.memory_space<vmem>>, vector<1x16xf32>,
        %swap3A_210 = vector.shape_cast %swap3A_209 : vector<1x16xf32> to vector<16xf32>
        %swap3A_211 = vector.shape_cast %add3A_206 : vector<16xf32> to vector<1x16xf32>
        tpu.vector_store %arg10[%swap3A_207, %swap3A_208], %swap3A_211 {strides = array<i32>} : memref<200x64xf32, #tpu.memory_space<vmem>>, vector<1x16xf32>,
        %mul3A_212 = arith.constant 4 : i32
        %mul3A_213 = arith.muli %scan3A_93, %mul3A_212 : i32
        %add3A_214 = arith.constant 2 : i32
        %add3A_215 = arith.addi %mul3A_213, %add3A_214 : i32
        %get3A_216 = arith.index_cast %add3A_215 : i32 to index
        %get3A_217 = arith.constant 0 : index
        %get3A_218 = tpu.vector_load %arg10[%get3A_216, %get3A_217] {strides = array<i32>} : memref<200x64xf32, #tpu.memory_space<vmem>>, vector<1x16xf32>,
        %get3A_219 = vector.shape_cast %get3A_218 : vector<1x16xf32> to vector<16xf32>
        %get3A_220 = arith.index_cast %add3A_215 : i32 to index
        %get3A_221 = arith.constant 0 : index
        %get3A_222 = tpu.vector_load %arg11[%get3A_220, %get3A_221] {strides = array<i32>} : memref<200x64xf32, #tpu.memory_space<vmem>>, vector<1x16xf32>,
        %get3A_223 = vector.shape_cast %get3A_222 : vector<1x16xf32> to vector<16xf32>
        %add3A_224 = arith.addf %get3A_219, %get3A_223 : vector<16xf32>
        %swap3A_225 = arith.index_cast %add3A_215 : i32 to index
        %swap3A_226 = arith.constant 0 : index
        %swap3A_227 = tpu.vector_load %arg10[%swap3A_225, %swap3A_226] {strides = array<i32>} : memref<200x64xf32, #tpu.memory_space<vmem>>, vector<1x16xf32>,
        %swap3A_228 = vector.shape_cast %swap3A_227 : vector<1x16xf32> to vector<16xf32>
        %swap3A_229 = vector.shape_cast %add3A_224 : vector<16xf32> to vector<1x16xf32>
        tpu.vector_store %arg10[%swap3A_225, %swap3A_226], %swap3A_229 {strides = array<i32>} : memref<200x64xf32, #tpu.memory_space<vmem>>, vector<1x16xf32>,
        %get3A_230 = arith.index_cast %add3A_215 : i32 to index
        %get3A_231 = arith.constant 16 : index
        %get3A_232 = tpu.vector_load %arg10[%get3A_230, %get3A_231] {strides = array<i32>} : memref<200x64xf32, #tpu.memory_space<vmem>>, vector<1x16xf32>,
        %get3A_233 = vector.shape_cast %get3A_232 : vector<1x16xf32> to vector<16xf32>
        %get3A_234 = arith.index_cast %add3A_215 : i32 to index
        %get3A_235 = arith.constant 16 : index
        %get3A_236 = tpu.vector_load %arg11[%get3A_234, %get3A_235] {strides = array<i32>} : memref<200x64xf32, #tpu.memory_space<vmem>>, vector<1x16xf32>,
        %get3A_237 = vector.shape_cast %get3A_236 : vector<1x16xf32> to vector<16xf32>
        %add3A_238 = arith.addf %get3A_233, %get3A_237 : vector<16xf32>
        %swap3A_239 = arith.index_cast %add3A_215 : i32 to index
        %swap3A_240 = arith.constant 16 : index
        %swap3A_241 = tpu.vector_load %arg10[%swap3A_239, %swap3A_240] {strides = array<i32>} : memref<200x64xf32, #tpu.memory_space<vmem>>, vector<1x16xf32>,
        %swap3A_242 = vector.shape_cast %swap3A_241 : vector<1x16xf32> to vector<16xf32>
        %swap3A_243 = vector.shape_cast %add3A_238 : vector<16xf32> to vector<1x16xf32>
        tpu.vector_store %arg10[%swap3A_239, %swap3A_240], %swap3A_243 {strides = array<i32>} : memref<200x64xf32, #tpu.memory_space<vmem>>, vector<1x16xf32>,
        %get3A_244 = arith.index_cast %add3A_215 : i32 to index
        %get3A_245 = arith.constant 32 : index
        %get3A_246 = tpu.vector_load %arg10[%get3A_244, %get3A_245] {strides = array<i32>} : memref<200x64xf32, #tpu.memory_space<vmem>>, vector<1x16xf32>,
        %get3A_247 = vector.shape_cast %get3A_246 : vector<1x16xf32> to vector<16xf32>
        %get3A_248 = arith.index_cast %add3A_215 : i32 to index
        %get3A_249 = arith.constant 32 : index
        %get3A_250 = tpu.vector_load %arg11[%get3A_248, %get3A_249] {strides = array<i32>} : memref<200x64xf32, #tpu.memory_space<vmem>>, vector<1x16xf32>,
        %get3A_251 = vector.shape_cast %get3A_250 : vector<1x16xf32> to vector<16xf32>
        %add3A_252 = arith.addf %get3A_247, %get3A_251 : vector<16xf32>
        %swap3A_253 = arith.index_cast %add3A_215 : i32 to index
        %swap3A_254 = arith.constant 32 : index
        %swap3A_255 = tpu.vector_load %arg10[%swap3A_253, %swap3A_254] {strides = array<i32>} : memref<200x64xf32, #tpu.memory_space<vmem>>, vector<1x16xf32>,
        %swap3A_256 = vector.shape_cast %swap3A_255 : vector<1x16xf32> to vector<16xf32>
        %swap3A_257 = vector.shape_cast %add3A_252 : vector<16xf32> to vector<1x16xf32>
        tpu.vector_store %arg10[%swap3A_253, %swap3A_254], %swap3A_257 {strides = array<i32>} : memref<200x64xf32, #tpu.memory_space<vmem>>, vector<1x16xf32>,
        %get3A_258 = arith.index_cast %add3A_215 : i32 to index
        %get3A_259 = arith.constant 48 : index
        %get3A_260 = tpu.vector_load %arg10[%get3A_258, %get3A_259] {strides = array<i32>} : memref<200x64xf32, #tpu.memory_space<vmem>>, vector<1x16xf32>,
        %get3A_261 = vector.shape_cast %get3A_260 : vector<1x16xf32> to vector<16xf32>
        %get3A_262 = arith.index_cast %add3A_215 : i32 to index
        %get3A_263 = arith.constant 48 : index
        %get3A_264 = tpu.vector_load %arg11[%get3A_262, %get3A_263] {strides = array<i32>} : memref<200x64xf32, #tpu.memory_space<vmem>>, vector<1x16xf32>,
        %get3A_265 = vector.shape_cast %get3A_264 : vector<1x16xf32> to vector<16xf32>
        %add3A_266 = arith.addf %get3A_261, %get3A_265 : vector<16xf32>
        %swap3A_267 = arith.index_cast %add3A_215 : i32 to index
        %swap3A_268 = arith.constant 48 : index
        %swap3A_269 = tpu.vector_load %arg10[%swap3A_267, %swap3A_268] {strides = array<i32>} : memref<200x64xf32, #tpu.memory_space<vmem>>, vector<1x16xf32>,
        %swap3A_270 = vector.shape_cast %swap3A_269 : vector<1x16xf32> to vector<16xf32>
        %swap3A_271 = vector.shape_cast %add3A_266 : vector<16xf32> to vector<1x16xf32>
        tpu.vector_store %arg10[%swap3A_267, %swap3A_268], %swap3A_271 {strides = array<i32>} : memref<200x64xf32, #tpu.memory_space<vmem>>, vector<1x16xf32>,
        %mul3A_272 = arith.constant 4 : i32
        %mul3A_273 = arith.muli %scan3A_93, %mul3A_272 : i32
        %add3A_274 = arith.constant 3 : i32
        %add3A_275 = arith.addi %mul3A_273, %add3A_274 : i32
        %get3A_276 = arith.index_cast %add3A_275 : i32 to index
        %get3A_277 = arith.constant 0 : index
        %get3A_278 = tpu.vector_load %arg10[%get3A_276, %get3A_277] {strides = array<i32>} : memref<200x64xf32, #tpu.memory_space<vmem>>, vector<1x16xf32>,
        %get3A_279 = vector.shape_cast %get3A_278 : vector<1x16xf32> to vector<16xf32>
        %get3A_280 = arith.index_cast %add3A_275 : i32 to index
        %get3A_281 = arith.constant 0 : index
        %get3A_282 = tpu.vector_load %arg11[%get3A_280, %get3A_281] {strides = array<i32>} : memref<200x64xf32, #tpu.memory_space<vmem>>, vector<1x16xf32>,
        %get3A_283 = vector.shape_cast %get3A_282 : vector<1x16xf32> to vector<16xf32>
        %add3A_284 = arith.addf %get3A_279, %get3A_283 : vector<16xf32>
        %swap3A_285 = arith.index_cast %add3A_275 : i32 to index
        %swap3A_286 = arith.constant 0 : index
        %swap3A_287 = tpu.vector_load %arg10[%swap3A_285, %swap3A_286] {strides = array<i32>} : memref<200x64xf32, #tpu.memory_space<vmem>>, vector<1x16xf32>,
        %swap3A_288 = vector.shape_cast %swap3A_287 : vector<1x16xf32> to vector<16xf32>
        %swap3A_289 = vector.shape_cast %add3A_284 : vector<16xf32> to vector<1x16xf32>
        tpu.vector_store %arg10[%swap3A_285, %swap3A_286], %swap3A_289 {strides = array<i32>} : memref<200x64xf32, #tpu.memory_space<vmem>>, vector<1x16xf32>,
        %get3A_290 = arith.index_cast %add3A_275 : i32 to index
        %get3A_291 = arith.constant 16 : index
        %get3A_292 = tpu.vector_load %arg10[%get3A_290, %get3A_291] {strides = array<i32>} : memref<200x64xf32, #tpu.memory_space<vmem>>, vector<1x16xf32>,
        %get3A_293 = vector.shape_cast %get3A_292 : vector<1x16xf32> to vector<16xf32>
        %get3A_294 = arith.index_cast %add3A_275 : i32 to index
        %get3A_295 = arith.constant 16 : index
        %get3A_296 = tpu.vector_load %arg11[%get3A_294, %get3A_295] {strides = array<i32>} : memref<200x64xf32, #tpu.memory_space<vmem>>, vector<1x16xf32>,
        %get3A_297 = vector.shape_cast %get3A_296 : vector<1x16xf32> to vector<16xf32>
        %add3A_298 = arith.addf %get3A_293, %get3A_297 : vector<16xf32>
        %swap3A_299 = arith.index_cast %add3A_275 : i32 to index
        %swap3A_300 = arith.constant 16 : index
        %swap3A_301 = tpu.vector_load %arg10[%swap3A_299, %swap3A_300] {strides = array<i32>} : memref<200x64xf32, #tpu.memory_space<vmem>>, vector<1x16xf32>,
        %swap3A_302 = vector.shape_cast %swap3A_301 : vector<1x16xf32> to vector<16xf32>
        %swap3A_303 = vector.shape_cast %add3A_298 : vector<16xf32> to vector<1x16xf32>
        tpu.vector_store %arg10[%swap3A_299, %swap3A_300], %swap3A_303 {strides = array<i32>} : memref<200x64xf32, #tpu.memory_space<vmem>>, vector<1x16xf32>,
        %get3A_304 = arith.index_cast %add3A_275 : i32 to index
        %get3A_305 = arith.constant 32 : index
        %get3A_306 = tpu.vector_load %arg10[%get3A_304, %get3A_305] {strides = array<i32>} : memref<200x64xf32, #tpu.memory_space<vmem>>, vector<1x16xf32>,
        %get3A_307 = vector.shape_cast %get3A_306 : vector<1x16xf32> to vector<16xf32>
        %get3A_308 = arith.index_cast %add3A_275 : i32 to index
        %get3A_309 = arith.constant 32 : index
        %get3A_310 = tpu.vector_load %arg11[%get3A_308, %get3A_309] {strides = array<i32>} : memref<200x64xf32, #tpu.memory_space<vmem>>, vector<1x16xf32>,
        %get3A_311 = vector.shape_cast %get3A_310 : vector<1x16xf32> to vector<16xf32>
        %add3A_312 = arith.addf %get3A_307, %get3A_311 : vector<16xf32>
        %swap3A_313 = arith.index_cast %add3A_275 : i32 to index
        %swap3A_314 = arith.constant 32 : index
        %swap3A_315 = tpu.vector_load %arg10[%swap3A_313, %swap3A_314] {strides = array<i32>} : memref<200x64xf32, #tpu.memory_space<vmem>>, vector<1x16xf32>,
        %swap3A_316 = vector.shape_cast %swap3A_315 : vector<1x16xf32> to vector<16xf32>
        %swap3A_317 = vector.shape_cast %add3A_312 : vector<16xf32> to vector<1x16xf32>
        tpu.vector_store %arg10[%swap3A_313, %swap3A_314], %swap3A_317 {strides = array<i32>} : memref<200x64xf32, #tpu.memory_space<vmem>>, vector<1x16xf32>,
        %get3A_318 = arith.index_cast %add3A_275 : i32 to index
        %get3A_319 = arith.constant 48 : index
        %get3A_320 = tpu.vector_load %arg10[%get3A_318, %get3A_319] {strides = array<i32>} : memref<200x64xf32, #tpu.memory_space<vmem>>, vector<1x16xf32>,
        %get3A_321 = vector.shape_cast %get3A_320 : vector<1x16xf32> to vector<16xf32>
        %get3A_322 = arith.index_cast %add3A_275 : i32 to index
        %get3A_323 = arith.constant 48 : index
        %get3A_324 = tpu.vector_load %arg11[%get3A_322, %get3A_323] {strides = array<i32>} : memref<200x64xf32, #tpu.memory_space<vmem>>, vector<1x16xf32>,
        %get3A_325 = vector.shape_cast %get3A_324 : vector<1x16xf32> to vector<16xf32>
        %add3A_326 = arith.addf %get3A_321, %get3A_325 : vector<16xf32>
        %swap3A_327 = arith.index_cast %add3A_275 : i32 to index
        %swap3A_328 = arith.constant 48 : index
        %swap3A_329 = tpu.vector_load %arg10[%swap3A_327, %swap3A_328] {strides = array<i32>} : memref<200x64xf32, #tpu.memory_space<vmem>>, vector<1x16xf32>,
        %swap3A_330 = vector.shape_cast %swap3A_329 : vector<1x16xf32> to vector<16xf32>
        %swap3A_331 = vector.shape_cast %add3A_326 : vector<16xf32> to vector<1x16xf32>
        tpu.vector_store %arg10[%swap3A_327, %swap3A_328], %swap3A_331 {strides = array<i32>} : memref<200x64xf32, #tpu.memory_space<vmem>>, vector<1x16xf32>,
      }
      %scan3A_80 = arith.constant 50 : i32
      %dma_start3A_81 = arith.constant 0 : i32
      %dma_start3A_82 = tpu.memref_slice %arg5[%add3A_18, %dma_start3A_81] : memref<320000x64xf32, #tpu.memory_space<hbm>> -> memref<200x64xf32, #tpu.memory_space<hbm>>
      %dma_start3A_83 = arith.constant 0 : i32
      %dma_start3A_84 = tpu.memref_slice %arg5[%add3A_18, %dma_start3A_83] : memref<320000x64xf32, #tpu.memory_space<hbm>> -> memref<200x64xf32, #tpu.memory_space<hbm>>
      tpu.enqueue_dma source(%arg10 : memref<200x64xf32, #tpu.memory_space<vmem>>) target(%dma_start3A_84 : memref<200x64xf32, #tpu.memory_space<hbm>>) target_semaphore(%arg17 : memref<!tpu.dma_semaphore, #tpu.memory_space<semaphore_mem>>)
      %dma_wait3A_85 = arith.constant 0 : i32
      %dma_wait3A_86 = tpu.memref_slice %arg5[%add3A_15, %dma_wait3A_85] : memref<320000x64xf32, #tpu.memory_space<hbm>> -> memref<200x64xf32, #tpu.memory_space<hbm>>
      %dma_wait3A_87 = arith.constant 0 : i32
      %dma_wait3A_88 = tpu.memref_slice %arg5[%add3A_15, %dma_wait3A_87] : memref<320000x64xf32, #tpu.memory_space<hbm>> -> memref<200x64xf32, #tpu.memory_space<hbm>>
      tpu.wait_dma2 semaphore(%arg16 : memref<!tpu.dma_semaphore, #tpu.memory_space<semaphore_mem>>) src(%arg8 : memref<200x64xf32, #tpu.memory_space<vmem>>) dst(%dma_wait3A_88 : memref<200x64xf32, #tpu.memory_space<hbm>>)
      %dma_wait3A_89 = arith.constant 0 : i32
      %dma_wait3A_90 = tpu.memref_slice %arg5[%add3A_18, %dma_wait3A_89] : memref<320000x64xf32, #tpu.memory_space<hbm>> -> memref<200x64xf32, #tpu.memory_space<hbm>>
      %dma_wait3A_91 = arith.constant 0 : i32
      %dma_wait3A_92 = tpu.memref_slice %arg5[%add3A_18, %dma_wait3A_91] : memref<320000x64xf32, #tpu.memory_space<hbm>> -> memref<200x64xf32, #tpu.memory_space<hbm>>
      tpu.wait_dma2 semaphore(%arg17 : memref<!tpu.dma_semaphore, #tpu.memory_space<semaphore_mem>>) src(%arg10 : memref<200x64xf32, #tpu.memory_space<vmem>>) dst(%dma_wait3A_92 : memref<200x64xf32, #tpu.memory_space<hbm>>)
    }
    %scan3A_7 = arith.constant 25 : i32
    return
  }
}

#map = affine_map<(d0, d1) -> (0, 0)>
#map1 = affine_map<(d0, d1) -> (0, 0, 0)>
module attributes {stable_mosaic.version = 14 : i64} {
  func.func @_sc_segsum(%arg0: i32, %arg1: i32, %arg2: memref<320000x64xf32, #tpu.memory_space<hbm>>, %arg3: memref<32x50x200xi32, #tpu.memory_space<hbm>>, %arg4: memref<10240x64xf32, #tpu.memory_space<hbm>>, %arg5: memref<10240x64xf32, #tpu.memory_space<hbm>>, %arg6: memref<10240x64xf32, #tpu.memory_space<hbm>>, %arg7: memref<50x200xi32, #tpu.memory_space<vmem>>, %arg8: memref<2x200x64xf32, #tpu.memory_space<vmem>>, %arg9: memref<10240x64xf32, #tpu.memory_space<vmem_shared>>, %arg10: memref<!tpu.dma_semaphore, #tpu.memory_space<semaphore_mem>>, %arg11: memref<!tpu.dma_semaphore, #tpu.memory_space<semaphore_mem>>, %arg12: memref<!tpu.dma_semaphore, #tpu.memory_space<semaphore_mem>>, %arg13: memref<!tpu.dma_semaphore, #tpu.memory_space<semaphore_mem>>) attributes {dimension_semantics = [#tpu.dimension_semantics<core_parallel>, #tpu.dimension_semantics<subcore_parallel>], iteration_bounds = array<i64: 2, 16>, scalar_prefetch = 0 : i64, scratch_operands = 7 : i64, tpu.core_type = #tpu.core_type<sc_vector_subcore>, window_params = [{transform_indices = #map}, {transform_indices = #map1}, {transform_indices = #map}, {transform_indices = #map}, {transform_indices = #map}]} {
    %mul3A = arith.constant 2 : i32
    %mul3A_0 = arith.muli %arg1, %mul3A : i32
    %add3A = arith.addi %mul3A_0, %arg0 : i32
    %mul3A_1 = arith.constant 640 : i32
    %mul3A_2 = arith.muli %arg1, %mul3A_1 : i32
    "tpu.region"() ({
      %run_scoped3A = tpu.sem_alloc : memref<!tpu.dma_semaphore, #tpu.memory_space<semaphore_mem>>
      %dma_start3A = arith.constant 0 : i32
      %dma_start3A_18 = tpu.memref_slice %arg9[%mul3A_2, %dma_start3A] : memref<10240x64xf32, #tpu.memory_space<vmem_shared>> -> memref<640x64xf32, #tpu.memory_space<vmem_shared>>
      %dma_start3A_19 = arith.constant 0 : i32
      %dma_start3A_20 = tpu.memref_slice %arg4[%mul3A_2, %dma_start3A_19] : memref<10240x64xf32, #tpu.memory_space<hbm>> -> memref<640x64xf32, #tpu.memory_space<hbm>>
      tpu.enqueue_dma source(%dma_start3A_20 : memref<640x64xf32, #tpu.memory_space<hbm>>) target(%dma_start3A_18 : memref<640x64xf32, #tpu.memory_space<vmem_shared>>) target_semaphore(%run_scoped3A : memref<!tpu.dma_semaphore, #tpu.memory_space<semaphore_mem>>)
      %dma_wait3A = arith.constant 0 : i32
      %dma_wait3A_21 = tpu.memref_slice %arg9[%mul3A_2, %dma_wait3A] : memref<10240x64xf32, #tpu.memory_space<vmem_shared>> -> memref<640x64xf32, #tpu.memory_space<vmem_shared>>
      %dma_wait3A_22 = arith.constant 0 : i32
      %dma_wait3A_23 = tpu.memref_slice %arg4[%mul3A_2, %dma_wait3A_22] : memref<10240x64xf32, #tpu.memory_space<hbm>> -> memref<640x64xf32, #tpu.memory_space<hbm>>
      tpu.wait_dma2 semaphore(%run_scoped3A : memref<!tpu.dma_semaphore, #tpu.memory_space<semaphore_mem>>) src(%dma_wait3A_23 : memref<640x64xf32, #tpu.memory_space<hbm>>) dst(%dma_wait3A_21 : memref<640x64xf32, #tpu.memory_space<vmem_shared>>)
      tpu.yield
    }) : () -> ()
    "tpu.region"() ({
      %run_scoped3A = tpu.sem_alloc : memref<!tpu.dma_semaphore, #tpu.memory_space<semaphore_mem>>
      %dma_start3A = arith.constant 0 : i32
      %dma_start3A_18 = arith.constant 0 : i32
      %dma_start3A_19 = tpu.memref_slice %arg3[%add3A, %dma_start3A, %dma_start3A_18] : memref<32x50x200xi32, #tpu.memory_space<hbm>> -> memref<1x50x200xi32, #tpu.memory_space<hbm>>
      %dma_start3A_20 = tpu.memref_squeeze %dma_start3A_19 : memref<1x50x200xi32, #tpu.memory_space<hbm>> -> memref<50x200xi32, #tpu.memory_space<hbm>>
      %dma_start3A_21 = arith.constant 0 : i32
      %dma_start3A_22 = arith.constant 0 : i32
      %dma_start3A_23 = tpu.memref_slice %arg3[%add3A, %dma_start3A_21, %dma_start3A_22] : memref<32x50x200xi32, #tpu.memory_space<hbm>> -> memref<1x50x200xi32, #tpu.memory_space<hbm>>
      %dma_start3A_24 = tpu.memref_squeeze %dma_start3A_23 : memref<1x50x200xi32, #tpu.memory_space<hbm>> -> memref<50x200xi32, #tpu.memory_space<hbm>>
      tpu.enqueue_dma source(%dma_start3A_24 : memref<50x200xi32, #tpu.memory_space<hbm>>) target(%arg7 : memref<50x200xi32, #tpu.memory_space<vmem>>) target_semaphore(%run_scoped3A : memref<!tpu.dma_semaphore, #tpu.memory_space<semaphore_mem>>)
      %dma_wait3A = arith.constant 0 : i32
      %dma_wait3A_25 = arith.constant 0 : i32
      %dma_wait3A_26 = tpu.memref_slice %arg3[%add3A, %dma_wait3A, %dma_wait3A_25] : memref<32x50x200xi32, #tpu.memory_space<hbm>> -> memref<1x50x200xi32, #tpu.memory_space<hbm>>
      %dma_wait3A_27 = tpu.memref_squeeze %dma_wait3A_26 : memref<1x50x200xi32, #tpu.memory_space<hbm>> -> memref<50x200xi32, #tpu.memory_space<hbm>>
      %dma_wait3A_28 = arith.constant 0 : i32
      %dma_wait3A_29 = arith.constant 0 : i32
      %dma_wait3A_30 = tpu.memref_slice %arg3[%add3A, %dma_wait3A_28, %dma_wait3A_29] : memref<32x50x200xi32, #tpu.memory_space<hbm>> -> memref<1x50x200xi32, #tpu.memory_space<hbm>>
      %dma_wait3A_31 = tpu.memref_squeeze %dma_wait3A_30 : memref<1x50x200xi32, #tpu.memory_space<hbm>> -> memref<50x200xi32, #tpu.memory_space<hbm>>
      tpu.wait_dma2 semaphore(%run_scoped3A : memref<!tpu.dma_semaphore, #tpu.memory_space<semaphore_mem>>) src(%dma_wait3A_31 : memref<50x200xi32, #tpu.memory_space<hbm>>) dst(%arg7 : memref<50x200xi32, #tpu.memory_space<vmem>>)
      tpu.yield
    }) : () -> ()
    %barrier3A = arith.constant 0 : index
    tpu.barrier barrier_id(%barrier3A)
    %mul3A_3 = arith.constant 10000 : i32
    %mul3A_4 = arith.muli %add3A, %mul3A_3 : i32
    %scan3A = arith.constant 0 : i32
    %scan3A_5 = arith.constant 0 : i32
    %scan3A_6 = arith.constant 25 : i32
    %scan3A_7 = arith.addi %scan3A_5, %scan3A_6 : i32
    %scan3A_8 = arith.constant 1 : i32
    scf.for %scan3A_18 = %scan3A_5 to %scan3A_7 step %scan3A_8  : i32 {
      %mul3A_19 = arith.constant 2 : i32
      %mul3A_20 = arith.muli %mul3A_19, %scan3A_18 : i32
      %add3A_21 = arith.constant 1 : i32
      %add3A_22 = arith.addi %mul3A_20, %add3A_21 : i32
      %mul3A_23 = arith.constant 200 : i32
      %mul3A_24 = arith.muli %mul3A_20, %mul3A_23 : i32
      %add3A_25 = arith.addi %mul3A_4, %mul3A_24 : i32
      %dma_start3A = arith.constant 0 : i32
      %dma_start3A_26 = arith.constant 0 : i32
      %dma_start3A_27 = arith.constant 0 : i32
      %dma_start3A_28 = tpu.memref_slice %arg8[%dma_start3A, %dma_start3A_26, %dma_start3A_27] : memref<2x200x64xf32, #tpu.memory_space<vmem>> -> memref<1x200x64xf32, #tpu.memory_space<vmem>>
      %dma_start3A_29 = tpu.memref_squeeze %dma_start3A_28 : memref<1x200x64xf32, #tpu.memory_space<vmem>> -> memref<200x64xf32, #tpu.memory_space<vmem>>
      %dma_start3A_30 = arith.constant 0 : i32
      %dma_start3A_31 = tpu.memref_slice %arg2[%add3A_25, %dma_start3A_30] : memref<320000x64xf32, #tpu.memory_space<hbm>> -> memref<200x64xf32, #tpu.memory_space<hbm>>
      %dma_start3A_32 = arith.constant 0 : i32
      %dma_start3A_33 = arith.constant 0 : i32
      %dma_start3A_34 = tpu.memref_slice %arg8[%dma_start3A, %dma_start3A_32, %dma_start3A_33] : memref<2x200x64xf32, #tpu.memory_space<vmem>> -> memref<1x200x64xf32, #tpu.memory_space<vmem>>
      %dma_start3A_35 = tpu.memref_squeeze %dma_start3A_34 : memref<1x200x64xf32, #tpu.memory_space<vmem>> -> memref<200x64xf32, #tpu.memory_space<vmem>>
      %dma_start3A_36 = arith.constant 0 : i32
      %dma_start3A_37 = tpu.memref_slice %arg2[%add3A_25, %dma_start3A_36] : memref<320000x64xf32, #tpu.memory_space<hbm>> -> memref<200x64xf32, #tpu.memory_space<hbm>>
      tpu.enqueue_dma source(%dma_start3A_37 : memref<200x64xf32, #tpu.memory_space<hbm>>) target(%dma_start3A_35 : memref<200x64xf32, #tpu.memory_space<vmem>>) target_semaphore(%arg10 : memref<!tpu.dma_semaphore, #tpu.memory_space<semaphore_mem>>)
      %mul3A_38 = arith.constant 200 : i32
      %mul3A_39 = arith.muli %add3A_22, %mul3A_38 : i32
      %add3A_40 = arith.addi %mul3A_4, %mul3A_39 : i32
      %dma_start3A_41 = arith.constant 1 : i32
      %dma_start3A_42 = arith.constant 0 : i32
      %dma_start3A_43 = arith.constant 0 : i32
      %dma_start3A_44 = tpu.memref_slice %arg8[%dma_start3A_41, %dma_start3A_42, %dma_start3A_43] : memref<2x200x64xf32, #tpu.memory_space<vmem>> -> memref<1x200x64xf32, #tpu.memory_space<vmem>>
      %dma_start3A_45 = tpu.memref_squeeze %dma_start3A_44 : memref<1x200x64xf32, #tpu.memory_space<vmem>> -> memref<200x64xf32, #tpu.memory_space<vmem>>
      %dma_start3A_46 = arith.constant 0 : i32
      %dma_start3A_47 = tpu.memref_slice %arg2[%add3A_40, %dma_start3A_46] : memref<320000x64xf32, #tpu.memory_space<hbm>> -> memref<200x64xf32, #tpu.memory_space<hbm>>
      %dma_start3A_48 = arith.constant 0 : i32
      %dma_start3A_49 = arith.constant 0 : i32
      %dma_start3A_50 = tpu.memref_slice %arg8[%dma_start3A_41, %dma_start3A_48, %dma_start3A_49] : memref<2x200x64xf32, #tpu.memory_space<vmem>> -> memref<1x200x64xf32, #tpu.memory_space<vmem>>
      %dma_start3A_51 = tpu.memref_squeeze %dma_start3A_50 : memref<1x200x64xf32, #tpu.memory_space<vmem>> -> memref<200x64xf32, #tpu.memory_space<vmem>>
      %dma_start3A_52 = arith.constant 0 : i32
      %dma_start3A_53 = tpu.memref_slice %arg2[%add3A_40, %dma_start3A_52] : memref<320000x64xf32, #tpu.memory_space<hbm>> -> memref<200x64xf32, #tpu.memory_space<hbm>>
      tpu.enqueue_dma source(%dma_start3A_53 : memref<200x64xf32, #tpu.memory_space<hbm>>) target(%dma_start3A_51 : memref<200x64xf32, #tpu.memory_space<vmem>>) target_semaphore(%arg11 : memref<!tpu.dma_semaphore, #tpu.memory_space<semaphore_mem>>)
      %dma_wait3A = arith.constant 0 : i32
      %dma_wait3A_54 = arith.constant 0 : i32
      %dma_wait3A_55 = arith.constant 0 : i32
      %dma_wait3A_56 = tpu.memref_slice %arg8[%dma_wait3A, %dma_wait3A_54, %dma_wait3A_55] : memref<2x200x64xf32, #tpu.memory_space<vmem>> -> memref<1x200x64xf32, #tpu.memory_space<vmem>>
      %dma_wait3A_57 = tpu.memref_squeeze %dma_wait3A_56 : memref<1x200x64xf32, #tpu.memory_space<vmem>> -> memref<200x64xf32, #tpu.memory_space<vmem>>
      %dma_wait3A_58 = arith.constant 0 : i32
      %dma_wait3A_59 = tpu.memref_slice %arg2[%add3A_25, %dma_wait3A_58] : memref<320000x64xf32, #tpu.memory_space<hbm>> -> memref<200x64xf32, #tpu.memory_space<hbm>>
      %dma_wait3A_60 = arith.constant 0 : i32
      %dma_wait3A_61 = arith.constant 0 : i32
      %dma_wait3A_62 = tpu.memref_slice %arg8[%dma_wait3A, %dma_wait3A_60, %dma_wait3A_61] : memref<2x200x64xf32, #tpu.memory_space<vmem>> -> memref<1x200x64xf32, #tpu.memory_space<vmem>>
      %dma_wait3A_63 = tpu.memref_squeeze %dma_wait3A_62 : memref<1x200x64xf32, #tpu.memory_space<vmem>> -> memref<200x64xf32, #tpu.memory_space<vmem>>
      %dma_wait3A_64 = arith.constant 0 : i32
      %dma_wait3A_65 = tpu.memref_slice %arg2[%add3A_25, %dma_wait3A_64] : memref<320000x64xf32, #tpu.memory_space<hbm>> -> memref<200x64xf32, #tpu.memory_space<hbm>>
      tpu.wait_dma2 semaphore(%arg10 : memref<!tpu.dma_semaphore, #tpu.memory_space<semaphore_mem>>) src(%dma_wait3A_65 : memref<200x64xf32, #tpu.memory_space<hbm>>) dst(%dma_wait3A_63 : memref<200x64xf32, #tpu.memory_space<vmem>>)
      %dma_start3A_66 = arith.constant 0 : i32
      %dma_start3A_67 = arith.constant 0 : i32
      %dma_start3A_68 = arith.constant 0 : i32
      %dma_start3A_69 = tpu.memref_slice %arg8[%dma_start3A_66, %dma_start3A_67, %dma_start3A_68] : memref<2x200x64xf32, #tpu.memory_space<vmem>> -> memref<1x200x64xf32, #tpu.memory_space<vmem>>
      %dma_start3A_70 = tpu.memref_squeeze %dma_start3A_69 : memref<1x200x64xf32, #tpu.memory_space<vmem>> -> memref<200x64xf32, #tpu.memory_space<vmem>>
      %dma_start3A_71 = arith.constant 0 : i32
      %dma_start3A_72 = tpu.memref_slice %arg7[%mul3A_20, %dma_start3A_71] : memref<50x200xi32, #tpu.memory_space<vmem>> -> memref<1x200xi32, #tpu.memory_space<vmem>>
      %dma_start3A_73 = tpu.memref_squeeze %dma_start3A_72 : memref<1x200xi32, #tpu.memory_space<vmem>> -> memref<200xi32, #tpu.memory_space<vmem>>
      %dma_start3A_74 = arith.constant 0 : i32
      %dma_start3A_75 = arith.constant 0 : i32
      %dma_start3A_76 = tpu.memref_slice %arg9[%dma_start3A_74, %dma_start3A_75] : memref<10240x64xf32, #tpu.memory_space<vmem_shared>> -> memref<10240x64xf32, #tpu.memory_space<vmem_shared>>
      tpu.enqueue_indirect_dma source(%dma_start3A_70 : memref<200x64xf32, #tpu.memory_space<vmem>>) target(%dma_start3A_76 : memref<10240x64xf32, #tpu.memory_space<vmem_shared>>) offsets(%dma_start3A_73 : memref<200xi32, #tpu.memory_space<vmem>>) semaphore(%arg12 : memref<!tpu.dma_semaphore, #tpu.memory_space<semaphore_mem>>) {add = true}
      %dma_wait3A_77 = arith.constant 1 : i32
      %dma_wait3A_78 = arith.constant 0 : i32
      %dma_wait3A_79 = arith.constant 0 : i32
      %dma_wait3A_80 = tpu.memref_slice %arg8[%dma_wait3A_77, %dma_wait3A_78, %dma_wait3A_79] : memref<2x200x64xf32, #tpu.memory_space<vmem>> -> memref<1x200x64xf32, #tpu.memory_space<vmem>>
      %dma_wait3A_81 = tpu.memref_squeeze %dma_wait3A_80 : memref<1x200x64xf32, #tpu.memory_space<vmem>> -> memref<200x64xf32, #tpu.memory_space<vmem>>
      %dma_wait3A_82 = arith.constant 0 : i32
      %dma_wait3A_83 = tpu.memref_slice %arg2[%add3A_40, %dma_wait3A_82] : memref<320000x64xf32, #tpu.memory_space<hbm>> -> memref<200x64xf32, #tpu.memory_space<hbm>>
      %dma_wait3A_84 = arith.constant 0 : i32
      %dma_wait3A_85 = arith.constant 0 : i32
      %dma_wait3A_86 = tpu.memref_slice %arg8[%dma_wait3A_77, %dma_wait3A_84, %dma_wait3A_85] : memref<2x200x64xf32, #tpu.memory_space<vmem>> -> memref<1x200x64xf32, #tpu.memory_space<vmem>>
      %dma_wait3A_87 = tpu.memref_squeeze %dma_wait3A_86 : memref<1x200x64xf32, #tpu.memory_space<vmem>> -> memref<200x64xf32, #tpu.memory_space<vmem>>
      %dma_wait3A_88 = arith.constant 0 : i32
      %dma_wait3A_89 = tpu.memref_slice %arg2[%add3A_40, %dma_wait3A_88] : memref<320000x64xf32, #tpu.memory_space<hbm>> -> memref<200x64xf32, #tpu.memory_space<hbm>>
      tpu.wait_dma2 semaphore(%arg11 : memref<!tpu.dma_semaphore, #tpu.memory_space<semaphore_mem>>) src(%dma_wait3A_89 : memref<200x64xf32, #tpu.memory_space<hbm>>) dst(%dma_wait3A_87 : memref<200x64xf32, #tpu.memory_space<vmem>>)
      %dma_start3A_90 = arith.constant 1 : i32
      %dma_start3A_91 = arith.constant 0 : i32
      %dma_start3A_92 = arith.constant 0 : i32
      %dma_start3A_93 = tpu.memref_slice %arg8[%dma_start3A_90, %dma_start3A_91, %dma_start3A_92] : memref<2x200x64xf32, #tpu.memory_space<vmem>> -> memref<1x200x64xf32, #tpu.memory_space<vmem>>
      %dma_start3A_94 = tpu.memref_squeeze %dma_start3A_93 : memref<1x200x64xf32, #tpu.memory_space<vmem>> -> memref<200x64xf32, #tpu.memory_space<vmem>>
      %dma_start3A_95 = arith.constant 0 : i32
      %dma_start3A_96 = tpu.memref_slice %arg7[%add3A_22, %dma_start3A_95] : memref<50x200xi32, #tpu.memory_space<vmem>> -> memref<1x200xi32, #tpu.memory_space<vmem>>
      %dma_start3A_97 = tpu.memref_squeeze %dma_start3A_96 : memref<1x200xi32, #tpu.memory_space<vmem>> -> memref<200xi32, #tpu.memory_space<vmem>>
      %dma_start3A_98 = arith.constant 0 : i32
      %dma_start3A_99 = arith.constant 0 : i32
      %dma_start3A_100 = tpu.memref_slice %arg9[%dma_start3A_98, %dma_start3A_99] : memref<10240x64xf32, #tpu.memory_space<vmem_shared>> -> memref<10240x64xf32, #tpu.memory_space<vmem_shared>>
      tpu.enqueue_indirect_dma source(%dma_start3A_94 : memref<200x64xf32, #tpu.memory_space<vmem>>) target(%dma_start3A_100 : memref<10240x64xf32, #tpu.memory_space<vmem_shared>>) offsets(%dma_start3A_97 : memref<200xi32, #tpu.memory_space<vmem>>) semaphore(%arg13 : memref<!tpu.dma_semaphore, #tpu.memory_space<semaphore_mem>>) {add = true}
      %dma_wait3A_101 = arith.constant 0 : i32
      %dma_wait3A_102 = arith.constant 0 : i32
      %dma_wait3A_103 = arith.constant 0 : i32
      %dma_wait3A_104 = tpu.memref_slice %arg8[%dma_wait3A_101, %dma_wait3A_102, %dma_wait3A_103] : memref<2x200x64xf32, #tpu.memory_space<vmem>> -> memref<1x200x64xf32, #tpu.memory_space<vmem>>
      %dma_wait3A_105 = tpu.memref_squeeze %dma_wait3A_104 : memref<1x200x64xf32, #tpu.memory_space<vmem>> -> memref<200x64xf32, #tpu.memory_space<vmem>>
      %dma_wait3A_106 = arith.constant 0 : i32
      %dma_wait3A_107 = tpu.memref_slice %arg7[%mul3A_20, %dma_wait3A_106] : memref<50x200xi32, #tpu.memory_space<vmem>> -> memref<1x200xi32, #tpu.memory_space<vmem>>
      %dma_wait3A_108 = tpu.memref_squeeze %dma_wait3A_107 : memref<1x200xi32, #tpu.memory_space<vmem>> -> memref<200xi32, #tpu.memory_space<vmem>>
      %dma_wait3A_109 = arith.constant 0 : i32
      %dma_wait3A_110 = arith.constant 0 : i32
      %dma_wait3A_111 = tpu.memref_slice %arg9[%dma_wait3A_109, %dma_wait3A_110] : memref<10240x64xf32, #tpu.memory_space<vmem_shared>> -> memref<10240x64xf32, #tpu.memory_space<vmem_shared>>
      tpu.wait_indirect_dma semaphore(%arg12 : memref<!tpu.dma_semaphore, #tpu.memory_space<semaphore_mem>>) src(%dma_wait3A_105 : memref<200x64xf32, #tpu.memory_space<vmem>>) dst(%dma_wait3A_111 : memref<10240x64xf32, #tpu.memory_space<vmem_shared>>)
      %dma_wait3A_112 = arith.constant 1 : i32
      %dma_wait3A_113 = arith.constant 0 : i32
      %dma_wait3A_114 = arith.constant 0 : i32
      %dma_wait3A_115 = tpu.memref_slice %arg8[%dma_wait3A_112, %dma_wait3A_113, %dma_wait3A_114] : memref<2x200x64xf32, #tpu.memory_space<vmem>> -> memref<1x200x64xf32, #tpu.memory_space<vmem>>
      %dma_wait3A_116 = tpu.memref_squeeze %dma_wait3A_115 : memref<1x200x64xf32, #tpu.memory_space<vmem>> -> memref<200x64xf32, #tpu.memory_space<vmem>>
      %dma_wait3A_117 = arith.constant 0 : i32
      %dma_wait3A_118 = tpu.memref_slice %arg7[%add3A_22, %dma_wait3A_117] : memref<50x200xi32, #tpu.memory_space<vmem>> -> memref<1x200xi32, #tpu.memory_space<vmem>>
      %dma_wait3A_119 = tpu.memref_squeeze %dma_wait3A_118 : memref<1x200xi32, #tpu.memory_space<vmem>> -> memref<200xi32, #tpu.memory_space<vmem>>
      %dma_wait3A_120 = arith.constant 0 : i32
      %dma_wait3A_121 = arith.constant 0 : i32
      %dma_wait3A_122 = tpu.memref_slice %arg9[%dma_wait3A_120, %dma_wait3A_121] : memref<10240x64xf32, #tpu.memory_space<vmem_shared>> -> memref<10240x64xf32, #tpu.memory_space<vmem_shared>>
      tpu.wait_indirect_dma semaphore(%arg13 : memref<!tpu.dma_semaphore, #tpu.memory_space<semaphore_mem>>) src(%dma_wait3A_116 : memref<200x64xf32, #tpu.memory_space<vmem>>) dst(%dma_wait3A_122 : memref<10240x64xf32, #tpu.memory_space<vmem_shared>>)
    }
    %scan3A_9 = arith.constant 25 : i32
    %barrier3A_10 = arith.constant 0 : index
    tpu.barrier barrier_id(%barrier3A_10)
    %eq3A = arith.constant 0 : i32
    %eq3A_11 = arith.cmpi eq, %arg0, %eq3A : i32
    %convert_element_type3A = arith.extui %eq3A_11 : i1 to i32
    %cond3A = arith.constant 0 : i32
    %cond3A_12 = arith.cmpi ne, %convert_element_type3A, %cond3A : i32
    scf.if %cond3A_12 {
      "tpu.region"() ({
        %run_scoped3A = tpu.sem_alloc : memref<!tpu.dma_semaphore, #tpu.memory_space<semaphore_mem>>
        %dma_start3A = arith.constant 0 : i32
        %dma_start3A_18 = tpu.memref_slice %arg5[%mul3A_2, %dma_start3A] : memref<10240x64xf32, #tpu.memory_space<hbm>> -> memref<640x64xf32, #tpu.memory_space<hbm>>
        %dma_start3A_19 = arith.constant 0 : i32
        %dma_start3A_20 = tpu.memref_slice %arg9[%mul3A_2, %dma_start3A_19] : memref<10240x64xf32, #tpu.memory_space<vmem_shared>> -> memref<640x64xf32, #tpu.memory_space<vmem_shared>>
        tpu.enqueue_dma source(%dma_start3A_20 : memref<640x64xf32, #tpu.memory_space<vmem_shared>>) target(%dma_start3A_18 : memref<640x64xf32, #tpu.memory_space<hbm>>) target_semaphore(%run_scoped3A : memref<!tpu.dma_semaphore, #tpu.memory_space<semaphore_mem>>)
        %dma_wait3A = arith.constant 0 : i32
        %dma_wait3A_21 = tpu.memref_slice %arg5[%mul3A_2, %dma_wait3A] : memref<10240x64xf32, #tpu.memory_space<hbm>> -> memref<640x64xf32, #tpu.memory_space<hbm>>
        %dma_wait3A_22 = arith.constant 0 : i32
        %dma_wait3A_23 = tpu.memref_slice %arg9[%mul3A_2, %dma_wait3A_22] : memref<10240x64xf32, #tpu.memory_space<vmem_shared>> -> memref<640x64xf32, #tpu.memory_space<vmem_shared>>
        tpu.wait_dma2 semaphore(%run_scoped3A : memref<!tpu.dma_semaphore, #tpu.memory_space<semaphore_mem>>) src(%dma_wait3A_23 : memref<640x64xf32, #tpu.memory_space<vmem_shared>>) dst(%dma_wait3A_21 : memref<640x64xf32, #tpu.memory_space<hbm>>)
        tpu.yield
      }) : () -> ()
    } else {
    }
    %eq3A_13 = arith.constant 1 : i32
    %eq3A_14 = arith.cmpi eq, %arg0, %eq3A_13 : i32
    %convert_element_type3A_15 = arith.extui %eq3A_14 : i1 to i32
    %cond3A_16 = arith.constant 0 : i32
    %cond3A_17 = arith.cmpi ne, %convert_element_type3A_15, %cond3A_16 : i32
    scf.if %cond3A_17 {
      "tpu.region"() ({
        %run_scoped3A = tpu.sem_alloc : memref<!tpu.dma_semaphore, #tpu.memory_space<semaphore_mem>>
        %dma_start3A = arith.constant 0 : i32
        %dma_start3A_18 = tpu.memref_slice %arg6[%mul3A_2, %dma_start3A] : memref<10240x64xf32, #tpu.memory_space<hbm>> -> memref<640x64xf32, #tpu.memory_space<hbm>>
        %dma_start3A_19 = arith.constant 0 : i32
        %dma_start3A_20 = tpu.memref_slice %arg9[%mul3A_2, %dma_start3A_19] : memref<10240x64xf32, #tpu.memory_space<vmem_shared>> -> memref<640x64xf32, #tpu.memory_space<vmem_shared>>
        tpu.enqueue_dma source(%dma_start3A_20 : memref<640x64xf32, #tpu.memory_space<vmem_shared>>) target(%dma_start3A_18 : memref<640x64xf32, #tpu.memory_space<hbm>>) target_semaphore(%run_scoped3A : memref<!tpu.dma_semaphore, #tpu.memory_space<semaphore_mem>>)
        %dma_wait3A = arith.constant 0 : i32
        %dma_wait3A_21 = tpu.memref_slice %arg6[%mul3A_2, %dma_wait3A] : memref<10240x64xf32, #tpu.memory_space<hbm>> -> memref<640x64xf32, #tpu.memory_space<hbm>>
        %dma_wait3A_22 = arith.constant 0 : i32
        %dma_wait3A_23 = tpu.memref_slice %arg9[%mul3A_2, %dma_wait3A_22] : memref<10240x64xf32, #tpu.memory_space<vmem_shared>> -> memref<640x64xf32, #tpu.memory_space<vmem_shared>>
        tpu.wait_dma2 semaphore(%run_scoped3A : memref<!tpu.dma_semaphore, #tpu.memory_space<semaphore_mem>>) src(%dma_wait3A_23 : memref<640x64xf32, #tpu.memory_space<vmem_shared>>) dst(%dma_wait3A_21 : memref<640x64xf32, #tpu.memory_space<hbm>>)
        tpu.yield
      }) : () -> ()
    } else {
    }
    return
  }
}

module attributes {stable_mosaic.version = 14 : i64} {
  func.func @body(%arg0: i32, %arg1: memref<2000x128xf32, #tpu.memory_space<vmem>>, %arg2: memref<128x64xf32, #tpu.memory_space<vmem>>, %arg3: memref<1x64xf32, #tpu.memory_space<vmem>>, %arg4: memref<64x64xf32, #tpu.memory_space<vmem>>, %arg5: memref<1x64xf32, #tpu.memory_space<vmem>>, %arg6: memref<64x64xf32, #tpu.memory_space<vmem>>, %arg7: memref<64x64xf32, #tpu.memory_space<vmem>>, %arg8: memref<2000x64xf32, #tpu.memory_space<vmem>>, %arg9: memref<2000x128xf32, #tpu.memory_space<vmem>>) attributes {dimension_semantics = [#tpu.dimension_semantics<arbitrary>], iteration_bounds = array<i64: 5>, scalar_prefetch = 0 : i64, scratch_operands = 0 : i64, tpu.core_type = #tpu.core_type<tc>, window_params = [{transform_indices = @transform_0, window_bounds = array<i64: 2000, 128>}, {pipeline_mode = #tpu.pipeline_mode<synchronous>, transform_indices = @transform_1, window_bounds = array<i64: 128, 64>}, {pipeline_mode = #tpu.pipeline_mode<synchronous>, transform_indices = @transform_2, window_bounds = array<i64: 1, 64>}, {pipeline_mode = #tpu.pipeline_mode<synchronous>, transform_indices = @transform_3, window_bounds = array<i64: 64, 64>}, {pipeline_mode = #tpu.pipeline_mode<synchronous>, transform_indices = @transform_4, window_bounds = array<i64: 1, 64>}, {pipeline_mode = #tpu.pipeline_mode<synchronous>, transform_indices = @transform_5, window_bounds = array<i64: 64, 64>}, {pipeline_mode = #tpu.pipeline_mode<synchronous>, transform_indices = @transform_6, window_bounds = array<i64: 64, 64>}, {transform_indices = @transform_7, window_bounds = array<i64: 2000, 64>}, {transform_indices = @transform_8, window_bounds = array<i64: 2000, 128>}]} {
    %get3A = arith.constant 0 : index
    %get3A_0 = arith.constant 0 : index
    %get3A_1 = vector.load %arg1[%get3A, %get3A_0] : memref<2000x128xf32, #tpu.memory_space<vmem>>, vector<2000x128xf32>
    %get3A_2 = arith.constant 0 : index
    %get3A_3 = arith.constant 0 : index
    %get3A_4 = vector.load %arg2[%get3A_2, %get3A_3] : memref<128x64xf32, #tpu.memory_space<vmem>>, vector<128x64xf32>
    %convert_element_type3A = arith.truncf %get3A_1 : vector<2000x128xf32> to vector<2000x128xbf16>
    %convert_element_type3A_5 = arith.truncf %get3A_4 : vector<128x64xf32> to vector<128x64xbf16>
    %dot_general3A = arith.constant dense<0.000000e+00> : vector<2000x64xf32>
    %dot_general3A_6 = tpu.matmul %convert_element_type3A, %convert_element_type3A_5, %dot_general3A {dimension_numbers = #tpu.dot_dimension_numbers<[1], [0], [0], [1], [0, 0, 1, 1], [], []>, transpose_lhs_hint = false} : vector<2000x128xbf16>, vector<128x64xbf16>, vector<2000x64xf32> -> vector<2000x64xf32>
    %get3A_7 = arith.constant 0 : index
    %get3A_8 = arith.constant 0 : index
    %get3A_9 = vector.load %arg3[%get3A_7, %get3A_8] : memref<1x64xf32, #tpu.memory_space<vmem>>, vector<1x64xf32>
    %add3A = vector.broadcast %get3A_9 : vector<1x64xf32> to vector<2000x64xf32>
    %add3A_10 = arith.addf %dot_general3A_6, %add3A : vector<2000x64xf32>
    %integer_pow3A = arith.mulf %add3A_10, %add3A_10 : vector<2000x64xf32>
    %integer_pow3A_11 = arith.mulf %add3A_10, %integer_pow3A : vector<2000x64xf32>
    %mul3A = arith.constant 4.471500e-02 : f32
    %mul3A_12 = vector.broadcast %mul3A : f32 to vector<2000x64xf32>
    %mul3A_13 = arith.mulf %mul3A_12, %integer_pow3A_11 : vector<2000x64xf32>
    %add3A_14 = arith.addf %add3A_10, %mul3A_13 : vector<2000x64xf32>
    %mul3A_15 = arith.constant 0.797884583 : f32
    %mul3A_16 = vector.broadcast %mul3A_15 : f32 to vector<2000x64xf32>
    %mul3A_17 = arith.mulf %mul3A_16, %add3A_14 : vector<2000x64xf32>
    %tanh3A = math.tanh %mul3A_17 : vector<2000x64xf32>
    %add3A_18 = arith.constant 1.000000e+00 : f32
    %add3A_19 = vector.broadcast %add3A_18 : f32 to vector<2000x64xf32>
    %add3A_20 = arith.addf %add3A_19, %tanh3A : vector<2000x64xf32>
    %mul3A_21 = arith.constant 5.000000e-01 : f32
    %mul3A_22 = vector.broadcast %mul3A_21 : f32 to vector<2000x64xf32>
    %mul3A_23 = arith.mulf %mul3A_22, %add3A_20 : vector<2000x64xf32>
    %mul3A_24 = arith.mulf %add3A_10, %mul3A_23 : vector<2000x64xf32>
    %get3A_25 = arith.constant 0 : index
    %get3A_26 = arith.constant 0 : index
    %get3A_27 = vector.load %arg4[%get3A_25, %get3A_26] : memref<64x64xf32, #tpu.memory_space<vmem>>, vector<64x64xf32>
    %convert_element_type3A_28 = arith.truncf %mul3A_24 : vector<2000x64xf32> to vector<2000x64xbf16>
    %convert_element_type3A_29 = arith.truncf %get3A_27 : vector<64x64xf32> to vector<64x64xbf16>
    %dot_general3A_30 = arith.constant dense<0.000000e+00> : vector<2000x64xf32>
    %dot_general3A_31 = tpu.matmul %convert_element_type3A_28, %convert_element_type3A_29, %dot_general3A_30 {dimension_numbers = #tpu.dot_dimension_numbers<[1], [0], [0], [1], [0, 0, 1, 1], [], []>, transpose_lhs_hint = false} : vector<2000x64xbf16>, vector<64x64xbf16>, vector<2000x64xf32> -> vector<2000x64xf32>
    %get3A_32 = arith.constant 0 : index
    %get3A_33 = arith.constant 0 : index
    %get3A_34 = vector.load %arg5[%get3A_32, %get3A_33] : memref<1x64xf32, #tpu.memory_space<vmem>>, vector<1x64xf32>
    %add3A_35 = vector.broadcast %get3A_34 : vector<1x64xf32> to vector<2000x64xf32>
    %add3A_36 = arith.addf %dot_general3A_31, %add3A_35 : vector<2000x64xf32>
    %swap3A = arith.constant 0 : index
    %swap3A_37 = arith.constant 0 : index
    %swap3A_38 = vector.load %arg8[%swap3A, %swap3A_37] : memref<2000x64xf32, #tpu.memory_space<vmem>>, vector<2000x64xf32>
    tpu.vector_store %arg8[%swap3A, %swap3A_37], %add3A_36 {strides = array<i32>} : memref<2000x64xf32, #tpu.memory_space<vmem>>, vector<2000x64xf32>,
    %get3A_39 = arith.constant 0 : index
    %get3A_40 = arith.constant 0 : index
    %get3A_41 = vector.load %arg6[%get3A_39, %get3A_40] : memref<64x64xf32, #tpu.memory_space<vmem>>, vector<64x64xf32>
    %convert_element_type3A_42 = arith.truncf %add3A_36 : vector<2000x64xf32> to vector<2000x64xbf16>
    %convert_element_type3A_43 = arith.truncf %get3A_41 : vector<64x64xf32> to vector<64x64xbf16>
    %dot_general3A_44 = arith.constant dense<0.000000e+00> : vector<2000x64xf32>
    %dot_general3A_45 = tpu.matmul %convert_element_type3A_42, %convert_element_type3A_43, %dot_general3A_44 {dimension_numbers = #tpu.dot_dimension_numbers<[1], [0], [0], [1], [0, 0, 1, 1], [], []>, transpose_lhs_hint = false} : vector<2000x64xbf16>, vector<64x64xbf16>, vector<2000x64xf32> -> vector<2000x64xf32>
    %get3A_46 = arith.constant 0 : index
    %get3A_47 = arith.constant 0 : index
    %get3A_48 = vector.load %arg7[%get3A_46, %get3A_47] : memref<64x64xf32, #tpu.memory_space<vmem>>, vector<64x64xf32>
    %convert_element_type3A_49 = arith.truncf %add3A_36 : vector<2000x64xf32> to vector<2000x64xbf16>
    %convert_element_type3A_50 = arith.truncf %get3A_48 : vector<64x64xf32> to vector<64x64xbf16>
    %dot_general3A_51 = arith.constant dense<0.000000e+00> : vector<2000x64xf32>
    %dot_general3A_52 = tpu.matmul %convert_element_type3A_49, %convert_element_type3A_50, %dot_general3A_51 {dimension_numbers = #tpu.dot_dimension_numbers<[1], [0], [0], [1], [0, 0, 1, 1], [], []>, transpose_lhs_hint = false} : vector<2000x64xbf16>, vector<64x64xbf16>, vector<2000x64xf32> -> vector<2000x64xf32>
    %concatenate3A = tpu.concatenate %dot_general3A_45, %dot_general3A_52 in 1 : vector<2000x64xf32>, vector<2000x64xf32> -> vector<2000x128xf32>
    %swap3A_53 = arith.constant 0 : index
    %swap3A_54 = arith.constant 0 : index
    %swap3A_55 = vector.load %arg9[%swap3A_53, %swap3A_54] : memref<2000x128xf32, #tpu.memory_space<vmem>>, vector<2000x128xf32>
    tpu.vector_store %arg9[%swap3A_53, %swap3A_54], %concatenate3A {strides = array<i32>} : memref<2000x128xf32, #tpu.memory_space<vmem>>, vector<2000x128xf32>,
    return
  }
  func.func @transform_0(%arg0: i32) -> (i32, i32) {
    %c0_i32 = arith.constant 0 : i32
    %c0_i32_0 = arith.constant 0 : i32
    return %arg0, %c0_i32 : i32, i32
  }
  func.func @transform_1(%arg0: i32) -> (i32, i32) {
    %c0_i32 = arith.constant 0 : i32
    %c0_i32_0 = arith.constant 0 : i32
    %c0_i32_1 = arith.constant 0 : i32
    return %c0_i32, %c0_i32_0 : i32, i32
  }
  func.func @transform_2(%arg0: i32) -> (i32, i32) {
    %c0_i32 = arith.constant 0 : i32
    %c0_i32_0 = arith.constant 0 : i32
    %c0_i32_1 = arith.constant 0 : i32
    return %c0_i32, %c0_i32_0 : i32, i32
  }
  func.func @transform_3(%arg0: i32) -> (i32, i32) {
    %c0_i32 = arith.constant 0 : i32
    %c0_i32_0 = arith.constant 0 : i32
    %c0_i32_1 = arith.constant 0 : i32
    return %c0_i32, %c0_i32_0 : i32, i32
  }
  func.func @transform_4(%arg0: i32) -> (i32, i32) {
    %c0_i32 = arith.constant 0 : i32
    %c0_i32_0 = arith.constant 0 : i32
    %c0_i32_1 = arith.constant 0 : i32
    return %c0_i32, %c0_i32_0 : i32, i32
  }
  func.func @transform_5(%arg0: i32) -> (i32, i32) {
    %c0_i32 = arith.constant 0 : i32
    %c0_i32_0 = arith.constant 0 : i32
    %c0_i32_1 = arith.constant 0 : i32
    return %c0_i32, %c0_i32_0 : i32, i32
  }
  func.func @transform_6(%arg0: i32) -> (i32, i32) {
    %c0_i32 = arith.constant 0 : i32
    %c0_i32_0 = arith.constant 0 : i32
    %c0_i32_1 = arith.constant 0 : i32
    return %c0_i32, %c0_i32_0 : i32, i32
  }
  func.func @transform_7(%arg0: i32) -> (i32, i32) {
    %c0_i32 = arith.constant 0 : i32
    %c0_i32_0 = arith.constant 0 : i32
    return %arg0, %c0_i32 : i32, i32
  }
  func.func @transform_8(%arg0: i32) -> (i32, i32) {
    %c0_i32 = arith.constant 0 : i32
    %c0_i32_0 = arith.constant 0 : i32
    return %arg0, %c0_i32 : i32, i32
  }
}

module attributes {stable_mosaic.version = 14 : i64} {
  func.func @body(%arg0: i32, %arg1: memref<8x3200xf32, #tpu.memory_space<vmem>>, %arg2: memref<8x128xf32, #tpu.memory_space<vmem>>, %arg3: memref<1x128xf32, #tpu.memory_space<vmem>>, %arg4: memref<128x128xf32, #tpu.memory_space<vmem>>, %arg5: memref<1x128xf32, #tpu.memory_space<vmem>>, %arg6: memref<3200x128xf32, #tpu.memory_space<vmem>>) attributes {dimension_semantics = [#tpu.dimension_semantics<arbitrary>], iteration_bounds = array<i64: 50>, scalar_prefetch = 0 : i64, scratch_operands = 0 : i64, tpu.core_type = #tpu.core_type<tc>, window_params = [{transform_indices = @transform_0, window_bounds = array<i64: 8, 3200>}, {pipeline_mode = #tpu.pipeline_mode<synchronous>, transform_indices = @transform_1, window_bounds = array<i64: 8, 128>}, {pipeline_mode = #tpu.pipeline_mode<synchronous>, transform_indices = @transform_2, window_bounds = array<i64: 1, 128>}, {pipeline_mode = #tpu.pipeline_mode<synchronous>, transform_indices = @transform_3, window_bounds = array<i64: 128, 128>}, {pipeline_mode = #tpu.pipeline_mode<synchronous>, transform_indices = @transform_4, window_bounds = array<i64: 1, 128>}, {transform_indices = @transform_5, window_bounds = array<i64: 3200, 128>}]} {
    %get3A = arith.constant 0 : index
    %get3A_0 = arith.constant 0 : index
    %get3A_1 = vector.load %arg1[%get3A, %get3A_0] : memref<8x3200xf32, #tpu.memory_space<vmem>>, vector<8x3200xf32>
    %convert_element_type3A = arith.truncf %get3A_1 : vector<8x3200xf32> to vector<8x3200xbf16>
    %get3A_2 = arith.constant 0 : index
    %get3A_3 = arith.constant 0 : index
    %get3A_4 = vector.load %arg2[%get3A_2, %get3A_3] : memref<8x128xf32, #tpu.memory_space<vmem>>, vector<8x128xf32>
    %convert_element_type3A_5 = arith.truncf %get3A_4 : vector<8x128xf32> to vector<8x128xbf16>
    %dot_general3A = arith.constant dense<0.000000e+00> : vector<3200x128xf32>
    %dot_general3A_6 = tpu.matmul %convert_element_type3A, %convert_element_type3A_5, %dot_general3A {dimension_numbers = #tpu.dot_dimension_numbers<[0], [0], [1], [1], [0, 1, 1, 1], [], []>, transpose_lhs_hint = false} : vector<8x3200xbf16>, vector<8x128xbf16>, vector<3200x128xf32> -> vector<3200x128xf32>
    %get3A_7 = arith.constant 0 : index
    %get3A_8 = arith.constant 0 : index
    %get3A_9 = vector.load %arg3[%get3A_7, %get3A_8] : memref<1x128xf32, #tpu.memory_space<vmem>>, vector<1x128xf32>
    %add3A = vector.broadcast %get3A_9 : vector<1x128xf32> to vector<3200x128xf32>
    %add3A_10 = arith.addf %dot_general3A_6, %add3A : vector<3200x128xf32>
    %integer_pow3A = arith.mulf %add3A_10, %add3A_10 : vector<3200x128xf32>
    %integer_pow3A_11 = arith.mulf %add3A_10, %integer_pow3A : vector<3200x128xf32>
    %mul3A = arith.constant 4.471500e-02 : f32
    %mul3A_12 = vector.broadcast %mul3A : f32 to vector<3200x128xf32>
    %mul3A_13 = arith.mulf %mul3A_12, %integer_pow3A_11 : vector<3200x128xf32>
    %add3A_14 = arith.addf %add3A_10, %mul3A_13 : vector<3200x128xf32>
    %mul3A_15 = arith.constant 0.797884583 : f32
    %mul3A_16 = vector.broadcast %mul3A_15 : f32 to vector<3200x128xf32>
    %mul3A_17 = arith.mulf %mul3A_16, %add3A_14 : vector<3200x128xf32>
    %tanh3A = math.tanh %mul3A_17 : vector<3200x128xf32>
    %add3A_18 = arith.constant 1.000000e+00 : f32
    %add3A_19 = vector.broadcast %add3A_18 : f32 to vector<3200x128xf32>
    %add3A_20 = arith.addf %add3A_19, %tanh3A : vector<3200x128xf32>
    %mul3A_21 = arith.constant 5.000000e-01 : f32
    %mul3A_22 = vector.broadcast %mul3A_21 : f32 to vector<3200x128xf32>
    %mul3A_23 = arith.mulf %mul3A_22, %add3A_20 : vector<3200x128xf32>
    %mul3A_24 = arith.mulf %add3A_10, %mul3A_23 : vector<3200x128xf32>
    %get3A_25 = arith.constant 0 : index
    %get3A_26 = arith.constant 0 : index
    %get3A_27 = vector.load %arg4[%get3A_25, %get3A_26] : memref<128x128xf32, #tpu.memory_space<vmem>>, vector<128x128xf32>
    %convert_element_type3A_28 = arith.truncf %mul3A_24 : vector<3200x128xf32> to vector<3200x128xbf16>
    %convert_element_type3A_29 = arith.truncf %get3A_27 : vector<128x128xf32> to vector<128x128xbf16>
    %dot_general3A_30 = arith.constant dense<0.000000e+00> : vector<3200x128xf32>
    %dot_general3A_31 = tpu.matmul %convert_element_type3A_28, %convert_element_type3A_29, %dot_general3A_30 {dimension_numbers = #tpu.dot_dimension_numbers<[1], [0], [0], [1], [0, 0, 1, 1], [], []>, transpose_lhs_hint = false} : vector<3200x128xbf16>, vector<128x128xbf16>, vector<3200x128xf32> -> vector<3200x128xf32>
    %get3A_32 = arith.constant 0 : index
    %get3A_33 = arith.constant 0 : index
    %get3A_34 = vector.load %arg5[%get3A_32, %get3A_33] : memref<1x128xf32, #tpu.memory_space<vmem>>, vector<1x128xf32>
    %add3A_35 = vector.broadcast %get3A_34 : vector<1x128xf32> to vector<3200x128xf32>
    %add3A_36 = arith.addf %dot_general3A_31, %add3A_35 : vector<3200x128xf32>
    %swap3A = arith.constant 0 : index
    %swap3A_37 = arith.constant 0 : index
    %swap3A_38 = vector.load %arg6[%swap3A, %swap3A_37] : memref<3200x128xf32, #tpu.memory_space<vmem>>, vector<3200x128xf32>
    tpu.vector_store %arg6[%swap3A, %swap3A_37], %add3A_36 {strides = array<i32>} : memref<3200x128xf32, #tpu.memory_space<vmem>>, vector<3200x128xf32>,
    return
  }
  func.func @transform_0(%arg0: i32) -> (i32, i32) {
    %c0_i32 = arith.constant 0 : i32
    %c0_i32_0 = arith.constant 0 : i32
    return %c0_i32, %arg0 : i32, i32
  }
  func.func @transform_1(%arg0: i32) -> (i32, i32) {
    %c0_i32 = arith.constant 0 : i32
    %c0_i32_0 = arith.constant 0 : i32
    %c0_i32_1 = arith.constant 0 : i32
    return %c0_i32, %c0_i32_0 : i32, i32
  }
  func.func @transform_2(%arg0: i32) -> (i32, i32) {
    %c0_i32 = arith.constant 0 : i32
    %c0_i32_0 = arith.constant 0 : i32
    %c0_i32_1 = arith.constant 0 : i32
    return %c0_i32, %c0_i32_0 : i32, i32
  }
  func.func @transform_3(%arg0: i32) -> (i32, i32) {
    %c0_i32 = arith.constant 0 : i32
    %c0_i32_0 = arith.constant 0 : i32
    %c0_i32_1 = arith.constant 0 : i32
    return %c0_i32, %c0_i32_0 : i32, i32
  }
  func.func @transform_4(%arg0: i32) -> (i32, i32) {
    %c0_i32 = arith.constant 0 : i32
    %c0_i32_0 = arith.constant 0 : i32
    %c0_i32_1 = arith.constant 0 : i32
    return %c0_i32, %c0_i32_0 : i32, i32
  }
  func.func @transform_5(%arg0: i32) -> (i32, i32) {
    %c0_i32 = arith.constant 0 : i32
    %c0_i32_0 = arith.constant 0 : i32
    return %arg0, %c0_i32 : i32, i32
  }
}

module attributes {stable_mosaic.version = 14 : i64} {
  func.func @body(%arg0: i32, %arg1: memref<3200x128xf32, #tpu.memory_space<vmem>>, %arg2: memref<3200x128xf32, #tpu.memory_space<vmem>>, %arg3: memref<128x128xf32, #tpu.memory_space<vmem>>, %arg4: memref<1x128xf32, #tpu.memory_space<vmem>>, %arg5: memref<128x128xf32, #tpu.memory_space<vmem>>, %arg6: memref<1x128xf32, #tpu.memory_space<vmem>>, %arg7: memref<3200x128xf32, #tpu.memory_space<vmem>>) attributes {dimension_semantics = [#tpu.dimension_semantics<arbitrary>], iteration_bounds = array<i64: 50>, scalar_prefetch = 0 : i64, scratch_operands = 0 : i64, tpu.core_type = #tpu.core_type<tc>, window_params = [{transform_indices = @transform_0, window_bounds = array<i64: 3200, 128>}, {transform_indices = @transform_1, window_bounds = array<i64: 3200, 128>}, {pipeline_mode = #tpu.pipeline_mode<synchronous>, transform_indices = @transform_2, window_bounds = array<i64: 128, 128>}, {pipeline_mode = #tpu.pipeline_mode<synchronous>, transform_indices = @transform_3, window_bounds = array<i64: 1, 128>}, {pipeline_mode = #tpu.pipeline_mode<synchronous>, transform_indices = @transform_4, window_bounds = array<i64: 128, 128>}, {pipeline_mode = #tpu.pipeline_mode<synchronous>, transform_indices = @transform_5, window_bounds = array<i64: 1, 128>}, {transform_indices = @transform_6, window_bounds = array<i64: 3200, 128>}]} {
    %get3A = arith.constant 0 : index
    %get3A_0 = arith.constant 0 : index
    %get3A_1 = vector.load %arg1[%get3A, %get3A_0] : memref<3200x128xf32, #tpu.memory_space<vmem>>, vector<3200x128xf32>
    %get3A_2 = arith.constant 0 : index
    %get3A_3 = arith.constant 0 : index
    %get3A_4 = vector.load %arg3[%get3A_2, %get3A_3] : memref<128x128xf32, #tpu.memory_space<vmem>>, vector<128x128xf32>
    %convert_element_type3A = arith.truncf %get3A_1 : vector<3200x128xf32> to vector<3200x128xbf16>
    %convert_element_type3A_5 = arith.truncf %get3A_4 : vector<128x128xf32> to vector<128x128xbf16>
    %dot_general3A = arith.constant dense<0.000000e+00> : vector<3200x128xf32>
    %dot_general3A_6 = tpu.matmul %convert_element_type3A, %convert_element_type3A_5, %dot_general3A {dimension_numbers = #tpu.dot_dimension_numbers<[1], [0], [0], [1], [0, 0, 1, 1], [], []>, transpose_lhs_hint = false} : vector<3200x128xbf16>, vector<128x128xbf16>, vector<3200x128xf32> -> vector<3200x128xf32>
    %get3A_7 = arith.constant 0 : index
    %get3A_8 = arith.constant 0 : index
    %get3A_9 = vector.load %arg2[%get3A_7, %get3A_8] : memref<3200x128xf32, #tpu.memory_space<vmem>>, vector<3200x128xf32>
    %add3A = arith.addf %dot_general3A_6, %get3A_9 : vector<3200x128xf32>
    %get3A_10 = arith.constant 0 : index
    %get3A_11 = arith.constant 0 : index
    %get3A_12 = vector.load %arg4[%get3A_10, %get3A_11] : memref<1x128xf32, #tpu.memory_space<vmem>>, vector<1x128xf32>
    %add3A_13 = vector.broadcast %get3A_12 : vector<1x128xf32> to vector<3200x128xf32>
    %add3A_14 = arith.addf %add3A, %add3A_13 : vector<3200x128xf32>
    %integer_pow3A = arith.mulf %add3A_14, %add3A_14 : vector<3200x128xf32>
    %integer_pow3A_15 = arith.mulf %add3A_14, %integer_pow3A : vector<3200x128xf32>
    %mul3A = arith.constant 4.471500e-02 : f32
    %mul3A_16 = vector.broadcast %mul3A : f32 to vector<3200x128xf32>
    %mul3A_17 = arith.mulf %mul3A_16, %integer_pow3A_15 : vector<3200x128xf32>
    %add3A_18 = arith.addf %add3A_14, %mul3A_17 : vector<3200x128xf32>
    %mul3A_19 = arith.constant 0.797884583 : f32
    %mul3A_20 = vector.broadcast %mul3A_19 : f32 to vector<3200x128xf32>
    %mul3A_21 = arith.mulf %mul3A_20, %add3A_18 : vector<3200x128xf32>
    %tanh3A = math.tanh %mul3A_21 : vector<3200x128xf32>
    %add3A_22 = arith.constant 1.000000e+00 : f32
    %add3A_23 = vector.broadcast %add3A_22 : f32 to vector<3200x128xf32>
    %add3A_24 = arith.addf %add3A_23, %tanh3A : vector<3200x128xf32>
    %mul3A_25 = arith.constant 5.000000e-01 : f32
    %mul3A_26 = vector.broadcast %mul3A_25 : f32 to vector<3200x128xf32>
    %mul3A_27 = arith.mulf %mul3A_26, %add3A_24 : vector<3200x128xf32>
    %mul3A_28 = arith.mulf %add3A_14, %mul3A_27 : vector<3200x128xf32>
    %get3A_29 = arith.constant 0 : index
    %get3A_30 = arith.constant 0 : index
    %get3A_31 = vector.load %arg5[%get3A_29, %get3A_30] : memref<128x128xf32, #tpu.memory_space<vmem>>, vector<128x128xf32>
    %convert_element_type3A_32 = arith.truncf %mul3A_28 : vector<3200x128xf32> to vector<3200x128xbf16>
    %convert_element_type3A_33 = arith.truncf %get3A_31 : vector<128x128xf32> to vector<128x128xbf16>
    %dot_general3A_34 = arith.constant dense<0.000000e+00> : vector<3200x128xf32>
    %dot_general3A_35 = tpu.matmul %convert_element_type3A_32, %convert_element_type3A_33, %dot_general3A_34 {dimension_numbers = #tpu.dot_dimension_numbers<[1], [0], [0], [1], [0, 0, 1, 1], [], []>, transpose_lhs_hint = false} : vector<3200x128xbf16>, vector<128x128xbf16>, vector<3200x128xf32> -> vector<3200x128xf32>
    %get3A_36 = arith.constant 0 : index
    %get3A_37 = arith.constant 0 : index
    %get3A_38 = vector.load %arg6[%get3A_36, %get3A_37] : memref<1x128xf32, #tpu.memory_space<vmem>>, vector<1x128xf32>
    %add3A_39 = vector.broadcast %get3A_38 : vector<1x128xf32> to vector<3200x128xf32>
    %add3A_40 = arith.addf %dot_general3A_35, %add3A_39 : vector<3200x128xf32>
    %add3A_41 = arith.addf %add3A_40, %get3A_1 : vector<3200x128xf32>
    %swap3A = arith.constant 0 : index
    %swap3A_42 = arith.constant 0 : index
    %swap3A_43 = vector.load %arg7[%swap3A, %swap3A_42] : memref<3200x128xf32, #tpu.memory_space<vmem>>, vector<3200x128xf32>
    tpu.vector_store %arg7[%swap3A, %swap3A_42], %add3A_41 {strides = array<i32>} : memref<3200x128xf32, #tpu.memory_space<vmem>>, vector<3200x128xf32>,
    return
  }
  func.func @transform_0(%arg0: i32) -> (i32, i32) {
    %c0_i32 = arith.constant 0 : i32
    %c0_i32_0 = arith.constant 0 : i32
    return %arg0, %c0_i32 : i32, i32
  }
  func.func @transform_1(%arg0: i32) -> (i32, i32) {
    %c0_i32 = arith.constant 0 : i32
    %c0_i32_0 = arith.constant 0 : i32
    return %arg0, %c0_i32 : i32, i32
  }
  func.func @transform_2(%arg0: i32) -> (i32, i32) {
    %c0_i32 = arith.constant 0 : i32
    %c0_i32_0 = arith.constant 0 : i32
    %c0_i32_1 = arith.constant 0 : i32
    return %c0_i32, %c0_i32_0 : i32, i32
  }
  func.func @transform_3(%arg0: i32) -> (i32, i32) {
    %c0_i32 = arith.constant 0 : i32
    %c0_i32_0 = arith.constant 0 : i32
    %c0_i32_1 = arith.constant 0 : i32
    return %c0_i32, %c0_i32_0 : i32, i32
  }
  func.func @transform_4(%arg0: i32) -> (i32, i32) {
    %c0_i32 = arith.constant 0 : i32
    %c0_i32_0 = arith.constant 0 : i32
    %c0_i32_1 = arith.constant 0 : i32
    return %c0_i32, %c0_i32_0 : i32, i32
  }
  func.func @transform_5(%arg0: i32) -> (i32, i32) {
    %c0_i32 = arith.constant 0 : i32
    %c0_i32_0 = arith.constant 0 : i32
    %c0_i32_1 = arith.constant 0 : i32
    return %c0_i32, %c0_i32_0 : i32, i32
  }
  func.func @transform_6(%arg0: i32) -> (i32, i32) {
    %c0_i32 = arith.constant 0 : i32
    %c0_i32_0 = arith.constant 0 : i32
    return %arg0, %c0_i32 : i32, i32
  }
}

module attributes {stable_mosaic.version = 14 : i64} {
  func.func @body(%arg0: i32, %arg1: memref<2000x64xf32, #tpu.memory_space<vmem>>, %arg2: memref<2000x64xf32, #tpu.memory_space<vmem>>, %arg3: memref<2000x64xf32, #tpu.memory_space<vmem>>, %arg4: memref<64x64xf32, #tpu.memory_space<vmem>>, %arg5: memref<64x64xf32, #tpu.memory_space<vmem>>, %arg6: memref<1x64xf32, #tpu.memory_space<vmem>>, %arg7: memref<64x64xf32, #tpu.memory_space<vmem>>, %arg8: memref<1x64xf32, #tpu.memory_space<vmem>>, %arg9: memref<1x64xf32, #tpu.memory_space<vmem>>, %arg10: memref<1x64xf32, #tpu.memory_space<vmem>>, %arg11: memref<64x64xf32, #tpu.memory_space<vmem>>, %arg12: memref<64x64xf32, #tpu.memory_space<vmem>>, %arg13: memref<2000x64xf32, #tpu.memory_space<vmem>>, %arg14: memref<2000x128xf32, #tpu.memory_space<vmem>>) attributes {dimension_semantics = [#tpu.dimension_semantics<arbitrary>], iteration_bounds = array<i64: 5>, scalar_prefetch = 0 : i64, scratch_operands = 0 : i64, tpu.core_type = #tpu.core_type<tc>, window_params = [{transform_indices = @transform_0, window_bounds = array<i64: 2000, 64>}, {transform_indices = @transform_1, window_bounds = array<i64: 2000, 64>}, {transform_indices = @transform_2, window_bounds = array<i64: 2000, 64>}, {pipeline_mode = #tpu.pipeline_mode<synchronous>, transform_indices = @transform_3, window_bounds = array<i64: 64, 64>}, {pipeline_mode = #tpu.pipeline_mode<synchronous>, transform_indices = @transform_4, window_bounds = array<i64: 64, 64>}, {pipeline_mode = #tpu.pipeline_mode<synchronous>, transform_indices = @transform_5, window_bounds = array<i64: 1, 64>}, {pipeline_mode = #tpu.pipeline_mode<synchronous>, transform_indices = @transform_6, window_bounds = array<i64: 64, 64>}, {pipeline_mode = #tpu.pipeline_mode<synchronous>, transform_indices = @transform_7, window_bounds = array<i64: 1, 64>}, {pipeline_mode = #tpu.pipeline_mode<synchronous>, transform_indices = @transform_8, window_bounds = array<i64: 1, 64>}, {pipeline_mode = #tpu.pipeline_mode<synchronous>, transform_indices = @transform_9, window_bounds = array<i64: 1, 64>}, {pipeline_mode = #tpu.pipeline_mode<synchronous>, transform_indices = @transform_10, window_bounds = array<i64: 64, 64>}, {pipeline_mode = #tpu.pipeline_mode<synchronous>, transform_indices = @transform_11, window_bounds = array<i64: 64, 64>}, {transform_indices = @transform_12, window_bounds = array<i64: 2000, 64>}, {transform_indices = @transform_13, window_bounds = array<i64: 2000, 128>}]} {
    %get3A = arith.constant 0 : index
    %get3A_0 = arith.constant 0 : index
    %get3A_1 = vector.load %arg1[%get3A, %get3A_0] : memref<2000x64xf32, #tpu.memory_space<vmem>>, vector<2000x64xf32>
    %get3A_2 = arith.constant 0 : index
    %get3A_3 = arith.constant 0 : index
    %get3A_4 = vector.load %arg2[%get3A_2, %get3A_3] : memref<2000x64xf32, #tpu.memory_space<vmem>>, vector<2000x64xf32>
    %get3A_5 = arith.constant 0 : index
    %get3A_6 = arith.constant 0 : index
    %get3A_7 = vector.load %arg3[%get3A_5, %get3A_6] : memref<2000x64xf32, #tpu.memory_space<vmem>>, vector<2000x64xf32>
    %add3A = arith.addf %get3A_4, %get3A_7 : vector<2000x64xf32>
    %get3A_8 = arith.constant 0 : index
    %get3A_9 = arith.constant 0 : index
    %get3A_10 = vector.load %arg4[%get3A_8, %get3A_9] : memref<64x64xf32, #tpu.memory_space<vmem>>, vector<64x64xf32>
    %convert_element_type3A = arith.truncf %get3A_1 : vector<2000x64xf32> to vector<2000x64xbf16>
    %convert_element_type3A_11 = arith.truncf %get3A_10 : vector<64x64xf32> to vector<64x64xbf16>
    %dot_general3A = arith.constant dense<0.000000e+00> : vector<2000x64xf32>
    %dot_general3A_12 = tpu.matmul %convert_element_type3A, %convert_element_type3A_11, %dot_general3A {dimension_numbers = #tpu.dot_dimension_numbers<[1], [0], [0], [1], [0, 0, 1, 1], [], []>, transpose_lhs_hint = false} : vector<2000x64xbf16>, vector<64x64xbf16>, vector<2000x64xf32> -> vector<2000x64xf32>
    %get3A_13 = arith.constant 0 : index
    %get3A_14 = arith.constant 0 : index
    %get3A_15 = vector.load %arg5[%get3A_13, %get3A_14] : memref<64x64xf32, #tpu.memory_space<vmem>>, vector<64x64xf32>
    %convert_element_type3A_16 = arith.truncf %add3A : vector<2000x64xf32> to vector<2000x64xbf16>
    %convert_element_type3A_17 = arith.truncf %get3A_15 : vector<64x64xf32> to vector<64x64xbf16>
    %dot_general3A_18 = arith.constant dense<0.000000e+00> : vector<2000x64xf32>
    %dot_general3A_19 = tpu.matmul %convert_element_type3A_16, %convert_element_type3A_17, %dot_general3A_18 {dimension_numbers = #tpu.dot_dimension_numbers<[1], [0], [0], [1], [0, 0, 1, 1], [], []>, transpose_lhs_hint = false} : vector<2000x64xbf16>, vector<64x64xbf16>, vector<2000x64xf32> -> vector<2000x64xf32>
    %add3A_20 = arith.addf %dot_general3A_12, %dot_general3A_19 : vector<2000x64xf32>
    %get3A_21 = arith.constant 0 : index
    %get3A_22 = arith.constant 0 : index
    %get3A_23 = vector.load %arg6[%get3A_21, %get3A_22] : memref<1x64xf32, #tpu.memory_space<vmem>>, vector<1x64xf32>
    %add3A_24 = vector.broadcast %get3A_23 : vector<1x64xf32> to vector<2000x64xf32>
    %add3A_25 = arith.addf %add3A_20, %add3A_24 : vector<2000x64xf32>
    %integer_pow3A = arith.mulf %add3A_25, %add3A_25 : vector<2000x64xf32>
    %integer_pow3A_26 = arith.mulf %add3A_25, %integer_pow3A : vector<2000x64xf32>
    %mul3A = arith.constant 4.471500e-02 : f32
    %mul3A_27 = vector.broadcast %mul3A : f32 to vector<2000x64xf32>
    %mul3A_28 = arith.mulf %mul3A_27, %integer_pow3A_26 : vector<2000x64xf32>
    %add3A_29 = arith.addf %add3A_25, %mul3A_28 : vector<2000x64xf32>
    %mul3A_30 = arith.constant 0.797884583 : f32
    %mul3A_31 = vector.broadcast %mul3A_30 : f32 to vector<2000x64xf32>
    %mul3A_32 = arith.mulf %mul3A_31, %add3A_29 : vector<2000x64xf32>
    %tanh3A = math.tanh %mul3A_32 : vector<2000x64xf32>
    %add3A_33 = arith.constant 1.000000e+00 : f32
    %add3A_34 = vector.broadcast %add3A_33 : f32 to vector<2000x64xf32>
    %add3A_35 = arith.addf %add3A_34, %tanh3A : vector<2000x64xf32>
    %mul3A_36 = arith.constant 5.000000e-01 : f32
    %mul3A_37 = vector.broadcast %mul3A_36 : f32 to vector<2000x64xf32>
    %mul3A_38 = arith.mulf %mul3A_37, %add3A_35 : vector<2000x64xf32>
    %mul3A_39 = arith.mulf %add3A_25, %mul3A_38 : vector<2000x64xf32>
    %get3A_40 = arith.constant 0 : index
    %get3A_41 = arith.constant 0 : index
    %get3A_42 = vector.load %arg7[%get3A_40, %get3A_41] : memref<64x64xf32, #tpu.memory_space<vmem>>, vector<64x64xf32>
    %convert_element_type3A_43 = arith.truncf %mul3A_39 : vector<2000x64xf32> to vector<2000x64xbf16>
    %convert_element_type3A_44 = arith.truncf %get3A_42 : vector<64x64xf32> to vector<64x64xbf16>
    %dot_general3A_45 = arith.constant dense<0.000000e+00> : vector<2000x64xf32>
    %dot_general3A_46 = tpu.matmul %convert_element_type3A_43, %convert_element_type3A_44, %dot_general3A_45 {dimension_numbers = #tpu.dot_dimension_numbers<[1], [0], [0], [1], [0, 0, 1, 1], [], []>, transpose_lhs_hint = false} : vector<2000x64xbf16>, vector<64x64xbf16>, vector<2000x64xf32> -> vector<2000x64xf32>
    %get3A_47 = arith.constant 0 : index
    %get3A_48 = arith.constant 0 : index
    %get3A_49 = vector.load %arg8[%get3A_47, %get3A_48] : memref<1x64xf32, #tpu.memory_space<vmem>>, vector<1x64xf32>
    %add3A_50 = vector.broadcast %get3A_49 : vector<1x64xf32> to vector<2000x64xf32>
    %add3A_51 = arith.addf %dot_general3A_46, %add3A_50 : vector<2000x64xf32>
    %add3A_52 = arith.addf %add3A_51, %get3A_1 : vector<2000x64xf32>
    %reduce_sum3A = arith.constant dense<0.000000e+00> : vector<2000xf32>
    %reduce_sum3A_53 = vector.multi_reduction <add>, %add3A_52, %reduce_sum3A [1] : vector<2000x64xf32> to vector<2000xf32>
    %broadcast_in_dim3A = vector.shape_cast %reduce_sum3A_53 : vector<2000xf32> to vector<2000x1xf32>
    %div3A = arith.constant 6.400000e+01 : f32
    %div3A_54 = vector.broadcast %div3A : f32 to vector<2000x1xf32>
    %div3A_55 = arith.divf %broadcast_in_dim3A, %div3A_54 : vector<2000x1xf32>
    %sub3A = vector.broadcast %div3A_55 : vector<2000x1xf32> to vector<2000x64xf32>
    %sub3A_56 = arith.subf %add3A_52, %sub3A : vector<2000x64xf32>
    %integer_pow3A_57 = arith.mulf %sub3A_56, %sub3A_56 : vector<2000x64xf32>
    %reduce_sum3A_58 = arith.constant dense<0.000000e+00> : vector<2000xf32>
    %reduce_sum3A_59 = vector.multi_reduction <add>, %integer_pow3A_57, %reduce_sum3A_58 [1] : vector<2000x64xf32> to vector<2000xf32>
    %broadcast_in_dim3A_60 = vector.shape_cast %reduce_sum3A_59 : vector<2000xf32> to vector<2000x1xf32>
    %div3A_61 = arith.constant 6.400000e+01 : f32
    %div3A_62 = vector.broadcast %div3A_61 : f32 to vector<2000x1xf32>
    %div3A_63 = arith.divf %broadcast_in_dim3A_60, %div3A_62 : vector<2000x1xf32>
    %sub3A_64 = vector.broadcast %div3A_55 : vector<2000x1xf32> to vector<2000x64xf32>
    %sub3A_65 = arith.subf %add3A_52, %sub3A_64 : vector<2000x64xf32>
    %add3A_66 = arith.constant 9.99999997E-7 : f32
    %add3A_67 = vector.broadcast %add3A_66 : f32 to vector<2000x1xf32>
    %add3A_68 = arith.addf %div3A_63, %add3A_67 : vector<2000x1xf32>
    %sqrt3A = math.sqrt %add3A_68 : vector<2000x1xf32>
    %div3A_69 = vector.broadcast %sqrt3A : vector<2000x1xf32> to vector<2000x64xf32>
    %div3A_70 = arith.divf %sub3A_65, %div3A_69 : vector<2000x64xf32>
    %get3A_71 = arith.constant 0 : index
    %get3A_72 = arith.constant 0 : index
    %get3A_73 = vector.load %arg9[%get3A_71, %get3A_72] : memref<1x64xf32, #tpu.memory_space<vmem>>, vector<1x64xf32>
    %mul3A_74 = vector.broadcast %get3A_73 : vector<1x64xf32> to vector<2000x64xf32>
    %mul3A_75 = arith.mulf %div3A_70, %mul3A_74 : vector<2000x64xf32>
    %get3A_76 = arith.constant 0 : index
    %get3A_77 = arith.constant 0 : index
    %get3A_78 = vector.load %arg10[%get3A_76, %get3A_77] : memref<1x64xf32, #tpu.memory_space<vmem>>, vector<1x64xf32>
    %add3A_79 = vector.broadcast %get3A_78 : vector<1x64xf32> to vector<2000x64xf32>
    %add3A_80 = arith.addf %mul3A_75, %add3A_79 : vector<2000x64xf32>
    %swap3A = arith.constant 0 : index
    %swap3A_81 = arith.constant 0 : index
    %swap3A_82 = vector.load %arg13[%swap3A, %swap3A_81] : memref<2000x64xf32, #tpu.memory_space<vmem>>, vector<2000x64xf32>
    tpu.vector_store %arg13[%swap3A, %swap3A_81], %add3A_80 {strides = array<i32>} : memref<2000x64xf32, #tpu.memory_space<vmem>>, vector<2000x64xf32>,
    %get3A_83 = arith.constant 0 : index
    %get3A_84 = arith.constant 0 : index
    %get3A_85 = vector.load %arg11[%get3A_83, %get3A_84] : memref<64x64xf32, #tpu.memory_space<vmem>>, vector<64x64xf32>
    %convert_element_type3A_86 = arith.truncf %add3A_80 : vector<2000x64xf32> to vector<2000x64xbf16>
    %convert_element_type3A_87 = arith.truncf %get3A_85 : vector<64x64xf32> to vector<64x64xbf16>
    %dot_general3A_88 = arith.constant dense<0.000000e+00> : vector<2000x64xf32>
    %dot_general3A_89 = tpu.matmul %convert_element_type3A_86, %convert_element_type3A_87, %dot_general3A_88 {dimension_numbers = #tpu.dot_dimension_numbers<[1], [0], [0], [1], [0, 0, 1, 1], [], []>, transpose_lhs_hint = false} : vector<2000x64xbf16>, vector<64x64xbf16>, vector<2000x64xf32> -> vector<2000x64xf32>
    %get3A_90 = arith.constant 0 : index
    %get3A_91 = arith.constant 0 : index
    %get3A_92 = vector.load %arg12[%get3A_90, %get3A_91] : memref<64x64xf32, #tpu.memory_space<vmem>>, vector<64x64xf32>
    %convert_element_type3A_93 = arith.truncf %add3A_80 : vector<2000x64xf32> to vector<2000x64xbf16>
    %convert_element_type3A_94 = arith.truncf %get3A_92 : vector<64x64xf32> to vector<64x64xbf16>
    %dot_general3A_95 = arith.constant dense<0.000000e+00> : vector<2000x64xf32>
    %dot_general3A_96 = tpu.matmul %convert_element_type3A_93, %convert_element_type3A_94, %dot_general3A_95 {dimension_numbers = #tpu.dot_dimension_numbers<[1], [0], [0], [1], [0, 0, 1, 1], [], []>, transpose_lhs_hint = false} : vector<2000x64xbf16>, vector<64x64xbf16>, vector<2000x64xf32> -> vector<2000x64xf32>
    %concatenate3A = tpu.concatenate %dot_general3A_89, %dot_general3A_96 in 1 : vector<2000x64xf32>, vector<2000x64xf32> -> vector<2000x128xf32>
    %swap3A_97 = arith.constant 0 : index
    %swap3A_98 = arith.constant 0 : index
    %swap3A_99 = vector.load %arg14[%swap3A_97, %swap3A_98] : memref<2000x128xf32, #tpu.memory_space<vmem>>, vector<2000x128xf32>
    tpu.vector_store %arg14[%swap3A_97, %swap3A_98], %concatenate3A {strides = array<i32>} : memref<2000x128xf32, #tpu.memory_space<vmem>>, vector<2000x128xf32>,
    return
  }
  func.func @transform_0(%arg0: i32) -> (i32, i32) {
    %c0_i32 = arith.constant 0 : i32
    %c0_i32_0 = arith.constant 0 : i32
    return %arg0, %c0_i32 : i32, i32
  }
  func.func @transform_1(%arg0: i32) -> (i32, i32) {
    %c0_i32 = arith.constant 0 : i32
    %c0_i32_0 = arith.constant 0 : i32
    return %arg0, %c0_i32 : i32, i32
  }
  func.func @transform_2(%arg0: i32) -> (i32, i32) {
    %c0_i32 = arith.constant 0 : i32
    %c0_i32_0 = arith.constant 0 : i32
    return %arg0, %c0_i32 : i32, i32
  }
  func.func @transform_3(%arg0: i32) -> (i32, i32) {
    %c0_i32 = arith.constant 0 : i32
    %c0_i32_0 = arith.constant 0 : i32
    %c0_i32_1 = arith.constant 0 : i32
    return %c0_i32, %c0_i32_0 : i32, i32
  }
  func.func @transform_4(%arg0: i32) -> (i32, i32) {
    %c0_i32 = arith.constant 0 : i32
    %c0_i32_0 = arith.constant 0 : i32
    %c0_i32_1 = arith.constant 0 : i32
    return %c0_i32, %c0_i32_0 : i32, i32
  }
  func.func @transform_5(%arg0: i32) -> (i32, i32) {
    %c0_i32 = arith.constant 0 : i32
    %c0_i32_0 = arith.constant 0 : i32
    %c0_i32_1 = arith.constant 0 : i32
    return %c0_i32, %c0_i32_0 : i32, i32
  }
  func.func @transform_6(%arg0: i32) -> (i32, i32) {
    %c0_i32 = arith.constant 0 : i32
    %c0_i32_0 = arith.constant 0 : i32
    %c0_i32_1 = arith.constant 0 : i32
    return %c0_i32, %c0_i32_0 : i32, i32
  }
  func.func @transform_7(%arg0: i32) -> (i32, i32) {
    %c0_i32 = arith.constant 0 : i32
    %c0_i32_0 = arith.constant 0 : i32
    %c0_i32_1 = arith.constant 0 : i32
    return %c0_i32, %c0_i32_0 : i32, i32
  }
  func.func @transform_8(%arg0: i32) -> (i32, i32) {
    %c0_i32 = arith.constant 0 : i32
    %c0_i32_0 = arith.constant 0 : i32
    %c0_i32_1 = arith.constant 0 : i32
    return %c0_i32, %c0_i32_0 : i32, i32
  }
  func.func @transform_9(%arg0: i32) -> (i32, i32) {
    %c0_i32 = arith.constant 0 : i32
    %c0_i32_0 = arith.constant 0 : i32
    %c0_i32_1 = arith.constant 0 : i32
    return %c0_i32, %c0_i32_0 : i32, i32
  }
  func.func @transform_10(%arg0: i32) -> (i32, i32) {
    %c0_i32 = arith.constant 0 : i32
    %c0_i32_0 = arith.constant 0 : i32
    %c0_i32_1 = arith.constant 0 : i32
    return %c0_i32, %c0_i32_0 : i32, i32
  }
  func.func @transform_11(%arg0: i32) -> (i32, i32) {
    %c0_i32 = arith.constant 0 : i32
    %c0_i32_0 = arith.constant 0 : i32
    %c0_i32_1 = arith.constant 0 : i32
    return %c0_i32, %c0_i32_0 : i32, i32
  }
  func.func @transform_12(%arg0: i32) -> (i32, i32) {
    %c0_i32 = arith.constant 0 : i32
    %c0_i32_0 = arith.constant 0 : i32
    return %arg0, %c0_i32 : i32, i32
  }
  func.func @transform_13(%arg0: i32) -> (i32, i32) {
    %c0_i32 = arith.constant 0 : i32
    %c0_i32_0 = arith.constant 0 : i32
    return %arg0, %c0_i32 : i32, i32
  }
}

module attributes {stable_mosaic.version = 14 : i64} {
  func.func @body(%arg0: i32, %arg1: memref<2000x64xf32, #tpu.memory_space<vmem>>, %arg2: memref<2000x64xf32, #tpu.memory_space<vmem>>, %arg3: memref<2000x64xf32, #tpu.memory_space<vmem>>, %arg4: memref<64x64xf32, #tpu.memory_space<vmem>>, %arg5: memref<64x64xf32, #tpu.memory_space<vmem>>, %arg6: memref<1x64xf32, #tpu.memory_space<vmem>>, %arg7: memref<64x64xf32, #tpu.memory_space<vmem>>, %arg8: memref<1x64xf32, #tpu.memory_space<vmem>>, %arg9: memref<1x64xf32, #tpu.memory_space<vmem>>, %arg10: memref<1x64xf32, #tpu.memory_space<vmem>>, %arg11: memref<64x64xf32, #tpu.memory_space<vmem>>, %arg12: memref<1x64xf32, #tpu.memory_space<vmem>>, %arg13: memref<64x3xf32, #tpu.memory_space<vmem>>, %arg14: memref<1x3xf32, #tpu.memory_space<vmem>>, %arg15: memref<2000x3xf32, #tpu.memory_space<vmem>>) attributes {dimension_semantics = [#tpu.dimension_semantics<arbitrary>], iteration_bounds = array<i64: 5>, scalar_prefetch = 0 : i64, scratch_operands = 0 : i64, tpu.core_type = #tpu.core_type<tc>, window_params = [{transform_indices = @transform_0, window_bounds = array<i64: 2000, 64>}, {transform_indices = @transform_1, window_bounds = array<i64: 2000, 64>}, {transform_indices = @transform_2, window_bounds = array<i64: 2000, 64>}, {pipeline_mode = #tpu.pipeline_mode<synchronous>, transform_indices = @transform_3, window_bounds = array<i64: 64, 64>}, {pipeline_mode = #tpu.pipeline_mode<synchronous>, transform_indices = @transform_4, window_bounds = array<i64: 64, 64>}, {pipeline_mode = #tpu.pipeline_mode<synchronous>, transform_indices = @transform_5, window_bounds = array<i64: 1, 64>}, {pipeline_mode = #tpu.pipeline_mode<synchronous>, transform_indices = @transform_6, window_bounds = array<i64: 64, 64>}, {pipeline_mode = #tpu.pipeline_mode<synchronous>, transform_indices = @transform_7, window_bounds = array<i64: 1, 64>}, {pipeline_mode = #tpu.pipeline_mode<synchronous>, transform_indices = @transform_8, window_bounds = array<i64: 1, 64>}, {pipeline_mode = #tpu.pipeline_mode<synchronous>, transform_indices = @transform_9, window_bounds = array<i64: 1, 64>}, {pipeline_mode = #tpu.pipeline_mode<synchronous>, transform_indices = @transform_10, window_bounds = array<i64: 64, 64>}, {pipeline_mode = #tpu.pipeline_mode<synchronous>, transform_indices = @transform_11, window_bounds = array<i64: 1, 64>}, {pipeline_mode = #tpu.pipeline_mode<synchronous>, transform_indices = @transform_12, window_bounds = array<i64: 64, 3>}, {pipeline_mode = #tpu.pipeline_mode<synchronous>, transform_indices = @transform_13, window_bounds = array<i64: 1, 3>}, {transform_indices = @transform_14, window_bounds = array<i64: 2000, 3>}]} {
    %get3A = arith.constant 0 : index
    %get3A_0 = arith.constant 0 : index
    %get3A_1 = vector.load %arg1[%get3A, %get3A_0] : memref<2000x64xf32, #tpu.memory_space<vmem>>, vector<2000x64xf32>
    %get3A_2 = arith.constant 0 : index
    %get3A_3 = arith.constant 0 : index
    %get3A_4 = vector.load %arg2[%get3A_2, %get3A_3] : memref<2000x64xf32, #tpu.memory_space<vmem>>, vector<2000x64xf32>
    %get3A_5 = arith.constant 0 : index
    %get3A_6 = arith.constant 0 : index
    %get3A_7 = vector.load %arg3[%get3A_5, %get3A_6] : memref<2000x64xf32, #tpu.memory_space<vmem>>, vector<2000x64xf32>
    %add3A = arith.addf %get3A_4, %get3A_7 : vector<2000x64xf32>
    %get3A_8 = arith.constant 0 : index
    %get3A_9 = arith.constant 0 : index
    %get3A_10 = vector.load %arg4[%get3A_8, %get3A_9] : memref<64x64xf32, #tpu.memory_space<vmem>>, vector<64x64xf32>
    %convert_element_type3A = arith.truncf %get3A_1 : vector<2000x64xf32> to vector<2000x64xbf16>
    %convert_element_type3A_11 = arith.truncf %get3A_10 : vector<64x64xf32> to vector<64x64xbf16>
    %dot_general3A = arith.constant dense<0.000000e+00> : vector<2000x64xf32>
    %dot_general3A_12 = tpu.matmul %convert_element_type3A, %convert_element_type3A_11, %dot_general3A {dimension_numbers = #tpu.dot_dimension_numbers<[1], [0], [0], [1], [0, 0, 1, 1], [], []>, transpose_lhs_hint = false} : vector<2000x64xbf16>, vector<64x64xbf16>, vector<2000x64xf32> -> vector<2000x64xf32>
    %get3A_13 = arith.constant 0 : index
    %get3A_14 = arith.constant 0 : index
    %get3A_15 = vector.load %arg5[%get3A_13, %get3A_14] : memref<64x64xf32, #tpu.memory_space<vmem>>, vector<64x64xf32>
    %convert_element_type3A_16 = arith.truncf %add3A : vector<2000x64xf32> to vector<2000x64xbf16>
    %convert_element_type3A_17 = arith.truncf %get3A_15 : vector<64x64xf32> to vector<64x64xbf16>
    %dot_general3A_18 = arith.constant dense<0.000000e+00> : vector<2000x64xf32>
    %dot_general3A_19 = tpu.matmul %convert_element_type3A_16, %convert_element_type3A_17, %dot_general3A_18 {dimension_numbers = #tpu.dot_dimension_numbers<[1], [0], [0], [1], [0, 0, 1, 1], [], []>, transpose_lhs_hint = false} : vector<2000x64xbf16>, vector<64x64xbf16>, vector<2000x64xf32> -> vector<2000x64xf32>
    %add3A_20 = arith.addf %dot_general3A_12, %dot_general3A_19 : vector<2000x64xf32>
    %get3A_21 = arith.constant 0 : index
    %get3A_22 = arith.constant 0 : index
    %get3A_23 = vector.load %arg6[%get3A_21, %get3A_22] : memref<1x64xf32, #tpu.memory_space<vmem>>, vector<1x64xf32>
    %add3A_24 = vector.broadcast %get3A_23 : vector<1x64xf32> to vector<2000x64xf32>
    %add3A_25 = arith.addf %add3A_20, %add3A_24 : vector<2000x64xf32>
    %integer_pow3A = arith.mulf %add3A_25, %add3A_25 : vector<2000x64xf32>
    %integer_pow3A_26 = arith.mulf %add3A_25, %integer_pow3A : vector<2000x64xf32>
    %mul3A = arith.constant 4.471500e-02 : f32
    %mul3A_27 = vector.broadcast %mul3A : f32 to vector<2000x64xf32>
    %mul3A_28 = arith.mulf %mul3A_27, %integer_pow3A_26 : vector<2000x64xf32>
    %add3A_29 = arith.addf %add3A_25, %mul3A_28 : vector<2000x64xf32>
    %mul3A_30 = arith.constant 0.797884583 : f32
    %mul3A_31 = vector.broadcast %mul3A_30 : f32 to vector<2000x64xf32>
    %mul3A_32 = arith.mulf %mul3A_31, %add3A_29 : vector<2000x64xf32>
    %tanh3A = math.tanh %mul3A_32 : vector<2000x64xf32>
    %add3A_33 = arith.constant 1.000000e+00 : f32
    %add3A_34 = vector.broadcast %add3A_33 : f32 to vector<2000x64xf32>
    %add3A_35 = arith.addf %add3A_34, %tanh3A : vector<2000x64xf32>
    %mul3A_36 = arith.constant 5.000000e-01 : f32
    %mul3A_37 = vector.broadcast %mul3A_36 : f32 to vector<2000x64xf32>
    %mul3A_38 = arith.mulf %mul3A_37, %add3A_35 : vector<2000x64xf32>
    %mul3A_39 = arith.mulf %add3A_25, %mul3A_38 : vector<2000x64xf32>
    %get3A_40 = arith.constant 0 : index
    %get3A_41 = arith.constant 0 : index
    %get3A_42 = vector.load %arg7[%get3A_40, %get3A_41] : memref<64x64xf32, #tpu.memory_space<vmem>>, vector<64x64xf32>
    %convert_element_type3A_43 = arith.truncf %mul3A_39 : vector<2000x64xf32> to vector<2000x64xbf16>
    %convert_element_type3A_44 = arith.truncf %get3A_42 : vector<64x64xf32> to vector<64x64xbf16>
    %dot_general3A_45 = arith.constant dense<0.000000e+00> : vector<2000x64xf32>
    %dot_general3A_46 = tpu.matmul %convert_element_type3A_43, %convert_element_type3A_44, %dot_general3A_45 {dimension_numbers = #tpu.dot_dimension_numbers<[1], [0], [0], [1], [0, 0, 1, 1], [], []>, transpose_lhs_hint = false} : vector<2000x64xbf16>, vector<64x64xbf16>, vector<2000x64xf32> -> vector<2000x64xf32>
    %get3A_47 = arith.constant 0 : index
    %get3A_48 = arith.constant 0 : index
    %get3A_49 = vector.load %arg8[%get3A_47, %get3A_48] : memref<1x64xf32, #tpu.memory_space<vmem>>, vector<1x64xf32>
    %add3A_50 = vector.broadcast %get3A_49 : vector<1x64xf32> to vector<2000x64xf32>
    %add3A_51 = arith.addf %dot_general3A_46, %add3A_50 : vector<2000x64xf32>
    %add3A_52 = arith.addf %add3A_51, %get3A_1 : vector<2000x64xf32>
    %reduce_sum3A = arith.constant dense<0.000000e+00> : vector<2000xf32>
    %reduce_sum3A_53 = vector.multi_reduction <add>, %add3A_52, %reduce_sum3A [1] : vector<2000x64xf32> to vector<2000xf32>
    %broadcast_in_dim3A = vector.shape_cast %reduce_sum3A_53 : vector<2000xf32> to vector<2000x1xf32>
    %div3A = arith.constant 6.400000e+01 : f32
    %div3A_54 = vector.broadcast %div3A : f32 to vector<2000x1xf32>
    %div3A_55 = arith.divf %broadcast_in_dim3A, %div3A_54 : vector<2000x1xf32>
    %sub3A = vector.broadcast %div3A_55 : vector<2000x1xf32> to vector<2000x64xf32>
    %sub3A_56 = arith.subf %add3A_52, %sub3A : vector<2000x64xf32>
    %integer_pow3A_57 = arith.mulf %sub3A_56, %sub3A_56 : vector<2000x64xf32>
    %reduce_sum3A_58 = arith.constant dense<0.000000e+00> : vector<2000xf32>
    %reduce_sum3A_59 = vector.multi_reduction <add>, %integer_pow3A_57, %reduce_sum3A_58 [1] : vector<2000x64xf32> to vector<2000xf32>
    %broadcast_in_dim3A_60 = vector.shape_cast %reduce_sum3A_59 : vector<2000xf32> to vector<2000x1xf32>
    %div3A_61 = arith.constant 6.400000e+01 : f32
    %div3A_62 = vector.broadcast %div3A_61 : f32 to vector<2000x1xf32>
    %div3A_63 = arith.divf %broadcast_in_dim3A_60, %div3A_62 : vector<2000x1xf32>
    %sub3A_64 = vector.broadcast %div3A_55 : vector<2000x1xf32> to vector<2000x64xf32>
    %sub3A_65 = arith.subf %add3A_52, %sub3A_64 : vector<2000x64xf32>
    %add3A_66 = arith.constant 9.99999997E-7 : f32
    %add3A_67 = vector.broadcast %add3A_66 : f32 to vector<2000x1xf32>
    %add3A_68 = arith.addf %div3A_63, %add3A_67 : vector<2000x1xf32>
    %sqrt3A = math.sqrt %add3A_68 : vector<2000x1xf32>
    %div3A_69 = vector.broadcast %sqrt3A : vector<2000x1xf32> to vector<2000x64xf32>
    %div3A_70 = arith.divf %sub3A_65, %div3A_69 : vector<2000x64xf32>
    %get3A_71 = arith.constant 0 : index
    %get3A_72 = arith.constant 0 : index
    %get3A_73 = vector.load %arg9[%get3A_71, %get3A_72] : memref<1x64xf32, #tpu.memory_space<vmem>>, vector<1x64xf32>
    %mul3A_74 = vector.broadcast %get3A_73 : vector<1x64xf32> to vector<2000x64xf32>
    %mul3A_75 = arith.mulf %div3A_70, %mul3A_74 : vector<2000x64xf32>
    %get3A_76 = arith.constant 0 : index
    %get3A_77 = arith.constant 0 : index
    %get3A_78 = vector.load %arg10[%get3A_76, %get3A_77] : memref<1x64xf32, #tpu.memory_space<vmem>>, vector<1x64xf32>
    %add3A_79 = vector.broadcast %get3A_78 : vector<1x64xf32> to vector<2000x64xf32>
    %add3A_80 = arith.addf %mul3A_75, %add3A_79 : vector<2000x64xf32>
    %get3A_81 = arith.constant 0 : index
    %get3A_82 = arith.constant 0 : index
    %get3A_83 = vector.load %arg11[%get3A_81, %get3A_82] : memref<64x64xf32, #tpu.memory_space<vmem>>, vector<64x64xf32>
    %convert_element_type3A_84 = arith.truncf %add3A_80 : vector<2000x64xf32> to vector<2000x64xbf16>
    %convert_element_type3A_85 = arith.truncf %get3A_83 : vector<64x64xf32> to vector<64x64xbf16>
    %dot_general3A_86 = arith.constant dense<0.000000e+00> : vector<2000x64xf32>
    %dot_general3A_87 = tpu.matmul %convert_element_type3A_84, %convert_element_type3A_85, %dot_general3A_86 {dimension_numbers = #tpu.dot_dimension_numbers<[1], [0], [0], [1], [0, 0, 1, 1], [], []>, transpose_lhs_hint = false} : vector<2000x64xbf16>, vector<64x64xbf16>, vector<2000x64xf32> -> vector<2000x64xf32>
    %get3A_88 = arith.constant 0 : index
    %get3A_89 = arith.constant 0 : index
    %get3A_90 = vector.load %arg12[%get3A_88, %get3A_89] : memref<1x64xf32, #tpu.memory_space<vmem>>, vector<1x64xf32>
    %add3A_91 = vector.broadcast %get3A_90 : vector<1x64xf32> to vector<2000x64xf32>
    %add3A_92 = arith.addf %dot_general3A_87, %add3A_91 : vector<2000x64xf32>
    %integer_pow3A_93 = arith.mulf %add3A_92, %add3A_92 : vector<2000x64xf32>
    %integer_pow3A_94 = arith.mulf %add3A_92, %integer_pow3A_93 : vector<2000x64xf32>
    %mul3A_95 = arith.constant 4.471500e-02 : f32
    %mul3A_96 = vector.broadcast %mul3A_95 : f32 to vector<2000x64xf32>
    %mul3A_97 = arith.mulf %mul3A_96, %integer_pow3A_94 : vector<2000x64xf32>
    %add3A_98 = arith.addf %add3A_92, %mul3A_97 : vector<2000x64xf32>
    %mul3A_99 = arith.constant 0.797884583 : f32
    %mul3A_100 = vector.broadcast %mul3A_99 : f32 to vector<2000x64xf32>
    %mul3A_101 = arith.mulf %mul3A_100, %add3A_98 : vector<2000x64xf32>
    %tanh3A_102 = math.tanh %mul3A_101 : vector<2000x64xf32>
    %add3A_103 = arith.constant 1.000000e+00 : f32
    %add3A_104 = vector.broadcast %add3A_103 : f32 to vector<2000x64xf32>
    %add3A_105 = arith.addf %add3A_104, %tanh3A_102 : vector<2000x64xf32>
    %mul3A_106 = arith.constant 5.000000e-01 : f32
    %mul3A_107 = vector.broadcast %mul3A_106 : f32 to vector<2000x64xf32>
    %mul3A_108 = arith.mulf %mul3A_107, %add3A_105 : vector<2000x64xf32>
    %mul3A_109 = arith.mulf %add3A_92, %mul3A_108 : vector<2000x64xf32>
    %get3A_110 = arith.constant 0 : index
    %get3A_111 = arith.constant 0 : index
    %get3A_112 = vector.load %arg13[%get3A_110, %get3A_111] : memref<64x3xf32, #tpu.memory_space<vmem>>, vector<64x3xf32>
    %convert_element_type3A_113 = arith.truncf %mul3A_109 : vector<2000x64xf32> to vector<2000x64xbf16>
    %convert_element_type3A_114 = arith.truncf %get3A_112 : vector<64x3xf32> to vector<64x3xbf16>
    %dot_general3A_115 = arith.constant dense<0.000000e+00> : vector<2000x3xf32>
    %dot_general3A_116 = tpu.matmul %convert_element_type3A_113, %convert_element_type3A_114, %dot_general3A_115 {dimension_numbers = #tpu.dot_dimension_numbers<[1], [0], [0], [1], [0, 0, 1, 1], [], []>, transpose_lhs_hint = false} : vector<2000x64xbf16>, vector<64x3xbf16>, vector<2000x3xf32> -> vector<2000x3xf32>
    %get3A_117 = arith.constant 0 : index
    %get3A_118 = arith.constant 0 : index
    %get3A_119 = vector.load %arg14[%get3A_117, %get3A_118] : memref<1x3xf32, #tpu.memory_space<vmem>>, vector<1x3xf32>
    %add3A_120 = vector.broadcast %get3A_119 : vector<1x3xf32> to vector<2000x3xf32>
    %add3A_121 = arith.addf %dot_general3A_116, %add3A_120 : vector<2000x3xf32>
    %swap3A = arith.constant 0 : index
    %swap3A_122 = arith.constant 0 : index
    %swap3A_123 = vector.load %arg15[%swap3A, %swap3A_122] : memref<2000x3xf32, #tpu.memory_space<vmem>>, vector<2000x3xf32>
    tpu.vector_store %arg15[%swap3A, %swap3A_122], %add3A_121 {strides = array<i32>} : memref<2000x3xf32, #tpu.memory_space<vmem>>, vector<2000x3xf32>,
    return
  }
  func.func @transform_0(%arg0: i32) -> (i32, i32) {
    %c0_i32 = arith.constant 0 : i32
    %c0_i32_0 = arith.constant 0 : i32
    return %arg0, %c0_i32 : i32, i32
  }
  func.func @transform_1(%arg0: i32) -> (i32, i32) {
    %c0_i32 = arith.constant 0 : i32
    %c0_i32_0 = arith.constant 0 : i32
    return %arg0, %c0_i32 : i32, i32
  }
  func.func @transform_2(%arg0: i32) -> (i32, i32) {
    %c0_i32 = arith.constant 0 : i32
    %c0_i32_0 = arith.constant 0 : i32
    return %arg0, %c0_i32 : i32, i32
  }
  func.func @transform_3(%arg0: i32) -> (i32, i32) {
    %c0_i32 = arith.constant 0 : i32
    %c0_i32_0 = arith.constant 0 : i32
    %c0_i32_1 = arith.constant 0 : i32
    return %c0_i32, %c0_i32_0 : i32, i32
  }
  func.func @transform_4(%arg0: i32) -> (i32, i32) {
    %c0_i32 = arith.constant 0 : i32
    %c0_i32_0 = arith.constant 0 : i32
    %c0_i32_1 = arith.constant 0 : i32
    return %c0_i32, %c0_i32_0 : i32, i32
  }
  func.func @transform_5(%arg0: i32) -> (i32, i32) {
    %c0_i32 = arith.constant 0 : i32
    %c0_i32_0 = arith.constant 0 : i32
    %c0_i32_1 = arith.constant 0 : i32
    return %c0_i32, %c0_i32_0 : i32, i32
  }
  func.func @transform_6(%arg0: i32) -> (i32, i32) {
    %c0_i32 = arith.constant 0 : i32
    %c0_i32_0 = arith.constant 0 : i32
    %c0_i32_1 = arith.constant 0 : i32
    return %c0_i32, %c0_i32_0 : i32, i32
  }
  func.func @transform_7(%arg0: i32) -> (i32, i32) {
    %c0_i32 = arith.constant 0 : i32
    %c0_i32_0 = arith.constant 0 : i32
    %c0_i32_1 = arith.constant 0 : i32
    return %c0_i32, %c0_i32_0 : i32, i32
  }
  func.func @transform_8(%arg0: i32) -> (i32, i32) {
    %c0_i32 = arith.constant 0 : i32
    %c0_i32_0 = arith.constant 0 : i32
    %c0_i32_1 = arith.constant 0 : i32
    return %c0_i32, %c0_i32_0 : i32, i32
  }
  func.func @transform_9(%arg0: i32) -> (i32, i32) {
    %c0_i32 = arith.constant 0 : i32
    %c0_i32_0 = arith.constant 0 : i32
    %c0_i32_1 = arith.constant 0 : i32
    return %c0_i32, %c0_i32_0 : i32, i32
  }
  func.func @transform_10(%arg0: i32) -> (i32, i32) {
    %c0_i32 = arith.constant 0 : i32
    %c0_i32_0 = arith.constant 0 : i32
    %c0_i32_1 = arith.constant 0 : i32
    return %c0_i32, %c0_i32_0 : i32, i32
  }
  func.func @transform_11(%arg0: i32) -> (i32, i32) {
    %c0_i32 = arith.constant 0 : i32
    %c0_i32_0 = arith.constant 0 : i32
    %c0_i32_1 = arith.constant 0 : i32
    return %c0_i32, %c0_i32_0 : i32, i32
  }
  func.func @transform_12(%arg0: i32) -> (i32, i32) {
    %c0_i32 = arith.constant 0 : i32
    %c0_i32_0 = arith.constant 0 : i32
    %c0_i32_1 = arith.constant 0 : i32
    return %c0_i32, %c0_i32_0 : i32, i32
  }
  func.func @transform_13(%arg0: i32) -> (i32, i32) {
    %c0_i32 = arith.constant 0 : i32
    %c0_i32_0 = arith.constant 0 : i32
    %c0_i32_1 = arith.constant 0 : i32
    return %c0_i32, %c0_i32_0 : i32, i32
  }
  func.func @transform_14(%arg0: i32) -> (i32, i32) {
    %c0_i32 = arith.constant 0 : i32
    %c0_i32_0 = arith.constant 0 : i32
    return %arg0, %c0_i32 : i32, i32
  }
}

</mosaic_0001>

<sc_bundles>
// kernel: kernel.16.cloned.1.call-start
scs
__scs_entry_jumppad:
0x0: {  	(pc) =	sbr.rel $0x88, $3  }
0x1: {  	(tag) =	ssettag $0x0;
	lr =	simm.s32 $0x1  }
0x2: {  	[smem:$0x3F76] =	sst lr;
	_ =	strace $0xD0000000  }
0x3: {  	_ = 	snop  }
0x4: {  	_ = 	snop  }
0x5: {  	_ = 	snop  }
0x6: {  	_ = 	snop  }
0x7: {  	_ = 	snop  }
__scs_overlays_trampoline_lowered:
0x8: {  	[smem:$0x3F85] =	sst s0  }
0x9: {  	[smem:$0x3F86] =	sst s1  }
0xa: {  	[smem:$0x3F87] =	sst s2  }
0xb: {  	[smem:$0x3F88] =	sst s3  }
0xc: {  	[smem:$0x3F89] =	sst s4  }
0xd: {  	[smem:$0x3F8A] =	sst s5  }
0xe: {  	[smem:$0x3F8B] =	sst s6  }
0xf: {  	[smem:$0x3F8C] =	sst s7  }
0x10: {  	[smem:$0x3F8D] =	sst s8  }
0x11: {  	[smem:$0x3F8E] =	sst s9;
	s0 =	simm.s32 @!p0 $0x0  }
0x12: {  	s1 =	sld [smem:$0x3F74];
	s0 =	simm.s32 @p0 $0x1  }
0x13: {  	[smem:$0x3F8F] =	sst s0;
	s0 =	simm.s32 @!p1 $0x0  }
0x14: {  	s2 =	sld [smem:$0x3F73];
	s0 =	simm.s32 @p1 $0x1  }
0x15: {  	[smem:$0x3F90] =	sst s0;
	s0 =	simm.s32 @!p2 $0x0  }
0x16: {  	s3 =	sld [smem:$0x3FDB];
	s0 =	simm.s32 @p2 $0x1  }
0x17: {  	s4 =	simm.s32 $0x1BF5;
	[smem:$0x3F92] =	sst s0  }
0x18: {  	s0 =	sld [smem:$0x3F75];
	_ =	swait.ge [sflag:s4], $0x0  }
0x19: {  	s7 =	sld [smem:$0x3F76]  }
0x1a: {  	s8 =	sadd.s32 $0xFFFFE003, lr  }
0x1b: {  	s9 =	sadd.s32 $0xFFFFFEF7, lr;
	s5 =	simm.s32 $0xFFFFFFFF;
	p2 =	slt.u32 s8, $0xFFFFF086  }
0x1c: {  	p1 =	slt.u32 s9, $0xF7A;
	s5 =	simm.s32 @!p2 $0x0  }
0x1d: {  	s5 =	simm.s32 @p1 $0x1;
	p0 =	seq.s32 s7, s2  }
0x1e: {  	s7 =	smul.u32 @!p0 $0xF7A, s2;
	p2 =	seq.s32 @!p0 s5, $0x0  }
0x1f: {  	s9 =	smul.u32 $0xF7A, s1;
	s8 =	simm.s32 @!p0 $0x1BF5;
	p2 =	por !p2, p0  }
0x20: {  	[sflag:s8] =	ssyncset.s32 @!p0 $0xFFFFF086;
	s6 =	sadd.s32 @!p0 s3, s7;
	s7 =	simm.s32 @!p0 $0x108  }
0x21: {  	s3 =	sadd.s32 s3, s9;
	s6 =	sadd.s32 @!p0 $0x88, s6;
	s7 =	simm.s32 @p2 $0x1082  }
0x22: {  	[simem:s7], [sflag:s8] =	dma.local @!p0 [hbm:s6], $0xF7A  }
0x23: {  	s9 =	sor.u32 $0xD0000000, s2;
	s6 =	simm.s32 $0x108;
	_ =	swait.ge @!p0 [sflag:s8], $0x0  }
0x24: {  	s3 =	sadd.s32 $0x88, s3;
	s6 =	simm.s32 @!p1 $0x1082;
	[sflag:s4] =	ssyncset.s32 $0xFFFFF086  }
0x25: {  	[simem:s6], [sflag:s4] =	dma.local [hbm:s3], $0xF7A  }
0x26: {  	[smem:$0x3F76] =	sst s1;
	(tag) =	ssettag s2;
	_ =	strace s9  }
0x27: {  	s1 =	sld [smem:$0x3F86]  }
0x28: {  	s2 =	sld [smem:$0x3F87]  }
0x29: {  	s4 =	sld [smem:$0x3F89]  }
0x2a: {  	p0 =	seq.s32 s5, $0x0;
	s5 =	sld [smem:$0x3F8A]  }
0x2b: {  	s6 =	sld [smem:$0x3F8B]  }
0x2c: {  	s7 =	sld [smem:$0x3F8C]  }
0x2d: {  	s3 =	simm.s32 $0x108;
	s8 =	sld [smem:$0x3F8D]  }
0x2e: {  	s3 =	simm.s32 @!p0 $0x1082;
	s9 =	sld [smem:$0x3F8E]  }
0x2f: {  	lr =	sadd.s32 s0, s3;
	s0 =	sld [smem:$0x3F85]  }
0x30: {  	s3 =	sld [smem:$0x3F88]  }
0x31: {  	[smem:$0x3F91] =	sst s10  }
0x32: {  	s10 =	sld [smem:$0x3F8F];
	_ =	sdelay $0x3  }
0x33: {  	p0 =	seq.s32 s10, $0x1;
	s10 =	sld [smem:$0x3F91];
	_ =	sdelay $0x3  }
0x34: {  	[smem:$0x3F91] =	sst s10  }
0x35: {  	s10 =	sld [smem:$0x3F90];
	_ =	sdelay $0x3  }
0x36: {  	p1 =	seq.s32 s10, $0x1;
	s10 =	sld [smem:$0x3F91];
	_ =	sdelay $0x3  }
0x37: {  	[smem:$0x3F91] =	sst s10  }
0x38: {  	s10 =	sld [smem:$0x3F92]  }
0x39: {  	_ = 	snop;
	(pc) =	sbr.ind lr, $3  }
0x3a: {  	_ = 	snop  }
0x3b: {  	_ = 	snop  }
0x3c: {  	p2 =	seq.s32 s10, $0x1;
	s10 =	sld [smem:$0x3F91]  }
0x3d: {  	_ =	shalt  }
0x3e: {  	_ =	shalt  }
0x3f: {  	_ =	shalt  }
0x40: {  	_ =	shalt  }
0x41: {  	_ =	shalt  }
0x42: {  	_ =	shalt  }
0x43: {  	_ =	shalt  }
0x44: {  	_ =	shalt  }
0x45: {  	_ =	shalt  }
0x46: {  	_ =	shalt  }
0x47: {  	_ =	shalt  }
0x48: {  	_ =	shalt  }
0x49: {  	_ =	shalt  }
0x4a: {  	_ =	shalt  }
0x4b: {  	_ =	shalt  }
0x4c: {  	_ =	shalt  }
0x4d: {  	_ =	shalt  }
0x4e: {  	_ =	shalt  }
0x4f: {  	_ =	shalt  }
0x50: {  	_ =	shalt  }
0x51: {  	_ =	shalt  }
0x52: {  	_ =	shalt  }
0x53: {  	_ =	shalt  }
0x54: {  	_ =	shalt  }
0x55: {  	_ =	shalt  }
0x56: {  	_ =	shalt  }
0x57: {  	_ =	shalt  }
0x58: {  	_ =	shalt  }
0x59: {  	_ =	shalt  }
0x5a: {  	_ =	shalt  }
0x5b: {  	_ =	shalt  }
0x5c: {  	_ =	shalt  }
0x5d: {  	_ =	shalt  }
0x5e: {  	_ =	shalt  }
0x5f: {  	_ =	shalt  }
0x60: {  	_ =	shalt  }
0x61: {  	_ =	shalt  }
0x62: {  	_ =	shalt  }
0x63: {  	_ =	shalt  }
0x64: {  	_ =	shalt  }
0x65: {  	_ =	shalt  }
0x66: {  	_ =	shalt  }
0x67: {  	_ =	shalt  }
0x68: {  	_ =	shalt  }
0x69: {  	_ =	shalt  }
0x6a: {  	_ =	shalt  }
0x6b: {  	_ =	shalt  }
0x6c: {  	_ =	shalt  }
0x6d: {  	_ =	shalt  }
0x6e: {  	_ =	shalt  }
0x6f: {  	_ =	shalt  }
0x70: {  	_ =	shalt  }
0x71: {  	_ =	shalt  }
0x72: {  	_ =	shalt  }
0x73: {  	_ =	shalt  }
0x74: {  	_ =	shalt  }
0x75: {  	_ =	shalt  }
0x76: {  	_ =	shalt  }
0x77: {  	_ =	shalt  }
0x78: {  	_ =	shalt  }
0x79: {  	_ =	shalt  }
0x7a: {  	_ =	shalt  }
0x7b: {  	_ =	shalt  }
0x7c: {  	_ =	shalt  }
0x7d: {  	_ =	shalt  }
0x7e: {  	_ =	shalt  }
0x7f: {  	_ =	shalt  }
0x80: {  	_ =	shalt  }
0x81: {  	_ =	shalt  }
0x82: {  	_ =	shalt  }
0x83: {  	_ =	shalt  }
0x84: {  	_ =	shalt  }
0x85: {  	_ =	shalt  }
0x86: {  	_ =	shalt  }
0x87: {  	_ =	shalt  }
.Lfunc_end0:
.L_simem_size_0:
called_computation_lowered:
.L_overlay_start_0:
0x88: {  	s2 =	sld [smem:$0x3FD9]  }
0x89: {  	s3 =	sld [smem:$0x3FFE];
	_ =	sdelay $0x1  }
0x8a: {  	s1 =	srdreg.scid  }
0x8b: {  	s0 =	sand.u32 $0x1, s1  }
0x8c: {  	s16 =	sshll.u32 s0, $0xA;
	s2 =	sadd.s32 s3, s2  }
0x8d: {  	s2 =	sadd.s32 s2, s16  }
0x8e: {  	[smem:$0x3F9D] =	sst s2  }
0x8f: {  	_ = 	snop  }
0x90: {  	(tm) =	ssettm $0x1  }
0x91: {  	s17 =	sld [smem:$0x3FFB];
	_ =	sdelay $0x3  }
0x92: {  	_ =	strace s17  }
0x93: {  	s2 =	sld [smem:$0x3FFC];
	_ =	sdelay $0x3  }
0x94: {  	_ =	strace s2  }
0x95: {  	s2 =	sld [smem:$0x3FFD];
	_ =	sdelay $0x3  }
0x96: {  	_ =	strace s2  }
0x97: {  	_ =	strace $0x8FFFFFFF  }
0x98: {  	s18 =	sld [smem:$0x3FDB];
	_ =	sdelay $0x1  }
0x99: {  	s19 =	simm.s32 $_scs_section_size  }
0x9a: {  	s4 =	simm.s32 $_size__tile_overlayer_lowered;
	s5 =	simm.s32 $_tile_overlayer_lowered  }
0x9b: {  	s22 =	simm.s32 $0x1BFF;
	s21 =	sshll.u32 s5, $0x1;
	s2 =	sadd.s32 s19, s18  }
0x9c: {  	s6 =	simm.s32 $0x0;
	s20 =	sshll.u32 s4, $0x1;
	s4 =	sadd.s32 s21, s2  }
0x9d: {  	[timem:s6], [sflag:s22] =	dma.local [hbm:s4], s20  }
0x9e: {  	_ =	swait.ge [sflag:s22], s20  }
0x9f: {  	s3 =	ssub.s32 $0x0, s20;
	[sflag:s22] =	ssyncset.done $0x0  }
0xa0: {  	[sflag:s22] =	ssyncadd.s32 s3;
	_ =	sdelay $0x1  }
0xa1: {  	s23 =	simm.s32 $0x1B8B  }
0xa2: {  	_ =	swait.ge [sflag:s23], $0x1  }
0xa3: {  	[sflag:s23] =	ssyncset.done $0x0  }
0xa4: {  	s25 =	simm.s32 $0x1B8E;
	s24 =	sld [smem:$0x3FFE];
	[sflag:s23] =	ssyncadd.s32 $0xFFFFFFFF  }
0xa5: {  	s26 =	simm.s32 $execute0_lowered;
	[smem:$0x3FD2] =	sst s25  }
0xa6: {  	s4 =	sshll.u32 s26, $0x1;
	_ =	strace $0x80000046;
	[dreg:$0x1] =	wrdreg $0xFFFFFFFF  }
0xa7: {  	s28 =	simm.s32 $_size_execute0_lowered;
	s2 =	sadd.s32 s2, s4;
	[dreg:$0x0] =	wrdreg $0x0  }
0xa8: {  	s4 =	sshll.u32 s28, $0x1;
	[dreg:$0x2] =	wrdreg s2  }
0xa9: {  	[dreg:$0x3] =	wrdreg s4  }
0xaa: {  	[dreg:$0x4] =	wrdreg $0xC0  }
0xab: {  	_ =	task [dreg:s6], $0x5FFFF  }
0xac: {  	[dreg:$0x1] =	wrdreg $0xFFFFFFFF  }
0xad: {  	[dreg:$0x0] =	wrdreg $0x60  }
0xae: {  	[dreg:$0x2] =	wrdreg s24  }
0xaf: {  	[dreg:$0x3] =	wrdreg $0x9  }
0xb0: {  	_ =	task.clear_ibuf [dreg:s6], $0x4FFFF;
	_ =	strace $0x90000046  }
0xb1: {  	s29 =	simm.s32 $0x9;
	_ =	strace $0x80000048  }
0xb2: {  	_ =	swait.ge [sflag:s29], $0x1  }
0xb3: {  	[sflag:s29] =	ssyncadd.s32 $0xFFFFFFFF  }
0xb4: {  	_ =	strace $0x90000048  }
0xb5: {  	_ =	sfence  }
0xb6: {  	s30 =	sld [smem:$0x0];
	_ =	sdelay $0x2  }
0xb7: {  	s31 =	sshll.u32 s1, $0xD;
	s1 =	sshrl.u32 s1, $0x2  }
0xb8: {  	s3 =	sand.u32 $0x4000, s31;
	s1 =	sadd.s32 s1, s30  }
0xb9: {  	s0 =	sor.u32 s3, s0;
	s1 =	sshll.u32 s1, $0x11  }
0xba: {  	s0 =	sor.u32 s1, s0  }
0xbb: {  	s0 =	sadd.s32 $0x8F2B, s0  }
0xbc: {  	[sflag:s0] =	ssyncadd.remote.s32 $0x1  }
0xbd: {  	_ =	sfence.sel $0xFFFF  }
0xbe: {  	[dreg:$0x0] =	wrdreg $0xFFFFFFFF;
	(pc) =	sbr.abs _section_cstart, $3  }
0xbf: {  	[dreg:$0x1] =	wrdreg $0xFFFFFFFF  }
0xc0: {  	_ =	task.clear_ibuf [dreg:s6], $0x2FFFF;
	_ =	strace $0x9FFFFFFF  }
0xc1: {  	(tm) =	ssettm $0x7FFFFFFF  }
tec
execute0_lowered:
.L_overlay_start_1:
0x0: {  	(tag) =	ssettag $0x1  }
0x1: {  	s1 =	srdreg.scid;
	s0 =	stileid.u32  }
0x2: {  	s5 =	rddreg [dreg:$0x0];
	s2 =	simm.s32 $0x0;
	s9 =	simm.s32 $0x7  }
0x3: {  	s10 =	simm.s32 $0x2710;
	s11 =	simm.s32 $0xC8;
	s12 =	simm.s32 $0x4E20  }
0x4: {  	s13 =	simm.s32 $0x8020;
	s14 =	simm.s32 $0xB220;
	s15 =	simm.s32 $0xE420  }
0x5: {  	s16 =	simm.s32 $0x1;
	s17 =	simm.s32 $0x2;
	s18 =	simm.s32 $0x3  }
0x6: {  	s19 =	simm.s32 $0x4;
	s6 =	sand.u32 $0x1, s1;
	s3 =	sshll.u32 s0, $0x1  }
0x7: {  	s20 =	simm.s32 $0x5;
	s21 =	simm.s32 $0x6;
	s3 =	sor.u32 s6, s3  }
0x8: {  	s1 =	rddreg [dreg:$0x1];
	s6 =	ssub.s32 $0x2, s6;
	s3 =	smul.u32 $0x2710, s3  }
0x9: {  	s22 =	simm.s32 $0x0;
	[smem:$0x7FF] =	sst s2;
	s8 =	sshrl.u32 s6, $0x1  }
0xa: {  	s4 =	sadd.s32 $0x20A00, s5;
	s8 =	ssub.s32 s6, s8;
	s7 =	sshrl.u32 s3, $0x3  }
0xb: {  	_ =	strace $0x80000047;
	s8 =	smax.u32 s8, $0x1;
	s7 =	sadd.s32 s7, s5  }
0xc: {  	s5 =	sadd.s32 $0x6EE00, s5;
	s6 =	sadd.s32 $0xCE00, s7;
	s7 =	sadd.s32 $0x16C00, s7  }
.LBB2_1:
0xd: {  	[tilespmem:s2], [sflag:$0x7] =	stream.linear.gather [hbm4b:s6+s2], $0x2710, $0x38;
	[tilespmem:$0x11620] =	vst v63  }
0xe: {  	_ =	swait.ge [sflag:s9], $0x2710  }
0xf: {  	[sflag:s9] =	ssyncset.done $0x0  }
0x10: {  	[sflag:s9] =	ssyncadd.s32 $0xFFFFD8F0  }
0x11: {  	[tilespmem:s10], [sflag:$0x7] =	stream.linear.gather [hbm4b:s7+s2], $0x2710, $0x38;
	[tilespmem:$0x11620] =	vst v63  }
0x12: {  	_ =	swait.ge [sflag:s9], $0x2710  }
0x13: {  	[sflag:s9] =	ssyncset.done $0x0  }
0x14: {  	s23 =	simm.s32 $0x0;
	[sflag:s9] =	ssyncadd.s32 $0xFFFFD8F0  }
.LBB2_2:
0x15: {  	s25 =	smul.u32 $0x190, s23;
	_ =	sdelay $0x1  }
0x16: {  	[tilespmem:s12], [sflag:$0x1] =	stream.indirect.gather [hbm4b:s4+s11], $0x40, s25, s11, $0xb8;
	[tilespmem:$0x11620] =	vst v63  }
0x17: {  	s24 =	sadd.s32 $0x2710, s25  }
0x18: {  	[tilespmem:s13], [sflag:$0x2] =	stream.indirect.gather [hbm4b:s4+s11], $0x40, s24, s11, $0xb8;
	[tilespmem:$0x11620] =	vst v63  }
0x19: {  	s24 =	sadd.s32 $0xC8, s25  }
0x1a: {  	[tilespmem:s14], [sflag:$0x3] =	stream.indirect.gather [hbm4b:s4+s11], $0x40, s24, s11, $0xb8;
	[tilespmem:$0x11620] =	vst v63  }
0x1b: {  	s26 =	sadd.s32 $0x27D8, s25  }
0x1c: {  	[tilespmem:s15], [sflag:$0x4] =	stream.indirect.gather [hbm4b:s4+s11], $0x40, s26, s11, $0xb8;
	[tilespmem:$0x11620] =	vst v63  }
0x1d: {  	_ =	swait.ge [sflag:s16], $0x3200  }
0x1e: {  	[sflag:s16] =	ssyncset.done $0x0  }
0x1f: {  	[sflag:s16] =	ssyncadd.s32 $0xFFFFCE00  }
0x20: {  	_ =	swait.ge [sflag:s17], $0x3200  }
0x21: {  	[sflag:s17] =	ssyncset.done $0x0  }
0x22: {  	s26 =	simm.s32 $0x0;
	[sflag:s17] =	ssyncadd.s32 $0xFFFFCE00  }
0x23: {  	v6 =	vld [tilespmem:s26+$0x8020]  }
0x24: {  	v7 =	vld [tilespmem:s26+$0x8030]  }
0x25: {  	v8 =	vld [tilespmem:s26+$0x8040]  }
0x26: {  	v9 =	vld [tilespmem:s26+$0x8050]  }
0x27: {  	v10 =	vld [tilespmem:s26+$0x8060]  }
0x28: {  	v11 =	vld [tilespmem:s26+$0x8070]  }
0x29: {  	v12 =	vld [tilespmem:s26+$0x8080]  }
0x2a: {  	v13 =	vld [tilespmem:s26+$0x8090]  }
0x2b: {  	v14 =	vld [tilespmem:s26+$0x80A0]  }
0x2c: {  	v15 =	vld [tilespmem:s26+$0x80B0]  }
0x2d: {  	v5 =	vld [tilespmem:s26+$0x80C0]  }
0x2e: {  	v4 =	vld [tilespmem:s26+$0x80D0]  }
0x2f: {  	v3 =	vld [tilespmem:s26+$0x80E0]  }
0x30: {  	v2 =	vld [tilespmem:s26+$0x80F0]  }
0x31: {  	v1 =	vld [tilespmem:s26+$0x8100]  }
0x32: {  	v0 =	vld [tilespmem:s26+$0x8110]  }
0x33: {  	v16 =	vld [tilespmem:s26+$0x4E20]  }
0x34: {  	v17 =	vld [tilespmem:s26+$0x4E30]  }
0x35: {  	v18 =	vld [tilespmem:s26+$0x4E40]  }
0x36: {  	v19 =	vld [tilespmem:s26+$0x4E50]  }
0x37: {  	v20 =	vld [tilespmem:s26+$0x4E60]  }
0x38: {  	v60 =	vld [tilespmem:s26+$0x4E70];
	v6 =	vadd.f32 v6, v16  }
0x39: {  	v21 =	vld [tilespmem:s26+$0x4E80];
	v7 =	vadd.f32 v7, v17  }
0x3a: {  	v61 =	vld [tilespmem:s26+$0x4E90];
	[tilespmem:s26+$0x4E20] =	vst v6;
	v6 =	vadd.f32 v8, v18  }
0x3b: {  	v62 =	vld [tilespmem:s26+$0x4EA0];
	[tilespmem:s26+$0x4E30] =	vst v7;
	v7 =	vadd.f32 v9, v19  }
0x3c: {  	v63 =	vld [tilespmem:s26+$0x4EB0];
	[tilespmem:s26+$0x4E40] =	vst v6;
	v6 =	vadd.f32 v10, v20  }
0x3d: {  	v8 =	vadd.f32 v11, v60;
	[tilespmem:s26+$0x4E50] =	vst v7;
	v7 =	vld [tilespmem:s26+$0x4EC0]  }
0x3e: {  	v9 =	vadd.f32 v12, v21;
	[tilespmem:s26+$0x4E60] =	vst v6;
	v6 =	vld [tilespmem:s26+$0x4ED0]  }
0x3f: {  	[tilespmem:s26+$0x4E70] =	vst v8;
	v8 =	vld [tilespmem:s26+$0x4EE0];
	v10 =	vadd.f32 v13, v61  }
0x40: {  	v12 =	vadd.f32 v14, v62;
	[tilespmem:s26+$0x4E80] =	vst v9;
	v9 =	vld [tilespmem:s26+$0x4EF0]  }
0x41: {  	s28 =	simm.s32 $0x400;
	v11 =	vadd.f32 v15, v63;
	[tilespmem:s26+$0x4E90] =	vst v10;
	v10 =	vld [tilespmem:s26+$0x4F00]  }
.LBB2_3:
0x42: {  	s29 =	sshra.s32 s28, $0x2;
	p0 =	sne.s32 s28, $0xC400;
	[tilespmem:s26+$0x4EA0] =	vst v12;
	v5 =	vadd.f32 v5, v7;
	v7 =	vld [tilespmem:s26+$0x4F10]  }
0x43: {  	v12 =	vld [tilespmem:s29+$0x8020];
	[tilespmem:s26+$0x4EB0] =	vst v11;
	v4 =	vadd.f32 v4, v6  }
0x44: {  	v6 =	vld [tilespmem:s29+$0x8030];
	[tilespmem:s26+$0x4EC0] =	vst v5;
	v3 =	vadd.f32 v3, v8  }
0x45: {  	v8 =	vld [tilespmem:s29+$0x8040];
	[tilespmem:s26+$0x4ED0] =	vst v4;
	v2 =	vadd.f32 v2, v9  }
0x46: {  	v9 =	vld [tilespmem:s29+$0x8050];
	[tilespmem:s26+$0x4EE0] =	vst v3;
	v1 =	vadd.f32 v1, v10  }
0x47: {  	v10 =	vld [tilespmem:s29+$0x8060];
	[tilespmem:s26+$0x4EF0] =	vst v2;
	v0 =	vadd.f32 v0, v7  }
0x48: {  	v7 =	vld [tilespmem:s29+$0x8070];
	[tilespmem:s26+$0x4F00] =	vst v1  }
0x49: {  	v11 =	vld [tilespmem:s29+$0x8080];
	[tilespmem:s26+$0x4F10] =	vst v0;
	s26 =	smov.u32 s29  }
0x4a: {  	v13 =	vld [tilespmem:s26+$0x8090]  }
0x4b: {  	v14 =	vld [tilespmem:s26+$0x80A0]  }
0x4c: {  	v15 =	vld [tilespmem:s26+$0x80B0]  }
0x4d: {  	v5 =	vld [tilespmem:s26+$0x80C0]  }
0x4e: {  	v4 =	vld [tilespmem:s26+$0x80D0]  }
0x4f: {  	v3 =	vld [tilespmem:s26+$0x80E0]  }
0x50: {  	v2 =	vld [tilespmem:s26+$0x80F0]  }
0x51: {  	v1 =	vld [tilespmem:s26+$0x8100]  }
0x52: {  	v0 =	vld [tilespmem:s26+$0x8110]  }
0x53: {  	v16 =	vld [tilespmem:s26+$0x4E20]  }
0x54: {  	v17 =	vld [tilespmem:s26+$0x4E30]  }
0x55: {  	v18 =	vld [tilespmem:s26+$0x4E40]  }
0x56: {  	v19 =	vld [tilespmem:s26+$0x4E50]  }
0x57: {  	v20 =	vld [tilespmem:s26+$0x4E60]  }
0x58: {  	v12 =	vadd.f32 v12, v16;
	v16 =	vld [tilespmem:s26+$0x4E70]  }
0x59: {  	v6 =	vadd.f32 v6, v17;
	v17 =	vld [tilespmem:s26+$0x4E80]  }
0x5a: {  	[tilespmem:s26+$0x4E20] =	vst v12;
	v8 =	vadd.f32 v8, v18;
	v12 =	vld [tilespmem:s26+$0x4E90]  }
0x5b: {  	[tilespmem:s26+$0x4E30] =	vst v6;
	v6 =	vadd.f32 v9, v19;
	v9 =	vld [tilespmem:s26+$0x4EA0]  }
0x5c: {  	[tilespmem:s26+$0x4E40] =	vst v8;
	v8 =	vadd.f32 v10, v20;
	v10 =	vld [tilespmem:s26+$0x4EB0]  }
.Ltmp0:
0x5d: {  	[tilespmem:s26+$0x4E50] =	vst v6;
	v16 =	vadd.f32 v7, v16;
	v7 =	vld [tilespmem:s26+$0x4EC0];
	(pc) =	sbr.rel @p0 .LBB2_3-.Ltmp0, $4  }
0x5e: {  	[tilespmem:s26+$0x4E60] =	vst v8;
	v11 =	vadd.f32 v11, v17;
	v6 =	vld [tilespmem:s26+$0x4ED0]  }
0x5f: {  	[tilespmem:s26+$0x4E70] =	vst v16;
	v13 =	vadd.f32 v13, v12;
	v8 =	vld [tilespmem:s26+$0x4EE0]  }
0x60: {  	[tilespmem:s26+$0x4E80] =	vst v11;
	v12 =	vadd.f32 v14, v9;
	v9 =	vld [tilespmem:s26+$0x4EF0]  }
0x61: {  	s28 =	sadd.s32 $0x400, s28;
	[tilespmem:s26+$0x4E90] =	vst v13;
	v11 =	vadd.f32 v15, v10;
	v10 =	vld [tilespmem:s26+$0x4F00]  }
0x62: {  	[tilespmem:s26+$0x4EA0] =	vst v12;
	v5 =	vadd.f32 v5, v7;
	v7 =	vld [tilespmem:s26+$0x4F10]  }
0x63: {  	[tilespmem:s26+$0x4EB0] =	vst v11;
	v4 =	vadd.f32 v4, v6  }
0x64: {  	[tilespmem:s26+$0x4EC0] =	vst v5;
	v3 =	vadd.f32 v3, v8  }
0x65: {  	[tilespmem:s26+$0x4ED0] =	vst v4;
	v2 =	vadd.f32 v2, v9  }
0x66: {  	[tilespmem:s26+$0x4EE0] =	vst v3;
	v1 =	vadd.f32 v1, v10  }
0x67: {  	s25 =	sadd.s32 s3, s25;
	[tilespmem:s26+$0x4EF0] =	vst v2;
	v0 =	vadd.f32 v0, v7  }
0x68: {  	s25 =	sshll.u32 s25, $0x3;
	[tilespmem:s26+$0x4F00] =	vst v1  }
0x69: {  	s31 =	simm.s32 $0x0;
	s25 =	sadd.s32 s5, s25;
	[tilespmem:s26+$0x4F10] =	vst v0  }
0x6a: {  	[hbm4b:s25+s31] =	stream.linear.scatter [tilespmem:s12], [sflag:$0x5], $0x3200, $0x38;
	[tilespmem:$0x11620] =	vst v63  }
0x6b: {  	_ =	swait.ge [sflag:s18], $0x3200  }
0x6c: {  	[sflag:s18] =	ssyncset.done $0x0  }
0x6d: {  	[sflag:s18] =	ssyncadd.s32 $0xFFFFCE00  }
0x6e: {  	_ =	swait.ge [sflag:s19], $0x3200  }
0x6f: {  	[sflag:s19] =	ssyncset.done $0x0  }
0x70: {  	s25 =	simm.s32 $0x0;
	[sflag:s19] =	ssyncadd.s32 $0xFFFFCE00  }
0x71: {  	v6 =	vld [tilespmem:s25+$0xE420]  }
0x72: {  	v7 =	vld [tilespmem:s25+$0xE430]  }
0x73: {  	v8 =	vld [tilespmem:s25+$0xE440]  }
0x74: {  	v9 =	vld [tilespmem:s25+$0xE450]  }
0x75: {  	v10 =	vld [tilespmem:s25+$0xE460]  }
0x76: {  	v11 =	vld [tilespmem:s25+$0xE470]  }
0x77: {  	v12 =	vld [tilespmem:s25+$0xE480]  }
0x78: {  	v13 =	vld [tilespmem:s25+$0xE490]  }
0x79: {  	v14 =	vld [tilespmem:s25+$0xE4A0]  }
0x7a: {  	v15 =	vld [tilespmem:s25+$0xE4B0]  }
0x7b: {  	v5 =	vld [tilespmem:s25+$0xE4C0]  }
0x7c: {  	v4 =	vld [tilespmem:s25+$0xE4D0]  }
0x7d: {  	v3 =	vld [tilespmem:s25+$0xE4E0]  }
0x7e: {  	v2 =	vld [tilespmem:s25+$0xE4F0]  }
0x7f: {  	v1 =	vld [tilespmem:s25+$0xE500]  }
0x80: {  	v0 =	vld [tilespmem:s25+$0xE510]  }
0x81: {  	v16 =	vld [tilespmem:s25+$0xB220]  }
0x82: {  	v17 =	vld [tilespmem:s25+$0xB230]  }
0x83: {  	v18 =	vld [tilespmem:s25+$0xB240]  }
0x84: {  	v19 =	vld [tilespmem:s25+$0xB250]  }
0x85: {  	v20 =	vld [tilespmem:s25+$0xB260]  }
0x86: {  	v60 =	vld [tilespmem:s25+$0xB270];
	v6 =	vadd.f32 v6, v16  }
0x87: {  	v21 =	vld [tilespmem:s25+$0xB280];
	v7 =	vadd.f32 v7, v17  }
0x88: {  	v61 =	vld [tilespmem:s25+$0xB290];
	[tilespmem:s25+$0xB220] =	vst v6;
	v6 =	vadd.f32 v8, v18  }
0x89: {  	v62 =	vld [tilespmem:s25+$0xB2A0];
	[tilespmem:s25+$0xB230] =	vst v7;
	v7 =	vadd.f32 v9, v19  }
0x8a: {  	v63 =	vld [tilespmem:s25+$0xB2B0];
	[tilespmem:s25+$0xB240] =	vst v6;
	v6 =	vadd.f32 v10, v20  }
0x8b: {  	v8 =	vadd.f32 v11, v60;
	[tilespmem:s25+$0xB250] =	vst v7;
	v7 =	vld [tilespmem:s25+$0xB2C0]  }
0x8c: {  	v9 =	vadd.f32 v12, v21;
	[tilespmem:s25+$0xB260] =	vst v6;
	v6 =	vld [tilespmem:s25+$0xB2D0]  }
0x8d: {  	[tilespmem:s25+$0xB270] =	vst v8;
	v8 =	vld [tilespmem:s25+$0xB2E0];
	v10 =	vadd.f32 v13, v61  }
0x8e: {  	v12 =	vadd.f32 v14, v62;
	[tilespmem:s25+$0xB280] =	vst v9;
	v9 =	vld [tilespmem:s25+$0xB2F0]  }
0x8f: {  	s26 =	simm.s32 $0x400;
	v11 =	vadd.f32 v15, v63;
	[tilespmem:s25+$0xB290] =	vst v10;
	v10 =	vld [tilespmem:s25+$0xB300]  }
.LBB2_5:
0x90: {  	s28 =	sshra.s32 s26, $0x2;
	p0 =	sne.s32 s26, $0xC400;
	[tilespmem:s25+$0xB2A0] =	vst v12;
	v5 =	vadd.f32 v5, v7;
	v7 =	vld [tilespmem:s25+$0xB310]  }
0x91: {  	v12 =	vld [tilespmem:s28+$0xE420];
	[tilespmem:s25+$0xB2B0] =	vst v11;
	v4 =	vadd.f32 v4, v6  }
0x92: {  	v6 =	vld [tilespmem:s28+$0xE430];
	[tilespmem:s25+$0xB2C0] =	vst v5;
	v3 =	vadd.f32 v3, v8  }
0x93: {  	v8 =	vld [tilespmem:s28+$0xE440];
	[tilespmem:s25+$0xB2D0] =	vst v4;
	v2 =	vadd.f32 v2, v9  }
0x94: {  	v9 =	vld [tilespmem:s28+$0xE450];
	[tilespmem:s25+$0xB2E0] =	vst v3;
	v1 =	vadd.f32 v1, v10  }
0x95: {  	v10 =	vld [tilespmem:s28+$0xE460];
	[tilespmem:s25+$0xB2F0] =	vst v2;
	v0 =	vadd.f32 v0, v7  }
0x96: {  	v7 =	vld [tilespmem:s28+$0xE470];
	[tilespmem:s25+$0xB300] =	vst v1  }
0x97: {  	v11 =	vld [tilespmem:s28+$0xE480];
	[tilespmem:s25+$0xB310] =	vst v0;
	s25 =	smov.u32 s28  }
0x98: {  	v13 =	vld [tilespmem:s25+$0xE490]  }
0x99: {  	v14 =	vld [tilespmem:s25+$0xE4A0]  }
0x9a: {  	v15 =	vld [tilespmem:s25+$0xE4B0]  }
0x9b: {  	v5 =	vld [tilespmem:s25+$0xE4C0]  }
0x9c: {  	v4 =	vld [tilespmem:s25+$0xE4D0]  }
0x9d: {  	v3 =	vld [tilespmem:s25+$0xE4E0]  }
0x9e: {  	v2 =	vld [tilespmem:s25+$0xE4F0]  }
0x9f: {  	v1 =	vld [tilespmem:s25+$0xE500]  }
0xa0: {  	v0 =	vld [tilespmem:s25+$0xE510]  }
0xa1: {  	v16 =	vld [tilespmem:s25+$0xB220]  }
0xa2: {  	v17 =	vld [tilespmem:s25+$0xB230]  }
0xa3: {  	v18 =	vld [tilespmem:s25+$0xB240]  }
0xa4: {  	v19 =	vld [tilespmem:s25+$0xB250]  }
0xa5: {  	v20 =	vld [tilespmem:s25+$0xB260]  }
0xa6: {  	v12 =	vadd.f32 v12, v16;
	v16 =	vld [tilespmem:s25+$0xB270]  }
0xa7: {  	v6 =	vadd.f32 v6, v17;
	v17 =	vld [tilespmem:s25+$0xB280]  }
0xa8: {  	[tilespmem:s25+$0xB220] =	vst v12;
	v8 =	vadd.f32 v8, v18;
	v12 =	vld [tilespmem:s25+$0xB290]  }
0xa9: {  	[tilespmem:s25+$0xB230] =	vst v6;
	v6 =	vadd.f32 v9, v19;
	v9 =	vld [tilespmem:s25+$0xB2A0]  }
0xaa: {  	[tilespmem:s25+$0xB240] =	vst v8;
	v8 =	vadd.f32 v10, v20;
	v10 =	vld [tilespmem:s25+$0xB2B0]  }
.Ltmp1:
0xab: {  	[tilespmem:s25+$0xB250] =	vst v6;
	v16 =	vadd.f32 v7, v16;
	v7 =	vld [tilespmem:s25+$0xB2C0];
	(pc) =	sbr.rel @p0 .LBB2_5-.Ltmp1, $4  }
0xac: {  	[tilespmem:s25+$0xB260] =	vst v8;
	v11 =	vadd.f32 v11, v17;
	v6 =	vld [tilespmem:s25+$0xB2D0]  }
0xad: {  	[tilespmem:s25+$0xB270] =	vst v16;
	v13 =	vadd.f32 v13, v12;
	v8 =	vld [tilespmem:s25+$0xB2E0]  }
0xae: {  	[tilespmem:s25+$0xB280] =	vst v11;
	v12 =	vadd.f32 v14, v9;
	v9 =	vld [tilespmem:s25+$0xB2F0]  }
0xaf: {  	s26 =	sadd.s32 $0x400, s26;
	[tilespmem:s25+$0xB290] =	vst v13;
	v11 =	vadd.f32 v15, v10;
	v10 =	vld [tilespmem:s25+$0xB300]  }
0xb0: {  	[tilespmem:s25+$0xB2A0] =	vst v12;
	v5 =	vadd.f32 v5, v7;
	v63 =	vld [tilespmem:s25+$0xB310]  }
0xb1: {  	[tilespmem:s25+$0xB2B0] =	vst v11;
	v4 =	vadd.f32 v4, v6  }
0xb2: {  	[tilespmem:s25+$0xB2C0] =	vst v5;
	v3 =	vadd.f32 v3, v8  }
0xb3: {  	[tilespmem:s25+$0xB2D0] =	vst v4;
	v2 =	vadd.f32 v2, v9  }
0xb4: {  	s24 =	sadd.s32 s3, s24;
	[tilespmem:s25+$0xB2E0] =	vst v3;
	v1 =	vadd.f32 v1, v10  }
0xb5: {  	s24 =	sshll.u32 s24, $0x3;
	[tilespmem:s25+$0xB2F0] =	vst v2;
	v0 =	vadd.f32 v0, v63  }
0xb6: {  	s24 =	sand.u32 $0x1FFFFFC0, s24;
	[tilespmem:s25+$0xB300] =	vst v1  }
0xb7: {  	s23 =	sadd.s32 $0x1, s23;
	s24 =	sadd.s32 s5, s24;
	[tilespmem:s25+$0xB310] =	vst v0  }
0xb8: {  	[hbm4b:s24+s2] =	stream.linear.scatter [tilespmem:s14], [sflag:$0x6], $0x3200, $0x38;
	[tilespmem:$0x11620] =	vst v63  }
0xb9: {  	p0 =	sne.s32 s23, $0x19;
	_ =	swait.ge [sflag:s20], $0x3200  }
.Ltmp2:
0xba: {  	[sflag:s20] =	ssyncset.done $0x0;
	(pc) =	sbr.rel @p0 .LBB2_2-.Ltmp2, $4  }
0xbb: {  	[sflag:s20] =	ssyncadd.s32 $0xFFFFCE00  }
0xbc: {  	_ =	swait.ge [sflag:s21], $0x3200  }
0xbd: {  	[sflag:s21] =	ssyncset.done $0x0  }
0xbe: {  	[sflag:s21] =	ssyncadd.s32 $0xFFFFCE00  }
0xbf: {  	s22 =	sadd.s32 $0x1, s22  }
0xc0: {  	p0 =	sne.s32 s22, s8  }
.Ltmp3:
0xc1: {  	_ = 	snop;
	(pc) =	sbr.rel @p0 .LBB2_1-.Ltmp3, $1  }
0xc2: {  	_ =	sdelay $0x3  }
0xc3: {  	_ =	sfence.sel $0x180000  }
0xc4: {  	[bflag:$0x0] =	sbarrier.arrive $0xFFFF  }
0xc5: {  	p0 =	sne.s32 s0, $0x0;
	_ =	strace $0x90000047  }
0xc6: {  	s0 =	sadd.s32 @!p0 $0x100000, s1;
	[bflag:$0x2] =	sbarrier.arrive $0xFFFF  }
0xc7: {  	[sflag:s0] =	ssyncadd.tile.s32 @!p0 $0x1;
	_ =	shalt  }
.Lfunc_end2:
_tile_overlayer_lowered:
.L_overlay_start_2:
0xc8: {  	(tag) =	ssettag $0x2  }
0xc9: {  	s0 =	rddreg [dreg:$0x0];
	s2 =	stileid.u32  }
0xca: {  	s1 =	rddreg [dreg:$0x1];
	p0 =	sne.s32 s2, $0x0  }
0xcb: {  	s3 =	rddreg [dreg:$0x2];
	[bflag:$0x3] =	sbarrier.arrive $0xFFFF;
	s2 =	simm.s32 @!p0 $0x1C07  }
0xcc: {  	[timem:s3], [sflag:s2] =	dma.local @!p0 [hbm:s0], s1  }
0xcd: {  	s0 =	simm.s32 @!p0 $0x7  }
0xce: {  	_ =	swait.ge @!p0 [sflag:s0], s1  }
0xcf: {  	s1 =	ssub.s32 @!p0 $0x0, s1;
	[sflag:s0] =	ssyncset.done @!p0 $0x0  }
0xd0: {  	[sflag:s0] =	ssyncadd.s32 @!p0 s1  }
0xd1: {  	[bflag:$0x3] =	sbarrier.arrive $0xFFFF  }
0xd2: {  	_ =	shalt  }

// kernel: kernel.19.cloned.1.call-start
scs
__scs_entry_jumppad:
0x0: {  	(pc) =	sbr.rel $0x88, $3  }
0x1: {  	(tag) =	ssettag $0x0;
	lr =	simm.s32 $0x1  }
0x2: {  	[smem:$0x3F76] =	sst lr;
	_ =	strace $0xD0000000  }
0x3: {  	_ = 	snop  }
0x4: {  	_ = 	snop  }
0x5: {  	_ = 	snop  }
0x6: {  	_ = 	snop  }
0x7: {  	_ = 	snop  }
__scs_overlays_trampoline_lowered:
0x8: {  	[smem:$0x3F85] =	sst s0  }
0x9: {  	[smem:$0x3F86] =	sst s1  }
0xa: {  	[smem:$0x3F87] =	sst s2  }
0xb: {  	[smem:$0x3F88] =	sst s3  }
0xc: {  	[smem:$0x3F89] =	sst s4  }
0xd: {  	[smem:$0x3F8A] =	sst s5  }
0xe: {  	[smem:$0x3F8B] =	sst s6  }
0xf: {  	[smem:$0x3F8C] =	sst s7  }
0x10: {  	[smem:$0x3F8D] =	sst s8  }
0x11: {  	[smem:$0x3F8E] =	sst s9;
	s0 =	simm.s32 @!p0 $0x0  }
0x12: {  	s1 =	sld [smem:$0x3F74];
	s0 =	simm.s32 @p0 $0x1  }
0x13: {  	[smem:$0x3F8F] =	sst s0;
	s0 =	simm.s32 @!p1 $0x0  }
0x14: {  	s2 =	sld [smem:$0x3F73];
	s0 =	simm.s32 @p1 $0x1  }
0x15: {  	[smem:$0x3F90] =	sst s0;
	s0 =	simm.s32 @!p2 $0x0  }
0x16: {  	s3 =	sld [smem:$0x3FDB];
	s0 =	simm.s32 @p2 $0x1  }
0x17: {  	s4 =	simm.s32 $0x1BF5;
	[smem:$0x3F92] =	sst s0  }
0x18: {  	s0 =	sld [smem:$0x3F75];
	_ =	swait.ge [sflag:s4], $0x0  }
0x19: {  	s7 =	sld [smem:$0x3F76]  }
0x1a: {  	s8 =	sadd.s32 $0xFFFFE003, lr  }
0x1b: {  	s9 =	sadd.s32 $0xFFFFFEF7, lr;
	s5 =	simm.s32 $0xFFFFFFFF;
	p2 =	slt.u32 s8, $0xFFFFF086  }
0x1c: {  	p1 =	slt.u32 s9, $0xF7A;
	s5 =	simm.s32 @!p2 $0x0  }
0x1d: {  	s5 =	simm.s32 @p1 $0x1;
	p0 =	seq.s32 s7, s2  }
0x1e: {  	s7 =	smul.u32 @!p0 $0xF7A, s2;
	p2 =	seq.s32 @!p0 s5, $0x0  }
0x1f: {  	s9 =	smul.u32 $0xF7A, s1;
	s8 =	simm.s32 @!p0 $0x1BF5;
	p2 =	por !p2, p0  }
0x20: {  	[sflag:s8] =	ssyncset.s32 @!p0 $0xFFFFF086;
	s6 =	sadd.s32 @!p0 s3, s7;
	s7 =	simm.s32 @!p0 $0x108  }
0x21: {  	s3 =	sadd.s32 s3, s9;
	s6 =	sadd.s32 @!p0 $0x88, s6;
	s7 =	simm.s32 @p2 $0x1082  }
0x22: {  	[simem:s7], [sflag:s8] =	dma.local @!p0 [hbm:s6], $0xF7A  }
0x23: {  	s9 =	sor.u32 $0xD0000000, s2;
	s6 =	simm.s32 $0x108;
	_ =	swait.ge @!p0 [sflag:s8], $0x0  }
0x24: {  	s3 =	sadd.s32 $0x88, s3;
	s6 =	simm.s32 @!p1 $0x1082;
	[sflag:s4] =	ssyncset.s32 $0xFFFFF086  }
0x25: {  	[simem:s6], [sflag:s4] =	dma.local [hbm:s3], $0xF7A  }
0x26: {  	[smem:$0x3F76] =	sst s1;
	(tag) =	ssettag s2;
	_ =	strace s9  }
0x27: {  	s1 =	sld [smem:$0x3F86]  }
0x28: {  	s2 =	sld [smem:$0x3F87]  }
0x29: {  	s4 =	sld [smem:$0x3F89]  }
0x2a: {  	p0 =	seq.s32 s5, $0x0;
	s5 =	sld [smem:$0x3F8A]  }
0x2b: {  	s6 =	sld [smem:$0x3F8B]  }
0x2c: {  	s7 =	sld [smem:$0x3F8C]  }
0x2d: {  	s3 =	simm.s32 $0x108;
	s8 =	sld [smem:$0x3F8D]  }
0x2e: {  	s3 =	simm.s32 @!p0 $0x1082;
	s9 =	sld [smem:$0x3F8E]  }
0x2f: {  	lr =	sadd.s32 s0, s3;
	s0 =	sld [smem:$0x3F85]  }
0x30: {  	s3 =	sld [smem:$0x3F88]  }
0x31: {  	[smem:$0x3F91] =	sst s10  }
0x32: {  	s10 =	sld [smem:$0x3F8F];
	_ =	sdelay $0x3  }
0x33: {  	p0 =	seq.s32 s10, $0x1;
	s10 =	sld [smem:$0x3F91];
	_ =	sdelay $0x3  }
0x34: {  	[smem:$0x3F91] =	sst s10  }
0x35: {  	s10 =	sld [smem:$0x3F90];
	_ =	sdelay $0x3  }
0x36: {  	p1 =	seq.s32 s10, $0x1;
	s10 =	sld [smem:$0x3F91];
	_ =	sdelay $0x3  }
0x37: {  	[smem:$0x3F91] =	sst s10  }
0x38: {  	s10 =	sld [smem:$0x3F92]  }
0x39: {  	_ = 	snop;
	(pc) =	sbr.ind lr, $3  }
0x3a: {  	_ = 	snop  }
0x3b: {  	_ = 	snop  }
0x3c: {  	p2 =	seq.s32 s10, $0x1;
	s10 =	sld [smem:$0x3F91]  }
0x3d: {  	_ =	shalt  }
0x3e: {  	_ =	shalt  }
0x3f: {  	_ =	shalt  }
0x40: {  	_ =	shalt  }
0x41: {  	_ =	shalt  }
0x42: {  	_ =	shalt  }
0x43: {  	_ =	shalt  }
0x44: {  	_ =	shalt  }
0x45: {  	_ =	shalt  }
0x46: {  	_ =	shalt  }
0x47: {  	_ =	shalt  }
0x48: {  	_ =	shalt  }
0x49: {  	_ =	shalt  }
0x4a: {  	_ =	shalt  }
0x4b: {  	_ =	shalt  }
0x4c: {  	_ =	shalt  }
0x4d: {  	_ =	shalt  }
0x4e: {  	_ =	shalt  }
0x4f: {  	_ =	shalt  }
0x50: {  	_ =	shalt  }
0x51: {  	_ =	shalt  }
0x52: {  	_ =	shalt  }
0x53: {  	_ =	shalt  }
0x54: {  	_ =	shalt  }
0x55: {  	_ =	shalt  }
0x56: {  	_ =	shalt  }
0x57: {  	_ =	shalt  }
0x58: {  	_ =	shalt  }
0x59: {  	_ =	shalt  }
0x5a: {  	_ =	shalt  }
0x5b: {  	_ =	shalt  }
0x5c: {  	_ =	shalt  }
0x5d: {  	_ =	shalt  }
0x5e: {  	_ =	shalt  }
0x5f: {  	_ =	shalt  }
0x60: {  	_ =	shalt  }
0x61: {  	_ =	shalt  }
0x62: {  	_ =	shalt  }
0x63: {  	_ =	shalt  }
0x64: {  	_ =	shalt  }
0x65: {  	_ =	shalt  }
0x66: {  	_ =	shalt  }
0x67: {  	_ =	shalt  }
0x68: {  	_ =	shalt  }
0x69: {  	_ =	shalt  }
0x6a: {  	_ =	shalt  }
0x6b: {  	_ =	shalt  }
0x6c: {  	_ =	shalt  }
0x6d: {  	_ =	shalt  }
0x6e: {  	_ =	shalt  }
0x6f: {  	_ =	shalt  }
0x70: {  	_ =	shalt  }
0x71: {  	_ =	shalt  }
0x72: {  	_ =	shalt  }
0x73: {  	_ =	shalt  }
0x74: {  	_ =	shalt  }
0x75: {  	_ =	shalt  }
0x76: {  	_ =	shalt  }
0x77: {  	_ =	shalt  }
0x78: {  	_ =	shalt  }
0x79: {  	_ =	shalt  }
0x7a: {  	_ =	shalt  }
0x7b: {  	_ =	shalt  }
0x7c: {  	_ =	shalt  }
0x7d: {  	_ =	shalt  }
0x7e: {  	_ =	shalt  }
0x7f: {  	_ =	shalt  }
0x80: {  	_ =	shalt  }
0x81: {  	_ =	shalt  }
0x82: {  	_ =	shalt  }
0x83: {  	_ =	shalt  }
0x84: {  	_ =	shalt  }
0x85: {  	_ =	shalt  }
0x86: {  	_ =	shalt  }
0x87: {  	_ =	shalt  }
.Lfunc_end0:
.L_simem_size_0:
called_computation.1_lowered:
.L_overlay_start_0:
0x88: {  	s2 =	sld [smem:$0x3FD9]  }
0x89: {  	s3 =	sld [smem:$0x3FFE];
	_ =	sdelay $0x1  }
0x8a: {  	s1 =	srdreg.scid  }
0x8b: {  	s0 =	sand.u32 $0x1, s1  }
0x8c: {  	s17 =	sshll.u32 s0, $0xA;
	s2 =	sadd.s32 s3, s2  }
0x8d: {  	s2 =	sadd.s32 s2, s17  }
0x8e: {  	[smem:$0x3F9D] =	sst s2  }
0x8f: {  	_ = 	snop  }
0x90: {  	s2 =	sld [smem:$0x3FC6];
	(tm) =	ssettm $0x1  }
0x91: {  	s18 =	sld [smem:$0x3FFB];
	_ =	sdelay $0x3  }
0x92: {  	_ =	strace s18  }
0x93: {  	s3 =	sld [smem:$0x3FFC];
	_ =	sdelay $0x3  }
0x94: {  	_ =	strace s3  }
0x95: {  	s3 =	sld [smem:$0x3FFD];
	_ =	sdelay $0x3  }
0x96: {  	_ =	strace s3  }
0x97: {  	_ =	strace $0x8FFFFFFF  }
0x98: {  	s19 =	sld [smem:$0x3FDB];
	_ =	sdelay $0x1  }
0x99: {  	s4 =	simm.s32 $_scs_section_size  }
0x9a: {  	s5 =	simm.s32 $_size__tile_overlayer_lowered;
	s6 =	simm.s32 $_tile_overlayer_lowered  }
0x9b: {  	s22 =	simm.s32 $0x1BFF;
	s21 =	sshll.u32 s6, $0x1;
	s3 =	sadd.s32 s4, s19  }
0x9c: {  	s7 =	simm.s32 $0x0;
	s20 =	sshll.u32 s5, $0x1;
	s5 =	sadd.s32 s21, s3  }
0x9d: {  	[timem:s7], [sflag:s22] =	dma.local [hbm:s5], s20  }
0x9e: {  	_ =	swait.ge [sflag:s22], s20  }
0x9f: {  	s4 =	ssub.s32 $0x0, s20;
	[sflag:s22] =	ssyncset.done $0x0  }
0xa0: {  	[sflag:s22] =	ssyncadd.s32 s4;
	_ =	sdelay $0x1  }
0xa1: {  	s23 =	simm.s32 $0x1B8B  }
0xa2: {  	_ =	swait.ge [sflag:s23], $0x1  }
0xa3: {  	[sflag:s23] =	ssyncset.done $0x0  }
0xa4: {  	s25 =	simm.s32 $0x1B8E;
	s24 =	sld [smem:$0x3FFE];
	[sflag:s23] =	ssyncadd.s32 $0xFFFFFFFF  }
0xa5: {  	s26 =	simm.s32 $execute0_lowered;
	[smem:$0x3FD2] =	sst s25  }
0xa6: {  	s5 =	sshll.u32 s26, $0x1;
	_ =	strace $0x80000049;
	[dreg:$0x1] =	wrdreg $0xFFFFFFFF  }
0xa7: {  	s28 =	simm.s32 $_size_execute0_lowered;
	s3 =	sadd.s32 s3, s5;
	[dreg:$0x0] =	wrdreg $0x0  }
0xa8: {  	s5 =	sshll.u32 s28, $0x1;
	[dreg:$0x2] =	wrdreg s3  }
0xa9: {  	[dreg:$0x3] =	wrdreg s5  }
0xaa: {  	[dreg:$0x4] =	wrdreg $0xC0  }
0xab: {  	_ =	task [dreg:s7], $0x5FFFF  }
0xac: {  	[dreg:$0x1] =	wrdreg $0xFFFFFFFF  }
0xad: {  	[dreg:$0x0] =	wrdreg $0x60  }
0xae: {  	[dreg:$0x2] =	wrdreg s24  }
0xaf: {  	[dreg:$0x3] =	wrdreg s2  }
0xb0: {  	[dreg:$0x4] =	wrdreg $0x8B100  }
0xb1: {  	[dreg:$0x5] =	wrdreg $0x9  }
0xb2: {  	_ =	task.clear_ibuf [dreg:s7], $0x6FFFF;
	_ =	strace $0x90000049  }
0xb3: {  	s29 =	simm.s32 $0x9;
	_ =	strace $0x8000004B  }
0xb4: {  	_ =	swait.ge [sflag:s29], $0x1  }
0xb5: {  	[sflag:s29] =	ssyncadd.s32 $0xFFFFFFFF  }
0xb6: {  	_ =	strace $0x9000004B  }
0xb7: {  	_ =	sfence  }
0xb8: {  	s30 =	sld [smem:$0x0];
	_ =	sdelay $0x2  }
0xb9: {  	s31 =	sshll.u32 s1, $0xD;
	s1 =	sshrl.u32 s1, $0x2  }
0xba: {  	s3 =	sand.u32 $0x4000, s31;
	s1 =	sadd.s32 s1, s30  }
0xbb: {  	s0 =	sor.u32 s3, s0;
	s1 =	sshll.u32 s1, $0x11  }
0xbc: {  	s0 =	sor.u32 s1, s0  }
0xbd: {  	s0 =	sadd.s32 $0x8F2B, s0  }
0xbe: {  	[sflag:s0] =	ssyncadd.remote.s32 $0x1  }
0xbf: {  	_ =	sfence.sel $0xFFFF  }
0xc0: {  	[dreg:$0x0] =	wrdreg $0xFFFFFFFF;
	(pc) =	sbr.abs _section_cstart, $3  }
0xc1: {  	[dreg:$0x1] =	wrdreg $0xFFFFFFFF  }
0xc2: {  	_ =	task.clear_ibuf [dreg:s7], $0x2FFFF;
	_ =	strace $0x9FFFFFFF  }
0xc3: {  	(tm) =	ssettm $0x7FFFFFFF  }
tec
execute0_lowered:
.L_overlay_start_1:
0x0: {  	(tag) =	ssettag $0x1  }
0x1: {  	s4 =	rddreg [dreg:$0x0]  }
0x2: {  	s6 =	rddreg [dreg:$0x1]  }
0x3: {  	s2 =	rddreg [dreg:$0x2]  }
0x4: {  	s0 =	rddreg [dreg:$0x3];
	s3 =	simm.s32 $0x0;
	s1 =	stileid.u32  }
0x5: {  	s7 =	srdreg.scid;
	s16 =	simm.s32 $0xC8;
	s17 =	simm.s32 $0x2  }
0x6: {  	s18 =	simm.s32 $0x3;
	s19 =	simm.s32 $0x4;
	s20 =	simm.s32 $0x0  }
0x7: {  	[smem:$0x7FF] =	sst s3;
	s5 =	smul.u32 $0xA000, s1;
	s9 =	sadd.s32 $0x550E00, s4  }
0x8: {  	s8 =	sand.u32 $0x1, s7;
	s11 =	sshll.u32 s1, $0x1;
	s13 =	smul.u32 $0x4E20, s1  }
0x9: {  	s28 =	sshll.u32 s1, $0x6;
	s29 =	smul.u32 $0x27100, s1;
	_ =	strace $0x8000004A  }
0xa: {  	s10 =	ssub.s32 $0x2, s8;
	s25 =	sor.u32 s8, s11;
	s14 =	smul.u32 $0x2710, s8  }
0xb: {  	p0 =	seq.s32 s8, $0x1;
	s15 =	smul.u32 $0x13880, s8;
	s23 =	sshrl.u32 s5, $0x3  }
0xc: {  	s24 =	sshrl.u32 s10, $0x1;
	s26 =	sadd.s32 s5, s2;
	s7 =	smul.u32 $0x2710, s25  }
0xd: {  	s5 =	sor.u32 $0x1C05, s28;
	s31 =	sadd.s32 s29, s9;
	s12 =	sadd.s32 s23, s4  }
0xe: {  	s10 =	ssub.s32 s10, s24;
	s13 =	sadd.s32 s14, s13;
	s11 =	sshrl.u32 s26, $0x3  }
0xf: {  	s14 =	simm.s32 $0x5910;
	s7 =	sshrl.u32 s7, $0x3;
	s13 =	sshll.u32 s13, $0x3  }
0x10: {  	s6 =	sadd.s32 s6, s7;
	s7 =	smax.u32 s10, $0x1;
	s10 =	simm.s32 $0x82E00  }
0x11: {  	s4 =	sadd.s32 $0x20A00, s12;
	s30 =	sadd.s32 s9, s13;
	s10 =	simm.s32 @!p0 $0x6EE00  }
0x12: {  	s13 =	simm.s32 $0x2710;
	s9 =	sadd.s32 $0x640, s30;
	s8 =	sadd.s32 s10, s12  }
0x13: {  	s10 =	sadd.s32 s15, s31;
	s12 =	simm.s32 $0x5;
	s15 =	simm.s32 $0x1  }
.LBB2_1:
0x14: {  	[spmem:s11], [sflag:s5] =	dma.local [hbm:s4], $0x1400  }
0x15: {  	_ =	swait.ge [sflag:s12], $0x1400  }
0x16: {  	[sflag:s12] =	ssyncset.done $0x0  }
0x17: {  	[sflag:s12] =	ssyncadd.s32 $0xFFFFEC00  }
0x18: {  	[tilespmem:s3], [sflag:$0x5] =	stream.linear.gather [hbm4b:s6+s3], $0x2710, $0x38;
	[tilespmem:$0x12B10] =	vst v63  }
0x19: {  	_ =	swait.ge [sflag:s12], $0x2710  }
0x1a: {  	[sflag:s12] =	ssyncset.done $0x0  }
0x1b: {  	[sflag:s12] =	ssyncadd.s32 $0xFFFFD8F0  }
0x1c: {  	s21 =	sadd.s32 $0x0, s10;
	[bflag:$0x0] =	sbarrier.arrive $0xFFFF  }
0x1d: {  	[tilespmem:s13], [sflag:$0x1] =	stream.linear.gather [hbm4b:s21+s3], $0x3200, $0x38;
	[tilespmem:$0x12B10] =	vst v63  }
0x1e: {  	s30 =	sadd.s32 $0x0, s9  }
0x1f: {  	[tilespmem:s14], [sflag:$0x2] =	stream.linear.gather [hbm4b:s30+s3], $0x3200, $0x38;
	[tilespmem:$0x12B10] =	vst v63  }
0x20: {  	_ =	swait.ge [sflag:s15], $0x3200  }
0x21: {  	[sflag:s15] =	ssyncset.done $0x0  }
0x22: {  	[sflag:s15] =	ssyncadd.s32 $0xFFFFCE00  }
0x23: {  	[spmem:s2] =	stream.indirect.scatter.add.f32 [tilespmem:s13], [sflag:$0x3], $0x40, s3, s16, $0xb8;
	[tilespmem:$0x12B10] =	vst v63  }
0x24: {  	_ =	swait.ge [sflag:s17], $0x3200  }
0x25: {  	[sflag:s17] =	ssyncset.done $0x0  }
0x26: {  	s31 =	simm.s32 $0xC8;
	[sflag:s17] =	ssyncadd.s32 $0xFFFFCE00  }
0x27: {  	[spmem:s2] =	stream.indirect.scatter.add.f32 [tilespmem:s14], [sflag:$0x4], $0x40, s31, s16, $0xb8;
	[tilespmem:$0x12B10] =	vst v63  }
0x28: {  	_ =	swait.ge [sflag:s18], $0x3200  }
0x29: {  	[sflag:s18] =	ssyncset.done $0x0  }
0x2a: {  	[sflag:s18] =	ssyncadd.s32 $0xFFFFCE00  }
0x2b: {  	s22 =	simm.s32 $0xC80;
	_ =	swait.ge [sflag:s19], $0x3200  }
0x2c: {  	s23 =	simm.s32 $0x1900;
	s21 =	simm.s32 $0x190;
	[sflag:s19] =	ssyncset.done $0x0  }
.LBB2_2:
0x2d: {  	s24 =	sadd.s32 s22, s10  }
0x2e: {  	[sflag:s19] =	ssyncadd.s32 $0xFFFFCE00;
	s25 =	smov.u32 s23;
	s26 =	sadd.s32 $0xC80, s23  }
0x2f: {  	[tilespmem:s13], [sflag:$0x1] =	stream.linear.gather [hbm4b:s24+s3], $0x3200, $0x38;
	[tilespmem:$0x12B10] =	vst v63  }
0x30: {  	p0 =	sne.s32 s23, $0x12C00;
	s23 =	sadd.s32 s22, s9;
	s22 =	smov.u32 s25  }
0x31: {  	[tilespmem:s14], [sflag:$0x2] =	stream.linear.gather [hbm4b:s23+s3], $0x3200, $0x38;
	[tilespmem:$0x12B10] =	vst v63  }
0x32: {  	_ =	swait.ge [sflag:s15], $0x3200  }
0x33: {  	[sflag:s15] =	ssyncset.done $0x0  }
0x34: {  	[sflag:s15] =	ssyncadd.s32 $0xFFFFCE00  }
0x35: {  	[spmem:s2] =	stream.indirect.scatter.add.f32 [tilespmem:s13], [sflag:$0x3], $0x40, s21, s16, $0xb8;
	[tilespmem:$0x12B10] =	vst v63  }
0x36: {  	_ =	swait.ge [sflag:s17], $0x3200  }
0x37: {  	[sflag:s17] =	ssyncset.done $0x0  }
0x38: {  	s23 =	sadd.s32 $0xC8, s21;
	[sflag:s17] =	ssyncadd.s32 $0xFFFFCE00  }
0x39: {  	[spmem:s2] =	stream.indirect.scatter.add.f32 [tilespmem:s14], [sflag:$0x4], $0x40, s23, s16, $0xb8;
	[tilespmem:$0x12B10] =	vst v63  }
.Ltmp0:
0x3a: {  	_ =	swait.ge [sflag:s18], $0x3200;
	(pc) =	sbr.rel @p0 .LBB2_2-.Ltmp0, $4  }
0x3b: {  	[sflag:s18] =	ssyncset.done $0x0  }
0x3c: {  	[sflag:s18] =	ssyncadd.s32 $0xFFFFCE00  }
0x3d: {  	_ =	swait.ge [sflag:s19], $0x3200  }
0x3e: {  	s21 =	sadd.s32 $0x190, s21;
	s23 =	smov.u32 s26;
	[sflag:s19] =	ssyncset.done $0x0  }
0x3f: {  	s23 =	sadd.s32 s22, s10;
	[sflag:s19] =	ssyncadd.s32 $0xFFFFCE00  }
0x40: {  	[tilespmem:s13], [sflag:$0x1] =	stream.linear.gather [hbm4b:s23+s3], $0x3200, $0x38;
	[tilespmem:$0x12B10] =	vst v63  }
0x41: {  	s30 =	sadd.s32 s22, s9  }
0x42: {  	[tilespmem:s14], [sflag:$0x2] =	stream.linear.gather [hbm4b:s30+s3], $0x3200, $0x38;
	[tilespmem:$0x12B10] =	vst v63  }
0x43: {  	_ =	swait.ge [sflag:s15], $0x3200  }
0x44: {  	[sflag:s15] =	ssyncset.done $0x0  }
0x45: {  	[sflag:s15] =	ssyncadd.s32 $0xFFFFCE00  }
0x46: {  	[spmem:s2] =	stream.indirect.scatter.add.f32 [tilespmem:s13], [sflag:$0x3], $0x40, s21, s16, $0xb8;
	[tilespmem:$0x12B10] =	vst v63  }
0x47: {  	_ =	swait.ge [sflag:s17], $0x3200  }
0x48: {  	[sflag:s17] =	ssyncset.done $0x0  }
0x49: {  	s31 =	sadd.s32 $0xC8, s21;
	[sflag:s17] =	ssyncadd.s32 $0xFFFFCE00  }
0x4a: {  	[spmem:s2] =	stream.indirect.scatter.add.f32 [tilespmem:s14], [sflag:$0x4], $0x40, s31, s16, $0xb8;
	[tilespmem:$0x12B10] =	vst v63  }
0x4b: {  	_ =	swait.ge [sflag:s18], $0x3200  }
0x4c: {  	[sflag:s18] =	ssyncset.done $0x0  }
0x4d: {  	[sflag:s18] =	ssyncadd.s32 $0xFFFFCE00  }
0x4e: {  	_ =	swait.ge [sflag:s19], $0x3200  }
0x4f: {  	s20 =	sadd.s32 $0x1, s20;
	[sflag:s19] =	ssyncset.done $0x0  }
0x50: {  	p0 =	sne.s32 s20, s7;
	[sflag:s19] =	ssyncadd.s32 $0xFFFFCE00  }
.Ltmp1:
0x51: {  	[bflag:$0x0] =	sbarrier.arrive $0xFFFF;
	(pc) =	sbr.rel @p0 .LBB2_1-.Ltmp1, $4  }
0x52: {  	[hbm:s8], [sflag:s5] =	dma.local [spmem:s11], $0x1400  }
0x53: {  	_ =	swait.ge [sflag:s12], $0x1400  }
0x54: {  	[sflag:s12] =	ssyncset.done $0x0  }
0x55: {  	[sflag:s12] =	ssyncadd.s32 $0xFFFFEC00  }
0x56: {  	_ =	sfence.sel $0x180000  }
0x57: {  	[bflag:$0x0] =	sbarrier.arrive $0xFFFF  }
0x58: {  	p0 =	sne.s32 s1, $0x0;
	_ =	strace $0x9000004A  }
0x59: {  	s0 =	sadd.s32 @!p0 $0x100000, s0;
	[bflag:$0x2] =	sbarrier.arrive $0xFFFF  }
0x5a: {  	[sflag:s0] =	ssyncadd.tile.s32 @!p0 $0x1;
	_ =	shalt  }
.Lfunc_end2:
_tile_overlayer_lowered:
.L_overlay_start_2:
0x5b: {  	(tag) =	ssettag $0x2  }
0x5c: {  	s0 =	rddreg [dreg:$0x0];
	s2 =	stileid.u32  }
0x5d: {  	s1 =	rddreg [dreg:$0x1];
	p0 =	sne.s32 s2, $0x0  }
0x5e: {  	s3 =	rddreg [dreg:$0x2];
	[bflag:$0x3] =	sbarrier.arrive $0xFFFF;
	s2 =	simm.s32 @!p0 $0x1C05  }
0x5f: {  	[timem:s3], [sflag:s2] =	dma.local @!p0 [hbm:s0], s1  }
0x60: {  	s0 =	simm.s32 @!p0 $0x5  }
0x61: {  	_ =	swait.ge @!p0 [sflag:s0], s1  }
0x62: {  	s1 =	ssub.s32 @!p0 $0x0, s1;
	[sflag:s0] =	ssyncset.done @!p0 $0x0  }
0x63: {  	[sflag:s0] =	ssyncadd.s32 @!p0 s1  }
0x64: {  	[bflag:$0x3] =	sbarrier.arrive $0xFFFF  }
0x65: {  	_ =	shalt  }

// kernel: kernel.22.cloned.1.call-start
scs
__scs_entry_jumppad:
0x0: {  	(pc) =	sbr.rel $0x88, $3  }
0x1: {  	(tag) =	ssettag $0x0;
	lr =	simm.s32 $0x1  }
0x2: {  	[smem:$0x3F76] =	sst lr;
	_ =	strace $0xD0000000  }
0x3: {  	_ = 	snop  }
0x4: {  	_ = 	snop  }
0x5: {  	_ = 	snop  }
0x6: {  	_ = 	snop  }
0x7: {  	_ = 	snop  }
__scs_overlays_trampoline_lowered:
0x8: {  	[smem:$0x3F85] =	sst s0  }
0x9: {  	[smem:$0x3F86] =	sst s1  }
0xa: {  	[smem:$0x3F87] =	sst s2  }
0xb: {  	[smem:$0x3F88] =	sst s3  }
0xc: {  	[smem:$0x3F89] =	sst s4  }
0xd: {  	[smem:$0x3F8A] =	sst s5  }
0xe: {  	[smem:$0x3F8B] =	sst s6  }
0xf: {  	[smem:$0x3F8C] =	sst s7  }
0x10: {  	[smem:$0x3F8D] =	sst s8  }
0x11: {  	[smem:$0x3F8E] =	sst s9;
	s0 =	simm.s32 @!p0 $0x0  }
0x12: {  	s1 =	sld [smem:$0x3F74];
	s0 =	simm.s32 @p0 $0x1  }
0x13: {  	[smem:$0x3F8F] =	sst s0;
	s0 =	simm.s32 @!p1 $0x0  }
0x14: {  	s2 =	sld [smem:$0x3F73];
	s0 =	simm.s32 @p1 $0x1  }
0x15: {  	[smem:$0x3F90] =	sst s0;
	s0 =	simm.s32 @!p2 $0x0  }
0x16: {  	s3 =	sld [smem:$0x3FDB];
	s0 =	simm.s32 @p2 $0x1  }
0x17: {  	s4 =	simm.s32 $0x1BF5;
	[smem:$0x3F92] =	sst s0  }
0x18: {  	s0 =	sld [smem:$0x3F75];
	_ =	swait.ge [sflag:s4], $0x0  }
0x19: {  	s7 =	sld [smem:$0x3F76]  }
0x1a: {  	s8 =	sadd.s32 $0xFFFFE003, lr  }
0x1b: {  	s9 =	sadd.s32 $0xFFFFFEF7, lr;
	s5 =	simm.s32 $0xFFFFFFFF;
	p2 =	slt.u32 s8, $0xFFFFF086  }
0x1c: {  	p1 =	slt.u32 s9, $0xF7A;
	s5 =	simm.s32 @!p2 $0x0  }
0x1d: {  	s5 =	simm.s32 @p1 $0x1;
	p0 =	seq.s32 s7, s2  }
0x1e: {  	s7 =	smul.u32 @!p0 $0xF7A, s2;
	p2 =	seq.s32 @!p0 s5, $0x0  }
0x1f: {  	s9 =	smul.u32 $0xF7A, s1;
	s8 =	simm.s32 @!p0 $0x1BF5;
	p2 =	por !p2, p0  }
0x20: {  	[sflag:s8] =	ssyncset.s32 @!p0 $0xFFFFF086;
	s6 =	sadd.s32 @!p0 s3, s7;
	s7 =	simm.s32 @!p0 $0x108  }
0x21: {  	s3 =	sadd.s32 s3, s9;
	s6 =	sadd.s32 @!p0 $0x88, s6;
	s7 =	simm.s32 @p2 $0x1082  }
0x22: {  	[simem:s7], [sflag:s8] =	dma.local @!p0 [hbm:s6], $0xF7A  }
0x23: {  	s9 =	sor.u32 $0xD0000000, s2;
	s6 =	simm.s32 $0x108;
	_ =	swait.ge @!p0 [sflag:s8], $0x0  }
0x24: {  	s3 =	sadd.s32 $0x88, s3;
	s6 =	simm.s32 @!p1 $0x1082;
	[sflag:s4] =	ssyncset.s32 $0xFFFFF086  }
0x25: {  	[simem:s6], [sflag:s4] =	dma.local [hbm:s3], $0xF7A  }
0x26: {  	[smem:$0x3F76] =	sst s1;
	(tag) =	ssettag s2;
	_ =	strace s9  }
0x27: {  	s1 =	sld [smem:$0x3F86]  }
0x28: {  	s2 =	sld [smem:$0x3F87]  }
0x29: {  	s4 =	sld [smem:$0x3F89]  }
0x2a: {  	p0 =	seq.s32 s5, $0x0;
	s5 =	sld [smem:$0x3F8A]  }
0x2b: {  	s6 =	sld [smem:$0x3F8B]  }
0x2c: {  	s7 =	sld [smem:$0x3F8C]  }
0x2d: {  	s3 =	simm.s32 $0x108;
	s8 =	sld [smem:$0x3F8D]  }
0x2e: {  	s3 =	simm.s32 @!p0 $0x1082;
	s9 =	sld [smem:$0x3F8E]  }
0x2f: {  	lr =	sadd.s32 s0, s3;
	s0 =	sld [smem:$0x3F85]  }
0x30: {  	s3 =	sld [smem:$0x3F88]  }
0x31: {  	[smem:$0x3F91] =	sst s10  }
0x32: {  	s10 =	sld [smem:$0x3F8F];
	_ =	sdelay $0x3  }
0x33: {  	p0 =	seq.s32 s10, $0x1;
	s10 =	sld [smem:$0x3F91];
	_ =	sdelay $0x3  }
0x34: {  	[smem:$0x3F91] =	sst s10  }
0x35: {  	s10 =	sld [smem:$0x3F90];
	_ =	sdelay $0x3  }
0x36: {  	p1 =	seq.s32 s10, $0x1;
	s10 =	sld [smem:$0x3F91];
	_ =	sdelay $0x3  }
0x37: {  	[smem:$0x3F91] =	sst s10  }
0x38: {  	s10 =	sld [smem:$0x3F92]  }
0x39: {  	_ = 	snop;
	(pc) =	sbr.ind lr, $3  }
0x3a: {  	_ = 	snop  }
0x3b: {  	_ = 	snop  }
0x3c: {  	p2 =	seq.s32 s10, $0x1;
	s10 =	sld [smem:$0x3F91]  }
0x3d: {  	_ =	shalt  }
0x3e: {  	_ =	shalt  }
0x3f: {  	_ =	shalt  }
0x40: {  	_ =	shalt  }
0x41: {  	_ =	shalt  }
0x42: {  	_ =	shalt  }
0x43: {  	_ =	shalt  }
0x44: {  	_ =	shalt  }
0x45: {  	_ =	shalt  }
0x46: {  	_ =	shalt  }
0x47: {  	_ =	shalt  }
0x48: {  	_ =	shalt  }
0x49: {  	_ =	shalt  }
0x4a: {  	_ =	shalt  }
0x4b: {  	_ =	shalt  }
0x4c: {  	_ =	shalt  }
0x4d: {  	_ =	shalt  }
0x4e: {  	_ =	shalt  }
0x4f: {  	_ =	shalt  }
0x50: {  	_ =	shalt  }
0x51: {  	_ =	shalt  }
0x52: {  	_ =	shalt  }
0x53: {  	_ =	shalt  }
0x54: {  	_ =	shalt  }
0x55: {  	_ =	shalt  }
0x56: {  	_ =	shalt  }
0x57: {  	_ =	shalt  }
0x58: {  	_ =	shalt  }
0x59: {  	_ =	shalt  }
0x5a: {  	_ =	shalt  }
0x5b: {  	_ =	shalt  }
0x5c: {  	_ =	shalt  }
0x5d: {  	_ =	shalt  }
0x5e: {  	_ =	shalt  }
0x5f: {  	_ =	shalt  }
0x60: {  	_ =	shalt  }
0x61: {  	_ =	shalt  }
0x62: {  	_ =	shalt  }
0x63: {  	_ =	shalt  }
0x64: {  	_ =	shalt  }
0x65: {  	_ =	shalt  }
0x66: {  	_ =	shalt  }
0x67: {  	_ =	shalt  }
0x68: {  	_ =	shalt  }
0x69: {  	_ =	shalt  }
0x6a: {  	_ =	shalt  }
0x6b: {  	_ =	shalt  }
0x6c: {  	_ =	shalt  }
0x6d: {  	_ =	shalt  }
0x6e: {  	_ =	shalt  }
0x6f: {  	_ =	shalt  }
0x70: {  	_ =	shalt  }
0x71: {  	_ =	shalt  }
0x72: {  	_ =	shalt  }
0x73: {  	_ =	shalt  }
0x74: {  	_ =	shalt  }
0x75: {  	_ =	shalt  }
0x76: {  	_ =	shalt  }
0x77: {  	_ =	shalt  }
0x78: {  	_ =	shalt  }
0x79: {  	_ =	shalt  }
0x7a: {  	_ =	shalt  }
0x7b: {  	_ =	shalt  }
0x7c: {  	_ =	shalt  }
0x7d: {  	_ =	shalt  }
0x7e: {  	_ =	shalt  }
0x7f: {  	_ =	shalt  }
0x80: {  	_ =	shalt  }
0x81: {  	_ =	shalt  }
0x82: {  	_ =	shalt  }
0x83: {  	_ =	shalt  }
0x84: {  	_ =	shalt  }
0x85: {  	_ =	shalt  }
0x86: {  	_ =	shalt  }
0x87: {  	_ =	shalt  }
.Lfunc_end0:
.L_simem_size_0:
called_computation.2_lowered:
.L_overlay_start_0:
0x88: {  	s2 =	sld [smem:$0x3FD9]  }
0x89: {  	s3 =	sld [smem:$0x3FFE];
	_ =	sdelay $0x1  }
0x8a: {  	s1 =	srdreg.scid  }
0x8b: {  	s0 =	sand.u32 $0x1, s1  }
0x8c: {  	s16 =	sshll.u32 s0, $0xA;
	s2 =	sadd.s32 s3, s2  }
0x8d: {  	s2 =	sadd.s32 s2, s16  }
0x8e: {  	[smem:$0x3F9D] =	sst s2  }
0x8f: {  	_ = 	snop  }
0x90: {  	(tm) =	ssettm $0x1  }
0x91: {  	s17 =	sld [smem:$0x3FFB];
	_ =	sdelay $0x3  }
0x92: {  	_ =	strace s17  }
0x93: {  	s2 =	sld [smem:$0x3FFC];
	_ =	sdelay $0x3  }
0x94: {  	_ =	strace s2  }
0x95: {  	s2 =	sld [smem:$0x3FFD];
	_ =	sdelay $0x3  }
0x96: {  	_ =	strace s2  }
0x97: {  	_ =	strace $0x8FFFFFFF  }
0x98: {  	s18 =	sld [smem:$0x3FDB];
	_ =	sdelay $0x1  }
0x99: {  	s19 =	simm.s32 $_scs_section_size  }
0x9a: {  	s4 =	simm.s32 $_size__tile_overlayer_lowered;
	s5 =	simm.s32 $_tile_overlayer_lowered  }
0x9b: {  	s22 =	simm.s32 $0x1BFF;
	s21 =	sshll.u32 s5, $0x1;
	s2 =	sadd.s32 s19, s18  }
0x9c: {  	s6 =	simm.s32 $0x0;
	s20 =	sshll.u32 s4, $0x1;
	s4 =	sadd.s32 s21, s2  }
0x9d: {  	[timem:s6], [sflag:s22] =	dma.local [hbm:s4], s20  }
0x9e: {  	_ =	swait.ge [sflag:s22], s20  }
0x9f: {  	s3 =	ssub.s32 $0x0, s20;
	[sflag:s22] =	ssyncset.done $0x0  }
0xa0: {  	[sflag:s22] =	ssyncadd.s32 s3;
	_ =	sdelay $0x1  }
0xa1: {  	s23 =	simm.s32 $0x1B8B  }
0xa2: {  	_ =	swait.ge [sflag:s23], $0x1  }
0xa3: {  	[sflag:s23] =	ssyncset.done $0x0  }
0xa4: {  	s25 =	simm.s32 $0x1B8E;
	s24 =	sld [smem:$0x3FFE];
	[sflag:s23] =	ssyncadd.s32 $0xFFFFFFFF  }
0xa5: {  	s26 =	simm.s32 $execute0_lowered;
	[smem:$0x3FD2] =	sst s25  }
0xa6: {  	s4 =	sshll.u32 s26, $0x1;
	_ =	strace $0x8000004C;
	[dreg:$0x1] =	wrdreg $0xFFFFFFFF  }
0xa7: {  	s28 =	simm.s32 $_size_execute0_lowered;
	s2 =	sadd.s32 s2, s4;
	[dreg:$0x0] =	wrdreg $0x0  }
0xa8: {  	s4 =	sshll.u32 s28, $0x1;
	[dreg:$0x2] =	wrdreg s2  }
0xa9: {  	[dreg:$0x3] =	wrdreg s4  }
0xaa: {  	[dreg:$0x4] =	wrdreg $0xC0  }
0xab: {  	_ =	task [dreg:s6], $0x5FFFF  }
0xac: {  	[dreg:$0x1] =	wrdreg $0xFFFFFFFF  }
0xad: {  	[dreg:$0x0] =	wrdreg $0x60  }
0xae: {  	[dreg:$0x2] =	wrdreg s24  }
0xaf: {  	[dreg:$0x3] =	wrdreg $0x9  }
0xb0: {  	_ =	task.clear_ibuf [dreg:s6], $0x4FFFF;
	_ =	strace $0x9000004C  }
0xb1: {  	s29 =	simm.s32 $0x9;
	_ =	strace $0x8000004E  }
0xb2: {  	_ =	swait.ge [sflag:s29], $0x1  }
0xb3: {  	[sflag:s29] =	ssyncadd.s32 $0xFFFFFFFF  }
0xb4: {  	_ =	strace $0x9000004E  }
0xb5: {  	_ =	sfence  }
0xb6: {  	s30 =	sld [smem:$0x0];
	_ =	sdelay $0x2  }
0xb7: {  	s31 =	sshll.u32 s1, $0xD;
	s1 =	sshrl.u32 s1, $0x2  }
0xb8: {  	s3 =	sand.u32 $0x4000, s31;
	s1 =	sadd.s32 s1, s30  }
0xb9: {  	s0 =	sor.u32 s3, s0;
	s1 =	sshll.u32 s1, $0x11  }
0xba: {  	s0 =	sor.u32 s1, s0  }
0xbb: {  	s0 =	sadd.s32 $0x8F2B, s0  }
0xbc: {  	[sflag:s0] =	ssyncadd.remote.s32 $0x1  }
0xbd: {  	_ =	sfence.sel $0xFFFF  }
0xbe: {  	[dreg:$0x0] =	wrdreg $0xFFFFFFFF;
	(pc) =	sbr.abs _section_cstart, $3  }
0xbf: {  	[dreg:$0x1] =	wrdreg $0xFFFFFFFF  }
0xc0: {  	_ =	task.clear_ibuf [dreg:s6], $0x2FFFF;
	_ =	strace $0x9FFFFFFF  }
0xc1: {  	(tm) =	ssettm $0x7FFFFFFF  }
tec
execute0_lowered:
.L_overlay_start_1:
0x0: {  	(tag) =	ssettag $0x1  }
0x1: {  	s1 =	srdreg.scid;
	s0 =	stileid.u32  }
0x2: {  	s5 =	rddreg [dreg:$0x0];
	s2 =	simm.s32 $0x0;
	s9 =	simm.s32 $0x7  }
0x3: {  	s10 =	simm.s32 $0x2710;
	s11 =	simm.s32 $0xC8;
	s12 =	simm.s32 $0x4E20  }
0x4: {  	s13 =	simm.s32 $0x8020;
	s14 =	simm.s32 $0xB220;
	s15 =	simm.s32 $0xE420  }
0x5: {  	s16 =	simm.s32 $0x1;
	s17 =	simm.s32 $0x2;
	s18 =	simm.s32 $0x3  }
0x6: {  	s19 =	simm.s32 $0x4;
	s6 =	sand.u32 $0x1, s1;
	s3 =	sshll.u32 s0, $0x1  }
0x7: {  	s20 =	simm.s32 $0x5;
	s21 =	simm.s32 $0x6;
	s3 =	sor.u32 s6, s3  }
0x8: {  	s1 =	rddreg [dreg:$0x1];
	s6 =	ssub.s32 $0x2, s6;
	s3 =	smul.u32 $0x2710, s3  }
0x9: {  	s22 =	simm.s32 $0x0;
	[smem:$0x7FF] =	sst s2;
	s8 =	sshrl.u32 s6, $0x1  }
0xa: {  	s4 =	sadd.s32 $0x34A00, s5;
	s8 =	ssub.s32 s6, s8;
	s7 =	sshrl.u32 s3, $0x3  }
0xb: {  	_ =	strace $0x8000004D;
	s8 =	smax.u32 s8, $0x1;
	s7 =	sadd.s32 s7, s5  }
0xc: {  	s5 =	sadd.s32 $0x82E00, s5;
	s6 =	sadd.s32 $0xCE00, s7;
	s7 =	sadd.s32 $0x16C00, s7  }
.LBB2_1:
0xd: {  	[tilespmem:s2], [sflag:$0x7] =	stream.linear.gather [hbm4b:s6+s2], $0x2710, $0x38;
	[tilespmem:$0x11620] =	vst v63  }
0xe: {  	_ =	swait.ge [sflag:s9], $0x2710  }
0xf: {  	[sflag:s9] =	ssyncset.done $0x0  }
0x10: {  	[sflag:s9] =	ssyncadd.s32 $0xFFFFD8F0  }
0x11: {  	[tilespmem:s10], [sflag:$0x7] =	stream.linear.gather [hbm4b:s7+s2], $0x2710, $0x38;
	[tilespmem:$0x11620] =	vst v63  }
0x12: {  	_ =	swait.ge [sflag:s9], $0x2710  }
0x13: {  	[sflag:s9] =	ssyncset.done $0x0  }
0x14: {  	s23 =	simm.s32 $0x0;
	[sflag:s9] =	ssyncadd.s32 $0xFFFFD8F0  }
.LBB2_2:
0x15: {  	s25 =	smul.u32 $0x190, s23;
	_ =	sdelay $0x1  }
0x16: {  	[tilespmem:s12], [sflag:$0x1] =	stream.indirect.gather [hbm4b:s4+s11], $0x40, s25, s11, $0xb8;
	[tilespmem:$0x11620] =	vst v63  }
0x17: {  	s24 =	sadd.s32 $0x2710, s25  }
0x18: {  	[tilespmem:s13], [sflag:$0x2] =	stream.indirect.gather [hbm4b:s4+s11], $0x40, s24, s11, $0xb8;
	[tilespmem:$0x11620] =	vst v63  }
0x19: {  	s24 =	sadd.s32 $0xC8, s25  }
0x1a: {  	[tilespmem:s14], [sflag:$0x3] =	stream.indirect.gather [hbm4b:s4+s11], $0x40, s24, s11, $0xb8;
	[tilespmem:$0x11620] =	vst v63  }
0x1b: {  	s26 =	sadd.s32 $0x27D8, s25  }
0x1c: {  	[tilespmem:s15], [sflag:$0x4] =	stream.indirect.gather [hbm4b:s4+s11], $0x40, s26, s11, $0xb8;
	[tilespmem:$0x11620] =	vst v63  }
0x1d: {  	_ =	swait.ge [sflag:s16], $0x3200  }
0x1e: {  	[sflag:s16] =	ssyncset.done $0x0  }
0x1f: {  	[sflag:s16] =	ssyncadd.s32 $0xFFFFCE00  }
0x20: {  	_ =	swait.ge [sflag:s17], $0x3200  }
0x21: {  	[sflag:s17] =	ssyncset.done $0x0  }
0x22: {  	s26 =	simm.s32 $0x0;
	[sflag:s17] =	ssyncadd.s32 $0xFFFFCE00  }
0x23: {  	v6 =	vld [tilespmem:s26+$0x8020]  }
0x24: {  	v7 =	vld [tilespmem:s26+$0x8030]  }
0x25: {  	v8 =	vld [tilespmem:s26+$0x8040]  }
0x26: {  	v9 =	vld [tilespmem:s26+$0x8050]  }
0x27: {  	v10 =	vld [tilespmem:s26+$0x8060]  }
0x28: {  	v11 =	vld [tilespmem:s26+$0x8070]  }
0x29: {  	v12 =	vld [tilespmem:s26+$0x8080]  }
0x2a: {  	v13 =	vld [tilespmem:s26+$0x8090]  }
0x2b: {  	v14 =	vld [tilespmem:s26+$0x80A0]  }
0x2c: {  	v15 =	vld [tilespmem:s26+$0x80B0]  }
0x2d: {  	v5 =	vld [tilespmem:s26+$0x80C0]  }
0x2e: {  	v4 =	vld [tilespmem:s26+$0x80D0]  }
0x2f: {  	v3 =	vld [tilespmem:s26+$0x80E0]  }
0x30: {  	v2 =	vld [tilespmem:s26+$0x80F0]  }
0x31: {  	v1 =	vld [tilespmem:s26+$0x8100]  }
0x32: {  	v0 =	vld [tilespmem:s26+$0x8110]  }
0x33: {  	v16 =	vld [tilespmem:s26+$0x4E20]  }
0x34: {  	v17 =	vld [tilespmem:s26+$0x4E30]  }
0x35: {  	v18 =	vld [tilespmem:s26+$0x4E40]  }
0x36: {  	v19 =	vld [tilespmem:s26+$0x4E50]  }
0x37: {  	v20 =	vld [tilespmem:s26+$0x4E60]  }
0x38: {  	v60 =	vld [tilespmem:s26+$0x4E70];
	v6 =	vadd.f32 v6, v16  }
0x39: {  	v21 =	vld [tilespmem:s26+$0x4E80];
	v7 =	vadd.f32 v7, v17  }
0x3a: {  	v61 =	vld [tilespmem:s26+$0x4E90];
	[tilespmem:s26+$0x4E20] =	vst v6;
	v6 =	vadd.f32 v8, v18  }
0x3b: {  	v62 =	vld [tilespmem:s26+$0x4EA0];
	[tilespmem:s26+$0x4E30] =	vst v7;
	v7 =	vadd.f32 v9, v19  }
0x3c: {  	v63 =	vld [tilespmem:s26+$0x4EB0];
	[tilespmem:s26+$0x4E40] =	vst v6;
	v6 =	vadd.f32 v10, v20  }
0x3d: {  	v8 =	vadd.f32 v11, v60;
	[tilespmem:s26+$0x4E50] =	vst v7;
	v7 =	vld [tilespmem:s26+$0x4EC0]  }
0x3e: {  	v9 =	vadd.f32 v12, v21;
	[tilespmem:s26+$0x4E60] =	vst v6;
	v6 =	vld [tilespmem:s26+$0x4ED0]  }
0x3f: {  	[tilespmem:s26+$0x4E70] =	vst v8;
	v8 =	vld [tilespmem:s26+$0x4EE0];
	v10 =	vadd.f32 v13, v61  }
0x40: {  	v12 =	vadd.f32 v14, v62;
	[tilespmem:s26+$0x4E80] =	vst v9;
	v9 =	vld [tilespmem:s26+$0x4EF0]  }
0x41: {  	s28 =	simm.s32 $0x400;
	v11 =	vadd.f32 v15, v63;
	[tilespmem:s26+$0x4E90] =	vst v10;
	v10 =	vld [tilespmem:s26+$0x4F00]  }
.LBB2_3:
0x42: {  	s29 =	sshra.s32 s28, $0x2;
	p0 =	sne.s32 s28, $0xC400;
	[tilespmem:s26+$0x4EA0] =	vst v12;
	v5 =	vadd.f32 v5, v7;
	v7 =	vld [tilespmem:s26+$0x4F10]  }
0x43: {  	v12 =	vld [tilespmem:s29+$0x8020];
	[tilespmem:s26+$0x4EB0] =	vst v11;
	v4 =	vadd.f32 v4, v6  }
0x44: {  	v6 =	vld [tilespmem:s29+$0x8030];
	[tilespmem:s26+$0x4EC0] =	vst v5;
	v3 =	vadd.f32 v3, v8  }
0x45: {  	v8 =	vld [tilespmem:s29+$0x8040];
	[tilespmem:s26+$0x4ED0] =	vst v4;
	v2 =	vadd.f32 v2, v9  }
0x46: {  	v9 =	vld [tilespmem:s29+$0x8050];
	[tilespmem:s26+$0x4EE0] =	vst v3;
	v1 =	vadd.f32 v1, v10  }
0x47: {  	v10 =	vld [tilespmem:s29+$0x8060];
	[tilespmem:s26+$0x4EF0] =	vst v2;
	v0 =	vadd.f32 v0, v7  }
0x48: {  	v7 =	vld [tilespmem:s29+$0x8070];
	[tilespmem:s26+$0x4F00] =	vst v1  }
0x49: {  	v11 =	vld [tilespmem:s29+$0x8080];
	[tilespmem:s26+$0x4F10] =	vst v0;
	s26 =	smov.u32 s29  }
0x4a: {  	v13 =	vld [tilespmem:s26+$0x8090]  }
0x4b: {  	v14 =	vld [tilespmem:s26+$0x80A0]  }
0x4c: {  	v15 =	vld [tilespmem:s26+$0x80B0]  }
0x4d: {  	v5 =	vld [tilespmem:s26+$0x80C0]  }
0x4e: {  	v4 =	vld [tilespmem:s26+$0x80D0]  }
0x4f: {  	v3 =	vld [tilespmem:s26+$0x80E0]  }
0x50: {  	v2 =	vld [tilespmem:s26+$0x80F0]  }
0x51: {  	v1 =	vld [tilespmem:s26+$0x8100]  }
0x52: {  	v0 =	vld [tilespmem:s26+$0x8110]  }
0x53: {  	v16 =	vld [tilespmem:s26+$0x4E20]  }
0x54: {  	v17 =	vld [tilespmem:s26+$0x4E30]  }
0x55: {  	v18 =	vld [tilespmem:s26+$0x4E40]  }
0x56: {  	v19 =	vld [tilespmem:s26+$0x4E50]  }
0x57: {  	v20 =	vld [tilespmem:s26+$0x4E60]  }
0x58: {  	v12 =	vadd.f32 v12, v16;
	v16 =	vld [tilespmem:s26+$0x4E70]  }
0x59: {  	v6 =	vadd.f32 v6, v17;
	v17 =	vld [tilespmem:s26+$0x4E80]  }
0x5a: {  	[tilespmem:s26+$0x4E20] =	vst v12;
	v8 =	vadd.f32 v8, v18;
	v12 =	vld [tilespmem:s26+$0x4E90]  }
0x5b: {  	[tilespmem:s26+$0x4E30] =	vst v6;
	v6 =	vadd.f32 v9, v19;
	v9 =	vld [tilespmem:s26+$0x4EA0]  }
0x5c: {  	[tilespmem:s26+$0x4E40] =	vst v8;
	v8 =	vadd.f32 v10, v20;
	v10 =	vld [tilespmem:s26+$0x4EB0]  }
.Ltmp0:
0x5d: {  	[tilespmem:s26+$0x4E50] =	vst v6;
	v16 =	vadd.f32 v7, v16;
	v7 =	vld [tilespmem:s26+$0x4EC0];
	(pc) =	sbr.rel @p0 .LBB2_3-.Ltmp0, $4  }
0x5e: {  	[tilespmem:s26+$0x4E60] =	vst v8;
	v11 =	vadd.f32 v11, v17;
	v6 =	vld [tilespmem:s26+$0x4ED0]  }
0x5f: {  	[tilespmem:s26+$0x4E70] =	vst v16;
	v13 =	vadd.f32 v13, v12;
	v8 =	vld [tilespmem:s26+$0x4EE0]  }
0x60: {  	[tilespmem:s26+$0x4E80] =	vst v11;
	v12 =	vadd.f32 v14, v9;
	v9 =	vld [tilespmem:s26+$0x4EF0]  }
0x61: {  	s28 =	sadd.s32 $0x400, s28;
	[tilespmem:s26+$0x4E90] =	vst v13;
	v11 =	vadd.f32 v15, v10;
	v10 =	vld [tilespmem:s26+$0x4F00]  }
0x62: {  	[tilespmem:s26+$0x4EA0] =	vst v12;
	v5 =	vadd.f32 v5, v7;
	v7 =	vld [tilespmem:s26+$0x4F10]  }
0x63: {  	[tilespmem:s26+$0x4EB0] =	vst v11;
	v4 =	vadd.f32 v4, v6  }
0x64: {  	[tilespmem:s26+$0x4EC0] =	vst v5;
	v3 =	vadd.f32 v3, v8  }
0x65: {  	[tilespmem:s26+$0x4ED0] =	vst v4;
	v2 =	vadd.f32 v2, v9  }
0x66: {  	[tilespmem:s26+$0x4EE0] =	vst v3;
	v1 =	vadd.f32 v1, v10  }
0x67: {  	s25 =	sadd.s32 s3, s25;
	[tilespmem:s26+$0x4EF0] =	vst v2;
	v0 =	vadd.f32 v0, v7  }
0x68: {  	s25 =	sshll.u32 s25, $0x3;
	[tilespmem:s26+$0x4F00] =	vst v1  }
0x69: {  	s31 =	simm.s32 $0x0;
	s25 =	sadd.s32 s5, s25;
	[tilespmem:s26+$0x4F10] =	vst v0  }
0x6a: {  	[hbm4b:s25+s31] =	stream.linear.scatter [tilespmem:s12], [sflag:$0x5], $0x3200, $0x38;
	[tilespmem:$0x11620] =	vst v63  }
0x6b: {  	_ =	swait.ge [sflag:s18], $0x3200  }
0x6c: {  	[sflag:s18] =	ssyncset.done $0x0  }
0x6d: {  	[sflag:s18] =	ssyncadd.s32 $0xFFFFCE00  }
0x6e: {  	_ =	swait.ge [sflag:s19], $0x3200  }
0x6f: {  	[sflag:s19] =	ssyncset.done $0x0  }
0x70: {  	s25 =	simm.s32 $0x0;
	[sflag:s19] =	ssyncadd.s32 $0xFFFFCE00  }
0x71: {  	v6 =	vld [tilespmem:s25+$0xE420]  }
0x72: {  	v7 =	vld [tilespmem:s25+$0xE430]  }
0x73: {  	v8 =	vld [tilespmem:s25+$0xE440]  }
0x74: {  	v9 =	vld [tilespmem:s25+$0xE450]  }
0x75: {  	v10 =	vld [tilespmem:s25+$0xE460]  }
0x76: {  	v11 =	vld [tilespmem:s25+$0xE470]  }
0x77: {  	v12 =	vld [tilespmem:s25+$0xE480]  }
0x78: {  	v13 =	vld [tilespmem:s25+$0xE490]  }
0x79: {  	v14 =	vld [tilespmem:s25+$0xE4A0]  }
0x7a: {  	v15 =	vld [tilespmem:s25+$0xE4B0]  }
0x7b: {  	v5 =	vld [tilespmem:s25+$0xE4C0]  }
0x7c: {  	v4 =	vld [tilespmem:s25+$0xE4D0]  }
0x7d: {  	v3 =	vld [tilespmem:s25+$0xE4E0]  }
0x7e: {  	v2 =	vld [tilespmem:s25+$0xE4F0]  }
0x7f: {  	v1 =	vld [tilespmem:s25+$0xE500]  }
0x80: {  	v0 =	vld [tilespmem:s25+$0xE510]  }
0x81: {  	v16 =	vld [tilespmem:s25+$0xB220]  }
0x82: {  	v17 =	vld [tilespmem:s25+$0xB230]  }
0x83: {  	v18 =	vld [tilespmem:s25+$0xB240]  }
0x84: {  	v19 =	vld [tilespmem:s25+$0xB250]  }
0x85: {  	v20 =	vld [tilespmem:s25+$0xB260]  }
0x86: {  	v60 =	vld [tilespmem:s25+$0xB270];
	v6 =	vadd.f32 v6, v16  }
0x87: {  	v21 =	vld [tilespmem:s25+$0xB280];
	v7 =	vadd.f32 v7, v17  }
0x88: {  	v61 =	vld [tilespmem:s25+$0xB290];
	[tilespmem:s25+$0xB220] =	vst v6;
	v6 =	vadd.f32 v8, v18  }
0x89: {  	v62 =	vld [tilespmem:s25+$0xB2A0];
	[tilespmem:s25+$0xB230] =	vst v7;
	v7 =	vadd.f32 v9, v19  }
0x8a: {  	v63 =	vld [tilespmem:s25+$0xB2B0];
	[tilespmem:s25+$0xB240] =	vst v6;
	v6 =	vadd.f32 v10, v20  }
0x8b: {  	v8 =	vadd.f32 v11, v60;
	[tilespmem:s25+$0xB250] =	vst v7;
	v7 =	vld [tilespmem:s25+$0xB2C0]  }
0x8c: {  	v9 =	vadd.f32 v12, v21;
	[tilespmem:s25+$0xB260] =	vst v6;
	v6 =	vld [tilespmem:s25+$0xB2D0]  }
0x8d: {  	[tilespmem:s25+$0xB270] =	vst v8;
	v8 =	vld [tilespmem:s25+$0xB2E0];
	v10 =	vadd.f32 v13, v61  }
0x8e: {  	v12 =	vadd.f32 v14, v62;
	[tilespmem:s25+$0xB280] =	vst v9;
	v9 =	vld [tilespmem:s25+$0xB2F0]  }
0x8f: {  	s26 =	simm.s32 $0x400;
	v11 =	vadd.f32 v15, v63;
	[tilespmem:s25+$0xB290] =	vst v10;
	v10 =	vld [tilespmem:s25+$0xB300]  }
.LBB2_5:
0x90: {  	s28 =	sshra.s32 s26, $0x2;
	p0 =	sne.s32 s26, $0xC400;
	[tilespmem:s25+$0xB2A0] =	vst v12;
	v5 =	vadd.f32 v5, v7;
	v7 =	vld [tilespmem:s25+$0xB310]  }
0x91: {  	v12 =	vld [tilespmem:s28+$0xE420];
	[tilespmem:s25+$0xB2B0] =	vst v11;
	v4 =	vadd.f32 v4, v6  }
0x92: {  	v6 =	vld [tilespmem:s28+$0xE430];
	[tilespmem:s25+$0xB2C0] =	vst v5;
	v3 =	vadd.f32 v3, v8  }
0x93: {  	v8 =	vld [tilespmem:s28+$0xE440];
	[tilespmem:s25+$0xB2D0] =	vst v4;
	v2 =	vadd.f32 v2, v9  }
0x94: {  	v9 =	vld [tilespmem:s28+$0xE450];
	[tilespmem:s25+$0xB2E0] =	vst v3;
	v1 =	vadd.f32 v1, v10  }
0x95: {  	v10 =	vld [tilespmem:s28+$0xE460];
	[tilespmem:s25+$0xB2F0] =	vst v2;
	v0 =	vadd.f32 v0, v7  }
0x96: {  	v7 =	vld [tilespmem:s28+$0xE470];
	[tilespmem:s25+$0xB300] =	vst v1  }
0x97: {  	v11 =	vld [tilespmem:s28+$0xE480];
	[tilespmem:s25+$0xB310] =	vst v0;
	s25 =	smov.u32 s28  }
0x98: {  	v13 =	vld [tilespmem:s25+$0xE490]  }
0x99: {  	v14 =	vld [tilespmem:s25+$0xE4A0]  }
0x9a: {  	v15 =	vld [tilespmem:s25+$0xE4B0]  }
0x9b: {  	v5 =	vld [tilespmem:s25+$0xE4C0]  }
0x9c: {  	v4 =	vld [tilespmem:s25+$0xE4D0]  }
0x9d: {  	v3 =	vld [tilespmem:s25+$0xE4E0]  }
0x9e: {  	v2 =	vld [tilespmem:s25+$0xE4F0]  }
0x9f: {  	v1 =	vld [tilespmem:s25+$0xE500]  }
0xa0: {  	v0 =	vld [tilespmem:s25+$0xE510]  }
0xa1: {  	v16 =	vld [tilespmem:s25+$0xB220]  }
0xa2: {  	v17 =	vld [tilespmem:s25+$0xB230]  }
0xa3: {  	v18 =	vld [tilespmem:s25+$0xB240]  }
0xa4: {  	v19 =	vld [tilespmem:s25+$0xB250]  }
0xa5: {  	v20 =	vld [tilespmem:s25+$0xB260]  }
0xa6: {  	v12 =	vadd.f32 v12, v16;
	v16 =	vld [tilespmem:s25+$0xB270]  }
0xa7: {  	v6 =	vadd.f32 v6, v17;
	v17 =	vld [tilespmem:s25+$0xB280]  }
0xa8: {  	[tilespmem:s25+$0xB220] =	vst v12;
	v8 =	vadd.f32 v8, v18;
	v12 =	vld [tilespmem:s25+$0xB290]  }
0xa9: {  	[tilespmem:s25+$0xB230] =	vst v6;
	v6 =	vadd.f32 v9, v19;
	v9 =	vld [tilespmem:s25+$0xB2A0]  }
0xaa: {  	[tilespmem:s25+$0xB240] =	vst v8;
	v8 =	vadd.f32 v10, v20;
	v10 =	vld [tilespmem:s25+$0xB2B0]  }
.Ltmp1:
0xab: {  	[tilespmem:s25+$0xB250] =	vst v6;
	v16 =	vadd.f32 v7, v16;
	v7 =	vld [tilespmem:s25+$0xB2C0];
	(pc) =	sbr.rel @p0 .LBB2_5-.Ltmp1, $4  }
0xac: {  	[tilespmem:s25+$0xB260] =	vst v8;
	v11 =	vadd.f32 v11, v17;
	v6 =	vld [tilespmem:s25+$0xB2D0]  }
0xad: {  	[tilespmem:s25+$0xB270] =	vst v16;
	v13 =	vadd.f32 v13, v12;
	v8 =	vld [tilespmem:s25+$0xB2E0]  }
0xae: {  	[tilespmem:s25+$0xB280] =	vst v11;
	v12 =	vadd.f32 v14, v9;
	v9 =	vld [tilespmem:s25+$0xB2F0]  }
0xaf: {  	s26 =	sadd.s32 $0x400, s26;
	[tilespmem:s25+$0xB290] =	vst v13;
	v11 =	vadd.f32 v15, v10;
	v10 =	vld [tilespmem:s25+$0xB300]  }
0xb0: {  	[tilespmem:s25+$0xB2A0] =	vst v12;
	v5 =	vadd.f32 v5, v7;
	v63 =	vld [tilespmem:s25+$0xB310]  }
0xb1: {  	[tilespmem:s25+$0xB2B0] =	vst v11;
	v4 =	vadd.f32 v4, v6  }
0xb2: {  	[tilespmem:s25+$0xB2C0] =	vst v5;
	v3 =	vadd.f32 v3, v8  }
0xb3: {  	[tilespmem:s25+$0xB2D0] =	vst v4;
	v2 =	vadd.f32 v2, v9  }
0xb4: {  	s24 =	sadd.s32 s3, s24;
	[tilespmem:s25+$0xB2E0] =	vst v3;
	v1 =	vadd.f32 v1, v10  }
0xb5: {  	s24 =	sshll.u32 s24, $0x3;
	[tilespmem:s25+$0xB2F0] =	vst v2;
	v0 =	vadd.f32 v0, v63  }
0xb6: {  	s24 =	sand.u32 $0x1FFFFFC0, s24;
	[tilespmem:s25+$0xB300] =	vst v1  }
0xb7: {  	s23 =	sadd.s32 $0x1, s23;
	s24 =	sadd.s32 s5, s24;
	[tilespmem:s25+$0xB310] =	vst v0  }
0xb8: {  	[hbm4b:s24+s2] =	stream.linear.scatter [tilespmem:s14], [sflag:$0x6], $0x3200, $0x38;
	[tilespmem:$0x11620] =	vst v63  }
0xb9: {  	p0 =	sne.s32 s23, $0x19;
	_ =	swait.ge [sflag:s20], $0x3200  }
.Ltmp2:
0xba: {  	[sflag:s20] =	ssyncset.done $0x0;
	(pc) =	sbr.rel @p0 .LBB2_2-.Ltmp2, $4  }
0xbb: {  	[sflag:s20] =	ssyncadd.s32 $0xFFFFCE00  }
0xbc: {  	_ =	swait.ge [sflag:s21], $0x3200  }
0xbd: {  	[sflag:s21] =	ssyncset.done $0x0  }
0xbe: {  	[sflag:s21] =	ssyncadd.s32 $0xFFFFCE00  }
0xbf: {  	s22 =	sadd.s32 $0x1, s22  }
0xc0: {  	p0 =	sne.s32 s22, s8  }
.Ltmp3:
0xc1: {  	_ = 	snop;
	(pc) =	sbr.rel @p0 .LBB2_1-.Ltmp3, $1  }
0xc2: {  	_ =	sdelay $0x3  }
0xc3: {  	_ =	sfence.sel $0x180000  }
0xc4: {  	[bflag:$0x0] =	sbarrier.arrive $0xFFFF  }
0xc5: {  	p0 =	sne.s32 s0, $0x0;
	_ =	strace $0x9000004D  }
0xc6: {  	s0 =	sadd.s32 @!p0 $0x100000, s1;
	[bflag:$0x2] =	sbarrier.arrive $0xFFFF  }
0xc7: {  	[sflag:s0] =	ssyncadd.tile.s32 @!p0 $0x1;
	_ =	shalt  }
.Lfunc_end2:
_tile_overlayer_lowered:
.L_overlay_start_2:
0xc8: {  	(tag) =	ssettag $0x2  }
0xc9: {  	s0 =	rddreg [dreg:$0x0];
	s2 =	stileid.u32  }
0xca: {  	s1 =	rddreg [dreg:$0x1];
	p0 =	sne.s32 s2, $0x0  }
0xcb: {  	s3 =	rddreg [dreg:$0x2];
	[bflag:$0x3] =	sbarrier.arrive $0xFFFF;
	s2 =	simm.s32 @!p0 $0x1C07  }
0xcc: {  	[timem:s3], [sflag:s2] =	dma.local @!p0 [hbm:s0], s1  }
0xcd: {  	s0 =	simm.s32 @!p0 $0x7  }
0xce: {  	_ =	swait.ge @!p0 [sflag:s0], s1  }
0xcf: {  	s1 =	ssub.s32 @!p0 $0x0, s1;
	[sflag:s0] =	ssyncset.done @!p0 $0x0  }
0xd0: {  	[sflag:s0] =	ssyncadd.s32 @!p0 s1  }
0xd1: {  	[bflag:$0x3] =	sbarrier.arrive $0xFFFF  }
0xd2: {  	_ =	shalt  }

// kernel: kernel.25.cloned.1.call-start
scs
__scs_entry_jumppad:
0x0: {  	(pc) =	sbr.rel $0x88, $3  }
0x1: {  	(tag) =	ssettag $0x0;
	lr =	simm.s32 $0x1  }
0x2: {  	[smem:$0x3F76] =	sst lr;
	_ =	strace $0xD0000000  }
0x3: {  	_ = 	snop  }
0x4: {  	_ = 	snop  }
0x5: {  	_ = 	snop  }
0x6: {  	_ = 	snop  }
0x7: {  	_ = 	snop  }
__scs_overlays_trampoline_lowered:
0x8: {  	[smem:$0x3F85] =	sst s0  }
0x9: {  	[smem:$0x3F86] =	sst s1  }
0xa: {  	[smem:$0x3F87] =	sst s2  }
0xb: {  	[smem:$0x3F88] =	sst s3  }
0xc: {  	[smem:$0x3F89] =	sst s4  }
0xd: {  	[smem:$0x3F8A] =	sst s5  }
0xe: {  	[smem:$0x3F8B] =	sst s6  }
0xf: {  	[smem:$0x3F8C] =	sst s7  }
0x10: {  	[smem:$0x3F8D] =	sst s8  }
0x11: {  	[smem:$0x3F8E] =	sst s9;
	s0 =	simm.s32 @!p0 $0x0  }
0x12: {  	s1 =	sld [smem:$0x3F74];
	s0 =	simm.s32 @p0 $0x1  }
0x13: {  	[smem:$0x3F8F] =	sst s0;
	s0 =	simm.s32 @!p1 $0x0  }
0x14: {  	s2 =	sld [smem:$0x3F73];
	s0 =	simm.s32 @p1 $0x1  }
0x15: {  	[smem:$0x3F90] =	sst s0;
	s0 =	simm.s32 @!p2 $0x0  }
0x16: {  	s3 =	sld [smem:$0x3FDB];
	s0 =	simm.s32 @p2 $0x1  }
0x17: {  	s4 =	simm.s32 $0x1BF5;
	[smem:$0x3F92] =	sst s0  }
0x18: {  	s0 =	sld [smem:$0x3F75];
	_ =	swait.ge [sflag:s4], $0x0  }
0x19: {  	s7 =	sld [smem:$0x3F76]  }
0x1a: {  	s8 =	sadd.s32 $0xFFFFE003, lr  }
0x1b: {  	s9 =	sadd.s32 $0xFFFFFEF7, lr;
	s5 =	simm.s32 $0xFFFFFFFF;
	p2 =	slt.u32 s8, $0xFFFFF086  }
0x1c: {  	p1 =	slt.u32 s9, $0xF7A;
	s5 =	simm.s32 @!p2 $0x0  }
0x1d: {  	s5 =	simm.s32 @p1 $0x1;
	p0 =	seq.s32 s7, s2  }
0x1e: {  	s7 =	smul.u32 @!p0 $0xF7A, s2;
	p2 =	seq.s32 @!p0 s5, $0x0  }
0x1f: {  	s9 =	smul.u32 $0xF7A, s1;
	s8 =	simm.s32 @!p0 $0x1BF5;
	p2 =	por !p2, p0  }
0x20: {  	[sflag:s8] =	ssyncset.s32 @!p0 $0xFFFFF086;
	s6 =	sadd.s32 @!p0 s3, s7;
	s7 =	simm.s32 @!p0 $0x108  }
0x21: {  	s3 =	sadd.s32 s3, s9;
	s6 =	sadd.s32 @!p0 $0x88, s6;
	s7 =	simm.s32 @p2 $0x1082  }
0x22: {  	[simem:s7], [sflag:s8] =	dma.local @!p0 [hbm:s6], $0xF7A  }
0x23: {  	s9 =	sor.u32 $0xD0000000, s2;
	s6 =	simm.s32 $0x108;
	_ =	swait.ge @!p0 [sflag:s8], $0x0  }
0x24: {  	s3 =	sadd.s32 $0x88, s3;
	s6 =	simm.s32 @!p1 $0x1082;
	[sflag:s4] =	ssyncset.s32 $0xFFFFF086  }
0x25: {  	[simem:s6], [sflag:s4] =	dma.local [hbm:s3], $0xF7A  }
0x26: {  	[smem:$0x3F76] =	sst s1;
	(tag) =	ssettag s2;
	_ =	strace s9  }
0x27: {  	s1 =	sld [smem:$0x3F86]  }
0x28: {  	s2 =	sld [smem:$0x3F87]  }
0x29: {  	s4 =	sld [smem:$0x3F89]  }
0x2a: {  	p0 =	seq.s32 s5, $0x0;
	s5 =	sld [smem:$0x3F8A]  }
0x2b: {  	s6 =	sld [smem:$0x3F8B]  }
0x2c: {  	s7 =	sld [smem:$0x3F8C]  }
0x2d: {  	s3 =	simm.s32 $0x108;
	s8 =	sld [smem:$0x3F8D]  }
0x2e: {  	s3 =	simm.s32 @!p0 $0x1082;
	s9 =	sld [smem:$0x3F8E]  }
0x2f: {  	lr =	sadd.s32 s0, s3;
	s0 =	sld [smem:$0x3F85]  }
0x30: {  	s3 =	sld [smem:$0x3F88]  }
0x31: {  	[smem:$0x3F91] =	sst s10  }
0x32: {  	s10 =	sld [smem:$0x3F8F];
	_ =	sdelay $0x3  }
0x33: {  	p0 =	seq.s32 s10, $0x1;
	s10 =	sld [smem:$0x3F91];
	_ =	sdelay $0x3  }
0x34: {  	[smem:$0x3F91] =	sst s10  }
0x35: {  	s10 =	sld [smem:$0x3F90];
	_ =	sdelay $0x3  }
0x36: {  	p1 =	seq.s32 s10, $0x1;
	s10 =	sld [smem:$0x3F91];
	_ =	sdelay $0x3  }
0x37: {  	[smem:$0x3F91] =	sst s10  }
0x38: {  	s10 =	sld [smem:$0x3F92]  }
0x39: {  	_ = 	snop;
	(pc) =	sbr.ind lr, $3  }
0x3a: {  	_ = 	snop  }
0x3b: {  	_ = 	snop  }
0x3c: {  	p2 =	seq.s32 s10, $0x1;
	s10 =	sld [smem:$0x3F91]  }
0x3d: {  	_ =	shalt  }
0x3e: {  	_ =	shalt  }
0x3f: {  	_ =	shalt  }
0x40: {  	_ =	shalt  }
0x41: {  	_ =	shalt  }
0x42: {  	_ =	shalt  }
0x43: {  	_ =	shalt  }
0x44: {  	_ =	shalt  }
0x45: {  	_ =	shalt  }
0x46: {  	_ =	shalt  }
0x47: {  	_ =	shalt  }
0x48: {  	_ =	shalt  }
0x49: {  	_ =	shalt  }
0x4a: {  	_ =	shalt  }
0x4b: {  	_ =	shalt  }
0x4c: {  	_ =	shalt  }
0x4d: {  	_ =	shalt  }
0x4e: {  	_ =	shalt  }
0x4f: {  	_ =	shalt  }
0x50: {  	_ =	shalt  }
0x51: {  	_ =	shalt  }
0x52: {  	_ =	shalt  }
0x53: {  	_ =	shalt  }
0x54: {  	_ =	shalt  }
0x55: {  	_ =	shalt  }
0x56: {  	_ =	shalt  }
0x57: {  	_ =	shalt  }
0x58: {  	_ =	shalt  }
0x59: {  	_ =	shalt  }
0x5a: {  	_ =	shalt  }
0x5b: {  	_ =	shalt  }
0x5c: {  	_ =	shalt  }
0x5d: {  	_ =	shalt  }
0x5e: {  	_ =	shalt  }
0x5f: {  	_ =	shalt  }
0x60: {  	_ =	shalt  }
0x61: {  	_ =	shalt  }
0x62: {  	_ =	shalt  }
0x63: {  	_ =	shalt  }
0x64: {  	_ =	shalt  }
0x65: {  	_ =	shalt  }
0x66: {  	_ =	shalt  }
0x67: {  	_ =	shalt  }
0x68: {  	_ =	shalt  }
0x69: {  	_ =	shalt  }
0x6a: {  	_ =	shalt  }
0x6b: {  	_ =	shalt  }
0x6c: {  	_ =	shalt  }
0x6d: {  	_ =	shalt  }
0x6e: {  	_ =	shalt  }
0x6f: {  	_ =	shalt  }
0x70: {  	_ =	shalt  }
0x71: {  	_ =	shalt  }
0x72: {  	_ =	shalt  }
0x73: {  	_ =	shalt  }
0x74: {  	_ =	shalt  }
0x75: {  	_ =	shalt  }
0x76: {  	_ =	shalt  }
0x77: {  	_ =	shalt  }
0x78: {  	_ =	shalt  }
0x79: {  	_ =	shalt  }
0x7a: {  	_ =	shalt  }
0x7b: {  	_ =	shalt  }
0x7c: {  	_ =	shalt  }
0x7d: {  	_ =	shalt  }
0x7e: {  	_ =	shalt  }
0x7f: {  	_ =	shalt  }
0x80: {  	_ =	shalt  }
0x81: {  	_ =	shalt  }
0x82: {  	_ =	shalt  }
0x83: {  	_ =	shalt  }
0x84: {  	_ =	shalt  }
0x85: {  	_ =	shalt  }
0x86: {  	_ =	shalt  }
0x87: {  	_ =	shalt  }
.Lfunc_end0:
.L_simem_size_0:
called_computation.3_lowered:
.L_overlay_start_0:
0x88: {  	s2 =	sld [smem:$0x3FD9]  }
0x89: {  	s3 =	sld [smem:$0x3FFE];
	_ =	sdelay $0x1  }
0x8a: {  	s1 =	srdreg.scid  }
0x8b: {  	s0 =	sand.u32 $0x1, s1  }
0x8c: {  	s17 =	sshll.u32 s0, $0xA;
	s2 =	sadd.s32 s3, s2  }
0x8d: {  	s2 =	sadd.s32 s2, s17  }
0x8e: {  	[smem:$0x3F9D] =	sst s2  }
0x8f: {  	_ = 	snop  }
0x90: {  	s2 =	sld [smem:$0x3FC6];
	(tm) =	ssettm $0x1  }
0x91: {  	s18 =	sld [smem:$0x3FFB];
	_ =	sdelay $0x3  }
0x92: {  	_ =	strace s18  }
0x93: {  	s3 =	sld [smem:$0x3FFC];
	_ =	sdelay $0x3  }
0x94: {  	_ =	strace s3  }
0x95: {  	s3 =	sld [smem:$0x3FFD];
	_ =	sdelay $0x3  }
0x96: {  	_ =	strace s3  }
0x97: {  	_ =	strace $0x8FFFFFFF  }
0x98: {  	s19 =	sld [smem:$0x3FDB];
	_ =	sdelay $0x1  }
0x99: {  	s4 =	simm.s32 $_scs_section_size  }
0x9a: {  	s5 =	simm.s32 $_size__tile_overlayer_lowered;
	s6 =	simm.s32 $_tile_overlayer_lowered  }
0x9b: {  	s22 =	simm.s32 $0x1BFF;
	s21 =	sshll.u32 s6, $0x1;
	s3 =	sadd.s32 s4, s19  }
0x9c: {  	s7 =	simm.s32 $0x0;
	s20 =	sshll.u32 s5, $0x1;
	s5 =	sadd.s32 s21, s3  }
0x9d: {  	[timem:s7], [sflag:s22] =	dma.local [hbm:s5], s20  }
0x9e: {  	_ =	swait.ge [sflag:s22], s20  }
0x9f: {  	s4 =	ssub.s32 $0x0, s20;
	[sflag:s22] =	ssyncset.done $0x0  }
0xa0: {  	[sflag:s22] =	ssyncadd.s32 s4;
	_ =	sdelay $0x1  }
0xa1: {  	s23 =	simm.s32 $0x1B8B  }
0xa2: {  	_ =	swait.ge [sflag:s23], $0x1  }
0xa3: {  	[sflag:s23] =	ssyncset.done $0x0  }
0xa4: {  	s25 =	simm.s32 $0x1B8E;
	s24 =	sld [smem:$0x3FFE];
	[sflag:s23] =	ssyncadd.s32 $0xFFFFFFFF  }
0xa5: {  	s26 =	simm.s32 $execute0_lowered;
	[smem:$0x3FD2] =	sst s25  }
0xa6: {  	s5 =	sshll.u32 s26, $0x1;
	_ =	strace $0x8000004F;
	[dreg:$0x1] =	wrdreg $0xFFFFFFFF  }
0xa7: {  	s28 =	simm.s32 $_size_execute0_lowered;
	s3 =	sadd.s32 s3, s5;
	[dreg:$0x0] =	wrdreg $0x0  }
0xa8: {  	s5 =	sshll.u32 s28, $0x1;
	[dreg:$0x2] =	wrdreg s3  }
0xa9: {  	[dreg:$0x3] =	wrdreg s5  }
0xaa: {  	[dreg:$0x4] =	wrdreg $0xC0  }
0xab: {  	_ =	task [dreg:s7], $0x5FFFF  }
0xac: {  	[dreg:$0x1] =	wrdreg $0xFFFFFFFF  }
0xad: {  	[dreg:$0x0] =	wrdreg $0x60  }
0xae: {  	[dreg:$0x2] =	wrdreg s24  }
0xaf: {  	[dreg:$0x3] =	wrdreg s2  }
0xb0: {  	[dreg:$0x4] =	wrdreg $0x8B100  }
0xb1: {  	[dreg:$0x5] =	wrdreg $0x9  }
0xb2: {  	_ =	task.clear_ibuf [dreg:s7], $0x6FFFF;
	_ =	strace $0x9000004F  }
0xb3: {  	s29 =	simm.s32 $0x9;
	_ =	strace $0x80000051  }
0xb4: {  	_ =	swait.ge [sflag:s29], $0x1  }
0xb5: {  	[sflag:s29] =	ssyncadd.s32 $0xFFFFFFFF  }
0xb6: {  	_ =	strace $0x90000051  }
0xb7: {  	_ =	sfence  }
0xb8: {  	s30 =	sld [smem:$0x0];
	_ =	sdelay $0x2  }
0xb9: {  	s31 =	sshll.u32 s1, $0xD;
	s1 =	sshrl.u32 s1, $0x2  }
0xba: {  	s3 =	sand.u32 $0x4000, s31;
	s1 =	sadd.s32 s1, s30  }
0xbb: {  	s0 =	sor.u32 s3, s0;
	s1 =	sshll.u32 s1, $0x11  }
0xbc: {  	s0 =	sor.u32 s1, s0  }
0xbd: {  	s0 =	sadd.s32 $0x8F2B, s0  }
0xbe: {  	[sflag:s0] =	ssyncadd.remote.s32 $0x1  }
0xbf: {  	_ =	sfence.sel $0xFFFF  }
0xc0: {  	[dreg:$0x0] =	wrdreg $0xFFFFFFFF;
	(pc) =	sbr.abs _section_cstart, $3  }
0xc1: {  	[dreg:$0x1] =	wrdreg $0xFFFFFFFF  }
0xc2: {  	_ =	task.clear_ibuf [dreg:s7], $0x2FFFF;
	_ =	strace $0x9FFFFFFF  }
0xc3: {  	(tm) =	ssettm $0x7FFFFFFF  }
tec
execute0_lowered:
.L_overlay_start_1:
0x0: {  	(tag) =	ssettag $0x1  }
0x1: {  	s4 =	rddreg [dreg:$0x0]  }
0x2: {  	s6 =	rddreg [dreg:$0x1]  }
0x3: {  	s2 =	rddreg [dreg:$0x2]  }
0x4: {  	s0 =	rddreg [dreg:$0x3];
	s3 =	simm.s32 $0x0;
	s1 =	stileid.u32  }
0x5: {  	s7 =	srdreg.scid;
	s16 =	simm.s32 $0xC8;
	s17 =	simm.s32 $0x2  }
0x6: {  	s18 =	simm.s32 $0x3;
	s19 =	simm.s32 $0x4;
	s20 =	simm.s32 $0x0  }
0x7: {  	[smem:$0x7FF] =	sst s3;
	s5 =	smul.u32 $0xA000, s1;
	s9 =	sadd.s32 $0x7C1E00, s4  }
0x8: {  	s8 =	sand.u32 $0x1, s7;
	s11 =	sshll.u32 s1, $0x1;
	s13 =	smul.u32 $0x4E20, s1  }
0x9: {  	s28 =	sshll.u32 s1, $0x6;
	s29 =	smul.u32 $0x27100, s1;
	_ =	strace $0x80000050  }
0xa: {  	s10 =	ssub.s32 $0x2, s8;
	s25 =	sor.u32 s8, s11;
	s14 =	smul.u32 $0x2710, s8  }
0xb: {  	p0 =	seq.s32 s8, $0x1;
	s15 =	smul.u32 $0x13880, s8;
	s23 =	sshrl.u32 s5, $0x3  }
0xc: {  	s24 =	sshrl.u32 s10, $0x1;
	s26 =	sadd.s32 s5, s2;
	s7 =	smul.u32 $0x2710, s25  }
0xd: {  	s5 =	sor.u32 $0x1C05, s28;
	s31 =	sadd.s32 s29, s9;
	s12 =	sadd.s32 s23, s4  }
0xe: {  	s10 =	ssub.s32 s10, s24;
	s13 =	sadd.s32 s14, s13;
	s11 =	sshrl.u32 s26, $0x3  }
0xf: {  	s14 =	simm.s32 $0x5910;
	s7 =	sshrl.u32 s7, $0x3;
	s13 =	sshll.u32 s13, $0x3  }
0x10: {  	s6 =	sadd.s32 s6, s7;
	s7 =	smax.u32 s10, $0x1;
	s10 =	simm.s32 $0x82E00  }
0x11: {  	s4 =	sadd.s32 $0x20A00, s12;
	s30 =	sadd.s32 s9, s13;
	s10 =	simm.s32 @!p0 $0x34A00  }
0x12: {  	s13 =	simm.s32 $0x2710;
	s9 =	sadd.s32 $0x640, s30;
	s8 =	sadd.s32 s10, s12  }
0x13: {  	s10 =	sadd.s32 s15, s31;
	s12 =	simm.s32 $0x5;
	s15 =	simm.s32 $0x1  }
.LBB2_1:
0x14: {  	[spmem:s11], [sflag:s5] =	dma.local [hbm:s4], $0x1400  }
0x15: {  	_ =	swait.ge [sflag:s12], $0x1400  }
0x16: {  	[sflag:s12] =	ssyncset.done $0x0  }
0x17: {  	[sflag:s12] =	ssyncadd.s32 $0xFFFFEC00  }
0x18: {  	[tilespmem:s3], [sflag:$0x5] =	stream.linear.gather [hbm4b:s6+s3], $0x2710, $0x38;
	[tilespmem:$0x12B10] =	vst v63  }
0x19: {  	_ =	swait.ge [sflag:s12], $0x2710  }
0x1a: {  	[sflag:s12] =	ssyncset.done $0x0  }
0x1b: {  	[sflag:s12] =	ssyncadd.s32 $0xFFFFD8F0  }
0x1c: {  	s21 =	sadd.s32 $0x0, s10;
	[bflag:$0x0] =	sbarrier.arrive $0xFFFF  }
0x1d: {  	[tilespmem:s13], [sflag:$0x1] =	stream.linear.gather [hbm4b:s21+s3], $0x3200, $0x38;
	[tilespmem:$0x12B10] =	vst v63  }
0x1e: {  	s30 =	sadd.s32 $0x0, s9  }
0x1f: {  	[tilespmem:s14], [sflag:$0x2] =	stream.linear.gather [hbm4b:s30+s3], $0x3200, $0x38;
	[tilespmem:$0x12B10] =	vst v63  }
0x20: {  	_ =	swait.ge [sflag:s15], $0x3200  }
0x21: {  	[sflag:s15] =	ssyncset.done $0x0  }
0x22: {  	[sflag:s15] =	ssyncadd.s32 $0xFFFFCE00  }
0x23: {  	[spmem:s2] =	stream.indirect.scatter.add.f32 [tilespmem:s13], [sflag:$0x3], $0x40, s3, s16, $0xb8;
	[tilespmem:$0x12B10] =	vst v63  }
0x24: {  	_ =	swait.ge [sflag:s17], $0x3200  }
0x25: {  	[sflag:s17] =	ssyncset.done $0x0  }
0x26: {  	s31 =	simm.s32 $0xC8;
	[sflag:s17] =	ssyncadd.s32 $0xFFFFCE00  }
0x27: {  	[spmem:s2] =	stream.indirect.scatter.add.f32 [tilespmem:s14], [sflag:$0x4], $0x40, s31, s16, $0xb8;
	[tilespmem:$0x12B10] =	vst v63  }
0x28: {  	_ =	swait.ge [sflag:s18], $0x3200  }
0x29: {  	[sflag:s18] =	ssyncset.done $0x0  }
0x2a: {  	[sflag:s18] =	ssyncadd.s32 $0xFFFFCE00  }
0x2b: {  	s22 =	simm.s32 $0xC80;
	_ =	swait.ge [sflag:s19], $0x3200  }
0x2c: {  	s23 =	simm.s32 $0x1900;
	s21 =	simm.s32 $0x190;
	[sflag:s19] =	ssyncset.done $0x0  }
.LBB2_2:
0x2d: {  	s24 =	sadd.s32 s22, s10  }
0x2e: {  	[sflag:s19] =	ssyncadd.s32 $0xFFFFCE00;
	s25 =	smov.u32 s23;
	s26 =	sadd.s32 $0xC80, s23  }
0x2f: {  	[tilespmem:s13], [sflag:$0x1] =	stream.linear.gather [hbm4b:s24+s3], $0x3200, $0x38;
	[tilespmem:$0x12B10] =	vst v63  }
0x30: {  	p0 =	sne.s32 s23, $0x12C00;
	s23 =	sadd.s32 s22, s9;
	s22 =	smov.u32 s25  }
0x31: {  	[tilespmem:s14], [sflag:$0x2] =	stream.linear.gather [hbm4b:s23+s3], $0x3200, $0x38;
	[tilespmem:$0x12B10] =	vst v63  }
0x32: {  	_ =	swait.ge [sflag:s15], $0x3200  }
0x33: {  	[sflag:s15] =	ssyncset.done $0x0  }
0x34: {  	[sflag:s15] =	ssyncadd.s32 $0xFFFFCE00  }
0x35: {  	[spmem:s2] =	stream.indirect.scatter.add.f32 [tilespmem:s13], [sflag:$0x3], $0x40, s21, s16, $0xb8;
	[tilespmem:$0x12B10] =	vst v63  }
0x36: {  	_ =	swait.ge [sflag:s17], $0x3200  }
0x37: {  	[sflag:s17] =	ssyncset.done $0x0  }
0x38: {  	s23 =	sadd.s32 $0xC8, s21;
	[sflag:s17] =	ssyncadd.s32 $0xFFFFCE00  }
0x39: {  	[spmem:s2] =	stream.indirect.scatter.add.f32 [tilespmem:s14], [sflag:$0x4], $0x40, s23, s16, $0xb8;
	[tilespmem:$0x12B10] =	vst v63  }
.Ltmp0:
0x3a: {  	_ =	swait.ge [sflag:s18], $0x3200;
	(pc) =	sbr.rel @p0 .LBB2_2-.Ltmp0, $4  }
0x3b: {  	[sflag:s18] =	ssyncset.done $0x0  }
0x3c: {  	[sflag:s18] =	ssyncadd.s32 $0xFFFFCE00  }
0x3d: {  	_ =	swait.ge [sflag:s19], $0x3200  }
0x3e: {  	s21 =	sadd.s32 $0x190, s21;
	s23 =	smov.u32 s26;
	[sflag:s19] =	ssyncset.done $0x0  }
0x3f: {  	s23 =	sadd.s32 s22, s10;
	[sflag:s19] =	ssyncadd.s32 $0xFFFFCE00  }
0x40: {  	[tilespmem:s13], [sflag:$0x1] =	stream.linear.gather [hbm4b:s23+s3], $0x3200, $0x38;
	[tilespmem:$0x12B10] =	vst v63  }
0x41: {  	s30 =	sadd.s32 s22, s9  }
0x42: {  	[tilespmem:s14], [sflag:$0x2] =	stream.linear.gather [hbm4b:s30+s3], $0x3200, $0x38;
	[tilespmem:$0x12B10] =	vst v63  }
0x43: {  	_ =	swait.ge [sflag:s15], $0x3200  }
0x44: {  	[sflag:s15] =	ssyncset.done $0x0  }
0x45: {  	[sflag:s15] =	ssyncadd.s32 $0xFFFFCE00  }
0x46: {  	[spmem:s2] =	stream.indirect.scatter.add.f32 [tilespmem:s13], [sflag:$0x3], $0x40, s21, s16, $0xb8;
	[tilespmem:$0x12B10] =	vst v63  }
0x47: {  	_ =	swait.ge [sflag:s17], $0x3200  }
0x48: {  	[sflag:s17] =	ssyncset.done $0x0  }
0x49: {  	s31 =	sadd.s32 $0xC8, s21;
	[sflag:s17] =	ssyncadd.s32 $0xFFFFCE00  }
0x4a: {  	[spmem:s2] =	stream.indirect.scatter.add.f32 [tilespmem:s14], [sflag:$0x4], $0x40, s31, s16, $0xb8;
	[tilespmem:$0x12B10] =	vst v63  }
0x4b: {  	_ =	swait.ge [sflag:s18], $0x3200  }
0x4c: {  	[sflag:s18] =	ssyncset.done $0x0  }
0x4d: {  	[sflag:s18] =	ssyncadd.s32 $0xFFFFCE00  }
0x4e: {  	_ =	swait.ge [sflag:s19], $0x3200  }
0x4f: {  	s20 =	sadd.s32 $0x1, s20;
	[sflag:s19] =	ssyncset.done $0x0  }
0x50: {  	p0 =	sne.s32 s20, s7;
	[sflag:s19] =	ssyncadd.s32 $0xFFFFCE00  }
.Ltmp1:
0x51: {  	[bflag:$0x0] =	sbarrier.arrive $0xFFFF;
	(pc) =	sbr.rel @p0 .LBB2_1-.Ltmp1, $4  }
0x52: {  	[hbm:s8], [sflag:s5] =	dma.local [spmem:s11], $0x1400  }
0x53: {  	_ =	swait.ge [sflag:s12], $0x1400  }
0x54: {  	[sflag:s12] =	ssyncset.done $0x0  }
0x55: {  	[sflag:s12] =	ssyncadd.s32 $0xFFFFEC00  }
0x56: {  	_ =	sfence.sel $0x180000  }
0x57: {  	[bflag:$0x0] =	sbarrier.arrive $0xFFFF  }
0x58: {  	p0 =	sne.s32 s1, $0x0;
	_ =	strace $0x90000050  }
0x59: {  	s0 =	sadd.s32 @!p0 $0x100000, s0;
	[bflag:$0x2] =	sbarrier.arrive $0xFFFF  }
0x5a: {  	[sflag:s0] =	ssyncadd.tile.s32 @!p0 $0x1;
	_ =	shalt  }
.Lfunc_end2:
_tile_overlayer_lowered:
.L_overlay_start_2:
0x5b: {  	(tag) =	ssettag $0x2  }
0x5c: {  	s0 =	rddreg [dreg:$0x0];
	s2 =	stileid.u32  }
0x5d: {  	s1 =	rddreg [dreg:$0x1];
	p0 =	sne.s32 s2, $0x0  }
0x5e: {  	s3 =	rddreg [dreg:$0x2];
	[bflag:$0x3] =	sbarrier.arrive $0xFFFF;
	s2 =	simm.s32 @!p0 $0x1C05  }
0x5f: {  	[timem:s3], [sflag:s2] =	dma.local @!p0 [hbm:s0], s1  }
0x60: {  	s0 =	simm.s32 @!p0 $0x5  }
0x61: {  	_ =	swait.ge @!p0 [sflag:s0], s1  }
0x62: {  	s1 =	ssub.s32 @!p0 $0x0, s1;
	[sflag:s0] =	ssyncset.done @!p0 $0x0  }
0x63: {  	[sflag:s0] =	ssyncadd.s32 @!p0 s1  }
0x64: {  	[bflag:$0x3] =	sbarrier.arrive $0xFFFF  }
0x65: {  	_ =	shalt  }

// kernel: kernel.28.cloned.1.call-start
scs
__scs_entry_jumppad:
0x0: {  	(pc) =	sbr.rel $0x88, $3  }
0x1: {  	(tag) =	ssettag $0x0;
	lr =	simm.s32 $0x1  }
0x2: {  	[smem:$0x3F76] =	sst lr;
	_ =	strace $0xD0000000  }
0x3: {  	_ = 	snop  }
0x4: {  	_ = 	snop  }
0x5: {  	_ = 	snop  }
0x6: {  	_ = 	snop  }
0x7: {  	_ = 	snop  }
__scs_overlays_trampoline_lowered:
0x8: {  	[smem:$0x3F85] =	sst s0  }
0x9: {  	[smem:$0x3F86] =	sst s1  }
0xa: {  	[smem:$0x3F87] =	sst s2  }
0xb: {  	[smem:$0x3F88] =	sst s3  }
0xc: {  	[smem:$0x3F89] =	sst s4  }
0xd: {  	[smem:$0x3F8A] =	sst s5  }
0xe: {  	[smem:$0x3F8B] =	sst s6  }
0xf: {  	[smem:$0x3F8C] =	sst s7  }
0x10: {  	[smem:$0x3F8D] =	sst s8  }
0x11: {  	[smem:$0x3F8E] =	sst s9;
	s0 =	simm.s32 @!p0 $0x0  }
0x12: {  	s1 =	sld [smem:$0x3F74];
	s0 =	simm.s32 @p0 $0x1  }
0x13: {  	[smem:$0x3F8F] =	sst s0;
	s0 =	simm.s32 @!p1 $0x0  }
0x14: {  	s2 =	sld [smem:$0x3F73];
	s0 =	simm.s32 @p1 $0x1  }
0x15: {  	[smem:$0x3F90] =	sst s0;
	s0 =	simm.s32 @!p2 $0x0  }
0x16: {  	s3 =	sld [smem:$0x3FDB];
	s0 =	simm.s32 @p2 $0x1  }
0x17: {  	s4 =	simm.s32 $0x1BF5;
	[smem:$0x3F92] =	sst s0  }
0x18: {  	s0 =	sld [smem:$0x3F75];
	_ =	swait.ge [sflag:s4], $0x0  }
0x19: {  	s7 =	sld [smem:$0x3F76]  }
0x1a: {  	s8 =	sadd.s32 $0xFFFFE003, lr  }
0x1b: {  	s9 =	sadd.s32 $0xFFFFFEF7, lr;
	s5 =	simm.s32 $0xFFFFFFFF;
	p2 =	slt.u32 s8, $0xFFFFF086  }
0x1c: {  	p1 =	slt.u32 s9, $0xF7A;
	s5 =	simm.s32 @!p2 $0x0  }
0x1d: {  	s5 =	simm.s32 @p1 $0x1;
	p0 =	seq.s32 s7, s2  }
0x1e: {  	s7 =	smul.u32 @!p0 $0xF7A, s2;
	p2 =	seq.s32 @!p0 s5, $0x0  }
0x1f: {  	s9 =	smul.u32 $0xF7A, s1;
	s8 =	simm.s32 @!p0 $0x1BF5;
	p2 =	por !p2, p0  }
0x20: {  	[sflag:s8] =	ssyncset.s32 @!p0 $0xFFFFF086;
	s6 =	sadd.s32 @!p0 s3, s7;
	s7 =	simm.s32 @!p0 $0x108  }
0x21: {  	s3 =	sadd.s32 s3, s9;
	s6 =	sadd.s32 @!p0 $0x88, s6;
	s7 =	simm.s32 @p2 $0x1082  }
0x22: {  	[simem:s7], [sflag:s8] =	dma.local @!p0 [hbm:s6], $0xF7A  }
0x23: {  	s9 =	sor.u32 $0xD0000000, s2;
	s6 =	simm.s32 $0x108;
	_ =	swait.ge @!p0 [sflag:s8], $0x0  }
0x24: {  	s3 =	sadd.s32 $0x88, s3;
	s6 =	simm.s32 @!p1 $0x1082;
	[sflag:s4] =	ssyncset.s32 $0xFFFFF086  }
0x25: {  	[simem:s6], [sflag:s4] =	dma.local [hbm:s3], $0xF7A  }
0x26: {  	[smem:$0x3F76] =	sst s1;
	(tag) =	ssettag s2;
	_ =	strace s9  }
0x27: {  	s1 =	sld [smem:$0x3F86]  }
0x28: {  	s2 =	sld [smem:$0x3F87]  }
0x29: {  	s4 =	sld [smem:$0x3F89]  }
0x2a: {  	p0 =	seq.s32 s5, $0x0;
	s5 =	sld [smem:$0x3F8A]  }
0x2b: {  	s6 =	sld [smem:$0x3F8B]  }
0x2c: {  	s7 =	sld [smem:$0x3F8C]  }
0x2d: {  	s3 =	simm.s32 $0x108;
	s8 =	sld [smem:$0x3F8D]  }
0x2e: {  	s3 =	simm.s32 @!p0 $0x1082;
	s9 =	sld [smem:$0x3F8E]  }
0x2f: {  	lr =	sadd.s32 s0, s3;
	s0 =	sld [smem:$0x3F85]  }
0x30: {  	s3 =	sld [smem:$0x3F88]  }
0x31: {  	[smem:$0x3F91] =	sst s10  }
0x32: {  	s10 =	sld [smem:$0x3F8F];
	_ =	sdelay $0x3  }
0x33: {  	p0 =	seq.s32 s10, $0x1;
	s10 =	sld [smem:$0x3F91];
	_ =	sdelay $0x3  }
0x34: {  	[smem:$0x3F91] =	sst s10  }
0x35: {  	s10 =	sld [smem:$0x3F90];
	_ =	sdelay $0x3  }
0x36: {  	p1 =	seq.s32 s10, $0x1;
	s10 =	sld [smem:$0x3F91];
	_ =	sdelay $0x3  }
0x37: {  	[smem:$0x3F91] =	sst s10  }
0x38: {  	s10 =	sld [smem:$0x3F92]  }
0x39: {  	_ = 	snop;
	(pc) =	sbr.ind lr, $3  }
0x3a: {  	_ = 	snop  }
0x3b: {  	_ = 	snop  }
0x3c: {  	p2 =	seq.s32 s10, $0x1;
	s10 =	sld [smem:$0x3F91]  }
0x3d: {  	_ =	shalt  }
0x3e: {  	_ =	shalt  }
0x3f: {  	_ =	shalt  }
0x40: {  	_ =	shalt  }
0x41: {  	_ =	shalt  }
0x42: {  	_ =	shalt  }
0x43: {  	_ =	shalt  }
0x44: {  	_ =	shalt  }
0x45: {  	_ =	shalt  }
0x46: {  	_ =	shalt  }
0x47: {  	_ =	shalt  }
0x48: {  	_ =	shalt  }
0x49: {  	_ =	shalt  }
0x4a: {  	_ =	shalt  }
0x4b: {  	_ =	shalt  }
0x4c: {  	_ =	shalt  }
0x4d: {  	_ =	shalt  }
0x4e: {  	_ =	shalt  }
0x4f: {  	_ =	shalt  }
0x50: {  	_ =	shalt  }
0x51: {  	_ =	shalt  }
0x52: {  	_ =	shalt  }
0x53: {  	_ =	shalt  }
0x54: {  	_ =	shalt  }
0x55: {  	_ =	shalt  }
0x56: {  	_ =	shalt  }
0x57: {  	_ =	shalt  }
0x58: {  	_ =	shalt  }
0x59: {  	_ =	shalt  }
0x5a: {  	_ =	shalt  }
0x5b: {  	_ =	shalt  }
0x5c: {  	_ =	shalt  }
0x5d: {  	_ =	shalt  }
0x5e: {  	_ =	shalt  }
0x5f: {  	_ =	shalt  }
0x60: {  	_ =	shalt  }
0x61: {  	_ =	shalt  }
0x62: {  	_ =	shalt  }
0x63: {  	_ =	shalt  }
0x64: {  	_ =	shalt  }
0x65: {  	_ =	shalt  }
0x66: {  	_ =	shalt  }
0x67: {  	_ =	shalt  }
0x68: {  	_ =	shalt  }
0x69: {  	_ =	shalt  }
0x6a: {  	_ =	shalt  }
0x6b: {  	_ =	shalt  }
0x6c: {  	_ =	shalt  }
0x6d: {  	_ =	shalt  }
0x6e: {  	_ =	shalt  }
0x6f: {  	_ =	shalt  }
0x70: {  	_ =	shalt  }
0x71: {  	_ =	shalt  }
0x72: {  	_ =	shalt  }
0x73: {  	_ =	shalt  }
0x74: {  	_ =	shalt  }
0x75: {  	_ =	shalt  }
0x76: {  	_ =	shalt  }
0x77: {  	_ =	shalt  }
0x78: {  	_ =	shalt  }
0x79: {  	_ =	shalt  }
0x7a: {  	_ =	shalt  }
0x7b: {  	_ =	shalt  }
0x7c: {  	_ =	shalt  }
0x7d: {  	_ =	shalt  }
0x7e: {  	_ =	shalt  }
0x7f: {  	_ =	shalt  }
0x80: {  	_ =	shalt  }
0x81: {  	_ =	shalt  }
0x82: {  	_ =	shalt  }
0x83: {  	_ =	shalt  }
0x84: {  	_ =	shalt  }
0x85: {  	_ =	shalt  }
0x86: {  	_ =	shalt  }
0x87: {  	_ =	shalt  }
.Lfunc_end0:
.L_simem_size_0:
called_computation.4_lowered:
.L_overlay_start_0:
0x88: {  	s2 =	sld [smem:$0x3FD9]  }
0x89: {  	s3 =	sld [smem:$0x3FFE];
	_ =	sdelay $0x1  }
0x8a: {  	s1 =	srdreg.scid  }
0x8b: {  	s0 =	sand.u32 $0x1, s1  }
0x8c: {  	s16 =	sshll.u32 s0, $0xA;
	s2 =	sadd.s32 s3, s2  }
0x8d: {  	s2 =	sadd.s32 s2, s16  }
0x8e: {  	[smem:$0x3F9D] =	sst s2  }
0x8f: {  	_ = 	snop  }
0x90: {  	(tm) =	ssettm $0x1  }
0x91: {  	s17 =	sld [smem:$0x3FFB];
	_ =	sdelay $0x3  }
0x92: {  	_ =	strace s17  }
0x93: {  	s2 =	sld [smem:$0x3FFC];
	_ =	sdelay $0x3  }
0x94: {  	_ =	strace s2  }
0x95: {  	s2 =	sld [smem:$0x3FFD];
	_ =	sdelay $0x3  }
0x96: {  	_ =	strace s2  }
0x97: {  	_ =	strace $0x8FFFFFFF  }
0x98: {  	s18 =	sld [smem:$0x3FDB];
	_ =	sdelay $0x1  }
0x99: {  	s19 =	simm.s32 $_scs_section_size  }
0x9a: {  	s4 =	simm.s32 $_size__tile_overlayer_lowered;
	s5 =	simm.s32 $_tile_overlayer_lowered  }
0x9b: {  	s22 =	simm.s32 $0x1BFF;
	s21 =	sshll.u32 s5, $0x1;
	s2 =	sadd.s32 s19, s18  }
0x9c: {  	s6 =	simm.s32 $0x0;
	s20 =	sshll.u32 s4, $0x1;
	s4 =	sadd.s32 s21, s2  }
0x9d: {  	[timem:s6], [sflag:s22] =	dma.local [hbm:s4], s20  }
0x9e: {  	_ =	swait.ge [sflag:s22], s20  }
0x9f: {  	s3 =	ssub.s32 $0x0, s20;
	[sflag:s22] =	ssyncset.done $0x0  }
0xa0: {  	[sflag:s22] =	ssyncadd.s32 s3;
	_ =	sdelay $0x1  }
0xa1: {  	s23 =	simm.s32 $0x1B8B  }
0xa2: {  	_ =	swait.ge [sflag:s23], $0x1  }
0xa3: {  	[sflag:s23] =	ssyncset.done $0x0  }
0xa4: {  	s25 =	simm.s32 $0x1B8E;
	s24 =	sld [smem:$0x3FFE];
	[sflag:s23] =	ssyncadd.s32 $0xFFFFFFFF  }
0xa5: {  	s26 =	simm.s32 $execute0_lowered;
	[smem:$0x3FD2] =	sst s25  }
0xa6: {  	s4 =	sshll.u32 s26, $0x1;
	_ =	strace $0x80000052;
	[dreg:$0x1] =	wrdreg $0xFFFFFFFF  }
0xa7: {  	s28 =	simm.s32 $_size_execute0_lowered;
	s2 =	sadd.s32 s2, s4;
	[dreg:$0x0] =	wrdreg $0x0  }
0xa8: {  	s4 =	sshll.u32 s28, $0x1;
	[dreg:$0x2] =	wrdreg s2  }
0xa9: {  	[dreg:$0x3] =	wrdreg s4  }
0xaa: {  	[dreg:$0x4] =	wrdreg $0xC0  }
0xab: {  	_ =	task [dreg:s6], $0x5FFFF  }
0xac: {  	[dreg:$0x1] =	wrdreg $0xFFFFFFFF  }
0xad: {  	[dreg:$0x0] =	wrdreg $0x60  }
0xae: {  	[dreg:$0x2] =	wrdreg s24  }
0xaf: {  	[dreg:$0x3] =	wrdreg $0x9  }
0xb0: {  	_ =	task.clear_ibuf [dreg:s6], $0x4FFFF;
	_ =	strace $0x90000052  }
0xb1: {  	s29 =	simm.s32 $0x9;
	_ =	strace $0x80000054  }
0xb2: {  	_ =	swait.ge [sflag:s29], $0x1  }
0xb3: {  	[sflag:s29] =	ssyncadd.s32 $0xFFFFFFFF  }
0xb4: {  	_ =	strace $0x90000054  }
0xb5: {  	_ =	sfence  }
0xb6: {  	s30 =	sld [smem:$0x0];
	_ =	sdelay $0x2  }
0xb7: {  	s31 =	sshll.u32 s1, $0xD;
	s1 =	sshrl.u32 s1, $0x2  }
0xb8: {  	s3 =	sand.u32 $0x4000, s31;
	s1 =	sadd.s32 s1, s30  }
0xb9: {  	s0 =	sor.u32 s3, s0;
	s1 =	sshll.u32 s1, $0x11  }
0xba: {  	s0 =	sor.u32 s1, s0  }
0xbb: {  	s0 =	sadd.s32 $0x8F2B, s0  }
0xbc: {  	[sflag:s0] =	ssyncadd.remote.s32 $0x1  }
0xbd: {  	_ =	sfence.sel $0xFFFF  }
0xbe: {  	[dreg:$0x0] =	wrdreg $0xFFFFFFFF;
	(pc) =	sbr.abs _section_cstart, $3  }
0xbf: {  	[dreg:$0x1] =	wrdreg $0xFFFFFFFF  }
0xc0: {  	_ =	task.clear_ibuf [dreg:s6], $0x2FFFF;
	_ =	strace $0x9FFFFFFF  }
0xc1: {  	(tm) =	ssettm $0x7FFFFFFF  }
tec
execute0_lowered:
.L_overlay_start_1:
0x0: {  	(tag) =	ssettag $0x1  }
0x1: {  	s1 =	srdreg.scid;
	s0 =	stileid.u32  }
0x2: {  	s5 =	rddreg [dreg:$0x0];
	s2 =	simm.s32 $0x0;
	s9 =	simm.s32 $0x7  }
0x3: {  	s10 =	simm.s32 $0x2710;
	s11 =	simm.s32 $0xC8;
	s12 =	simm.s32 $0x4E20  }
0x4: {  	s13 =	simm.s32 $0x8020;
	s14 =	simm.s32 $0xB220;
	s15 =	simm.s32 $0xE420  }
0x5: {  	s16 =	simm.s32 $0x1;
	s17 =	simm.s32 $0x2;
	s18 =	simm.s32 $0x3  }
0x6: {  	s19 =	simm.s32 $0x4;
	s6 =	sand.u32 $0x1, s1;
	s3 =	sshll.u32 s0, $0x1  }
0x7: {  	s20 =	simm.s32 $0x5;
	s21 =	simm.s32 $0x6;
	s3 =	sor.u32 s6, s3  }
0x8: {  	s1 =	rddreg [dreg:$0x1];
	s6 =	ssub.s32 $0x2, s6;
	s3 =	smul.u32 $0x2710, s3  }
0x9: {  	s22 =	simm.s32 $0x0;
	[smem:$0x7FF] =	sst s2;
	s8 =	sshrl.u32 s6, $0x1  }
0xa: {  	s4 =	sadd.s32 $0x34A00, s5;
	s8 =	ssub.s32 s6, s8;
	s7 =	sshrl.u32 s3, $0x3  }
0xb: {  	_ =	strace $0x80000053;
	s8 =	smax.u32 s8, $0x1;
	s7 =	sadd.s32 s7, s5  }
0xc: {  	s5 =	sadd.s32 $0x82E00, s5;
	s6 =	sadd.s32 $0xCE00, s7;
	s7 =	sadd.s32 $0x16C00, s7  }
.LBB2_1:
0xd: {  	[tilespmem:s2], [sflag:$0x7] =	stream.linear.gather [hbm4b:s6+s2], $0x2710, $0x38;
	[tilespmem:$0x11620] =	vst v63  }
0xe: {  	_ =	swait.ge [sflag:s9], $0x2710  }
0xf: {  	[sflag:s9] =	ssyncset.done $0x0  }
0x10: {  	[sflag:s9] =	ssyncadd.s32 $0xFFFFD8F0  }
0x11: {  	[tilespmem:s10], [sflag:$0x7] =	stream.linear.gather [hbm4b:s7+s2], $0x2710, $0x38;
	[tilespmem:$0x11620] =	vst v63  }
0x12: {  	_ =	swait.ge [sflag:s9], $0x2710  }
0x13: {  	[sflag:s9] =	ssyncset.done $0x0  }
0x14: {  	s23 =	simm.s32 $0x0;
	[sflag:s9] =	ssyncadd.s32 $0xFFFFD8F0  }
.LBB2_2:
0x15: {  	s25 =	smul.u32 $0x190, s23;
	_ =	sdelay $0x1  }
0x16: {  	[tilespmem:s12], [sflag:$0x1] =	stream.indirect.gather [hbm4b:s4+s11], $0x40, s25, s11, $0xb8;
	[tilespmem:$0x11620] =	vst v63  }
0x17: {  	s24 =	sadd.s32 $0x2710, s25  }
0x18: {  	[tilespmem:s13], [sflag:$0x2] =	stream.indirect.gather [hbm4b:s4+s11], $0x40, s24, s11, $0xb8;
	[tilespmem:$0x11620] =	vst v63  }
0x19: {  	s24 =	sadd.s32 $0xC8, s25  }
0x1a: {  	[tilespmem:s14], [sflag:$0x3] =	stream.indirect.gather [hbm4b:s4+s11], $0x40, s24, s11, $0xb8;
	[tilespmem:$0x11620] =	vst v63  }
0x1b: {  	s26 =	sadd.s32 $0x27D8, s25  }
0x1c: {  	[tilespmem:s15], [sflag:$0x4] =	stream.indirect.gather [hbm4b:s4+s11], $0x40, s26, s11, $0xb8;
	[tilespmem:$0x11620] =	vst v63  }
0x1d: {  	_ =	swait.ge [sflag:s16], $0x3200  }
0x1e: {  	[sflag:s16] =	ssyncset.done $0x0  }
0x1f: {  	[sflag:s16] =	ssyncadd.s32 $0xFFFFCE00  }
0x20: {  	_ =	swait.ge [sflag:s17], $0x3200  }
0x21: {  	[sflag:s17] =	ssyncset.done $0x0  }
0x22: {  	s26 =	simm.s32 $0x0;
	[sflag:s17] =	ssyncadd.s32 $0xFFFFCE00  }
0x23: {  	v6 =	vld [tilespmem:s26+$0x8020]  }
0x24: {  	v7 =	vld [tilespmem:s26+$0x8030]  }
0x25: {  	v8 =	vld [tilespmem:s26+$0x8040]  }
0x26: {  	v9 =	vld [tilespmem:s26+$0x8050]  }
0x27: {  	v10 =	vld [tilespmem:s26+$0x8060]  }
0x28: {  	v11 =	vld [tilespmem:s26+$0x8070]  }
0x29: {  	v12 =	vld [tilespmem:s26+$0x8080]  }
0x2a: {  	v13 =	vld [tilespmem:s26+$0x8090]  }
0x2b: {  	v14 =	vld [tilespmem:s26+$0x80A0]  }
0x2c: {  	v15 =	vld [tilespmem:s26+$0x80B0]  }
0x2d: {  	v5 =	vld [tilespmem:s26+$0x80C0]  }
0x2e: {  	v4 =	vld [tilespmem:s26+$0x80D0]  }
0x2f: {  	v3 =	vld [tilespmem:s26+$0x80E0]  }
0x30: {  	v2 =	vld [tilespmem:s26+$0x80F0]  }
0x31: {  	v1 =	vld [tilespmem:s26+$0x8100]  }
0x32: {  	v0 =	vld [tilespmem:s26+$0x8110]  }
0x33: {  	v16 =	vld [tilespmem:s26+$0x4E20]  }
0x34: {  	v17 =	vld [tilespmem:s26+$0x4E30]  }
0x35: {  	v18 =	vld [tilespmem:s26+$0x4E40]  }
0x36: {  	v19 =	vld [tilespmem:s26+$0x4E50]  }
0x37: {  	v20 =	vld [tilespmem:s26+$0x4E60]  }
0x38: {  	v60 =	vld [tilespmem:s26+$0x4E70];
	v6 =	vadd.f32 v6, v16  }
0x39: {  	v21 =	vld [tilespmem:s26+$0x4E80];
	v7 =	vadd.f32 v7, v17  }
0x3a: {  	v61 =	vld [tilespmem:s26+$0x4E90];
	[tilespmem:s26+$0x4E20] =	vst v6;
	v6 =	vadd.f32 v8, v18  }
0x3b: {  	v62 =	vld [tilespmem:s26+$0x4EA0];
	[tilespmem:s26+$0x4E30] =	vst v7;
	v7 =	vadd.f32 v9, v19  }
0x3c: {  	v63 =	vld [tilespmem:s26+$0x4EB0];
	[tilespmem:s26+$0x4E40] =	vst v6;
	v6 =	vadd.f32 v10, v20  }
0x3d: {  	v8 =	vadd.f32 v11, v60;
	[tilespmem:s26+$0x4E50] =	vst v7;
	v7 =	vld [tilespmem:s26+$0x4EC0]  }
0x3e: {  	v9 =	vadd.f32 v12, v21;
	[tilespmem:s26+$0x4E60] =	vst v6;
	v6 =	vld [tilespmem:s26+$0x4ED0]  }
0x3f: {  	[tilespmem:s26+$0x4E70] =	vst v8;
	v8 =	vld [tilespmem:s26+$0x4EE0];
	v10 =	vadd.f32 v13, v61  }
0x40: {  	v12 =	vadd.f32 v14, v62;
	[tilespmem:s26+$0x4E80] =	vst v9;
	v9 =	vld [tilespmem:s26+$0x4EF0]  }
0x41: {  	s28 =	simm.s32 $0x400;
	v11 =	vadd.f32 v15, v63;
	[tilespmem:s26+$0x4E90] =	vst v10;
	v10 =	vld [tilespmem:s26+$0x4F00]  }
.LBB2_3:
0x42: {  	s29 =	sshra.s32 s28, $0x2;
	p0 =	sne.s32 s28, $0xC400;
	[tilespmem:s26+$0x4EA0] =	vst v12;
	v5 =	vadd.f32 v5, v7;
	v7 =	vld [tilespmem:s26+$0x4F10]  }
0x43: {  	v12 =	vld [tilespmem:s29+$0x8020];
	[tilespmem:s26+$0x4EB0] =	vst v11;
	v4 =	vadd.f32 v4, v6  }
0x44: {  	v6 =	vld [tilespmem:s29+$0x8030];
	[tilespmem:s26+$0x4EC0] =	vst v5;
	v3 =	vadd.f32 v3, v8  }
0x45: {  	v8 =	vld [tilespmem:s29+$0x8040];
	[tilespmem:s26+$0x4ED0] =	vst v4;
	v2 =	vadd.f32 v2, v9  }
0x46: {  	v9 =	vld [tilespmem:s29+$0x8050];
	[tilespmem:s26+$0x4EE0] =	vst v3;
	v1 =	vadd.f32 v1, v10  }
0x47: {  	v10 =	vld [tilespmem:s29+$0x8060];
	[tilespmem:s26+$0x4EF0] =	vst v2;
	v0 =	vadd.f32 v0, v7  }
0x48: {  	v7 =	vld [tilespmem:s29+$0x8070];
	[tilespmem:s26+$0x4F00] =	vst v1  }
0x49: {  	v11 =	vld [tilespmem:s29+$0x8080];
	[tilespmem:s26+$0x4F10] =	vst v0;
	s26 =	smov.u32 s29  }
0x4a: {  	v13 =	vld [tilespmem:s26+$0x8090]  }
0x4b: {  	v14 =	vld [tilespmem:s26+$0x80A0]  }
0x4c: {  	v15 =	vld [tilespmem:s26+$0x80B0]  }
0x4d: {  	v5 =	vld [tilespmem:s26+$0x80C0]  }
0x4e: {  	v4 =	vld [tilespmem:s26+$0x80D0]  }
0x4f: {  	v3 =	vld [tilespmem:s26+$0x80E0]  }
0x50: {  	v2 =	vld [tilespmem:s26+$0x80F0]  }
0x51: {  	v1 =	vld [tilespmem:s26+$0x8100]  }
0x52: {  	v0 =	vld [tilespmem:s26+$0x8110]  }
0x53: {  	v16 =	vld [tilespmem:s26+$0x4E20]  }
0x54: {  	v17 =	vld [tilespmem:s26+$0x4E30]  }
0x55: {  	v18 =	vld [tilespmem:s26+$0x4E40]  }
0x56: {  	v19 =	vld [tilespmem:s26+$0x4E50]  }
0x57: {  	v20 =	vld [tilespmem:s26+$0x4E60]  }
0x58: {  	v12 =	vadd.f32 v12, v16;
	v16 =	vld [tilespmem:s26+$0x4E70]  }
0x59: {  	v6 =	vadd.f32 v6, v17;
	v17 =	vld [tilespmem:s26+$0x4E80]  }
0x5a: {  	[tilespmem:s26+$0x4E20] =	vst v12;
	v8 =	vadd.f32 v8, v18;
	v12 =	vld [tilespmem:s26+$0x4E90]  }
0x5b: {  	[tilespmem:s26+$0x4E30] =	vst v6;
	v6 =	vadd.f32 v9, v19;
	v9 =	vld [tilespmem:s26+$0x4EA0]  }
0x5c: {  	[tilespmem:s26+$0x4E40] =	vst v8;
	v8 =	vadd.f32 v10, v20;
	v10 =	vld [tilespmem:s26+$0x4EB0]  }
.Ltmp0:
0x5d: {  	[tilespmem:s26+$0x4E50] =	vst v6;
	v16 =	vadd.f32 v7, v16;
	v7 =	vld [tilespmem:s26+$0x4EC0];
	(pc) =	sbr.rel @p0 .LBB2_3-.Ltmp0, $4  }
0x5e: {  	[tilespmem:s26+$0x4E60] =	vst v8;
	v11 =	vadd.f32 v11, v17;
	v6 =	vld [tilespmem:s26+$0x4ED0]  }
0x5f: {  	[tilespmem:s26+$0x4E70] =	vst v16;
	v13 =	vadd.f32 v13, v12;
	v8 =	vld [tilespmem:s26+$0x4EE0]  }
0x60: {  	[tilespmem:s26+$0x4E80] =	vst v11;
	v12 =	vadd.f32 v14, v9;
	v9 =	vld [tilespmem:s26+$0x4EF0]  }
0x61: {  	s28 =	sadd.s32 $0x400, s28;
	[tilespmem:s26+$0x4E90] =	vst v13;
	v11 =	vadd.f32 v15, v10;
	v10 =	vld [tilespmem:s26+$0x4F00]  }
0x62: {  	[tilespmem:s26+$0x4EA0] =	vst v12;
	v5 =	vadd.f32 v5, v7;
	v7 =	vld [tilespmem:s26+$0x4F10]  }
0x63: {  	[tilespmem:s26+$0x4EB0] =	vst v11;
	v4 =	vadd.f32 v4, v6  }
0x64: {  	[tilespmem:s26+$0x4EC0] =	vst v5;
	v3 =	vadd.f32 v3, v8  }
0x65: {  	[tilespmem:s26+$0x4ED0] =	vst v4;
	v2 =	vadd.f32 v2, v9  }
0x66: {  	[tilespmem:s26+$0x4EE0] =	vst v3;
	v1 =	vadd.f32 v1, v10  }
0x67: {  	s25 =	sadd.s32 s3, s25;
	[tilespmem:s26+$0x4EF0] =	vst v2;
	v0 =	vadd.f32 v0, v7  }
0x68: {  	s25 =	sshll.u32 s25, $0x3;
	[tilespmem:s26+$0x4F00] =	vst v1  }
0x69: {  	s31 =	simm.s32 $0x0;
	s25 =	sadd.s32 s5, s25;
	[tilespmem:s26+$0x4F10] =	vst v0  }
0x6a: {  	[hbm4b:s25+s31] =	stream.linear.scatter [tilespmem:s12], [sflag:$0x5], $0x3200, $0x38;
	[tilespmem:$0x11620] =	vst v63  }
0x6b: {  	_ =	swait.ge [sflag:s18], $0x3200  }
0x6c: {  	[sflag:s18] =	ssyncset.done $0x0  }
0x6d: {  	[sflag:s18] =	ssyncadd.s32 $0xFFFFCE00  }
0x6e: {  	_ =	swait.ge [sflag:s19], $0x3200  }
0x6f: {  	[sflag:s19] =	ssyncset.done $0x0  }
0x70: {  	s25 =	simm.s32 $0x0;
	[sflag:s19] =	ssyncadd.s32 $0xFFFFCE00  }
0x71: {  	v6 =	vld [tilespmem:s25+$0xE420]  }
0x72: {  	v7 =	vld [tilespmem:s25+$0xE430]  }
0x73: {  	v8 =	vld [tilespmem:s25+$0xE440]  }
0x74: {  	v9 =	vld [tilespmem:s25+$0xE450]  }
0x75: {  	v10 =	vld [tilespmem:s25+$0xE460]  }
0x76: {  	v11 =	vld [tilespmem:s25+$0xE470]  }
0x77: {  	v12 =	vld [tilespmem:s25+$0xE480]  }
0x78: {  	v13 =	vld [tilespmem:s25+$0xE490]  }
0x79: {  	v14 =	vld [tilespmem:s25+$0xE4A0]  }
0x7a: {  	v15 =	vld [tilespmem:s25+$0xE4B0]  }
0x7b: {  	v5 =	vld [tilespmem:s25+$0xE4C0]  }
0x7c: {  	v4 =	vld [tilespmem:s25+$0xE4D0]  }
0x7d: {  	v3 =	vld [tilespmem:s25+$0xE4E0]  }
0x7e: {  	v2 =	vld [tilespmem:s25+$0xE4F0]  }
0x7f: {  	v1 =	vld [tilespmem:s25+$0xE500]  }
0x80: {  	v0 =	vld [tilespmem:s25+$0xE510]  }
0x81: {  	v16 =	vld [tilespmem:s25+$0xB220]  }
0x82: {  	v17 =	vld [tilespmem:s25+$0xB230]  }
0x83: {  	v18 =	vld [tilespmem:s25+$0xB240]  }
0x84: {  	v19 =	vld [tilespmem:s25+$0xB250]  }
0x85: {  	v20 =	vld [tilespmem:s25+$0xB260]  }
0x86: {  	v60 =	vld [tilespmem:s25+$0xB270];
	v6 =	vadd.f32 v6, v16  }
0x87: {  	v21 =	vld [tilespmem:s25+$0xB280];
	v7 =	vadd.f32 v7, v17  }
0x88: {  	v61 =	vld [tilespmem:s25+$0xB290];
	[tilespmem:s25+$0xB220] =	vst v6;
	v6 =	vadd.f32 v8, v18  }
0x89: {  	v62 =	vld [tilespmem:s25+$0xB2A0];
	[tilespmem:s25+$0xB230] =	vst v7;
	v7 =	vadd.f32 v9, v19  }
0x8a: {  	v63 =	vld [tilespmem:s25+$0xB2B0];
	[tilespmem:s25+$0xB240] =	vst v6;
	v6 =	vadd.f32 v10, v20  }
0x8b: {  	v8 =	vadd.f32 v11, v60;
	[tilespmem:s25+$0xB250] =	vst v7;
	v7 =	vld [tilespmem:s25+$0xB2C0]  }
0x8c: {  	v9 =	vadd.f32 v12, v21;
	[tilespmem:s25+$0xB260] =	vst v6;
	v6 =	vld [tilespmem:s25+$0xB2D0]  }
0x8d: {  	[tilespmem:s25+$0xB270] =	vst v8;
	v8 =	vld [tilespmem:s25+$0xB2E0];
	v10 =	vadd.f32 v13, v61  }
0x8e: {  	v12 =	vadd.f32 v14, v62;
	[tilespmem:s25+$0xB280] =	vst v9;
	v9 =	vld [tilespmem:s25+$0xB2F0]  }
0x8f: {  	s26 =	simm.s32 $0x400;
	v11 =	vadd.f32 v15, v63;
	[tilespmem:s25+$0xB290] =	vst v10;
	v10 =	vld [tilespmem:s25+$0xB300]  }
.LBB2_5:
0x90: {  	s28 =	sshra.s32 s26, $0x2;
	p0 =	sne.s32 s26, $0xC400;
	[tilespmem:s25+$0xB2A0] =	vst v12;
	v5 =	vadd.f32 v5, v7;
	v7 =	vld [tilespmem:s25+$0xB310]  }
0x91: {  	v12 =	vld [tilespmem:s28+$0xE420];
	[tilespmem:s25+$0xB2B0] =	vst v11;
	v4 =	vadd.f32 v4, v6  }
0x92: {  	v6 =	vld [tilespmem:s28+$0xE430];
	[tilespmem:s25+$0xB2C0] =	vst v5;
	v3 =	vadd.f32 v3, v8  }
0x93: {  	v8 =	vld [tilespmem:s28+$0xE440];
	[tilespmem:s25+$0xB2D0] =	vst v4;
	v2 =	vadd.f32 v2, v9  }
0x94: {  	v9 =	vld [tilespmem:s28+$0xE450];
	[tilespmem:s25+$0xB2E0] =	vst v3;
	v1 =	vadd.f32 v1, v10  }
0x95: {  	v10 =	vld [tilespmem:s28+$0xE460];
	[tilespmem:s25+$0xB2F0] =	vst v2;
	v0 =	vadd.f32 v0, v7  }
0x96: {  	v7 =	vld [tilespmem:s28+$0xE470];
	[tilespmem:s25+$0xB300] =	vst v1  }
0x97: {  	v11 =	vld [tilespmem:s28+$0xE480];
	[tilespmem:s25+$0xB310] =	vst v0;
	s25 =	smov.u32 s28  }
0x98: {  	v13 =	vld [tilespmem:s25+$0xE490]  }
0x99: {  	v14 =	vld [tilespmem:s25+$0xE4A0]  }
0x9a: {  	v15 =	vld [tilespmem:s25+$0xE4B0]  }
0x9b: {  	v5 =	vld [tilespmem:s25+$0xE4C0]  }
0x9c: {  	v4 =	vld [tilespmem:s25+$0xE4D0]  }
0x9d: {  	v3 =	vld [tilespmem:s25+$0xE4E0]  }
0x9e: {  	v2 =	vld [tilespmem:s25+$0xE4F0]  }
0x9f: {  	v1 =	vld [tilespmem:s25+$0xE500]  }
0xa0: {  	v0 =	vld [tilespmem:s25+$0xE510]  }
0xa1: {  	v16 =	vld [tilespmem:s25+$0xB220]  }
0xa2: {  	v17 =	vld [tilespmem:s25+$0xB230]  }
0xa3: {  	v18 =	vld [tilespmem:s25+$0xB240]  }
0xa4: {  	v19 =	vld [tilespmem:s25+$0xB250]  }
0xa5: {  	v20 =	vld [tilespmem:s25+$0xB260]  }
0xa6: {  	v12 =	vadd.f32 v12, v16;
	v16 =	vld [tilespmem:s25+$0xB270]  }
0xa7: {  	v6 =	vadd.f32 v6, v17;
	v17 =	vld [tilespmem:s25+$0xB280]  }
0xa8: {  	[tilespmem:s25+$0xB220] =	vst v12;
	v8 =	vadd.f32 v8, v18;
	v12 =	vld [tilespmem:s25+$0xB290]  }
0xa9: {  	[tilespmem:s25+$0xB230] =	vst v6;
	v6 =	vadd.f32 v9, v19;
	v9 =	vld [tilespmem:s25+$0xB2A0]  }
0xaa: {  	[tilespmem:s25+$0xB240] =	vst v8;
	v8 =	vadd.f32 v10, v20;
	v10 =	vld [tilespmem:s25+$0xB2B0]  }
.Ltmp1:
0xab: {  	[tilespmem:s25+$0xB250] =	vst v6;
	v16 =	vadd.f32 v7, v16;
	v7 =	vld [tilespmem:s25+$0xB2C0];
	(pc) =	sbr.rel @p0 .LBB2_5-.Ltmp1, $4  }
0xac: {  	[tilespmem:s25+$0xB260] =	vst v8;
	v11 =	vadd.f32 v11, v17;
	v6 =	vld [tilespmem:s25+$0xB2D0]  }
0xad: {  	[tilespmem:s25+$0xB270] =	vst v16;
	v13 =	vadd.f32 v13, v12;
	v8 =	vld [tilespmem:s25+$0xB2E0]  }
0xae: {  	[tilespmem:s25+$0xB280] =	vst v11;
	v12 =	vadd.f32 v14, v9;
	v9 =	vld [tilespmem:s25+$0xB2F0]  }
0xaf: {  	s26 =	sadd.s32 $0x400, s26;
	[tilespmem:s25+$0xB290] =	vst v13;
	v11 =	vadd.f32 v15, v10;
	v10 =	vld [tilespmem:s25+$0xB300]  }
0xb0: {  	[tilespmem:s25+$0xB2A0] =	vst v12;
	v5 =	vadd.f32 v5, v7;
	v63 =	vld [tilespmem:s25+$0xB310]  }
0xb1: {  	[tilespmem:s25+$0xB2B0] =	vst v11;
	v4 =	vadd.f32 v4, v6  }
0xb2: {  	[tilespmem:s25+$0xB2C0] =	vst v5;
	v3 =	vadd.f32 v3, v8  }
0xb3: {  	[tilespmem:s25+$0xB2D0] =	vst v4;
	v2 =	vadd.f32 v2, v9  }
0xb4: {  	s24 =	sadd.s32 s3, s24;
	[tilespmem:s25+$0xB2E0] =	vst v3;
	v1 =	vadd.f32 v1, v10  }
0xb5: {  	s24 =	sshll.u32 s24, $0x3;
	[tilespmem:s25+$0xB2F0] =	vst v2;
	v0 =	vadd.f32 v0, v63  }
0xb6: {  	s24 =	sand.u32 $0x1FFFFFC0, s24;
	[tilespmem:s25+$0xB300] =	vst v1  }
0xb7: {  	s23 =	sadd.s32 $0x1, s23;
	s24 =	sadd.s32 s5, s24;
	[tilespmem:s25+$0xB310] =	vst v0  }
0xb8: {  	[hbm4b:s24+s2] =	stream.linear.scatter [tilespmem:s14], [sflag:$0x6], $0x3200, $0x38;
	[tilespmem:$0x11620] =	vst v63  }
0xb9: {  	p0 =	sne.s32 s23, $0x19;
	_ =	swait.ge [sflag:s20], $0x3200  }
.Ltmp2:
0xba: {  	[sflag:s20] =	ssyncset.done $0x0;
	(pc) =	sbr.rel @p0 .LBB2_2-.Ltmp2, $4  }
0xbb: {  	[sflag:s20] =	ssyncadd.s32 $0xFFFFCE00  }
0xbc: {  	_ =	swait.ge [sflag:s21], $0x3200  }
0xbd: {  	[sflag:s21] =	ssyncset.done $0x0  }
0xbe: {  	[sflag:s21] =	ssyncadd.s32 $0xFFFFCE00  }
0xbf: {  	s22 =	sadd.s32 $0x1, s22  }
0xc0: {  	p0 =	sne.s32 s22, s8  }
.Ltmp3:
0xc1: {  	_ = 	snop;
	(pc) =	sbr.rel @p0 .LBB2_1-.Ltmp3, $1  }
0xc2: {  	_ =	sdelay $0x3  }
0xc3: {  	_ =	sfence.sel $0x180000  }
0xc4: {  	[bflag:$0x0] =	sbarrier.arrive $0xFFFF  }
0xc5: {  	p0 =	sne.s32 s0, $0x0;
	_ =	strace $0x90000053  }
0xc6: {  	s0 =	sadd.s32 @!p0 $0x100000, s1;
	[bflag:$0x2] =	sbarrier.arrive $0xFFFF  }
0xc7: {  	[sflag:s0] =	ssyncadd.tile.s32 @!p0 $0x1;
	_ =	shalt  }
.Lfunc_end2:
_tile_overlayer_lowered:
.L_overlay_start_2:
0xc8: {  	(tag) =	ssettag $0x2  }
0xc9: {  	s0 =	rddreg [dreg:$0x0];
	s2 =	stileid.u32  }
0xca: {  	s1 =	rddreg [dreg:$0x1];
	p0 =	sne.s32 s2, $0x0  }
0xcb: {  	s3 =	rddreg [dreg:$0x2];
	[bflag:$0x3] =	sbarrier.arrive $0xFFFF;
	s2 =	simm.s32 @!p0 $0x1C07  }
0xcc: {  	[timem:s3], [sflag:s2] =	dma.local @!p0 [hbm:s0], s1  }
0xcd: {  	s0 =	simm.s32 @!p0 $0x7  }
0xce: {  	_ =	swait.ge @!p0 [sflag:s0], s1  }
0xcf: {  	s1 =	ssub.s32 @!p0 $0x0, s1;
	[sflag:s0] =	ssyncset.done @!p0 $0x0  }
0xd0: {  	[sflag:s0] =	ssyncadd.s32 @!p0 s1  }
0xd1: {  	[bflag:$0x3] =	sbarrier.arrive $0xFFFF  }
0xd2: {  	_ =	shalt  }

// kernel: kernel.31.cloned.1.call-start
scs
__scs_entry_jumppad:
0x0: {  	(pc) =	sbr.rel $0x88, $3  }
0x1: {  	(tag) =	ssettag $0x0;
	lr =	simm.s32 $0x1  }
0x2: {  	[smem:$0x3F76] =	sst lr;
	_ =	strace $0xD0000000  }
0x3: {  	_ = 	snop  }
0x4: {  	_ = 	snop  }
0x5: {  	_ = 	snop  }
0x6: {  	_ = 	snop  }
0x7: {  	_ = 	snop  }
__scs_overlays_trampoline_lowered:
0x8: {  	[smem:$0x3F85] =	sst s0  }
0x9: {  	[smem:$0x3F86] =	sst s1  }
0xa: {  	[smem:$0x3F87] =	sst s2  }
0xb: {  	[smem:$0x3F88] =	sst s3  }
0xc: {  	[smem:$0x3F89] =	sst s4  }
0xd: {  	[smem:$0x3F8A] =	sst s5  }
0xe: {  	[smem:$0x3F8B] =	sst s6  }
0xf: {  	[smem:$0x3F8C] =	sst s7  }
0x10: {  	[smem:$0x3F8D] =	sst s8  }
0x11: {  	[smem:$0x3F8E] =	sst s9;
	s0 =	simm.s32 @!p0 $0x0  }
0x12: {  	s1 =	sld [smem:$0x3F74];
	s0 =	simm.s32 @p0 $0x1  }
0x13: {  	[smem:$0x3F8F] =	sst s0;
	s0 =	simm.s32 @!p1 $0x0  }
0x14: {  	s2 =	sld [smem:$0x3F73];
	s0 =	simm.s32 @p1 $0x1  }
0x15: {  	[smem:$0x3F90] =	sst s0;
	s0 =	simm.s32 @!p2 $0x0  }
0x16: {  	s3 =	sld [smem:$0x3FDB];
	s0 =	simm.s32 @p2 $0x1  }
0x17: {  	s4 =	simm.s32 $0x1BF5;
	[smem:$0x3F92] =	sst s0  }
0x18: {  	s0 =	sld [smem:$0x3F75];
	_ =	swait.ge [sflag:s4], $0x0  }
0x19: {  	s7 =	sld [smem:$0x3F76]  }
0x1a: {  	s8 =	sadd.s32 $0xFFFFE003, lr  }
0x1b: {  	s9 =	sadd.s32 $0xFFFFFEF7, lr;
	s5 =	simm.s32 $0xFFFFFFFF;
	p2 =	slt.u32 s8, $0xFFFFF086  }
0x1c: {  	p1 =	slt.u32 s9, $0xF7A;
	s5 =	simm.s32 @!p2 $0x0  }
0x1d: {  	s5 =	simm.s32 @p1 $0x1;
	p0 =	seq.s32 s7, s2  }
0x1e: {  	s7 =	smul.u32 @!p0 $0xF7A, s2;
	p2 =	seq.s32 @!p0 s5, $0x0  }
0x1f: {  	s9 =	smul.u32 $0xF7A, s1;
	s8 =	simm.s32 @!p0 $0x1BF5;
	p2 =	por !p2, p0  }
0x20: {  	[sflag:s8] =	ssyncset.s32 @!p0 $0xFFFFF086;
	s6 =	sadd.s32 @!p0 s3, s7;
	s7 =	simm.s32 @!p0 $0x108  }
0x21: {  	s3 =	sadd.s32 s3, s9;
	s6 =	sadd.s32 @!p0 $0x88, s6;
	s7 =	simm.s32 @p2 $0x1082  }
0x22: {  	[simem:s7], [sflag:s8] =	dma.local @!p0 [hbm:s6], $0xF7A  }
0x23: {  	s9 =	sor.u32 $0xD0000000, s2;
	s6 =	simm.s32 $0x108;
	_ =	swait.ge @!p0 [sflag:s8], $0x0  }
0x24: {  	s3 =	sadd.s32 $0x88, s3;
	s6 =	simm.s32 @!p1 $0x1082;
	[sflag:s4] =	ssyncset.s32 $0xFFFFF086  }
0x25: {  	[simem:s6], [sflag:s4] =	dma.local [hbm:s3], $0xF7A  }
0x26: {  	[smem:$0x3F76] =	sst s1;
	(tag) =	ssettag s2;
	_ =	strace s9  }
0x27: {  	s1 =	sld [smem:$0x3F86]  }
0x28: {  	s2 =	sld [smem:$0x3F87]  }
0x29: {  	s4 =	sld [smem:$0x3F89]  }
0x2a: {  	p0 =	seq.s32 s5, $0x0;
	s5 =	sld [smem:$0x3F8A]  }
0x2b: {  	s6 =	sld [smem:$0x3F8B]  }
0x2c: {  	s7 =	sld [smem:$0x3F8C]  }
0x2d: {  	s3 =	simm.s32 $0x108;
	s8 =	sld [smem:$0x3F8D]  }
0x2e: {  	s3 =	simm.s32 @!p0 $0x1082;
	s9 =	sld [smem:$0x3F8E]  }
0x2f: {  	lr =	sadd.s32 s0, s3;
	s0 =	sld [smem:$0x3F85]  }
0x30: {  	s3 =	sld [smem:$0x3F88]  }
0x31: {  	[smem:$0x3F91] =	sst s10  }
0x32: {  	s10 =	sld [smem:$0x3F8F];
	_ =	sdelay $0x3  }
0x33: {  	p0 =	seq.s32 s10, $0x1;
	s10 =	sld [smem:$0x3F91];
	_ =	sdelay $0x3  }
0x34: {  	[smem:$0x3F91] =	sst s10  }
0x35: {  	s10 =	sld [smem:$0x3F90];
	_ =	sdelay $0x3  }
0x36: {  	p1 =	seq.s32 s10, $0x1;
	s10 =	sld [smem:$0x3F91];
	_ =	sdelay $0x3  }
0x37: {  	[smem:$0x3F91] =	sst s10  }
0x38: {  	s10 =	sld [smem:$0x3F92]  }
0x39: {  	_ = 	snop;
	(pc) =	sbr.ind lr, $3  }
0x3a: {  	_ = 	snop  }
0x3b: {  	_ = 	snop  }
0x3c: {  	p2 =	seq.s32 s10, $0x1;
	s10 =	sld [smem:$0x3F91]  }
0x3d: {  	_ =	shalt  }
0x3e: {  	_ =	shalt  }
0x3f: {  	_ =	shalt  }
0x40: {  	_ =	shalt  }
0x41: {  	_ =	shalt  }
0x42: {  	_ =	shalt  }
0x43: {  	_ =	shalt  }
0x44: {  	_ =	shalt  }
0x45: {  	_ =	shalt  }
0x46: {  	_ =	shalt  }
0x47: {  	_ =	shalt  }
0x48: {  	_ =	shalt  }
0x49: {  	_ =	shalt  }
0x4a: {  	_ =	shalt  }
0x4b: {  	_ =	shalt  }
0x4c: {  	_ =	shalt  }
0x4d: {  	_ =	shalt  }
0x4e: {  	_ =	shalt  }
0x4f: {  	_ =	shalt  }
0x50: {  	_ =	shalt  }
0x51: {  	_ =	shalt  }
0x52: {  	_ =	shalt  }
0x53: {  	_ =	shalt  }
0x54: {  	_ =	shalt  }
0x55: {  	_ =	shalt  }
0x56: {  	_ =	shalt  }
0x57: {  	_ =	shalt  }
0x58: {  	_ =	shalt  }
0x59: {  	_ =	shalt  }
0x5a: {  	_ =	shalt  }
0x5b: {  	_ =	shalt  }
0x5c: {  	_ =	shalt  }
0x5d: {  	_ =	shalt  }
0x5e: {  	_ =	shalt  }
0x5f: {  	_ =	shalt  }
0x60: {  	_ =	shalt  }
0x61: {  	_ =	shalt  }
0x62: {  	_ =	shalt  }
0x63: {  	_ =	shalt  }
0x64: {  	_ =	shalt  }
0x65: {  	_ =	shalt  }
0x66: {  	_ =	shalt  }
0x67: {  	_ =	shalt  }
0x68: {  	_ =	shalt  }
0x69: {  	_ =	shalt  }
0x6a: {  	_ =	shalt  }
0x6b: {  	_ =	shalt  }
0x6c: {  	_ =	shalt  }
0x6d: {  	_ =	shalt  }
0x6e: {  	_ =	shalt  }
0x6f: {  	_ =	shalt  }
0x70: {  	_ =	shalt  }
0x71: {  	_ =	shalt  }
0x72: {  	_ =	shalt  }
0x73: {  	_ =	shalt  }
0x74: {  	_ =	shalt  }
0x75: {  	_ =	shalt  }
0x76: {  	_ =	shalt  }
0x77: {  	_ =	shalt  }
0x78: {  	_ =	shalt  }
0x79: {  	_ =	shalt  }
0x7a: {  	_ =	shalt  }
0x7b: {  	_ =	shalt  }
0x7c: {  	_ =	shalt  }
0x7d: {  	_ =	shalt  }
0x7e: {  	_ =	shalt  }
0x7f: {  	_ =	shalt  }
0x80: {  	_ =	shalt  }
0x81: {  	_ =	shalt  }
0x82: {  	_ =	shalt  }
0x83: {  	_ =	shalt  }
0x84: {  	_ =	shalt  }
0x85: {  	_ =	shalt  }
0x86: {  	_ =	shalt  }
0x87: {  	_ =	shalt  }
.Lfunc_end0:
.L_simem_size_0:
called_computation.5_lowered:
.L_overlay_start_0:
0x88: {  	s2 =	sld [smem:$0x3FD9]  }
0x89: {  	s3 =	sld [smem:$0x3FFE];
	_ =	sdelay $0x1  }
0x8a: {  	s1 =	srdreg.scid  }
0x8b: {  	s0 =	sand.u32 $0x1, s1  }
0x8c: {  	s17 =	sshll.u32 s0, $0xA;
	s2 =	sadd.s32 s3, s2  }
0x8d: {  	s2 =	sadd.s32 s2, s17  }
0x8e: {  	[smem:$0x3F9D] =	sst s2  }
0x8f: {  	_ = 	snop  }
0x90: {  	s2 =	sld [smem:$0x3FC6];
	(tm) =	ssettm $0x1  }
0x91: {  	s18 =	sld [smem:$0x3FFB];
	_ =	sdelay $0x3  }
0x92: {  	_ =	strace s18  }
0x93: {  	s3 =	sld [smem:$0x3FFC];
	_ =	sdelay $0x3  }
0x94: {  	_ =	strace s3  }
0x95: {  	s3 =	sld [smem:$0x3FFD];
	_ =	sdelay $0x3  }
0x96: {  	_ =	strace s3  }
0x97: {  	_ =	strace $0x8FFFFFFF  }
0x98: {  	s19 =	sld [smem:$0x3FDB];
	_ =	sdelay $0x1  }
0x99: {  	s4 =	simm.s32 $_scs_section_size  }
0x9a: {  	s5 =	simm.s32 $_size__tile_overlayer_lowered;
	s6 =	simm.s32 $_tile_overlayer_lowered  }
0x9b: {  	s22 =	simm.s32 $0x1BFF;
	s21 =	sshll.u32 s6, $0x1;
	s3 =	sadd.s32 s4, s19  }
0x9c: {  	s7 =	simm.s32 $0x0;
	s20 =	sshll.u32 s5, $0x1;
	s5 =	sadd.s32 s21, s3  }
0x9d: {  	[timem:s7], [sflag:s22] =	dma.local [hbm:s5], s20  }
0x9e: {  	_ =	swait.ge [sflag:s22], s20  }
0x9f: {  	s4 =	ssub.s32 $0x0, s20;
	[sflag:s22] =	ssyncset.done $0x0  }
0xa0: {  	[sflag:s22] =	ssyncadd.s32 s4;
	_ =	sdelay $0x1  }
0xa1: {  	s23 =	simm.s32 $0x1B8B  }
0xa2: {  	_ =	swait.ge [sflag:s23], $0x1  }
0xa3: {  	[sflag:s23] =	ssyncset.done $0x0  }
0xa4: {  	s25 =	simm.s32 $0x1B8E;
	s24 =	sld [smem:$0x3FFE];
	[sflag:s23] =	ssyncadd.s32 $0xFFFFFFFF  }
0xa5: {  	s26 =	simm.s32 $execute0_lowered;
	[smem:$0x3FD2] =	sst s25  }
0xa6: {  	s5 =	sshll.u32 s26, $0x1;
	_ =	strace $0x80000055;
	[dreg:$0x1] =	wrdreg $0xFFFFFFFF  }
0xa7: {  	s28 =	simm.s32 $_size_execute0_lowered;
	s3 =	sadd.s32 s3, s5;
	[dreg:$0x0] =	wrdreg $0x0  }
0xa8: {  	s5 =	sshll.u32 s28, $0x1;
	[dreg:$0x2] =	wrdreg s3  }
0xa9: {  	[dreg:$0x3] =	wrdreg s5  }
0xaa: {  	[dreg:$0x4] =	wrdreg $0xC0  }
0xab: {  	_ =	task [dreg:s7], $0x5FFFF  }
0xac: {  	[dreg:$0x1] =	wrdreg $0xFFFFFFFF  }
0xad: {  	[dreg:$0x0] =	wrdreg $0x60  }
0xae: {  	[dreg:$0x2] =	wrdreg s24  }
0xaf: {  	[dreg:$0x3] =	wrdreg s2  }
0xb0: {  	[dreg:$0x4] =	wrdreg $0x8B100  }
0xb1: {  	[dreg:$0x5] =	wrdreg $0x9  }
0xb2: {  	_ =	task.clear_ibuf [dreg:s7], $0x6FFFF;
	_ =	strace $0x90000055  }
0xb3: {  	s29 =	simm.s32 $0x9;
	_ =	strace $0x80000057  }
0xb4: {  	_ =	swait.ge [sflag:s29], $0x1  }
0xb5: {  	[sflag:s29] =	ssyncadd.s32 $0xFFFFFFFF  }
0xb6: {  	_ =	strace $0x90000057  }
0xb7: {  	_ =	sfence  }
0xb8: {  	s30 =	sld [smem:$0x0];
	_ =	sdelay $0x2  }
0xb9: {  	s31 =	sshll.u32 s1, $0xD;
	s1 =	sshrl.u32 s1, $0x2  }
0xba: {  	s3 =	sand.u32 $0x4000, s31;
	s1 =	sadd.s32 s1, s30  }
0xbb: {  	s0 =	sor.u32 s3, s0;
	s1 =	sshll.u32 s1, $0x11  }
0xbc: {  	s0 =	sor.u32 s1, s0  }
0xbd: {  	s0 =	sadd.s32 $0x8F2B, s0  }
0xbe: {  	[sflag:s0] =	ssyncadd.remote.s32 $0x1  }
0xbf: {  	_ =	sfence.sel $0xFFFF  }
0xc0: {  	[dreg:$0x0] =	wrdreg $0xFFFFFFFF;
	(pc) =	sbr.abs _section_cstart, $3  }
0xc1: {  	[dreg:$0x1] =	wrdreg $0xFFFFFFFF  }
0xc2: {  	_ =	task.clear_ibuf [dreg:s7], $0x2FFFF;
	_ =	strace $0x9FFFFFFF  }
0xc3: {  	(tm) =	ssettm $0x7FFFFFFF  }
tec
execute0_lowered:
.L_overlay_start_1:
0x0: {  	(tag) =	ssettag $0x1  }
0x1: {  	s4 =	rddreg [dreg:$0x0]  }
0x2: {  	s6 =	rddreg [dreg:$0x1]  }
0x3: {  	s2 =	rddreg [dreg:$0x2]  }
0x4: {  	s0 =	rddreg [dreg:$0x3];
	s3 =	simm.s32 $0x0;
	s1 =	stileid.u32  }
0x5: {  	s7 =	srdreg.scid;
	s16 =	simm.s32 $0xC8;
	s17 =	simm.s32 $0x2  }
0x6: {  	s18 =	simm.s32 $0x3;
	s19 =	simm.s32 $0x4;
	s20 =	simm.s32 $0x0  }
0x7: {  	[smem:$0x7FF] =	sst s3;
	s5 =	smul.u32 $0xA000, s1;
	s9 =	sadd.s32 $0x2F3E00, s4  }
0x8: {  	s8 =	sand.u32 $0x1, s7;
	s11 =	sshll.u32 s1, $0x1;
	s13 =	smul.u32 $0x4E20, s1  }
0x9: {  	s28 =	sshll.u32 s1, $0x6;
	s29 =	smul.u32 $0x27100, s1;
	_ =	strace $0x80000056  }
0xa: {  	s10 =	ssub.s32 $0x2, s8;
	s25 =	sor.u32 s8, s11;
	s14 =	smul.u32 $0x2710, s8  }
0xb: {  	p0 =	seq.s32 s8, $0x1;
	s15 =	smul.u32 $0x13880, s8;
	s23 =	sshrl.u32 s5, $0x3  }
0xc: {  	s24 =	sshrl.u32 s10, $0x1;
	s26 =	sadd.s32 s5, s2;
	s7 =	smul.u32 $0x2710, s25  }
0xd: {  	s5 =	sor.u32 $0x1C05, s28;
	s31 =	sadd.s32 s29, s9;
	s12 =	sadd.s32 s23, s4  }
0xe: {  	s10 =	ssub.s32 s10, s24;
	s13 =	sadd.s32 s14, s13;
	s11 =	sshrl.u32 s26, $0x3  }
0xf: {  	s14 =	simm.s32 $0x5910;
	s7 =	sshrl.u32 s7, $0x3;
	s13 =	sshll.u32 s13, $0x3  }
0x10: {  	s6 =	sadd.s32 s6, s7;
	s7 =	smax.u32 s10, $0x1;
	s10 =	simm.s32 $0x82E00  }
0x11: {  	s4 =	sadd.s32 $0x20A00, s12;
	s30 =	sadd.s32 s9, s13;
	s10 =	simm.s32 @!p0 $0x34A00  }
0x12: {  	s13 =	simm.s32 $0x2710;
	s9 =	sadd.s32 $0x640, s30;
	s8 =	sadd.s32 s10, s12  }
0x13: {  	s10 =	sadd.s32 s15, s31;
	s12 =	simm.s32 $0x5;
	s15 =	simm.s32 $0x1  }
.LBB2_1:
0x14: {  	[spmem:s11], [sflag:s5] =	dma.local [hbm:s4], $0x1400  }
0x15: {  	_ =	swait.ge [sflag:s12], $0x1400  }
0x16: {  	[sflag:s12] =	ssyncset.done $0x0  }
0x17: {  	[sflag:s12] =	ssyncadd.s32 $0xFFFFEC00  }
0x18: {  	[tilespmem:s3], [sflag:$0x5] =	stream.linear.gather [hbm4b:s6+s3], $0x2710, $0x38;
	[tilespmem:$0x12B10] =	vst v63  }
0x19: {  	_ =	swait.ge [sflag:s12], $0x2710  }
0x1a: {  	[sflag:s12] =	ssyncset.done $0x0  }
0x1b: {  	[sflag:s12] =	ssyncadd.s32 $0xFFFFD8F0  }
0x1c: {  	s21 =	sadd.s32 $0x0, s10;
	[bflag:$0x0] =	sbarrier.arrive $0xFFFF  }
0x1d: {  	[tilespmem:s13], [sflag:$0x1] =	stream.linear.gather [hbm4b:s21+s3], $0x3200, $0x38;
	[tilespmem:$0x12B10] =	vst v63  }
0x1e: {  	s30 =	sadd.s32 $0x0, s9  }
0x1f: {  	[tilespmem:s14], [sflag:$0x2] =	stream.linear.gather [hbm4b:s30+s3], $0x3200, $0x38;
	[tilespmem:$0x12B10] =	vst v63  }
0x20: {  	_ =	swait.ge [sflag:s15], $0x3200  }
0x21: {  	[sflag:s15] =	ssyncset.done $0x0  }
0x22: {  	[sflag:s15] =	ssyncadd.s32 $0xFFFFCE00  }
0x23: {  	[spmem:s2] =	stream.indirect.scatter.add.f32 [tilespmem:s13], [sflag:$0x3], $0x40, s3, s16, $0xb8;
	[tilespmem:$0x12B10] =	vst v63  }
0x24: {  	_ =	swait.ge [sflag:s17], $0x3200  }
0x25: {  	[sflag:s17] =	ssyncset.done $0x0  }
0x26: {  	s31 =	simm.s32 $0xC8;
	[sflag:s17] =	ssyncadd.s32 $0xFFFFCE00  }
0x27: {  	[spmem:s2] =	stream.indirect.scatter.add.f32 [tilespmem:s14], [sflag:$0x4], $0x40, s31, s16, $0xb8;
	[tilespmem:$0x12B10] =	vst v63  }
0x28: {  	_ =	swait.ge [sflag:s18], $0x3200  }
0x29: {  	[sflag:s18] =	ssyncset.done $0x0  }
0x2a: {  	[sflag:s18] =	ssyncadd.s32 $0xFFFFCE00  }
0x2b: {  	s22 =	simm.s32 $0xC80;
	_ =	swait.ge [sflag:s19], $0x3200  }
0x2c: {  	s23 =	simm.s32 $0x1900;
	s21 =	simm.s32 $0x190;
	[sflag:s19] =	ssyncset.done $0x0  }
.LBB2_2:
0x2d: {  	s24 =	sadd.s32 s22, s10  }
0x2e: {  	[sflag:s19] =	ssyncadd.s32 $0xFFFFCE00;
	s25 =	smov.u32 s23;
	s26 =	sadd.s32 $0xC80, s23  }
0x2f: {  	[tilespmem:s13], [sflag:$0x1] =	stream.linear.gather [hbm4b:s24+s3], $0x3200, $0x38;
	[tilespmem:$0x12B10] =	vst v63  }
0x30: {  	p0 =	sne.s32 s23, $0x12C00;
	s23 =	sadd.s32 s22, s9;
	s22 =	smov.u32 s25  }
0x31: {  	[tilespmem:s14], [sflag:$0x2] =	stream.linear.gather [hbm4b:s23+s3], $0x3200, $0x38;
	[tilespmem:$0x12B10] =	vst v63  }
0x32: {  	_ =	swait.ge [sflag:s15], $0x3200  }
0x33: {  	[sflag:s15] =	ssyncset.done $0x0  }
0x34: {  	[sflag:s15] =	ssyncadd.s32 $0xFFFFCE00  }
0x35: {  	[spmem:s2] =	stream.indirect.scatter.add.f32 [tilespmem:s13], [sflag:$0x3], $0x40, s21, s16, $0xb8;
	[tilespmem:$0x12B10] =	vst v63  }
0x36: {  	_ =	swait.ge [sflag:s17], $0x3200  }
0x37: {  	[sflag:s17] =	ssyncset.done $0x0  }
0x38: {  	s23 =	sadd.s32 $0xC8, s21;
	[sflag:s17] =	ssyncadd.s32 $0xFFFFCE00  }
0x39: {  	[spmem:s2] =	stream.indirect.scatter.add.f32 [tilespmem:s14], [sflag:$0x4], $0x40, s23, s16, $0xb8;
	[tilespmem:$0x12B10] =	vst v63  }
.Ltmp0:
0x3a: {  	_ =	swait.ge [sflag:s18], $0x3200;
	(pc) =	sbr.rel @p0 .LBB2_2-.Ltmp0, $4  }
0x3b: {  	[sflag:s18] =	ssyncset.done $0x0  }
0x3c: {  	[sflag:s18] =	ssyncadd.s32 $0xFFFFCE00  }
0x3d: {  	_ =	swait.ge [sflag:s19], $0x3200  }
0x3e: {  	s21 =	sadd.s32 $0x190, s21;
	s23 =	smov.u32 s26;
	[sflag:s19] =	ssyncset.done $0x0  }
0x3f: {  	s23 =	sadd.s32 s22, s10;
	[sflag:s19] =	ssyncadd.s32 $0xFFFFCE00  }
0x40: {  	[tilespmem:s13], [sflag:$0x1] =	stream.linear.gather [hbm4b:s23+s3], $0x3200, $0x38;
	[tilespmem:$0x12B10] =	vst v63  }
0x41: {  	s30 =	sadd.s32 s22, s9  }
0x42: {  	[tilespmem:s14], [sflag:$0x2] =	stream.linear.gather [hbm4b:s30+s3], $0x3200, $0x38;
	[tilespmem:$0x12B10] =	vst v63  }
0x43: {  	_ =	swait.ge [sflag:s15], $0x3200  }
0x44: {  	[sflag:s15] =	ssyncset.done $0x0  }
0x45: {  	[sflag:s15] =	ssyncadd.s32 $0xFFFFCE00  }
0x46: {  	[spmem:s2] =	stream.indirect.scatter.add.f32 [tilespmem:s13], [sflag:$0x3], $0x40, s21, s16, $0xb8;
	[tilespmem:$0x12B10] =	vst v63  }
0x47: {  	_ =	swait.ge [sflag:s17], $0x3200  }
0x48: {  	[sflag:s17] =	ssyncset.done $0x0  }
0x49: {  	s31 =	sadd.s32 $0xC8, s21;
	[sflag:s17] =	ssyncadd.s32 $0xFFFFCE00  }
0x4a: {  	[spmem:s2] =	stream.indirect.scatter.add.f32 [tilespmem:s14], [sflag:$0x4], $0x40, s31, s16, $0xb8;
	[tilespmem:$0x12B10] =	vst v63  }
0x4b: {  	_ =	swait.ge [sflag:s18], $0x3200  }
0x4c: {  	[sflag:s18] =	ssyncset.done $0x0  }
0x4d: {  	[sflag:s18] =	ssyncadd.s32 $0xFFFFCE00  }
0x4e: {  	_ =	swait.ge [sflag:s19], $0x3200  }
0x4f: {  	s20 =	sadd.s32 $0x1, s20;
	[sflag:s19] =	ssyncset.done $0x0  }
0x50: {  	p0 =	sne.s32 s20, s7;
	[sflag:s19] =	ssyncadd.s32 $0xFFFFCE00  }
.Ltmp1:
0x51: {  	[bflag:$0x0] =	sbarrier.arrive $0xFFFF;
	(pc) =	sbr.rel @p0 .LBB2_1-.Ltmp1, $4  }
0x52: {  	[hbm:s8], [sflag:s5] =	dma.local [spmem:s11], $0x1400  }
0x53: {  	_ =	swait.ge [sflag:s12], $0x1400  }
0x54: {  	[sflag:s12] =	ssyncset.done $0x0  }
0x55: {  	[sflag:s12] =	ssyncadd.s32 $0xFFFFEC00  }
0x56: {  	_ =	sfence.sel $0x180000  }
0x57: {  	[bflag:$0x0] =	sbarrier.arrive $0xFFFF  }
0x58: {  	p0 =	sne.s32 s1, $0x0;
	_ =	strace $0x90000056  }
0x59: {  	s0 =	sadd.s32 @!p0 $0x100000, s0;
	[bflag:$0x2] =	sbarrier.arrive $0xFFFF  }
0x5a: {  	[sflag:s0] =	ssyncadd.tile.s32 @!p0 $0x1;
	_ =	shalt  }
.Lfunc_end2:
_tile_overlayer_lowered:
.L_overlay_start_2:
0x5b: {  	(tag) =	ssettag $0x2  }
0x5c: {  	s0 =	rddreg [dreg:$0x0];
	s2 =	stileid.u32  }
0x5d: {  	s1 =	rddreg [dreg:$0x1];
	p0 =	sne.s32 s2, $0x0  }
0x5e: {  	s3 =	rddreg [dreg:$0x2];
	[bflag:$0x3] =	sbarrier.arrive $0xFFFF;
	s2 =	simm.s32 @!p0 $0x1C05  }
0x5f: {  	[timem:s3], [sflag:s2] =	dma.local @!p0 [hbm:s0], s1  }
0x60: {  	s0 =	simm.s32 @!p0 $0x5  }
0x61: {  	_ =	swait.ge @!p0 [sflag:s0], s1  }
0x62: {  	s1 =	ssub.s32 @!p0 $0x0, s1;
	[sflag:s0] =	ssyncset.done @!p0 $0x0  }
0x63: {  	[sflag:s0] =	ssyncadd.s32 @!p0 s1  }
0x64: {  	[bflag:$0x3] =	sbarrier.arrive $0xFFFF  }
0x65: {  	_ =	shalt  }

</sc_bundles>
